<compile_context>
chip_gen: v7x
topology: tpu7x:2x2x1
jax: 0.10.2.dev20260603
libtpu: 0.0.44.dev20260713+nightly
codegen_flags: <defaults>
</compile_context>

<pallas_src>
import functools

import jax
import jax.numpy as jnp
from jax import lax
from jax.experimental import pallas as pl
from jax.experimental.pallas import tpu as pltpu
from jax.experimental.pallas import tpu_sc as plsc

NUM_CORES = 2
NUM_SUBCORES = 16
NW = NUM_CORES * NUM_SUBCORES

EMBED_DIM = 64
K = 26
C = 128


def _bag_sum_sc(idx3, table, n_bags, n_chunks):
    full_rounds = n_chunks // NW
    tail_workers = n_chunks - full_rounds * NW
    mesh = plsc.VectorSubcoreMesh(
        core_axis_name="c", subcore_axis_name="s",
        num_cores=NUM_CORES, num_subcores=NUM_SUBCORES)

    @functools.partial(
        pl.kernel,
        out_type=jax.ShapeDtypeStruct((n_bags, EMBED_DIM), jnp.float32),
        mesh=mesh,
        scratch_types=[
            pltpu.VMEM((2, K, C), jnp.int32),
            pltpu.VMEM((2, C, EMBED_DIM), jnp.float32),
            pltpu.SemaphoreType.DMA,
            pltpu.SemaphoreType.DMA,
        ],
        compiler_params=pltpu.CompilerParams(use_tc_tiling_on_sc=False, needs_layout_passes=False, skip_device_barrier=True),
    )
    def k(idx_hbm, table_hbm, out_hbm, idx_v, acc_v, sem0, sem1):
        wid = lax.axis_index("s") * NUM_CORES + lax.axis_index("c")
        sems = (sem0, sem1)
        zeros = jnp.zeros((16,), jnp.float32)

        def fire(buf, g):
            @pl.loop(0, C)
            def _z(r):
                for j in range(EMBED_DIM // 16):
                    acc_v[buf, r, pl.ds(16 * j, 16)] = zeros
            pltpu.sync_copy(idx_hbm.at[g], idx_v.at[buf])
            for j in range(K):
                pltpu.async_copy(table_hbm.at[idx_v.at[buf, j]],
                                 acc_v.at[buf], sems[buf], add=True)

        def drain(buf, g):
            cp = pltpu.make_async_copy(table_hbm.at[idx_v.at[buf, 0]],
                                       acc_v.at[buf], sems[buf])
            for _ in range(K):
                cp.wait()
            pltpu.sync_copy(acc_v.at[buf], out_hbm.at[pl.ds(g * C, C)])

        fire(0, wid)

        @pl.loop(0, (full_rounds - 2) // 2)
        def _pairs(u):
            g = wid + NW * (2 * u + 1)
            fire(1, g)
            drain(0, g - NW)
            fire(0, g + NW)
            drain(1, g)

        glast = wid + NW * (full_rounds - 1)
        fire(1, glast)
        drain(0, glast - NW)

        @pl.when(wid < tail_workers)
        def _tail_fire():
            fire(0, NW * full_rounds + wid)

        drain(1, glast)

        @pl.when(wid < tail_workers)
        def _tail_drain():
            drain(0, NW * full_rounds + wid)

    return k(idx3, table)


def kernel(x, table):
    batch, seq, k = x.shape
    n_bags = batch * seq
    n_chunks = n_bags // C
    idx = x.reshape(n_bags, k).astype(jnp.int32)
    idx3 = idx.reshape(n_chunks, C, k).transpose(0, 2, 1)
    out = _bag_sum_sc(idx3, table, n_bags, n_chunks)
    return out.reshape(batch, seq, EMBED_DIM)

# --- scband reference (transcript-rebuilt; emitter-appended) ---
"""Pipeline reference for scband-summing-categorical-embedding-30502857736856 (READ-ONLY COPY).

The authoritative reference and input builder live on the scoring server;
editing this copy changes nothing except your own understanding.
"""

import jax, jax.numpy as jnp
import numpy as np
import math

VOCAB_SIZE = 1000000
EMBED_DIM = 64
PADDING_IDX = 0
NUM_EMBEDDINGS = 64 * math.ceil(VOCAB_SIZE / 64)


def setup_inputs(seed: int = 0) -> dict:
    key = jax.random.key(seed)
    k_idx, k_tab = jax.random.split(key)
    x = jax.random.randint(k_idx, (1024, 50, 26), 0, VOCAB_SIZE, dtype=jnp.int64)
    table = jax.random.normal(k_tab, (NUM_EMBEDDINGS, EMBED_DIM), dtype=jnp.float32) * 0.02
    # padding_idx row is initialized to zeros in torch EmbeddingBag
    table = table.at[PADDING_IDX].set(0.0)
    return {"x": x, "table": table}


def reference(x, table):
    # SummingCategoricalEmbedding.forward:
    #   flatten to [B*S, input_dim], EmbeddingBag(mode='sum', padding_idx=0), reshape back
    batch_size, sequence_length, input_dim = x.shape
    flat = x.reshape(-1, input_dim)                       # [B*S, input_dim]
    emb = jnp.take(table, flat, axis=0)                   # [B*S, input_dim, embed_dim]
    # padding_idx entries contribute nothing to the bag sum (and get no gradient)
    mask = (flat != PADDING_IDX)[..., None].astype(emb.dtype)
    out = jnp.sum(emb * mask, axis=1)                     # [B*S, embed_dim]
    out = out.reshape(batch_size, sequence_length, -1)    # [B, S, embed_dim]
    return out

if __name__ == "__main__":
    import jax
    _d = setup_inputs()
    print(jax.jit(kernel)(*tuple(_d.values())))

</pallas_src>

<mosaic_0001>
#map = affine_map<(d0, d1) -> (0, 0, 0)>
#map1 = affine_map<(d0, d1) -> (0, 0)>
module attributes {stable_mosaic.version = 14 : i64} {
  func.func @k(%arg0: i32, %arg1: i32, %arg2: memref<400x26x128xi32, #tpu.memory_space<hbm>>, %arg3: memref<1000000x64xf32, #tpu.memory_space<hbm>>, %arg4: memref<51200x64xf32, #tpu.memory_space<hbm>>, %arg5: memref<2x26x128xi32, #tpu.memory_space<vmem>>, %arg6: memref<2x128x64xf32, #tpu.memory_space<vmem>>, %arg7: memref<!tpu.dma_semaphore, #tpu.memory_space<semaphore_mem>>, %arg8: memref<!tpu.dma_semaphore, #tpu.memory_space<semaphore_mem>>) attributes {dimension_semantics = [#tpu.dimension_semantics<core_parallel>, #tpu.dimension_semantics<subcore_parallel>], iteration_bounds = array<i64: 2, 16>, scalar_prefetch = 0 : i64, scratch_operands = 4 : i64, tpu.core_type = #tpu.core_type<sc_vector_subcore>, window_params = [{transform_indices = #map}, {transform_indices = #map1}, {transform_indices = #map1}]} {
    %mul3A = arith.constant 2 : i32
    %mul3A_0 = arith.muli %arg1, %mul3A : i32
    %add3A = arith.addi %mul3A_0, %arg0 : i32
    %broadcast_in_dim3A = arith.constant 0.000000e+00 : f32
    %broadcast_in_dim3A_1 = vector.broadcast %broadcast_in_dim3A : f32 to vector<16xf32>
    %scan3A = arith.constant 0 : i32
    %scan3A_2 = arith.constant 128 : i32
    %scan3A_3 = arith.addi %scan3A, %scan3A_2 : i32
    %scan3A_4 = arith.constant 1 : i32
    scf.for %scan3A_1383 = %scan3A to %scan3A_3 step %scan3A_4  : i32 {
      %mul3A_1384 = arith.constant 1 : i32
      %mul3A_1385 = arith.muli %scan3A_1383, %mul3A_1384 : i32
      %add3A_1386 = arith.constant 0 : i32
      %add3A_1387 = arith.addi %add3A_1386, %mul3A_1385 : i32
      %swap3A = arith.constant 0 : i32
      %swap3A_1388 = arith.index_cast %swap3A : i32 to index
      %swap3A_1389 = arith.index_cast %add3A_1387 : i32 to index
      %swap3A_1390 = arith.constant 0 : index
      %swap3A_1391 = tpu.vector_load %arg6[%swap3A_1388, %swap3A_1389, %swap3A_1390] {strides = array<i32>} : memref<2x128x64xf32, #tpu.memory_space<vmem>>, vector<16xf32>,
      tpu.vector_store %arg6[%swap3A_1388, %swap3A_1389, %swap3A_1390], %broadcast_in_dim3A_1 {strides = array<i32>} : memref<2x128x64xf32, #tpu.memory_space<vmem>>, vector<16xf32>,
      %swap3A_1392 = arith.constant 0 : i32
      %swap3A_1393 = arith.index_cast %swap3A_1392 : i32 to index
      %swap3A_1394 = arith.index_cast %add3A_1387 : i32 to index
      %swap3A_1395 = arith.constant 16 : index
      %swap3A_1396 = tpu.vector_load %arg6[%swap3A_1393, %swap3A_1394, %swap3A_1395] {strides = array<i32>} : memref<2x128x64xf32, #tpu.memory_space<vmem>>, vector<16xf32>,
      tpu.vector_store %arg6[%swap3A_1393, %swap3A_1394, %swap3A_1395], %broadcast_in_dim3A_1 {strides = array<i32>} : memref<2x128x64xf32, #tpu.memory_space<vmem>>, vector<16xf32>,
      %swap3A_1397 = arith.constant 0 : i32
      %swap3A_1398 = arith.index_cast %swap3A_1397 : i32 to index
      %swap3A_1399 = arith.index_cast %add3A_1387 : i32 to index
      %swap3A_1400 = arith.constant 32 : index
      %swap3A_1401 = tpu.vector_load %arg6[%swap3A_1398, %swap3A_1399, %swap3A_1400] {strides = array<i32>} : memref<2x128x64xf32, #tpu.memory_space<vmem>>, vector<16xf32>,
      tpu.vector_store %arg6[%swap3A_1398, %swap3A_1399, %swap3A_1400], %broadcast_in_dim3A_1 {strides = array<i32>} : memref<2x128x64xf32, #tpu.memory_space<vmem>>, vector<16xf32>,
      %swap3A_1402 = arith.constant 0 : i32
      %swap3A_1403 = arith.index_cast %swap3A_1402 : i32 to index
      %swap3A_1404 = arith.index_cast %add3A_1387 : i32 to index
      %swap3A_1405 = arith.constant 48 : index
      %swap3A_1406 = tpu.vector_load %arg6[%swap3A_1403, %swap3A_1404, %swap3A_1405] {strides = array<i32>} : memref<2x128x64xf32, #tpu.memory_space<vmem>>, vector<16xf32>,
      tpu.vector_store %arg6[%swap3A_1403, %swap3A_1404, %swap3A_1405], %broadcast_in_dim3A_1 {strides = array<i32>} : memref<2x128x64xf32, #tpu.memory_space<vmem>>, vector<16xf32>,
    }
    %scan3A_5 = arith.constant 128 : i32
    %run_scoped3A = arith.constant 0 : i32
    "tpu.region"() ({
      %run_scoped3A_1383 = tpu.sem_alloc : memref<!tpu.dma_semaphore, #tpu.memory_space<semaphore_mem>>
      %dma_start3A_1384 = arith.constant 0 : i32
      %dma_start3A_1385 = arith.constant 0 : i32
      %dma_start3A_1386 = tpu.memref_slice %arg5[%run_scoped3A, %dma_start3A_1384, %dma_start3A_1385] : memref<2x26x128xi32, #tpu.memory_space<vmem>> -> memref<1x26x128xi32, #tpu.memory_space<vmem>>
      %dma_start3A_1387 = tpu.memref_squeeze %dma_start3A_1386 : memref<1x26x128xi32, #tpu.memory_space<vmem>> -> memref<26x128xi32, #tpu.memory_space<vmem>>
      %dma_start3A_1388 = arith.constant 0 : i32
      %dma_start3A_1389 = arith.constant 0 : i32
      %dma_start3A_1390 = tpu.memref_slice %arg2[%add3A, %dma_start3A_1388, %dma_start3A_1389] : memref<400x26x128xi32, #tpu.memory_space<hbm>> -> memref<1x26x128xi32, #tpu.memory_space<hbm>>
      %dma_start3A_1391 = tpu.memref_squeeze %dma_start3A_1390 : memref<1x26x128xi32, #tpu.memory_space<hbm>> -> memref<26x128xi32, #tpu.memory_space<hbm>>
      %dma_start3A_1392 = arith.constant 0 : i32
      %dma_start3A_1393 = arith.constant 0 : i32
      %dma_start3A_1394 = tpu.memref_slice %arg5[%run_scoped3A, %dma_start3A_1392, %dma_start3A_1393] : memref<2x26x128xi32, #tpu.memory_space<vmem>> -> memref<1x26x128xi32, #tpu.memory_space<vmem>>
      %dma_start3A_1395 = tpu.memref_squeeze %dma_start3A_1394 : memref<1x26x128xi32, #tpu.memory_space<vmem>> -> memref<26x128xi32, #tpu.memory_space<vmem>>
      %dma_start3A_1396 = arith.constant 0 : i32
      %dma_start3A_1397 = arith.constant 0 : i32
      %dma_start3A_1398 = tpu.memref_slice %arg2[%add3A, %dma_start3A_1396, %dma_start3A_1397] : memref<400x26x128xi32, #tpu.memory_space<hbm>> -> memref<1x26x128xi32, #tpu.memory_space<hbm>>
      %dma_start3A_1399 = tpu.memref_squeeze %dma_start3A_1398 : memref<1x26x128xi32, #tpu.memory_space<hbm>> -> memref<26x128xi32, #tpu.memory_space<hbm>>
      tpu.enqueue_dma source(%dma_start3A_1399 : memref<26x128xi32, #tpu.memory_space<hbm>>) target(%dma_start3A_1395 : memref<26x128xi32, #tpu.memory_space<vmem>>) target_semaphore(%run_scoped3A_1383 : memref<!tpu.dma_semaphore, #tpu.memory_space<semaphore_mem>>)
      %dma_wait3A_1400 = arith.constant 0 : i32
      %dma_wait3A_1401 = arith.constant 0 : i32
      %dma_wait3A_1402 = tpu.memref_slice %arg5[%run_scoped3A, %dma_wait3A_1400, %dma_wait3A_1401] : memref<2x26x128xi32, #tpu.memory_space<vmem>> -> memref<1x26x128xi32, #tpu.memory_space<vmem>>
      %dma_wait3A_1403 = tpu.memref_squeeze %dma_wait3A_1402 : memref<1x26x128xi32, #tpu.memory_space<vmem>> -> memref<26x128xi32, #tpu.memory_space<vmem>>
      %dma_wait3A_1404 = arith.constant 0 : i32
      %dma_wait3A_1405 = arith.constant 0 : i32
      %dma_wait3A_1406 = tpu.memref_slice %arg2[%add3A, %dma_wait3A_1404, %dma_wait3A_1405] : memref<400x26x128xi32, #tpu.memory_space<hbm>> -> memref<1x26x128xi32, #tpu.memory_space<hbm>>
      %dma_wait3A_1407 = tpu.memref_squeeze %dma_wait3A_1406 : memref<1x26x128xi32, #tpu.memory_space<hbm>> -> memref<26x128xi32, #tpu.memory_space<hbm>>
      %dma_wait3A_1408 = arith.constant 0 : i32
      %dma_wait3A_1409 = arith.constant 0 : i32
      %dma_wait3A_1410 = tpu.memref_slice %arg5[%run_scoped3A, %dma_wait3A_1408, %dma_wait3A_1409] : memref<2x26x128xi32, #tpu.memory_space<vmem>> -> memref<1x26x128xi32, #tpu.memory_space<vmem>>
      %dma_wait3A_1411 = tpu.memref_squeeze %dma_wait3A_1410 : memref<1x26x128xi32, #tpu.memory_space<vmem>> -> memref<26x128xi32, #tpu.memory_space<vmem>>
      %dma_wait3A_1412 = arith.constant 0 : i32
      %dma_wait3A_1413 = arith.constant 0 : i32
      %dma_wait3A_1414 = tpu.memref_slice %arg2[%add3A, %dma_wait3A_1412, %dma_wait3A_1413] : memref<400x26x128xi32, #tpu.memory_space<hbm>> -> memref<1x26x128xi32, #tpu.memory_space<hbm>>
      %dma_wait3A_1415 = tpu.memref_squeeze %dma_wait3A_1414 : memref<1x26x128xi32, #tpu.memory_space<hbm>> -> memref<26x128xi32, #tpu.memory_space<hbm>>
      tpu.wait_dma2 semaphore(%run_scoped3A_1383 : memref<!tpu.dma_semaphore, #tpu.memory_space<semaphore_mem>>) src(%dma_wait3A_1415 : memref<26x128xi32, #tpu.memory_space<hbm>>) dst(%dma_wait3A_1411 : memref<26x128xi32, #tpu.memory_space<vmem>>)
      tpu.yield
    }) : () -> ()
    %dma_start3A = arith.constant 0 : i32
    %dma_start3A_6 = arith.constant 0 : i32
    %dma_start3A_7 = arith.constant 0 : i32
    %dma_start3A_8 = arith.constant 0 : i32
    %dma_start3A_9 = arith.constant 0 : i32
    %dma_start3A_10 = tpu.memref_slice %arg6[%dma_start3A_7, %dma_start3A_8, %dma_start3A_9] : memref<2x128x64xf32, #tpu.memory_space<vmem>> -> memref<1x128x64xf32, #tpu.memory_space<vmem>>
    %dma_start3A_11 = tpu.memref_squeeze %dma_start3A_10 : memref<1x128x64xf32, #tpu.memory_space<vmem>> -> memref<128x64xf32, #tpu.memory_space<vmem>>
    %dma_start3A_12 = arith.constant 0 : i32
    %dma_start3A_13 = tpu.memref_slice %arg5[%dma_start3A, %dma_start3A_6, %dma_start3A_12] : memref<2x26x128xi32, #tpu.memory_space<vmem>> -> memref<1x1x128xi32, #tpu.memory_space<vmem>>
    %dma_start3A_14 = tpu.memref_squeeze %dma_start3A_13 : memref<1x1x128xi32, #tpu.memory_space<vmem>> -> memref<128xi32, #tpu.memory_space<vmem>>
    %dma_start3A_15 = arith.constant 0 : i32
    %dma_start3A_16 = arith.constant 0 : i32
    %dma_start3A_17 = tpu.memref_slice %arg3[%dma_start3A_15, %dma_start3A_16] : memref<1000000x64xf32, #tpu.memory_space<hbm>> -> memref<1000000x64xf32, #tpu.memory_space<hbm>>
    tpu.enqueue_indirect_dma source(%dma_start3A_17 : memref<1000000x64xf32, #tpu.memory_space<hbm>>) target(%dma_start3A_11 : memref<128x64xf32, #tpu.memory_space<vmem>>) offsets(%dma_start3A_14 : memref<128xi32, #tpu.memory_space<vmem>>) semaphore(%arg7 : memref<!tpu.dma_semaphore, #tpu.memory_space<semaphore_mem>>) {add = true}
    %dma_start3A_18 = arith.constant 0 : i32
    %dma_start3A_19 = arith.constant 1 : i32
    %dma_start3A_20 = arith.constant 0 : i32
    %dma_start3A_21 = arith.constant 0 : i32
    %dma_start3A_22 = arith.constant 0 : i32
    %dma_start3A_23 = tpu.memref_slice %arg6[%dma_start3A_20, %dma_start3A_21, %dma_start3A_22] : memref<2x128x64xf32, #tpu.memory_space<vmem>> -> memref<1x128x64xf32, #tpu.memory_space<vmem>>
    %dma_start3A_24 = tpu.memref_squeeze %dma_start3A_23 : memref<1x128x64xf32, #tpu.memory_space<vmem>> -> memref<128x64xf32, #tpu.memory_space<vmem>>
    %dma_start3A_25 = arith.constant 0 : i32
    %dma_start3A_26 = tpu.memref_slice %arg5[%dma_start3A_18, %dma_start3A_19, %dma_start3A_25] : memref<2x26x128xi32, #tpu.memory_space<vmem>> -> memref<1x1x128xi32, #tpu.memory_space<vmem>>
    %dma_start3A_27 = tpu.memref_squeeze %dma_start3A_26 : memref<1x1x128xi32, #tpu.memory_space<vmem>> -> memref<128xi32, #tpu.memory_space<vmem>>
    %dma_start3A_28 = arith.constant 0 : i32
    %dma_start3A_29 = arith.constant 0 : i32
    %dma_start3A_30 = tpu.memref_slice %arg3[%dma_start3A_28, %dma_start3A_29] : memref<1000000x64xf32, #tpu.memory_space<hbm>> -> memref<1000000x64xf32, #tpu.memory_space<hbm>>
    tpu.enqueue_indirect_dma source(%dma_start3A_30 : memref<1000000x64xf32, #tpu.memory_space<hbm>>) target(%dma_start3A_24 : memref<128x64xf32, #tpu.memory_space<vmem>>) offsets(%dma_start3A_27 : memref<128xi32, #tpu.memory_space<vmem>>) semaphore(%arg7 : memref<!tpu.dma_semaphore, #tpu.memory_space<semaphore_mem>>) {add = true}
    %dma_start3A_31 = arith.constant 0 : i32
    %dma_start3A_32 = arith.constant 2 : i32
    %dma_start3A_33 = arith.constant 0 : i32
    %dma_start3A_34 = arith.constant 0 : i32
    %dma_start3A_35 = arith.constant 0 : i32
    %dma_start3A_36 = tpu.memref_slice %arg6[%dma_start3A_33, %dma_start3A_34, %dma_start3A_35] : memref<2x128x64xf32, #tpu.memory_space<vmem>> -> memref<1x128x64xf32, #tpu.memory_space<vmem>>
    %dma_start3A_37 = tpu.memref_squeeze %dma_start3A_36 : memref<1x128x64xf32, #tpu.memory_space<vmem>> -> memref<128x64xf32, #tpu.memory_space<vmem>>
    %dma_start3A_38 = arith.constant 0 : i32
    %dma_start3A_39 = tpu.memref_slice %arg5[%dma_start3A_31, %dma_start3A_32, %dma_start3A_38] : memref<2x26x128xi32, #tpu.memory_space<vmem>> -> memref<1x1x128xi32, #tpu.memory_space<vmem>>
    %dma_start3A_40 = tpu.memref_squeeze %dma_start3A_39 : memref<1x1x128xi32, #tpu.memory_space<vmem>> -> memref<128xi32, #tpu.memory_space<vmem>>
    %dma_start3A_41 = arith.constant 0 : i32
    %dma_start3A_42 = arith.constant 0 : i32
    %dma_start3A_43 = tpu.memref_slice %arg3[%dma_start3A_41, %dma_start3A_42] : memref<1000000x64xf32, #tpu.memory_space<hbm>> -> memref<1000000x64xf32, #tpu.memory_space<hbm>>
    tpu.enqueue_indirect_dma source(%dma_start3A_43 : memref<1000000x64xf32, #tpu.memory_space<hbm>>) target(%dma_start3A_37 : memref<128x64xf32, #tpu.memory_space<vmem>>) offsets(%dma_start3A_40 : memref<128xi32, #tpu.memory_space<vmem>>) semaphore(%arg7 : memref<!tpu.dma_semaphore, #tpu.memory_space<semaphore_mem>>) {add = true}
    %dma_start3A_44 = arith.constant 0 : i32
    %dma_start3A_45 = arith.constant 3 : i32
    %dma_start3A_46 = arith.constant 0 : i32
    %dma_start3A_47 = arith.constant 0 : i32
    %dma_start3A_48 = arith.constant 0 : i32
    %dma_start3A_49 = tpu.memref_slice %arg6[%dma_start3A_46, %dma_start3A_47, %dma_start3A_48] : memref<2x128x64xf32, #tpu.memory_space<vmem>> -> memref<1x128x64xf32, #tpu.memory_space<vmem>>
    %dma_start3A_50 = tpu.memref_squeeze %dma_start3A_49 : memref<1x128x64xf32, #tpu.memory_space<vmem>> -> memref<128x64xf32, #tpu.memory_space<vmem>>
    %dma_start3A_51 = arith.constant 0 : i32
    %dma_start3A_52 = tpu.memref_slice %arg5[%dma_start3A_44, %dma_start3A_45, %dma_start3A_51] : memref<2x26x128xi32, #tpu.memory_space<vmem>> -> memref<1x1x128xi32, #tpu.memory_space<vmem>>
    %dma_start3A_53 = tpu.memref_squeeze %dma_start3A_52 : memref<1x1x128xi32, #tpu.memory_space<vmem>> -> memref<128xi32, #tpu.memory_space<vmem>>
    %dma_start3A_54 = arith.constant 0 : i32
    %dma_start3A_55 = arith.constant 0 : i32
    %dma_start3A_56 = tpu.memref_slice %arg3[%dma_start3A_54, %dma_start3A_55] : memref<1000000x64xf32, #tpu.memory_space<hbm>> -> memref<1000000x64xf32, #tpu.memory_space<hbm>>
    tpu.enqueue_indirect_dma source(%dma_start3A_56 : memref<1000000x64xf32, #tpu.memory_space<hbm>>) target(%dma_start3A_50 : memref<128x64xf32, #tpu.memory_space<vmem>>) offsets(%dma_start3A_53 : memref<128xi32, #tpu.memory_space<vmem>>) semaphore(%arg7 : memref<!tpu.dma_semaphore, #tpu.memory_space<semaphore_mem>>) {add = true}
    %dma_start3A_57 = arith.constant 0 : i32
    %dma_start3A_58 = arith.constant 4 : i32
    %dma_start3A_59 = arith.constant 0 : i32
    %dma_start3A_60 = arith.constant 0 : i32
    %dma_start3A_61 = arith.constant 0 : i32
    %dma_start3A_62 = tpu.memref_slice %arg6[%dma_start3A_59, %dma_start3A_60, %dma_start3A_61] : memref<2x128x64xf32, #tpu.memory_space<vmem>> -> memref<1x128x64xf32, #tpu.memory_space<vmem>>
    %dma_start3A_63 = tpu.memref_squeeze %dma_start3A_62 : memref<1x128x64xf32, #tpu.memory_space<vmem>> -> memref<128x64xf32, #tpu.memory_space<vmem>>
    %dma_start3A_64 = arith.constant 0 : i32
    %dma_start3A_65 = tpu.memref_slice %arg5[%dma_start3A_57, %dma_start3A_58, %dma_start3A_64] : memref<2x26x128xi32, #tpu.memory_space<vmem>> -> memref<1x1x128xi32, #tpu.memory_space<vmem>>
    %dma_start3A_66 = tpu.memref_squeeze %dma_start3A_65 : memref<1x1x128xi32, #tpu.memory_space<vmem>> -> memref<128xi32, #tpu.memory_space<vmem>>
    %dma_start3A_67 = arith.constant 0 : i32
    %dma_start3A_68 = arith.constant 0 : i32
    %dma_start3A_69 = tpu.memref_slice %arg3[%dma_start3A_67, %dma_start3A_68] : memref<1000000x64xf32, #tpu.memory_space<hbm>> -> memref<1000000x64xf32, #tpu.memory_space<hbm>>
    tpu.enqueue_indirect_dma source(%dma_start3A_69 : memref<1000000x64xf32, #tpu.memory_space<hbm>>) target(%dma_start3A_63 : memref<128x64xf32, #tpu.memory_space<vmem>>) offsets(%dma_start3A_66 : memref<128xi32, #tpu.memory_space<vmem>>) semaphore(%arg7 : memref<!tpu.dma_semaphore, #tpu.memory_space<semaphore_mem>>) {add = true}
    %dma_start3A_70 = arith.constant 0 : i32
    %dma_start3A_71 = arith.constant 5 : i32
    %dma_start3A_72 = arith.constant 0 : i32
    %dma_start3A_73 = arith.constant 0 : i32
    %dma_start3A_74 = arith.constant 0 : i32
    %dma_start3A_75 = tpu.memref_slice %arg6[%dma_start3A_72, %dma_start3A_73, %dma_start3A_74] : memref<2x128x64xf32, #tpu.memory_space<vmem>> -> memref<1x128x64xf32, #tpu.memory_space<vmem>>
    %dma_start3A_76 = tpu.memref_squeeze %dma_start3A_75 : memref<1x128x64xf32, #tpu.memory_space<vmem>> -> memref<128x64xf32, #tpu.memory_space<vmem>>
    %dma_start3A_77 = arith.constant 0 : i32
    %dma_start3A_78 = tpu.memref_slice %arg5[%dma_start3A_70, %dma_start3A_71, %dma_start3A_77] : memref<2x26x128xi32, #tpu.memory_space<vmem>> -> memref<1x1x128xi32, #tpu.memory_space<vmem>>
    %dma_start3A_79 = tpu.memref_squeeze %dma_start3A_78 : memref<1x1x128xi32, #tpu.memory_space<vmem>> -> memref<128xi32, #tpu.memory_space<vmem>>
    %dma_start3A_80 = arith.constant 0 : i32
    %dma_start3A_81 = arith.constant 0 : i32
    %dma_start3A_82 = tpu.memref_slice %arg3[%dma_start3A_80, %dma_start3A_81] : memref<1000000x64xf32, #tpu.memory_space<hbm>> -> memref<1000000x64xf32, #tpu.memory_space<hbm>>
    tpu.enqueue_indirect_dma source(%dma_start3A_82 : memref<1000000x64xf32, #tpu.memory_space<hbm>>) target(%dma_start3A_76 : memref<128x64xf32, #tpu.memory_space<vmem>>) offsets(%dma_start3A_79 : memref<128xi32, #tpu.memory_space<vmem>>) semaphore(%arg7 : memref<!tpu.dma_semaphore, #tpu.memory_space<semaphore_mem>>) {add = true}
    %dma_start3A_83 = arith.constant 0 : i32
    %dma_start3A_84 = arith.constant 6 : i32
    %dma_start3A_85 = arith.constant 0 : i32
    %dma_start3A_86 = arith.constant 0 : i32
    %dma_start3A_87 = arith.constant 0 : i32
    %dma_start3A_88 = tpu.memref_slice %arg6[%dma_start3A_85, %dma_start3A_86, %dma_start3A_87] : memref<2x128x64xf32, #tpu.memory_space<vmem>> -> memref<1x128x64xf32, #tpu.memory_space<vmem>>
    %dma_start3A_89 = tpu.memref_squeeze %dma_start3A_88 : memref<1x128x64xf32, #tpu.memory_space<vmem>> -> memref<128x64xf32, #tpu.memory_space<vmem>>
    %dma_start3A_90 = arith.constant 0 : i32
    %dma_start3A_91 = tpu.memref_slice %arg5[%dma_start3A_83, %dma_start3A_84, %dma_start3A_90] : memref<2x26x128xi32, #tpu.memory_space<vmem>> -> memref<1x1x128xi32, #tpu.memory_space<vmem>>
    %dma_start3A_92 = tpu.memref_squeeze %dma_start3A_91 : memref<1x1x128xi32, #tpu.memory_space<vmem>> -> memref<128xi32, #tpu.memory_space<vmem>>
    %dma_start3A_93 = arith.constant 0 : i32
    %dma_start3A_94 = arith.constant 0 : i32
    %dma_start3A_95 = tpu.memref_slice %arg3[%dma_start3A_93, %dma_start3A_94] : memref<1000000x64xf32, #tpu.memory_space<hbm>> -> memref<1000000x64xf32, #tpu.memory_space<hbm>>
    tpu.enqueue_indirect_dma source(%dma_start3A_95 : memref<1000000x64xf32, #tpu.memory_space<hbm>>) target(%dma_start3A_89 : memref<128x64xf32, #tpu.memory_space<vmem>>) offsets(%dma_start3A_92 : memref<128xi32, #tpu.memory_space<vmem>>) semaphore(%arg7 : memref<!tpu.dma_semaphore, #tpu.memory_space<semaphore_mem>>) {add = true}
    %dma_start3A_96 = arith.constant 0 : i32
    %dma_start3A_97 = arith.constant 7 : i32
    %dma_start3A_98 = arith.constant 0 : i32
    %dma_start3A_99 = arith.constant 0 : i32
    %dma_start3A_100 = arith.constant 0 : i32
    %dma_start3A_101 = tpu.memref_slice %arg6[%dma_start3A_98, %dma_start3A_99, %dma_start3A_100] : memref<2x128x64xf32, #tpu.memory_space<vmem>> -> memref<1x128x64xf32, #tpu.memory_space<vmem>>
    %dma_start3A_102 = tpu.memref_squeeze %dma_start3A_101 : memref<1x128x64xf32, #tpu.memory_space<vmem>> -> memref<128x64xf32, #tpu.memory_space<vmem>>
    %dma_start3A_103 = arith.constant 0 : i32
    %dma_start3A_104 = tpu.memref_slice %arg5[%dma_start3A_96, %dma_start3A_97, %dma_start3A_103] : memref<2x26x128xi32, #tpu.memory_space<vmem>> -> memref<1x1x128xi32, #tpu.memory_space<vmem>>
    %dma_start3A_105 = tpu.memref_squeeze %dma_start3A_104 : memref<1x1x128xi32, #tpu.memory_space<vmem>> -> memref<128xi32, #tpu.memory_space<vmem>>
    %dma_start3A_106 = arith.constant 0 : i32
    %dma_start3A_107 = arith.constant 0 : i32
    %dma_start3A_108 = tpu.memref_slice %arg3[%dma_start3A_106, %dma_start3A_107] : memref<1000000x64xf32, #tpu.memory_space<hbm>> -> memref<1000000x64xf32, #tpu.memory_space<hbm>>
    tpu.enqueue_indirect_dma source(%dma_start3A_108 : memref<1000000x64xf32, #tpu.memory_space<hbm>>) target(%dma_start3A_102 : memref<128x64xf32, #tpu.memory_space<vmem>>) offsets(%dma_start3A_105 : memref<128xi32, #tpu.memory_space<vmem>>) semaphore(%arg7 : memref<!tpu.dma_semaphore, #tpu.memory_space<semaphore_mem>>) {add = true}
    %dma_start3A_109 = arith.constant 0 : i32
    %dma_start3A_110 = arith.constant 8 : i32
    %dma_start3A_111 = arith.constant 0 : i32
    %dma_start3A_112 = arith.constant 0 : i32
    %dma_start3A_113 = arith.constant 0 : i32
    %dma_start3A_114 = tpu.memref_slice %arg6[%dma_start3A_111, %dma_start3A_112, %dma_start3A_113] : memref<2x128x64xf32, #tpu.memory_space<vmem>> -> memref<1x128x64xf32, #tpu.memory_space<vmem>>
    %dma_start3A_115 = tpu.memref_squeeze %dma_start3A_114 : memref<1x128x64xf32, #tpu.memory_space<vmem>> -> memref<128x64xf32, #tpu.memory_space<vmem>>
    %dma_start3A_116 = arith.constant 0 : i32
    %dma_start3A_117 = tpu.memref_slice %arg5[%dma_start3A_109, %dma_start3A_110, %dma_start3A_116] : memref<2x26x128xi32, #tpu.memory_space<vmem>> -> memref<1x1x128xi32, #tpu.memory_space<vmem>>
    %dma_start3A_118 = tpu.memref_squeeze %dma_start3A_117 : memref<1x1x128xi32, #tpu.memory_space<vmem>> -> memref<128xi32, #tpu.memory_space<vmem>>
    %dma_start3A_119 = arith.constant 0 : i32
    %dma_start3A_120 = arith.constant 0 : i32
    %dma_start3A_121 = tpu.memref_slice %arg3[%dma_start3A_119, %dma_start3A_120] : memref<1000000x64xf32, #tpu.memory_space<hbm>> -> memref<1000000x64xf32, #tpu.memory_space<hbm>>
    tpu.enqueue_indirect_dma source(%dma_start3A_121 : memref<1000000x64xf32, #tpu.memory_space<hbm>>) target(%dma_start3A_115 : memref<128x64xf32, #tpu.memory_space<vmem>>) offsets(%dma_start3A_118 : memref<128xi32, #tpu.memory_space<vmem>>) semaphore(%arg7 : memref<!tpu.dma_semaphore, #tpu.memory_space<semaphore_mem>>) {add = true}
    %dma_start3A_122 = arith.constant 0 : i32
    %dma_start3A_123 = arith.constant 9 : i32
    %dma_start3A_124 = arith.constant 0 : i32
    %dma_start3A_125 = arith.constant 0 : i32
    %dma_start3A_126 = arith.constant 0 : i32
    %dma_start3A_127 = tpu.memref_slice %arg6[%dma_start3A_124, %dma_start3A_125, %dma_start3A_126] : memref<2x128x64xf32, #tpu.memory_space<vmem>> -> memref<1x128x64xf32, #tpu.memory_space<vmem>>
    %dma_start3A_128 = tpu.memref_squeeze %dma_start3A_127 : memref<1x128x64xf32, #tpu.memory_space<vmem>> -> memref<128x64xf32, #tpu.memory_space<vmem>>
    %dma_start3A_129 = arith.constant 0 : i32
    %dma_start3A_130 = tpu.memref_slice %arg5[%dma_start3A_122, %dma_start3A_123, %dma_start3A_129] : memref<2x26x128xi32, #tpu.memory_space<vmem>> -> memref<1x1x128xi32, #tpu.memory_space<vmem>>
    %dma_start3A_131 = tpu.memref_squeeze %dma_start3A_130 : memref<1x1x128xi32, #tpu.memory_space<vmem>> -> memref<128xi32, #tpu.memory_space<vmem>>
    %dma_start3A_132 = arith.constant 0 : i32
    %dma_start3A_133 = arith.constant 0 : i32
    %dma_start3A_134 = tpu.memref_slice %arg3[%dma_start3A_132, %dma_start3A_133] : memref<1000000x64xf32, #tpu.memory_space<hbm>> -> memref<1000000x64xf32, #tpu.memory_space<hbm>>
    tpu.enqueue_indirect_dma source(%dma_start3A_134 : memref<1000000x64xf32, #tpu.memory_space<hbm>>) target(%dma_start3A_128 : memref<128x64xf32, #tpu.memory_space<vmem>>) offsets(%dma_start3A_131 : memref<128xi32, #tpu.memory_space<vmem>>) semaphore(%arg7 : memref<!tpu.dma_semaphore, #tpu.memory_space<semaphore_mem>>) {add = true}
    %dma_start3A_135 = arith.constant 0 : i32
    %dma_start3A_136 = arith.constant 10 : i32
    %dma_start3A_137 = arith.constant 0 : i32
    %dma_start3A_138 = arith.constant 0 : i32
    %dma_start3A_139 = arith.constant 0 : i32
    %dma_start3A_140 = tpu.memref_slice %arg6[%dma_start3A_137, %dma_start3A_138, %dma_start3A_139] : memref<2x128x64xf32, #tpu.memory_space<vmem>> -> memref<1x128x64xf32, #tpu.memory_space<vmem>>
    %dma_start3A_141 = tpu.memref_squeeze %dma_start3A_140 : memref<1x128x64xf32, #tpu.memory_space<vmem>> -> memref<128x64xf32, #tpu.memory_space<vmem>>
    %dma_start3A_142 = arith.constant 0 : i32
    %dma_start3A_143 = tpu.memref_slice %arg5[%dma_start3A_135, %dma_start3A_136, %dma_start3A_142] : memref<2x26x128xi32, #tpu.memory_space<vmem>> -> memref<1x1x128xi32, #tpu.memory_space<vmem>>
    %dma_start3A_144 = tpu.memref_squeeze %dma_start3A_143 : memref<1x1x128xi32, #tpu.memory_space<vmem>> -> memref<128xi32, #tpu.memory_space<vmem>>
    %dma_start3A_145 = arith.constant 0 : i32
    %dma_start3A_146 = arith.constant 0 : i32
    %dma_start3A_147 = tpu.memref_slice %arg3[%dma_start3A_145, %dma_start3A_146] : memref<1000000x64xf32, #tpu.memory_space<hbm>> -> memref<1000000x64xf32, #tpu.memory_space<hbm>>
    tpu.enqueue_indirect_dma source(%dma_start3A_147 : memref<1000000x64xf32, #tpu.memory_space<hbm>>) target(%dma_start3A_141 : memref<128x64xf32, #tpu.memory_space<vmem>>) offsets(%dma_start3A_144 : memref<128xi32, #tpu.memory_space<vmem>>) semaphore(%arg7 : memref<!tpu.dma_semaphore, #tpu.memory_space<semaphore_mem>>) {add = true}
    %dma_start3A_148 = arith.constant 0 : i32
    %dma_start3A_149 = arith.constant 11 : i32
    %dma_start3A_150 = arith.constant 0 : i32
    %dma_start3A_151 = arith.constant 0 : i32
    %dma_start3A_152 = arith.constant 0 : i32
    %dma_start3A_153 = tpu.memref_slice %arg6[%dma_start3A_150, %dma_start3A_151, %dma_start3A_152] : memref<2x128x64xf32, #tpu.memory_space<vmem>> -> memref<1x128x64xf32, #tpu.memory_space<vmem>>
    %dma_start3A_154 = tpu.memref_squeeze %dma_start3A_153 : memref<1x128x64xf32, #tpu.memory_space<vmem>> -> memref<128x64xf32, #tpu.memory_space<vmem>>
    %dma_start3A_155 = arith.constant 0 : i32
    %dma_start3A_156 = tpu.memref_slice %arg5[%dma_start3A_148, %dma_start3A_149, %dma_start3A_155] : memref<2x26x128xi32, #tpu.memory_space<vmem>> -> memref<1x1x128xi32, #tpu.memory_space<vmem>>
    %dma_start3A_157 = tpu.memref_squeeze %dma_start3A_156 : memref<1x1x128xi32, #tpu.memory_space<vmem>> -> memref<128xi32, #tpu.memory_space<vmem>>
    %dma_start3A_158 = arith.constant 0 : i32
    %dma_start3A_159 = arith.constant 0 : i32
    %dma_start3A_160 = tpu.memref_slice %arg3[%dma_start3A_158, %dma_start3A_159] : memref<1000000x64xf32, #tpu.memory_space<hbm>> -> memref<1000000x64xf32, #tpu.memory_space<hbm>>
    tpu.enqueue_indirect_dma source(%dma_start3A_160 : memref<1000000x64xf32, #tpu.memory_space<hbm>>) target(%dma_start3A_154 : memref<128x64xf32, #tpu.memory_space<vmem>>) offsets(%dma_start3A_157 : memref<128xi32, #tpu.memory_space<vmem>>) semaphore(%arg7 : memref<!tpu.dma_semaphore, #tpu.memory_space<semaphore_mem>>) {add = true}
    %dma_start3A_161 = arith.constant 0 : i32
    %dma_start3A_162 = arith.constant 12 : i32
    %dma_start3A_163 = arith.constant 0 : i32
    %dma_start3A_164 = arith.constant 0 : i32
    %dma_start3A_165 = arith.constant 0 : i32
    %dma_start3A_166 = tpu.memref_slice %arg6[%dma_start3A_163, %dma_start3A_164, %dma_start3A_165] : memref<2x128x64xf32, #tpu.memory_space<vmem>> -> memref<1x128x64xf32, #tpu.memory_space<vmem>>
    %dma_start3A_167 = tpu.memref_squeeze %dma_start3A_166 : memref<1x128x64xf32, #tpu.memory_space<vmem>> -> memref<128x64xf32, #tpu.memory_space<vmem>>
    %dma_start3A_168 = arith.constant 0 : i32
    %dma_start3A_169 = tpu.memref_slice %arg5[%dma_start3A_161, %dma_start3A_162, %dma_start3A_168] : memref<2x26x128xi32, #tpu.memory_space<vmem>> -> memref<1x1x128xi32, #tpu.memory_space<vmem>>
    %dma_start3A_170 = tpu.memref_squeeze %dma_start3A_169 : memref<1x1x128xi32, #tpu.memory_space<vmem>> -> memref<128xi32, #tpu.memory_space<vmem>>
    %dma_start3A_171 = arith.constant 0 : i32
    %dma_start3A_172 = arith.constant 0 : i32
    %dma_start3A_173 = tpu.memref_slice %arg3[%dma_start3A_171, %dma_start3A_172] : memref<1000000x64xf32, #tpu.memory_space<hbm>> -> memref<1000000x64xf32, #tpu.memory_space<hbm>>
    tpu.enqueue_indirect_dma source(%dma_start3A_173 : memref<1000000x64xf32, #tpu.memory_space<hbm>>) target(%dma_start3A_167 : memref<128x64xf32, #tpu.memory_space<vmem>>) offsets(%dma_start3A_170 : memref<128xi32, #tpu.memory_space<vmem>>) semaphore(%arg7 : memref<!tpu.dma_semaphore, #tpu.memory_space<semaphore_mem>>) {add = true}
    %dma_start3A_174 = arith.constant 0 : i32
    %dma_start3A_175 = arith.constant 13 : i32
    %dma_start3A_176 = arith.constant 0 : i32
    %dma_start3A_177 = arith.constant 0 : i32
    %dma_start3A_178 = arith.constant 0 : i32
    %dma_start3A_179 = tpu.memref_slice %arg6[%dma_start3A_176, %dma_start3A_177, %dma_start3A_178] : memref<2x128x64xf32, #tpu.memory_space<vmem>> -> memref<1x128x64xf32, #tpu.memory_space<vmem>>
    %dma_start3A_180 = tpu.memref_squeeze %dma_start3A_179 : memref<1x128x64xf32, #tpu.memory_space<vmem>> -> memref<128x64xf32, #tpu.memory_space<vmem>>
    %dma_start3A_181 = arith.constant 0 : i32
    %dma_start3A_182 = tpu.memref_slice %arg5[%dma_start3A_174, %dma_start3A_175, %dma_start3A_181] : memref<2x26x128xi32, #tpu.memory_space<vmem>> -> memref<1x1x128xi32, #tpu.memory_space<vmem>>
    %dma_start3A_183 = tpu.memref_squeeze %dma_start3A_182 : memref<1x1x128xi32, #tpu.memory_space<vmem>> -> memref<128xi32, #tpu.memory_space<vmem>>
    %dma_start3A_184 = arith.constant 0 : i32
    %dma_start3A_185 = arith.constant 0 : i32
    %dma_start3A_186 = tpu.memref_slice %arg3[%dma_start3A_184, %dma_start3A_185] : memref<1000000x64xf32, #tpu.memory_space<hbm>> -> memref<1000000x64xf32, #tpu.memory_space<hbm>>
    tpu.enqueue_indirect_dma source(%dma_start3A_186 : memref<1000000x64xf32, #tpu.memory_space<hbm>>) target(%dma_start3A_180 : memref<128x64xf32, #tpu.memory_space<vmem>>) offsets(%dma_start3A_183 : memref<128xi32, #tpu.memory_space<vmem>>) semaphore(%arg7 : memref<!tpu.dma_semaphore, #tpu.memory_space<semaphore_mem>>) {add = true}
    %dma_start3A_187 = arith.constant 0 : i32
    %dma_start3A_188 = arith.constant 14 : i32
    %dma_start3A_189 = arith.constant 0 : i32
    %dma_start3A_190 = arith.constant 0 : i32
    %dma_start3A_191 = arith.constant 0 : i32
    %dma_start3A_192 = tpu.memref_slice %arg6[%dma_start3A_189, %dma_start3A_190, %dma_start3A_191] : memref<2x128x64xf32, #tpu.memory_space<vmem>> -> memref<1x128x64xf32, #tpu.memory_space<vmem>>
    %dma_start3A_193 = tpu.memref_squeeze %dma_start3A_192 : memref<1x128x64xf32, #tpu.memory_space<vmem>> -> memref<128x64xf32, #tpu.memory_space<vmem>>
    %dma_start3A_194 = arith.constant 0 : i32
    %dma_start3A_195 = tpu.memref_slice %arg5[%dma_start3A_187, %dma_start3A_188, %dma_start3A_194] : memref<2x26x128xi32, #tpu.memory_space<vmem>> -> memref<1x1x128xi32, #tpu.memory_space<vmem>>
    %dma_start3A_196 = tpu.memref_squeeze %dma_start3A_195 : memref<1x1x128xi32, #tpu.memory_space<vmem>> -> memref<128xi32, #tpu.memory_space<vmem>>
    %dma_start3A_197 = arith.constant 0 : i32
    %dma_start3A_198 = arith.constant 0 : i32
    %dma_start3A_199 = tpu.memref_slice %arg3[%dma_start3A_197, %dma_start3A_198] : memref<1000000x64xf32, #tpu.memory_space<hbm>> -> memref<1000000x64xf32, #tpu.memory_space<hbm>>
    tpu.enqueue_indirect_dma source(%dma_start3A_199 : memref<1000000x64xf32, #tpu.memory_space<hbm>>) target(%dma_start3A_193 : memref<128x64xf32, #tpu.memory_space<vmem>>) offsets(%dma_start3A_196 : memref<128xi32, #tpu.memory_space<vmem>>) semaphore(%arg7 : memref<!tpu.dma_semaphore, #tpu.memory_space<semaphore_mem>>) {add = true}
    %dma_start3A_200 = arith.constant 0 : i32
    %dma_start3A_201 = arith.constant 15 : i32
    %dma_start3A_202 = arith.constant 0 : i32
    %dma_start3A_203 = arith.constant 0 : i32
    %dma_start3A_204 = arith.constant 0 : i32
    %dma_start3A_205 = tpu.memref_slice %arg6[%dma_start3A_202, %dma_start3A_203, %dma_start3A_204] : memref<2x128x64xf32, #tpu.memory_space<vmem>> -> memref<1x128x64xf32, #tpu.memory_space<vmem>>
    %dma_start3A_206 = tpu.memref_squeeze %dma_start3A_205 : memref<1x128x64xf32, #tpu.memory_space<vmem>> -> memref<128x64xf32, #tpu.memory_space<vmem>>
    %dma_start3A_207 = arith.constant 0 : i32
    %dma_start3A_208 = tpu.memref_slice %arg5[%dma_start3A_200, %dma_start3A_201, %dma_start3A_207] : memref<2x26x128xi32, #tpu.memory_space<vmem>> -> memref<1x1x128xi32, #tpu.memory_space<vmem>>
    %dma_start3A_209 = tpu.memref_squeeze %dma_start3A_208 : memref<1x1x128xi32, #tpu.memory_space<vmem>> -> memref<128xi32, #tpu.memory_space<vmem>>
    %dma_start3A_210 = arith.constant 0 : i32
    %dma_start3A_211 = arith.constant 0 : i32
    %dma_start3A_212 = tpu.memref_slice %arg3[%dma_start3A_210, %dma_start3A_211] : memref<1000000x64xf32, #tpu.memory_space<hbm>> -> memref<1000000x64xf32, #tpu.memory_space<hbm>>
    tpu.enqueue_indirect_dma source(%dma_start3A_212 : memref<1000000x64xf32, #tpu.memory_space<hbm>>) target(%dma_start3A_206 : memref<128x64xf32, #tpu.memory_space<vmem>>) offsets(%dma_start3A_209 : memref<128xi32, #tpu.memory_space<vmem>>) semaphore(%arg7 : memref<!tpu.dma_semaphore, #tpu.memory_space<semaphore_mem>>) {add = true}
    %dma_start3A_213 = arith.constant 0 : i32
    %dma_start3A_214 = arith.constant 16 : i32
    %dma_start3A_215 = arith.constant 0 : i32
    %dma_start3A_216 = arith.constant 0 : i32
    %dma_start3A_217 = arith.constant 0 : i32
    %dma_start3A_218 = tpu.memref_slice %arg6[%dma_start3A_215, %dma_start3A_216, %dma_start3A_217] : memref<2x128x64xf32, #tpu.memory_space<vmem>> -> memref<1x128x64xf32, #tpu.memory_space<vmem>>
    %dma_start3A_219 = tpu.memref_squeeze %dma_start3A_218 : memref<1x128x64xf32, #tpu.memory_space<vmem>> -> memref<128x64xf32, #tpu.memory_space<vmem>>
    %dma_start3A_220 = arith.constant 0 : i32
    %dma_start3A_221 = tpu.memref_slice %arg5[%dma_start3A_213, %dma_start3A_214, %dma_start3A_220] : memref<2x26x128xi32, #tpu.memory_space<vmem>> -> memref<1x1x128xi32, #tpu.memory_space<vmem>>
    %dma_start3A_222 = tpu.memref_squeeze %dma_start3A_221 : memref<1x1x128xi32, #tpu.memory_space<vmem>> -> memref<128xi32, #tpu.memory_space<vmem>>
    %dma_start3A_223 = arith.constant 0 : i32
    %dma_start3A_224 = arith.constant 0 : i32
    %dma_start3A_225 = tpu.memref_slice %arg3[%dma_start3A_223, %dma_start3A_224] : memref<1000000x64xf32, #tpu.memory_space<hbm>> -> memref<1000000x64xf32, #tpu.memory_space<hbm>>
    tpu.enqueue_indirect_dma source(%dma_start3A_225 : memref<1000000x64xf32, #tpu.memory_space<hbm>>) target(%dma_start3A_219 : memref<128x64xf32, #tpu.memory_space<vmem>>) offsets(%dma_start3A_222 : memref<128xi32, #tpu.memory_space<vmem>>) semaphore(%arg7 : memref<!tpu.dma_semaphore, #tpu.memory_space<semaphore_mem>>) {add = true}
    %dma_start3A_226 = arith.constant 0 : i32
    %dma_start3A_227 = arith.constant 17 : i32
    %dma_start3A_228 = arith.constant 0 : i32
    %dma_start3A_229 = arith.constant 0 : i32
    %dma_start3A_230 = arith.constant 0 : i32
    %dma_start3A_231 = tpu.memref_slice %arg6[%dma_start3A_228, %dma_start3A_229, %dma_start3A_230] : memref<2x128x64xf32, #tpu.memory_space<vmem>> -> memref<1x128x64xf32, #tpu.memory_space<vmem>>
    %dma_start3A_232 = tpu.memref_squeeze %dma_start3A_231 : memref<1x128x64xf32, #tpu.memory_space<vmem>> -> memref<128x64xf32, #tpu.memory_space<vmem>>
    %dma_start3A_233 = arith.constant 0 : i32
    %dma_start3A_234 = tpu.memref_slice %arg5[%dma_start3A_226, %dma_start3A_227, %dma_start3A_233] : memref<2x26x128xi32, #tpu.memory_space<vmem>> -> memref<1x1x128xi32, #tpu.memory_space<vmem>>
    %dma_start3A_235 = tpu.memref_squeeze %dma_start3A_234 : memref<1x1x128xi32, #tpu.memory_space<vmem>> -> memref<128xi32, #tpu.memory_space<vmem>>
    %dma_start3A_236 = arith.constant 0 : i32
    %dma_start3A_237 = arith.constant 0 : i32
    %dma_start3A_238 = tpu.memref_slice %arg3[%dma_start3A_236, %dma_start3A_237] : memref<1000000x64xf32, #tpu.memory_space<hbm>> -> memref<1000000x64xf32, #tpu.memory_space<hbm>>
    tpu.enqueue_indirect_dma source(%dma_start3A_238 : memref<1000000x64xf32, #tpu.memory_space<hbm>>) target(%dma_start3A_232 : memref<128x64xf32, #tpu.memory_space<vmem>>) offsets(%dma_start3A_235 : memref<128xi32, #tpu.memory_space<vmem>>) semaphore(%arg7 : memref<!tpu.dma_semaphore, #tpu.memory_space<semaphore_mem>>) {add = true}
    %dma_start3A_239 = arith.constant 0 : i32
    %dma_start3A_240 = arith.constant 18 : i32
    %dma_start3A_241 = arith.constant 0 : i32
    %dma_start3A_242 = arith.constant 0 : i32
    %dma_start3A_243 = arith.constant 0 : i32
    %dma_start3A_244 = tpu.memref_slice %arg6[%dma_start3A_241, %dma_start3A_242, %dma_start3A_243] : memref<2x128x64xf32, #tpu.memory_space<vmem>> -> memref<1x128x64xf32, #tpu.memory_space<vmem>>
    %dma_start3A_245 = tpu.memref_squeeze %dma_start3A_244 : memref<1x128x64xf32, #tpu.memory_space<vmem>> -> memref<128x64xf32, #tpu.memory_space<vmem>>
    %dma_start3A_246 = arith.constant 0 : i32
    %dma_start3A_247 = tpu.memref_slice %arg5[%dma_start3A_239, %dma_start3A_240, %dma_start3A_246] : memref<2x26x128xi32, #tpu.memory_space<vmem>> -> memref<1x1x128xi32, #tpu.memory_space<vmem>>
    %dma_start3A_248 = tpu.memref_squeeze %dma_start3A_247 : memref<1x1x128xi32, #tpu.memory_space<vmem>> -> memref<128xi32, #tpu.memory_space<vmem>>
    %dma_start3A_249 = arith.constant 0 : i32
    %dma_start3A_250 = arith.constant 0 : i32
    %dma_start3A_251 = tpu.memref_slice %arg3[%dma_start3A_249, %dma_start3A_250] : memref<1000000x64xf32, #tpu.memory_space<hbm>> -> memref<1000000x64xf32, #tpu.memory_space<hbm>>
    tpu.enqueue_indirect_dma source(%dma_start3A_251 : memref<1000000x64xf32, #tpu.memory_space<hbm>>) target(%dma_start3A_245 : memref<128x64xf32, #tpu.memory_space<vmem>>) offsets(%dma_start3A_248 : memref<128xi32, #tpu.memory_space<vmem>>) semaphore(%arg7 : memref<!tpu.dma_semaphore, #tpu.memory_space<semaphore_mem>>) {add = true}
    %dma_start3A_252 = arith.constant 0 : i32
    %dma_start3A_253 = arith.constant 19 : i32
    %dma_start3A_254 = arith.constant 0 : i32
    %dma_start3A_255 = arith.constant 0 : i32
    %dma_start3A_256 = arith.constant 0 : i32
    %dma_start3A_257 = tpu.memref_slice %arg6[%dma_start3A_254, %dma_start3A_255, %dma_start3A_256] : memref<2x128x64xf32, #tpu.memory_space<vmem>> -> memref<1x128x64xf32, #tpu.memory_space<vmem>>
    %dma_start3A_258 = tpu.memref_squeeze %dma_start3A_257 : memref<1x128x64xf32, #tpu.memory_space<vmem>> -> memref<128x64xf32, #tpu.memory_space<vmem>>
    %dma_start3A_259 = arith.constant 0 : i32
    %dma_start3A_260 = tpu.memref_slice %arg5[%dma_start3A_252, %dma_start3A_253, %dma_start3A_259] : memref<2x26x128xi32, #tpu.memory_space<vmem>> -> memref<1x1x128xi32, #tpu.memory_space<vmem>>
    %dma_start3A_261 = tpu.memref_squeeze %dma_start3A_260 : memref<1x1x128xi32, #tpu.memory_space<vmem>> -> memref<128xi32, #tpu.memory_space<vmem>>
    %dma_start3A_262 = arith.constant 0 : i32
    %dma_start3A_263 = arith.constant 0 : i32
    %dma_start3A_264 = tpu.memref_slice %arg3[%dma_start3A_262, %dma_start3A_263] : memref<1000000x64xf32, #tpu.memory_space<hbm>> -> memref<1000000x64xf32, #tpu.memory_space<hbm>>
    tpu.enqueue_indirect_dma source(%dma_start3A_264 : memref<1000000x64xf32, #tpu.memory_space<hbm>>) target(%dma_start3A_258 : memref<128x64xf32, #tpu.memory_space<vmem>>) offsets(%dma_start3A_261 : memref<128xi32, #tpu.memory_space<vmem>>) semaphore(%arg7 : memref<!tpu.dma_semaphore, #tpu.memory_space<semaphore_mem>>) {add = true}
    %dma_start3A_265 = arith.constant 0 : i32
    %dma_start3A_266 = arith.constant 20 : i32
    %dma_start3A_267 = arith.constant 0 : i32
    %dma_start3A_268 = arith.constant 0 : i32
    %dma_start3A_269 = arith.constant 0 : i32
    %dma_start3A_270 = tpu.memref_slice %arg6[%dma_start3A_267, %dma_start3A_268, %dma_start3A_269] : memref<2x128x64xf32, #tpu.memory_space<vmem>> -> memref<1x128x64xf32, #tpu.memory_space<vmem>>
    %dma_start3A_271 = tpu.memref_squeeze %dma_start3A_270 : memref<1x128x64xf32, #tpu.memory_space<vmem>> -> memref<128x64xf32, #tpu.memory_space<vmem>>
    %dma_start3A_272 = arith.constant 0 : i32
    %dma_start3A_273 = tpu.memref_slice %arg5[%dma_start3A_265, %dma_start3A_266, %dma_start3A_272] : memref<2x26x128xi32, #tpu.memory_space<vmem>> -> memref<1x1x128xi32, #tpu.memory_space<vmem>>
    %dma_start3A_274 = tpu.memref_squeeze %dma_start3A_273 : memref<1x1x128xi32, #tpu.memory_space<vmem>> -> memref<128xi32, #tpu.memory_space<vmem>>
    %dma_start3A_275 = arith.constant 0 : i32
    %dma_start3A_276 = arith.constant 0 : i32
    %dma_start3A_277 = tpu.memref_slice %arg3[%dma_start3A_275, %dma_start3A_276] : memref<1000000x64xf32, #tpu.memory_space<hbm>> -> memref<1000000x64xf32, #tpu.memory_space<hbm>>
    tpu.enqueue_indirect_dma source(%dma_start3A_277 : memref<1000000x64xf32, #tpu.memory_space<hbm>>) target(%dma_start3A_271 : memref<128x64xf32, #tpu.memory_space<vmem>>) offsets(%dma_start3A_274 : memref<128xi32, #tpu.memory_space<vmem>>) semaphore(%arg7 : memref<!tpu.dma_semaphore, #tpu.memory_space<semaphore_mem>>) {add = true}
    %dma_start3A_278 = arith.constant 0 : i32
    %dma_start3A_279 = arith.constant 21 : i32
    %dma_start3A_280 = arith.constant 0 : i32
    %dma_start3A_281 = arith.constant 0 : i32
    %dma_start3A_282 = arith.constant 0 : i32
    %dma_start3A_283 = tpu.memref_slice %arg6[%dma_start3A_280, %dma_start3A_281, %dma_start3A_282] : memref<2x128x64xf32, #tpu.memory_space<vmem>> -> memref<1x128x64xf32, #tpu.memory_space<vmem>>
    %dma_start3A_284 = tpu.memref_squeeze %dma_start3A_283 : memref<1x128x64xf32, #tpu.memory_space<vmem>> -> memref<128x64xf32, #tpu.memory_space<vmem>>
    %dma_start3A_285 = arith.constant 0 : i32
    %dma_start3A_286 = tpu.memref_slice %arg5[%dma_start3A_278, %dma_start3A_279, %dma_start3A_285] : memref<2x26x128xi32, #tpu.memory_space<vmem>> -> memref<1x1x128xi32, #tpu.memory_space<vmem>>
    %dma_start3A_287 = tpu.memref_squeeze %dma_start3A_286 : memref<1x1x128xi32, #tpu.memory_space<vmem>> -> memref<128xi32, #tpu.memory_space<vmem>>
    %dma_start3A_288 = arith.constant 0 : i32
    %dma_start3A_289 = arith.constant 0 : i32
    %dma_start3A_290 = tpu.memref_slice %arg3[%dma_start3A_288, %dma_start3A_289] : memref<1000000x64xf32, #tpu.memory_space<hbm>> -> memref<1000000x64xf32, #tpu.memory_space<hbm>>
    tpu.enqueue_indirect_dma source(%dma_start3A_290 : memref<1000000x64xf32, #tpu.memory_space<hbm>>) target(%dma_start3A_284 : memref<128x64xf32, #tpu.memory_space<vmem>>) offsets(%dma_start3A_287 : memref<128xi32, #tpu.memory_space<vmem>>) semaphore(%arg7 : memref<!tpu.dma_semaphore, #tpu.memory_space<semaphore_mem>>) {add = true}
    %dma_start3A_291 = arith.constant 0 : i32
    %dma_start3A_292 = arith.constant 22 : i32
    %dma_start3A_293 = arith.constant 0 : i32
    %dma_start3A_294 = arith.constant 0 : i32
    %dma_start3A_295 = arith.constant 0 : i32
    %dma_start3A_296 = tpu.memref_slice %arg6[%dma_start3A_293, %dma_start3A_294, %dma_start3A_295] : memref<2x128x64xf32, #tpu.memory_space<vmem>> -> memref<1x128x64xf32, #tpu.memory_space<vmem>>
    %dma_start3A_297 = tpu.memref_squeeze %dma_start3A_296 : memref<1x128x64xf32, #tpu.memory_space<vmem>> -> memref<128x64xf32, #tpu.memory_space<vmem>>
    %dma_start3A_298 = arith.constant 0 : i32
    %dma_start3A_299 = tpu.memref_slice %arg5[%dma_start3A_291, %dma_start3A_292, %dma_start3A_298] : memref<2x26x128xi32, #tpu.memory_space<vmem>> -> memref<1x1x128xi32, #tpu.memory_space<vmem>>
    %dma_start3A_300 = tpu.memref_squeeze %dma_start3A_299 : memref<1x1x128xi32, #tpu.memory_space<vmem>> -> memref<128xi32, #tpu.memory_space<vmem>>
    %dma_start3A_301 = arith.constant 0 : i32
    %dma_start3A_302 = arith.constant 0 : i32
    %dma_start3A_303 = tpu.memref_slice %arg3[%dma_start3A_301, %dma_start3A_302] : memref<1000000x64xf32, #tpu.memory_space<hbm>> -> memref<1000000x64xf32, #tpu.memory_space<hbm>>
    tpu.enqueue_indirect_dma source(%dma_start3A_303 : memref<1000000x64xf32, #tpu.memory_space<hbm>>) target(%dma_start3A_297 : memref<128x64xf32, #tpu.memory_space<vmem>>) offsets(%dma_start3A_300 : memref<128xi32, #tpu.memory_space<vmem>>) semaphore(%arg7 : memref<!tpu.dma_semaphore, #tpu.memory_space<semaphore_mem>>) {add = true}
    %dma_start3A_304 = arith.constant 0 : i32
    %dma_start3A_305 = arith.constant 23 : i32
    %dma_start3A_306 = arith.constant 0 : i32
    %dma_start3A_307 = arith.constant 0 : i32
    %dma_start3A_308 = arith.constant 0 : i32
    %dma_start3A_309 = tpu.memref_slice %arg6[%dma_start3A_306, %dma_start3A_307, %dma_start3A_308] : memref<2x128x64xf32, #tpu.memory_space<vmem>> -> memref<1x128x64xf32, #tpu.memory_space<vmem>>
    %dma_start3A_310 = tpu.memref_squeeze %dma_start3A_309 : memref<1x128x64xf32, #tpu.memory_space<vmem>> -> memref<128x64xf32, #tpu.memory_space<vmem>>
    %dma_start3A_311 = arith.constant 0 : i32
    %dma_start3A_312 = tpu.memref_slice %arg5[%dma_start3A_304, %dma_start3A_305, %dma_start3A_311] : memref<2x26x128xi32, #tpu.memory_space<vmem>> -> memref<1x1x128xi32, #tpu.memory_space<vmem>>
    %dma_start3A_313 = tpu.memref_squeeze %dma_start3A_312 : memref<1x1x128xi32, #tpu.memory_space<vmem>> -> memref<128xi32, #tpu.memory_space<vmem>>
    %dma_start3A_314 = arith.constant 0 : i32
    %dma_start3A_315 = arith.constant 0 : i32
    %dma_start3A_316 = tpu.memref_slice %arg3[%dma_start3A_314, %dma_start3A_315] : memref<1000000x64xf32, #tpu.memory_space<hbm>> -> memref<1000000x64xf32, #tpu.memory_space<hbm>>
    tpu.enqueue_indirect_dma source(%dma_start3A_316 : memref<1000000x64xf32, #tpu.memory_space<hbm>>) target(%dma_start3A_310 : memref<128x64xf32, #tpu.memory_space<vmem>>) offsets(%dma_start3A_313 : memref<128xi32, #tpu.memory_space<vmem>>) semaphore(%arg7 : memref<!tpu.dma_semaphore, #tpu.memory_space<semaphore_mem>>) {add = true}
    %dma_start3A_317 = arith.constant 0 : i32
    %dma_start3A_318 = arith.constant 24 : i32
    %dma_start3A_319 = arith.constant 0 : i32
    %dma_start3A_320 = arith.constant 0 : i32
    %dma_start3A_321 = arith.constant 0 : i32
    %dma_start3A_322 = tpu.memref_slice %arg6[%dma_start3A_319, %dma_start3A_320, %dma_start3A_321] : memref<2x128x64xf32, #tpu.memory_space<vmem>> -> memref<1x128x64xf32, #tpu.memory_space<vmem>>
    %dma_start3A_323 = tpu.memref_squeeze %dma_start3A_322 : memref<1x128x64xf32, #tpu.memory_space<vmem>> -> memref<128x64xf32, #tpu.memory_space<vmem>>
    %dma_start3A_324 = arith.constant 0 : i32
    %dma_start3A_325 = tpu.memref_slice %arg5[%dma_start3A_317, %dma_start3A_318, %dma_start3A_324] : memref<2x26x128xi32, #tpu.memory_space<vmem>> -> memref<1x1x128xi32, #tpu.memory_space<vmem>>
    %dma_start3A_326 = tpu.memref_squeeze %dma_start3A_325 : memref<1x1x128xi32, #tpu.memory_space<vmem>> -> memref<128xi32, #tpu.memory_space<vmem>>
    %dma_start3A_327 = arith.constant 0 : i32
    %dma_start3A_328 = arith.constant 0 : i32
    %dma_start3A_329 = tpu.memref_slice %arg3[%dma_start3A_327, %dma_start3A_328] : memref<1000000x64xf32, #tpu.memory_space<hbm>> -> memref<1000000x64xf32, #tpu.memory_space<hbm>>
    tpu.enqueue_indirect_dma source(%dma_start3A_329 : memref<1000000x64xf32, #tpu.memory_space<hbm>>) target(%dma_start3A_323 : memref<128x64xf32, #tpu.memory_space<vmem>>) offsets(%dma_start3A_326 : memref<128xi32, #tpu.memory_space<vmem>>) semaphore(%arg7 : memref<!tpu.dma_semaphore, #tpu.memory_space<semaphore_mem>>) {add = true}
    %dma_start3A_330 = arith.constant 0 : i32
    %dma_start3A_331 = arith.constant 25 : i32
    %dma_start3A_332 = arith.constant 0 : i32
    %dma_start3A_333 = arith.constant 0 : i32
    %dma_start3A_334 = arith.constant 0 : i32
    %dma_start3A_335 = tpu.memref_slice %arg6[%dma_start3A_332, %dma_start3A_333, %dma_start3A_334] : memref<2x128x64xf32, #tpu.memory_space<vmem>> -> memref<1x128x64xf32, #tpu.memory_space<vmem>>
    %dma_start3A_336 = tpu.memref_squeeze %dma_start3A_335 : memref<1x128x64xf32, #tpu.memory_space<vmem>> -> memref<128x64xf32, #tpu.memory_space<vmem>>
    %dma_start3A_337 = arith.constant 0 : i32
    %dma_start3A_338 = tpu.memref_slice %arg5[%dma_start3A_330, %dma_start3A_331, %dma_start3A_337] : memref<2x26x128xi32, #tpu.memory_space<vmem>> -> memref<1x1x128xi32, #tpu.memory_space<vmem>>
    %dma_start3A_339 = tpu.memref_squeeze %dma_start3A_338 : memref<1x1x128xi32, #tpu.memory_space<vmem>> -> memref<128xi32, #tpu.memory_space<vmem>>
    %dma_start3A_340 = arith.constant 0 : i32
    %dma_start3A_341 = arith.constant 0 : i32
    %dma_start3A_342 = tpu.memref_slice %arg3[%dma_start3A_340, %dma_start3A_341] : memref<1000000x64xf32, #tpu.memory_space<hbm>> -> memref<1000000x64xf32, #tpu.memory_space<hbm>>
    tpu.enqueue_indirect_dma source(%dma_start3A_342 : memref<1000000x64xf32, #tpu.memory_space<hbm>>) target(%dma_start3A_336 : memref<128x64xf32, #tpu.memory_space<vmem>>) offsets(%dma_start3A_339 : memref<128xi32, #tpu.memory_space<vmem>>) semaphore(%arg7 : memref<!tpu.dma_semaphore, #tpu.memory_space<semaphore_mem>>) {add = true}
    %scan3A_343 = arith.constant 0 : i32
    %scan3A_344 = arith.constant 5 : i32
    %scan3A_345 = arith.addi %scan3A_343, %scan3A_344 : i32
    %scan3A_346 = arith.constant 1 : i32
    scf.for %scan3A_1383 = %scan3A_343 to %scan3A_345 step %scan3A_346  : i32 {
      %mul3A_1384 = arith.constant 1 : i32
      %mul3A_1385 = arith.muli %scan3A_1383, %mul3A_1384 : i32
      %add3A_1386 = arith.constant 0 : i32
      %add3A_1387 = arith.addi %add3A_1386, %mul3A_1385 : i32
      %mul3A_1388 = arith.constant 2 : i32
      %mul3A_1389 = arith.muli %mul3A_1388, %add3A_1387 : i32
      %add3A_1390 = arith.constant 1 : i32
      %add3A_1391 = arith.addi %mul3A_1389, %add3A_1390 : i32
      %mul3A_1392 = arith.constant 32 : i32
      %mul3A_1393 = arith.muli %mul3A_1392, %add3A_1391 : i32
      %add3A_1394 = arith.addi %add3A, %mul3A_1393 : i32
      %scan3A_1395 = arith.constant 0 : i32
      %scan3A_1396 = arith.constant 128 : i32
      %scan3A_1397 = arith.addi %scan3A_1395, %scan3A_1396 : i32
      %scan3A_1398 = arith.constant 1 : i32
      scf.for %scan3A_2769 = %scan3A_1395 to %scan3A_1397 step %scan3A_1398  : i32 {
        %mul3A_2770 = arith.constant 1 : i32
        %mul3A_2771 = arith.muli %scan3A_2769, %mul3A_2770 : i32
        %add3A_2772 = arith.constant 0 : i32
        %add3A_2773 = arith.addi %add3A_2772, %mul3A_2771 : i32
        %swap3A = arith.constant 1 : i32
        %swap3A_2774 = arith.index_cast %swap3A : i32 to index
        %swap3A_2775 = arith.index_cast %add3A_2773 : i32 to index
        %swap3A_2776 = arith.constant 0 : index
        %swap3A_2777 = tpu.vector_load %arg6[%swap3A_2774, %swap3A_2775, %swap3A_2776] {strides = array<i32>} : memref<2x128x64xf32, #tpu.memory_space<vmem>>, vector<16xf32>,
        tpu.vector_store %arg6[%swap3A_2774, %swap3A_2775, %swap3A_2776], %broadcast_in_dim3A_1 {strides = array<i32>} : memref<2x128x64xf32, #tpu.memory_space<vmem>>, vector<16xf32>,
        %swap3A_2778 = arith.constant 1 : i32
        %swap3A_2779 = arith.index_cast %swap3A_2778 : i32 to index
        %swap3A_2780 = arith.index_cast %add3A_2773 : i32 to index
        %swap3A_2781 = arith.constant 16 : index
        %swap3A_2782 = tpu.vector_load %arg6[%swap3A_2779, %swap3A_2780, %swap3A_2781] {strides = array<i32>} : memref<2x128x64xf32, #tpu.memory_space<vmem>>, vector<16xf32>,
        tpu.vector_store %arg6[%swap3A_2779, %swap3A_2780, %swap3A_2781], %broadcast_in_dim3A_1 {strides = array<i32>} : memref<2x128x64xf32, #tpu.memory_space<vmem>>, vector<16xf32>,
        %swap3A_2783 = arith.constant 1 : i32
        %swap3A_2784 = arith.index_cast %swap3A_2783 : i32 to index
        %swap3A_2785 = arith.index_cast %add3A_2773 : i32 to index
        %swap3A_2786 = arith.constant 32 : index
        %swap3A_2787 = tpu.vector_load %arg6[%swap3A_2784, %swap3A_2785, %swap3A_2786] {strides = array<i32>} : memref<2x128x64xf32, #tpu.memory_space<vmem>>, vector<16xf32>,
        tpu.vector_store %arg6[%swap3A_2784, %swap3A_2785, %swap3A_2786], %broadcast_in_dim3A_1 {strides = array<i32>} : memref<2x128x64xf32, #tpu.memory_space<vmem>>, vector<16xf32>,
        %swap3A_2788 = arith.constant 1 : i32
        %swap3A_2789 = arith.index_cast %swap3A_2788 : i32 to index
        %swap3A_2790 = arith.index_cast %add3A_2773 : i32 to index
        %swap3A_2791 = arith.constant 48 : index
        %swap3A_2792 = tpu.vector_load %arg6[%swap3A_2789, %swap3A_2790, %swap3A_2791] {strides = array<i32>} : memref<2x128x64xf32, #tpu.memory_space<vmem>>, vector<16xf32>,
        tpu.vector_store %arg6[%swap3A_2789, %swap3A_2790, %swap3A_2791], %broadcast_in_dim3A_1 {strides = array<i32>} : memref<2x128x64xf32, #tpu.memory_space<vmem>>, vector<16xf32>,
      }
      %scan3A_1399 = arith.constant 128 : i32
      %run_scoped3A_1400 = arith.constant 1 : i32
      "tpu.region"() ({
        %run_scoped3A_2769 = tpu.sem_alloc : memref<!tpu.dma_semaphore, #tpu.memory_space<semaphore_mem>>
        %dma_start3A_2770 = arith.constant 0 : i32
        %dma_start3A_2771 = arith.constant 0 : i32
        %dma_start3A_2772 = tpu.memref_slice %arg5[%run_scoped3A_1400, %dma_start3A_2770, %dma_start3A_2771] : memref<2x26x128xi32, #tpu.memory_space<vmem>> -> memref<1x26x128xi32, #tpu.memory_space<vmem>>
        %dma_start3A_2773 = tpu.memref_squeeze %dma_start3A_2772 : memref<1x26x128xi32, #tpu.memory_space<vmem>> -> memref<26x128xi32, #tpu.memory_space<vmem>>
        %dma_start3A_2774 = arith.constant 0 : i32
        %dma_start3A_2775 = arith.constant 0 : i32
        %dma_start3A_2776 = tpu.memref_slice %arg2[%add3A_1394, %dma_start3A_2774, %dma_start3A_2775] : memref<400x26x128xi32, #tpu.memory_space<hbm>> -> memref<1x26x128xi32, #tpu.memory_space<hbm>>
        %dma_start3A_2777 = tpu.memref_squeeze %dma_start3A_2776 : memref<1x26x128xi32, #tpu.memory_space<hbm>> -> memref<26x128xi32, #tpu.memory_space<hbm>>
        %dma_start3A_2778 = arith.constant 0 : i32
        %dma_start3A_2779 = arith.constant 0 : i32
        %dma_start3A_2780 = tpu.memref_slice %arg5[%run_scoped3A_1400, %dma_start3A_2778, %dma_start3A_2779] : memref<2x26x128xi32, #tpu.memory_space<vmem>> -> memref<1x26x128xi32, #tpu.memory_space<vmem>>
        %dma_start3A_2781 = tpu.memref_squeeze %dma_start3A_2780 : memref<1x26x128xi32, #tpu.memory_space<vmem>> -> memref<26x128xi32, #tpu.memory_space<vmem>>
        %dma_start3A_2782 = arith.constant 0 : i32
        %dma_start3A_2783 = arith.constant 0 : i32
        %dma_start3A_2784 = tpu.memref_slice %arg2[%add3A_1394, %dma_start3A_2782, %dma_start3A_2783] : memref<400x26x128xi32, #tpu.memory_space<hbm>> -> memref<1x26x128xi32, #tpu.memory_space<hbm>>
        %dma_start3A_2785 = tpu.memref_squeeze %dma_start3A_2784 : memref<1x26x128xi32, #tpu.memory_space<hbm>> -> memref<26x128xi32, #tpu.memory_space<hbm>>
        tpu.enqueue_dma source(%dma_start3A_2785 : memref<26x128xi32, #tpu.memory_space<hbm>>) target(%dma_start3A_2781 : memref<26x128xi32, #tpu.memory_space<vmem>>) target_semaphore(%run_scoped3A_2769 : memref<!tpu.dma_semaphore, #tpu.memory_space<semaphore_mem>>)
        %dma_wait3A_2786 = arith.constant 0 : i32
        %dma_wait3A_2787 = arith.constant 0 : i32
        %dma_wait3A_2788 = tpu.memref_slice %arg5[%run_scoped3A_1400, %dma_wait3A_2786, %dma_wait3A_2787] : memref<2x26x128xi32, #tpu.memory_space<vmem>> -> memref<1x26x128xi32, #tpu.memory_space<vmem>>
        %dma_wait3A_2789 = tpu.memref_squeeze %dma_wait3A_2788 : memref<1x26x128xi32, #tpu.memory_space<vmem>> -> memref<26x128xi32, #tpu.memory_space<vmem>>
        %dma_wait3A_2790 = arith.constant 0 : i32
        %dma_wait3A_2791 = arith.constant 0 : i32
        %dma_wait3A_2792 = tpu.memref_slice %arg2[%add3A_1394, %dma_wait3A_2790, %dma_wait3A_2791] : memref<400x26x128xi32, #tpu.memory_space<hbm>> -> memref<1x26x128xi32, #tpu.memory_space<hbm>>
        %dma_wait3A_2793 = tpu.memref_squeeze %dma_wait3A_2792 : memref<1x26x128xi32, #tpu.memory_space<hbm>> -> memref<26x128xi32, #tpu.memory_space<hbm>>
        %dma_wait3A_2794 = arith.constant 0 : i32
        %dma_wait3A_2795 = arith.constant 0 : i32
        %dma_wait3A_2796 = tpu.memref_slice %arg5[%run_scoped3A_1400, %dma_wait3A_2794, %dma_wait3A_2795] : memref<2x26x128xi32, #tpu.memory_space<vmem>> -> memref<1x26x128xi32, #tpu.memory_space<vmem>>
        %dma_wait3A_2797 = tpu.memref_squeeze %dma_wait3A_2796 : memref<1x26x128xi32, #tpu.memory_space<vmem>> -> memref<26x128xi32, #tpu.memory_space<vmem>>
        %dma_wait3A_2798 = arith.constant 0 : i32
        %dma_wait3A_2799 = arith.constant 0 : i32
        %dma_wait3A_2800 = tpu.memref_slice %arg2[%add3A_1394, %dma_wait3A_2798, %dma_wait3A_2799] : memref<400x26x128xi32, #tpu.memory_space<hbm>> -> memref<1x26x128xi32, #tpu.memory_space<hbm>>
        %dma_wait3A_2801 = tpu.memref_squeeze %dma_wait3A_2800 : memref<1x26x128xi32, #tpu.memory_space<hbm>> -> memref<26x128xi32, #tpu.memory_space<hbm>>
        tpu.wait_dma2 semaphore(%run_scoped3A_2769 : memref<!tpu.dma_semaphore, #tpu.memory_space<semaphore_mem>>) src(%dma_wait3A_2801 : memref<26x128xi32, #tpu.memory_space<hbm>>) dst(%dma_wait3A_2797 : memref<26x128xi32, #tpu.memory_space<vmem>>)
        tpu.yield
      }) : () -> ()
      %dma_start3A_1401 = arith.constant 1 : i32
      %dma_start3A_1402 = arith.constant 0 : i32
      %dma_start3A_1403 = arith.constant 1 : i32
      %dma_start3A_1404 = arith.constant 0 : i32
      %dma_start3A_1405 = arith.constant 0 : i32
      %dma_start3A_1406 = tpu.memref_slice %arg6[%dma_start3A_1403, %dma_start3A_1404, %dma_start3A_1405] : memref<2x128x64xf32, #tpu.memory_space<vmem>> -> memref<1x128x64xf32, #tpu.memory_space<vmem>>
      %dma_start3A_1407 = tpu.memref_squeeze %dma_start3A_1406 : memref<1x128x64xf32, #tpu.memory_space<vmem>> -> memref<128x64xf32, #tpu.memory_space<vmem>>
      %dma_start3A_1408 = arith.constant 0 : i32
      %dma_start3A_1409 = tpu.memref_slice %arg5[%dma_start3A_1401, %dma_start3A_1402, %dma_start3A_1408] : memref<2x26x128xi32, #tpu.memory_space<vmem>> -> memref<1x1x128xi32, #tpu.memory_space<vmem>>
      %dma_start3A_1410 = tpu.memref_squeeze %dma_start3A_1409 : memref<1x1x128xi32, #tpu.memory_space<vmem>> -> memref<128xi32, #tpu.memory_space<vmem>>
      %dma_start3A_1411 = arith.constant 0 : i32
      %dma_start3A_1412 = arith.constant 0 : i32
      %dma_start3A_1413 = tpu.memref_slice %arg3[%dma_start3A_1411, %dma_start3A_1412] : memref<1000000x64xf32, #tpu.memory_space<hbm>> -> memref<1000000x64xf32, #tpu.memory_space<hbm>>
      tpu.enqueue_indirect_dma source(%dma_start3A_1413 : memref<1000000x64xf32, #tpu.memory_space<hbm>>) target(%dma_start3A_1407 : memref<128x64xf32, #tpu.memory_space<vmem>>) offsets(%dma_start3A_1410 : memref<128xi32, #tpu.memory_space<vmem>>) semaphore(%arg8 : memref<!tpu.dma_semaphore, #tpu.memory_space<semaphore_mem>>) {add = true}
      %dma_start3A_1414 = arith.constant 1 : i32
      %dma_start3A_1415 = arith.constant 1 : i32
      %dma_start3A_1416 = arith.constant 1 : i32
      %dma_start3A_1417 = arith.constant 0 : i32
      %dma_start3A_1418 = arith.constant 0 : i32
      %dma_start3A_1419 = tpu.memref_slice %arg6[%dma_start3A_1416, %dma_start3A_1417, %dma_start3A_1418] : memref<2x128x64xf32, #tpu.memory_space<vmem>> -> memref<1x128x64xf32, #tpu.memory_space<vmem>>
      %dma_start3A_1420 = tpu.memref_squeeze %dma_start3A_1419 : memref<1x128x64xf32, #tpu.memory_space<vmem>> -> memref<128x64xf32, #tpu.memory_space<vmem>>
      %dma_start3A_1421 = arith.constant 0 : i32
      %dma_start3A_1422 = tpu.memref_slice %arg5[%dma_start3A_1414, %dma_start3A_1415, %dma_start3A_1421] : memref<2x26x128xi32, #tpu.memory_space<vmem>> -> memref<1x1x128xi32, #tpu.memory_space<vmem>>
      %dma_start3A_1423 = tpu.memref_squeeze %dma_start3A_1422 : memref<1x1x128xi32, #tpu.memory_space<vmem>> -> memref<128xi32, #tpu.memory_space<vmem>>
      %dma_start3A_1424 = arith.constant 0 : i32
      %dma_start3A_1425 = arith.constant 0 : i32
      %dma_start3A_1426 = tpu.memref_slice %arg3[%dma_start3A_1424, %dma_start3A_1425] : memref<1000000x64xf32, #tpu.memory_space<hbm>> -> memref<1000000x64xf32, #tpu.memory_space<hbm>>
      tpu.enqueue_indirect_dma source(%dma_start3A_1426 : memref<1000000x64xf32, #tpu.memory_space<hbm>>) target(%dma_start3A_1420 : memref<128x64xf32, #tpu.memory_space<vmem>>) offsets(%dma_start3A_1423 : memref<128xi32, #tpu.memory_space<vmem>>) semaphore(%arg8 : memref<!tpu.dma_semaphore, #tpu.memory_space<semaphore_mem>>) {add = true}
      %dma_start3A_1427 = arith.constant 1 : i32
      %dma_start3A_1428 = arith.constant 2 : i32
      %dma_start3A_1429 = arith.constant 1 : i32
      %dma_start3A_1430 = arith.constant 0 : i32
      %dma_start3A_1431 = arith.constant 0 : i32
      %dma_start3A_1432 = tpu.memref_slice %arg6[%dma_start3A_1429, %dma_start3A_1430, %dma_start3A_1431] : memref<2x128x64xf32, #tpu.memory_space<vmem>> -> memref<1x128x64xf32, #tpu.memory_space<vmem>>
      %dma_start3A_1433 = tpu.memref_squeeze %dma_start3A_1432 : memref<1x128x64xf32, #tpu.memory_space<vmem>> -> memref<128x64xf32, #tpu.memory_space<vmem>>
      %dma_start3A_1434 = arith.constant 0 : i32
      %dma_start3A_1435 = tpu.memref_slice %arg5[%dma_start3A_1427, %dma_start3A_1428, %dma_start3A_1434] : memref<2x26x128xi32, #tpu.memory_space<vmem>> -> memref<1x1x128xi32, #tpu.memory_space<vmem>>
      %dma_start3A_1436 = tpu.memref_squeeze %dma_start3A_1435 : memref<1x1x128xi32, #tpu.memory_space<vmem>> -> memref<128xi32, #tpu.memory_space<vmem>>
      %dma_start3A_1437 = arith.constant 0 : i32
      %dma_start3A_1438 = arith.constant 0 : i32
      %dma_start3A_1439 = tpu.memref_slice %arg3[%dma_start3A_1437, %dma_start3A_1438] : memref<1000000x64xf32, #tpu.memory_space<hbm>> -> memref<1000000x64xf32, #tpu.memory_space<hbm>>
      tpu.enqueue_indirect_dma source(%dma_start3A_1439 : memref<1000000x64xf32, #tpu.memory_space<hbm>>) target(%dma_start3A_1433 : memref<128x64xf32, #tpu.memory_space<vmem>>) offsets(%dma_start3A_1436 : memref<128xi32, #tpu.memory_space<vmem>>) semaphore(%arg8 : memref<!tpu.dma_semaphore, #tpu.memory_space<semaphore_mem>>) {add = true}
      %dma_start3A_1440 = arith.constant 1 : i32
      %dma_start3A_1441 = arith.constant 3 : i32
      %dma_start3A_1442 = arith.constant 1 : i32
      %dma_start3A_1443 = arith.constant 0 : i32
      %dma_start3A_1444 = arith.constant 0 : i32
      %dma_start3A_1445 = tpu.memref_slice %arg6[%dma_start3A_1442, %dma_start3A_1443, %dma_start3A_1444] : memref<2x128x64xf32, #tpu.memory_space<vmem>> -> memref<1x128x64xf32, #tpu.memory_space<vmem>>
      %dma_start3A_1446 = tpu.memref_squeeze %dma_start3A_1445 : memref<1x128x64xf32, #tpu.memory_space<vmem>> -> memref<128x64xf32, #tpu.memory_space<vmem>>
      %dma_start3A_1447 = arith.constant 0 : i32
      %dma_start3A_1448 = tpu.memref_slice %arg5[%dma_start3A_1440, %dma_start3A_1441, %dma_start3A_1447] : memref<2x26x128xi32, #tpu.memory_space<vmem>> -> memref<1x1x128xi32, #tpu.memory_space<vmem>>
      %dma_start3A_1449 = tpu.memref_squeeze %dma_start3A_1448 : memref<1x1x128xi32, #tpu.memory_space<vmem>> -> memref<128xi32, #tpu.memory_space<vmem>>
      %dma_start3A_1450 = arith.constant 0 : i32
      %dma_start3A_1451 = arith.constant 0 : i32
      %dma_start3A_1452 = tpu.memref_slice %arg3[%dma_start3A_1450, %dma_start3A_1451] : memref<1000000x64xf32, #tpu.memory_space<hbm>> -> memref<1000000x64xf32, #tpu.memory_space<hbm>>
      tpu.enqueue_indirect_dma source(%dma_start3A_1452 : memref<1000000x64xf32, #tpu.memory_space<hbm>>) target(%dma_start3A_1446 : memref<128x64xf32, #tpu.memory_space<vmem>>) offsets(%dma_start3A_1449 : memref<128xi32, #tpu.memory_space<vmem>>) semaphore(%arg8 : memref<!tpu.dma_semaphore, #tpu.memory_space<semaphore_mem>>) {add = true}
      %dma_start3A_1453 = arith.constant 1 : i32
      %dma_start3A_1454 = arith.constant 4 : i32
      %dma_start3A_1455 = arith.constant 1 : i32
      %dma_start3A_1456 = arith.constant 0 : i32
      %dma_start3A_1457 = arith.constant 0 : i32
      %dma_start3A_1458 = tpu.memref_slice %arg6[%dma_start3A_1455, %dma_start3A_1456, %dma_start3A_1457] : memref<2x128x64xf32, #tpu.memory_space<vmem>> -> memref<1x128x64xf32, #tpu.memory_space<vmem>>
      %dma_start3A_1459 = tpu.memref_squeeze %dma_start3A_1458 : memref<1x128x64xf32, #tpu.memory_space<vmem>> -> memref<128x64xf32, #tpu.memory_space<vmem>>
      %dma_start3A_1460 = arith.constant 0 : i32
      %dma_start3A_1461 = tpu.memref_slice %arg5[%dma_start3A_1453, %dma_start3A_1454, %dma_start3A_1460] : memref<2x26x128xi32, #tpu.memory_space<vmem>> -> memref<1x1x128xi32, #tpu.memory_space<vmem>>
      %dma_start3A_1462 = tpu.memref_squeeze %dma_start3A_1461 : memref<1x1x128xi32, #tpu.memory_space<vmem>> -> memref<128xi32, #tpu.memory_space<vmem>>
      %dma_start3A_1463 = arith.constant 0 : i32
      %dma_start3A_1464 = arith.constant 0 : i32
      %dma_start3A_1465 = tpu.memref_slice %arg3[%dma_start3A_1463, %dma_start3A_1464] : memref<1000000x64xf32, #tpu.memory_space<hbm>> -> memref<1000000x64xf32, #tpu.memory_space<hbm>>
      tpu.enqueue_indirect_dma source(%dma_start3A_1465 : memref<1000000x64xf32, #tpu.memory_space<hbm>>) target(%dma_start3A_1459 : memref<128x64xf32, #tpu.memory_space<vmem>>) offsets(%dma_start3A_1462 : memref<128xi32, #tpu.memory_space<vmem>>) semaphore(%arg8 : memref<!tpu.dma_semaphore, #tpu.memory_space<semaphore_mem>>) {add = true}
      %dma_start3A_1466 = arith.constant 1 : i32
      %dma_start3A_1467 = arith.constant 5 : i32
      %dma_start3A_1468 = arith.constant 1 : i32
      %dma_start3A_1469 = arith.constant 0 : i32
      %dma_start3A_1470 = arith.constant 0 : i32
      %dma_start3A_1471 = tpu.memref_slice %arg6[%dma_start3A_1468, %dma_start3A_1469, %dma_start3A_1470] : memref<2x128x64xf32, #tpu.memory_space<vmem>> -> memref<1x128x64xf32, #tpu.memory_space<vmem>>
      %dma_start3A_1472 = tpu.memref_squeeze %dma_start3A_1471 : memref<1x128x64xf32, #tpu.memory_space<vmem>> -> memref<128x64xf32, #tpu.memory_space<vmem>>
      %dma_start3A_1473 = arith.constant 0 : i32
      %dma_start3A_1474 = tpu.memref_slice %arg5[%dma_start3A_1466, %dma_start3A_1467, %dma_start3A_1473] : memref<2x26x128xi32, #tpu.memory_space<vmem>> -> memref<1x1x128xi32, #tpu.memory_space<vmem>>
      %dma_start3A_1475 = tpu.memref_squeeze %dma_start3A_1474 : memref<1x1x128xi32, #tpu.memory_space<vmem>> -> memref<128xi32, #tpu.memory_space<vmem>>
      %dma_start3A_1476 = arith.constant 0 : i32
      %dma_start3A_1477 = arith.constant 0 : i32
      %dma_start3A_1478 = tpu.memref_slice %arg3[%dma_start3A_1476, %dma_start3A_1477] : memref<1000000x64xf32, #tpu.memory_space<hbm>> -> memref<1000000x64xf32, #tpu.memory_space<hbm>>
      tpu.enqueue_indirect_dma source(%dma_start3A_1478 : memref<1000000x64xf32, #tpu.memory_space<hbm>>) target(%dma_start3A_1472 : memref<128x64xf32, #tpu.memory_space<vmem>>) offsets(%dma_start3A_1475 : memref<128xi32, #tpu.memory_space<vmem>>) semaphore(%arg8 : memref<!tpu.dma_semaphore, #tpu.memory_space<semaphore_mem>>) {add = true}
      %dma_start3A_1479 = arith.constant 1 : i32
      %dma_start3A_1480 = arith.constant 6 : i32
      %dma_start3A_1481 = arith.constant 1 : i32
      %dma_start3A_1482 = arith.constant 0 : i32
      %dma_start3A_1483 = arith.constant 0 : i32
      %dma_start3A_1484 = tpu.memref_slice %arg6[%dma_start3A_1481, %dma_start3A_1482, %dma_start3A_1483] : memref<2x128x64xf32, #tpu.memory_space<vmem>> -> memref<1x128x64xf32, #tpu.memory_space<vmem>>
      %dma_start3A_1485 = tpu.memref_squeeze %dma_start3A_1484 : memref<1x128x64xf32, #tpu.memory_space<vmem>> -> memref<128x64xf32, #tpu.memory_space<vmem>>
      %dma_start3A_1486 = arith.constant 0 : i32
      %dma_start3A_1487 = tpu.memref_slice %arg5[%dma_start3A_1479, %dma_start3A_1480, %dma_start3A_1486] : memref<2x26x128xi32, #tpu.memory_space<vmem>> -> memref<1x1x128xi32, #tpu.memory_space<vmem>>
      %dma_start3A_1488 = tpu.memref_squeeze %dma_start3A_1487 : memref<1x1x128xi32, #tpu.memory_space<vmem>> -> memref<128xi32, #tpu.memory_space<vmem>>
      %dma_start3A_1489 = arith.constant 0 : i32
      %dma_start3A_1490 = arith.constant 0 : i32
      %dma_start3A_1491 = tpu.memref_slice %arg3[%dma_start3A_1489, %dma_start3A_1490] : memref<1000000x64xf32, #tpu.memory_space<hbm>> -> memref<1000000x64xf32, #tpu.memory_space<hbm>>
      tpu.enqueue_indirect_dma source(%dma_start3A_1491 : memref<1000000x64xf32, #tpu.memory_space<hbm>>) target(%dma_start3A_1485 : memref<128x64xf32, #tpu.memory_space<vmem>>) offsets(%dma_start3A_1488 : memref<128xi32, #tpu.memory_space<vmem>>) semaphore(%arg8 : memref<!tpu.dma_semaphore, #tpu.memory_space<semaphore_mem>>) {add = true}
      %dma_start3A_1492 = arith.constant 1 : i32
      %dma_start3A_1493 = arith.constant 7 : i32
      %dma_start3A_1494 = arith.constant 1 : i32
      %dma_start3A_1495 = arith.constant 0 : i32
      %dma_start3A_1496 = arith.constant 0 : i32
      %dma_start3A_1497 = tpu.memref_slice %arg6[%dma_start3A_1494, %dma_start3A_1495, %dma_start3A_1496] : memref<2x128x64xf32, #tpu.memory_space<vmem>> -> memref<1x128x64xf32, #tpu.memory_space<vmem>>
      %dma_start3A_1498 = tpu.memref_squeeze %dma_start3A_1497 : memref<1x128x64xf32, #tpu.memory_space<vmem>> -> memref<128x64xf32, #tpu.memory_space<vmem>>
      %dma_start3A_1499 = arith.constant 0 : i32
      %dma_start3A_1500 = tpu.memref_slice %arg5[%dma_start3A_1492, %dma_start3A_1493, %dma_start3A_1499] : memref<2x26x128xi32, #tpu.memory_space<vmem>> -> memref<1x1x128xi32, #tpu.memory_space<vmem>>
      %dma_start3A_1501 = tpu.memref_squeeze %dma_start3A_1500 : memref<1x1x128xi32, #tpu.memory_space<vmem>> -> memref<128xi32, #tpu.memory_space<vmem>>
      %dma_start3A_1502 = arith.constant 0 : i32
      %dma_start3A_1503 = arith.constant 0 : i32
      %dma_start3A_1504 = tpu.memref_slice %arg3[%dma_start3A_1502, %dma_start3A_1503] : memref<1000000x64xf32, #tpu.memory_space<hbm>> -> memref<1000000x64xf32, #tpu.memory_space<hbm>>
      tpu.enqueue_indirect_dma source(%dma_start3A_1504 : memref<1000000x64xf32, #tpu.memory_space<hbm>>) target(%dma_start3A_1498 : memref<128x64xf32, #tpu.memory_space<vmem>>) offsets(%dma_start3A_1501 : memref<128xi32, #tpu.memory_space<vmem>>) semaphore(%arg8 : memref<!tpu.dma_semaphore, #tpu.memory_space<semaphore_mem>>) {add = true}
      %dma_start3A_1505 = arith.constant 1 : i32
      %dma_start3A_1506 = arith.constant 8 : i32
      %dma_start3A_1507 = arith.constant 1 : i32
      %dma_start3A_1508 = arith.constant 0 : i32
      %dma_start3A_1509 = arith.constant 0 : i32
      %dma_start3A_1510 = tpu.memref_slice %arg6[%dma_start3A_1507, %dma_start3A_1508, %dma_start3A_1509] : memref<2x128x64xf32, #tpu.memory_space<vmem>> -> memref<1x128x64xf32, #tpu.memory_space<vmem>>
      %dma_start3A_1511 = tpu.memref_squeeze %dma_start3A_1510 : memref<1x128x64xf32, #tpu.memory_space<vmem>> -> memref<128x64xf32, #tpu.memory_space<vmem>>
      %dma_start3A_1512 = arith.constant 0 : i32
      %dma_start3A_1513 = tpu.memref_slice %arg5[%dma_start3A_1505, %dma_start3A_1506, %dma_start3A_1512] : memref<2x26x128xi32, #tpu.memory_space<vmem>> -> memref<1x1x128xi32, #tpu.memory_space<vmem>>
      %dma_start3A_1514 = tpu.memref_squeeze %dma_start3A_1513 : memref<1x1x128xi32, #tpu.memory_space<vmem>> -> memref<128xi32, #tpu.memory_space<vmem>>
      %dma_start3A_1515 = arith.constant 0 : i32
      %dma_start3A_1516 = arith.constant 0 : i32
      %dma_start3A_1517 = tpu.memref_slice %arg3[%dma_start3A_1515, %dma_start3A_1516] : memref<1000000x64xf32, #tpu.memory_space<hbm>> -> memref<1000000x64xf32, #tpu.memory_space<hbm>>
      tpu.enqueue_indirect_dma source(%dma_start3A_1517 : memref<1000000x64xf32, #tpu.memory_space<hbm>>) target(%dma_start3A_1511 : memref<128x64xf32, #tpu.memory_space<vmem>>) offsets(%dma_start3A_1514 : memref<128xi32, #tpu.memory_space<vmem>>) semaphore(%arg8 : memref<!tpu.dma_semaphore, #tpu.memory_space<semaphore_mem>>) {add = true}
      %dma_start3A_1518 = arith.constant 1 : i32
      %dma_start3A_1519 = arith.constant 9 : i32
      %dma_start3A_1520 = arith.constant 1 : i32
      %dma_start3A_1521 = arith.constant 0 : i32
      %dma_start3A_1522 = arith.constant 0 : i32
      %dma_start3A_1523 = tpu.memref_slice %arg6[%dma_start3A_1520, %dma_start3A_1521, %dma_start3A_1522] : memref<2x128x64xf32, #tpu.memory_space<vmem>> -> memref<1x128x64xf32, #tpu.memory_space<vmem>>
      %dma_start3A_1524 = tpu.memref_squeeze %dma_start3A_1523 : memref<1x128x64xf32, #tpu.memory_space<vmem>> -> memref<128x64xf32, #tpu.memory_space<vmem>>
      %dma_start3A_1525 = arith.constant 0 : i32
      %dma_start3A_1526 = tpu.memref_slice %arg5[%dma_start3A_1518, %dma_start3A_1519, %dma_start3A_1525] : memref<2x26x128xi32, #tpu.memory_space<vmem>> -> memref<1x1x128xi32, #tpu.memory_space<vmem>>
      %dma_start3A_1527 = tpu.memref_squeeze %dma_start3A_1526 : memref<1x1x128xi32, #tpu.memory_space<vmem>> -> memref<128xi32, #tpu.memory_space<vmem>>
      %dma_start3A_1528 = arith.constant 0 : i32
      %dma_start3A_1529 = arith.constant 0 : i32
      %dma_start3A_1530 = tpu.memref_slice %arg3[%dma_start3A_1528, %dma_start3A_1529] : memref<1000000x64xf32, #tpu.memory_space<hbm>> -> memref<1000000x64xf32, #tpu.memory_space<hbm>>
      tpu.enqueue_indirect_dma source(%dma_start3A_1530 : memref<1000000x64xf32, #tpu.memory_space<hbm>>) target(%dma_start3A_1524 : memref<128x64xf32, #tpu.memory_space<vmem>>) offsets(%dma_start3A_1527 : memref<128xi32, #tpu.memory_space<vmem>>) semaphore(%arg8 : memref<!tpu.dma_semaphore, #tpu.memory_space<semaphore_mem>>) {add = true}
      %dma_start3A_1531 = arith.constant 1 : i32
      %dma_start3A_1532 = arith.constant 10 : i32
      %dma_start3A_1533 = arith.constant 1 : i32
      %dma_start3A_1534 = arith.constant 0 : i32
      %dma_start3A_1535 = arith.constant 0 : i32
      %dma_start3A_1536 = tpu.memref_slice %arg6[%dma_start3A_1533, %dma_start3A_1534, %dma_start3A_1535] : memref<2x128x64xf32, #tpu.memory_space<vmem>> -> memref<1x128x64xf32, #tpu.memory_space<vmem>>
      %dma_start3A_1537 = tpu.memref_squeeze %dma_start3A_1536 : memref<1x128x64xf32, #tpu.memory_space<vmem>> -> memref<128x64xf32, #tpu.memory_space<vmem>>
      %dma_start3A_1538 = arith.constant 0 : i32
      %dma_start3A_1539 = tpu.memref_slice %arg5[%dma_start3A_1531, %dma_start3A_1532, %dma_start3A_1538] : memref<2x26x128xi32, #tpu.memory_space<vmem>> -> memref<1x1x128xi32, #tpu.memory_space<vmem>>
      %dma_start3A_1540 = tpu.memref_squeeze %dma_start3A_1539 : memref<1x1x128xi32, #tpu.memory_space<vmem>> -> memref<128xi32, #tpu.memory_space<vmem>>
      %dma_start3A_1541 = arith.constant 0 : i32
      %dma_start3A_1542 = arith.constant 0 : i32
      %dma_start3A_1543 = tpu.memref_slice %arg3[%dma_start3A_1541, %dma_start3A_1542] : memref<1000000x64xf32, #tpu.memory_space<hbm>> -> memref<1000000x64xf32, #tpu.memory_space<hbm>>
      tpu.enqueue_indirect_dma source(%dma_start3A_1543 : memref<1000000x64xf32, #tpu.memory_space<hbm>>) target(%dma_start3A_1537 : memref<128x64xf32, #tpu.memory_space<vmem>>) offsets(%dma_start3A_1540 : memref<128xi32, #tpu.memory_space<vmem>>) semaphore(%arg8 : memref<!tpu.dma_semaphore, #tpu.memory_space<semaphore_mem>>) {add = true}
      %dma_start3A_1544 = arith.constant 1 : i32
      %dma_start3A_1545 = arith.constant 11 : i32
      %dma_start3A_1546 = arith.constant 1 : i32
      %dma_start3A_1547 = arith.constant 0 : i32
      %dma_start3A_1548 = arith.constant 0 : i32
      %dma_start3A_1549 = tpu.memref_slice %arg6[%dma_start3A_1546, %dma_start3A_1547, %dma_start3A_1548] : memref<2x128x64xf32, #tpu.memory_space<vmem>> -> memref<1x128x64xf32, #tpu.memory_space<vmem>>
      %dma_start3A_1550 = tpu.memref_squeeze %dma_start3A_1549 : memref<1x128x64xf32, #tpu.memory_space<vmem>> -> memref<128x64xf32, #tpu.memory_space<vmem>>
      %dma_start3A_1551 = arith.constant 0 : i32
      %dma_start3A_1552 = tpu.memref_slice %arg5[%dma_start3A_1544, %dma_start3A_1545, %dma_start3A_1551] : memref<2x26x128xi32, #tpu.memory_space<vmem>> -> memref<1x1x128xi32, #tpu.memory_space<vmem>>
      %dma_start3A_1553 = tpu.memref_squeeze %dma_start3A_1552 : memref<1x1x128xi32, #tpu.memory_space<vmem>> -> memref<128xi32, #tpu.memory_space<vmem>>
      %dma_start3A_1554 = arith.constant 0 : i32
      %dma_start3A_1555 = arith.constant 0 : i32
      %dma_start3A_1556 = tpu.memref_slice %arg3[%dma_start3A_1554, %dma_start3A_1555] : memref<1000000x64xf32, #tpu.memory_space<hbm>> -> memref<1000000x64xf32, #tpu.memory_space<hbm>>
      tpu.enqueue_indirect_dma source(%dma_start3A_1556 : memref<1000000x64xf32, #tpu.memory_space<hbm>>) target(%dma_start3A_1550 : memref<128x64xf32, #tpu.memory_space<vmem>>) offsets(%dma_start3A_1553 : memref<128xi32, #tpu.memory_space<vmem>>) semaphore(%arg8 : memref<!tpu.dma_semaphore, #tpu.memory_space<semaphore_mem>>) {add = true}
      %dma_start3A_1557 = arith.constant 1 : i32
      %dma_start3A_1558 = arith.constant 12 : i32
      %dma_start3A_1559 = arith.constant 1 : i32
      %dma_start3A_1560 = arith.constant 0 : i32
      %dma_start3A_1561 = arith.constant 0 : i32
      %dma_start3A_1562 = tpu.memref_slice %arg6[%dma_start3A_1559, %dma_start3A_1560, %dma_start3A_1561] : memref<2x128x64xf32, #tpu.memory_space<vmem>> -> memref<1x128x64xf32, #tpu.memory_space<vmem>>
      %dma_start3A_1563 = tpu.memref_squeeze %dma_start3A_1562 : memref<1x128x64xf32, #tpu.memory_space<vmem>> -> memref<128x64xf32, #tpu.memory_space<vmem>>
      %dma_start3A_1564 = arith.constant 0 : i32
      %dma_start3A_1565 = tpu.memref_slice %arg5[%dma_start3A_1557, %dma_start3A_1558, %dma_start3A_1564] : memref<2x26x128xi32, #tpu.memory_space<vmem>> -> memref<1x1x128xi32, #tpu.memory_space<vmem>>
      %dma_start3A_1566 = tpu.memref_squeeze %dma_start3A_1565 : memref<1x1x128xi32, #tpu.memory_space<vmem>> -> memref<128xi32, #tpu.memory_space<vmem>>
      %dma_start3A_1567 = arith.constant 0 : i32
      %dma_start3A_1568 = arith.constant 0 : i32
      %dma_start3A_1569 = tpu.memref_slice %arg3[%dma_start3A_1567, %dma_start3A_1568] : memref<1000000x64xf32, #tpu.memory_space<hbm>> -> memref<1000000x64xf32, #tpu.memory_space<hbm>>
      tpu.enqueue_indirect_dma source(%dma_start3A_1569 : memref<1000000x64xf32, #tpu.memory_space<hbm>>) target(%dma_start3A_1563 : memref<128x64xf32, #tpu.memory_space<vmem>>) offsets(%dma_start3A_1566 : memref<128xi32, #tpu.memory_space<vmem>>) semaphore(%arg8 : memref<!tpu.dma_semaphore, #tpu.memory_space<semaphore_mem>>) {add = true}
      %dma_start3A_1570 = arith.constant 1 : i32
      %dma_start3A_1571 = arith.constant 13 : i32
      %dma_start3A_1572 = arith.constant 1 : i32
      %dma_start3A_1573 = arith.constant 0 : i32
      %dma_start3A_1574 = arith.constant 0 : i32
      %dma_start3A_1575 = tpu.memref_slice %arg6[%dma_start3A_1572, %dma_start3A_1573, %dma_start3A_1574] : memref<2x128x64xf32, #tpu.memory_space<vmem>> -> memref<1x128x64xf32, #tpu.memory_space<vmem>>
      %dma_start3A_1576 = tpu.memref_squeeze %dma_start3A_1575 : memref<1x128x64xf32, #tpu.memory_space<vmem>> -> memref<128x64xf32, #tpu.memory_space<vmem>>
      %dma_start3A_1577 = arith.constant 0 : i32
      %dma_start3A_1578 = tpu.memref_slice %arg5[%dma_start3A_1570, %dma_start3A_1571, %dma_start3A_1577] : memref<2x26x128xi32, #tpu.memory_space<vmem>> -> memref<1x1x128xi32, #tpu.memory_space<vmem>>
      %dma_start3A_1579 = tpu.memref_squeeze %dma_start3A_1578 : memref<1x1x128xi32, #tpu.memory_space<vmem>> -> memref<128xi32, #tpu.memory_space<vmem>>
      %dma_start3A_1580 = arith.constant 0 : i32
      %dma_start3A_1581 = arith.constant 0 : i32
      %dma_start3A_1582 = tpu.memref_slice %arg3[%dma_start3A_1580, %dma_start3A_1581] : memref<1000000x64xf32, #tpu.memory_space<hbm>> -> memref<1000000x64xf32, #tpu.memory_space<hbm>>
      tpu.enqueue_indirect_dma source(%dma_start3A_1582 : memref<1000000x64xf32, #tpu.memory_space<hbm>>) target(%dma_start3A_1576 : memref<128x64xf32, #tpu.memory_space<vmem>>) offsets(%dma_start3A_1579 : memref<128xi32, #tpu.memory_space<vmem>>) semaphore(%arg8 : memref<!tpu.dma_semaphore, #tpu.memory_space<semaphore_mem>>) {add = true}
      %dma_start3A_1583 = arith.constant 1 : i32
      %dma_start3A_1584 = arith.constant 14 : i32
      %dma_start3A_1585 = arith.constant 1 : i32
      %dma_start3A_1586 = arith.constant 0 : i32
      %dma_start3A_1587 = arith.constant 0 : i32
      %dma_start3A_1588 = tpu.memref_slice %arg6[%dma_start3A_1585, %dma_start3A_1586, %dma_start3A_1587] : memref<2x128x64xf32, #tpu.memory_space<vmem>> -> memref<1x128x64xf32, #tpu.memory_space<vmem>>
      %dma_start3A_1589 = tpu.memref_squeeze %dma_start3A_1588 : memref<1x128x64xf32, #tpu.memory_space<vmem>> -> memref<128x64xf32, #tpu.memory_space<vmem>>
      %dma_start3A_1590 = arith.constant 0 : i32
      %dma_start3A_1591 = tpu.memref_slice %arg5[%dma_start3A_1583, %dma_start3A_1584, %dma_start3A_1590] : memref<2x26x128xi32, #tpu.memory_space<vmem>> -> memref<1x1x128xi32, #tpu.memory_space<vmem>>
      %dma_start3A_1592 = tpu.memref_squeeze %dma_start3A_1591 : memref<1x1x128xi32, #tpu.memory_space<vmem>> -> memref<128xi32, #tpu.memory_space<vmem>>
      %dma_start3A_1593 = arith.constant 0 : i32
      %dma_start3A_1594 = arith.constant 0 : i32
      %dma_start3A_1595 = tpu.memref_slice %arg3[%dma_start3A_1593, %dma_start3A_1594] : memref<1000000x64xf32, #tpu.memory_space<hbm>> -> memref<1000000x64xf32, #tpu.memory_space<hbm>>
      tpu.enqueue_indirect_dma source(%dma_start3A_1595 : memref<1000000x64xf32, #tpu.memory_space<hbm>>) target(%dma_start3A_1589 : memref<128x64xf32, #tpu.memory_space<vmem>>) offsets(%dma_start3A_1592 : memref<128xi32, #tpu.memory_space<vmem>>) semaphore(%arg8 : memref<!tpu.dma_semaphore, #tpu.memory_space<semaphore_mem>>) {add = true}
      %dma_start3A_1596 = arith.constant 1 : i32
      %dma_start3A_1597 = arith.constant 15 : i32
      %dma_start3A_1598 = arith.constant 1 : i32
      %dma_start3A_1599 = arith.constant 0 : i32
      %dma_start3A_1600 = arith.constant 0 : i32
      %dma_start3A_1601 = tpu.memref_slice %arg6[%dma_start3A_1598, %dma_start3A_1599, %dma_start3A_1600] : memref<2x128x64xf32, #tpu.memory_space<vmem>> -> memref<1x128x64xf32, #tpu.memory_space<vmem>>
      %dma_start3A_1602 = tpu.memref_squeeze %dma_start3A_1601 : memref<1x128x64xf32, #tpu.memory_space<vmem>> -> memref<128x64xf32, #tpu.memory_space<vmem>>
      %dma_start3A_1603 = arith.constant 0 : i32
      %dma_start3A_1604 = tpu.memref_slice %arg5[%dma_start3A_1596, %dma_start3A_1597, %dma_start3A_1603] : memref<2x26x128xi32, #tpu.memory_space<vmem>> -> memref<1x1x128xi32, #tpu.memory_space<vmem>>
      %dma_start3A_1605 = tpu.memref_squeeze %dma_start3A_1604 : memref<1x1x128xi32, #tpu.memory_space<vmem>> -> memref<128xi32, #tpu.memory_space<vmem>>
      %dma_start3A_1606 = arith.constant 0 : i32
      %dma_start3A_1607 = arith.constant 0 : i32
      %dma_start3A_1608 = tpu.memref_slice %arg3[%dma_start3A_1606, %dma_start3A_1607] : memref<1000000x64xf32, #tpu.memory_space<hbm>> -> memref<1000000x64xf32, #tpu.memory_space<hbm>>
      tpu.enqueue_indirect_dma source(%dma_start3A_1608 : memref<1000000x64xf32, #tpu.memory_space<hbm>>) target(%dma_start3A_1602 : memref<128x64xf32, #tpu.memory_space<vmem>>) offsets(%dma_start3A_1605 : memref<128xi32, #tpu.memory_space<vmem>>) semaphore(%arg8 : memref<!tpu.dma_semaphore, #tpu.memory_space<semaphore_mem>>) {add = true}
      %dma_start3A_1609 = arith.constant 1 : i32
      %dma_start3A_1610 = arith.constant 16 : i32
      %dma_start3A_1611 = arith.constant 1 : i32
      %dma_start3A_1612 = arith.constant 0 : i32
      %dma_start3A_1613 = arith.constant 0 : i32
      %dma_start3A_1614 = tpu.memref_slice %arg6[%dma_start3A_1611, %dma_start3A_1612, %dma_start3A_1613] : memref<2x128x64xf32, #tpu.memory_space<vmem>> -> memref<1x128x64xf32, #tpu.memory_space<vmem>>
      %dma_start3A_1615 = tpu.memref_squeeze %dma_start3A_1614 : memref<1x128x64xf32, #tpu.memory_space<vmem>> -> memref<128x64xf32, #tpu.memory_space<vmem>>
      %dma_start3A_1616 = arith.constant 0 : i32
      %dma_start3A_1617 = tpu.memref_slice %arg5[%dma_start3A_1609, %dma_start3A_1610, %dma_start3A_1616] : memref<2x26x128xi32, #tpu.memory_space<vmem>> -> memref<1x1x128xi32, #tpu.memory_space<vmem>>
      %dma_start3A_1618 = tpu.memref_squeeze %dma_start3A_1617 : memref<1x1x128xi32, #tpu.memory_space<vmem>> -> memref<128xi32, #tpu.memory_space<vmem>>
      %dma_start3A_1619 = arith.constant 0 : i32
      %dma_start3A_1620 = arith.constant 0 : i32
      %dma_start3A_1621 = tpu.memref_slice %arg3[%dma_start3A_1619, %dma_start3A_1620] : memref<1000000x64xf32, #tpu.memory_space<hbm>> -> memref<1000000x64xf32, #tpu.memory_space<hbm>>
      tpu.enqueue_indirect_dma source(%dma_start3A_1621 : memref<1000000x64xf32, #tpu.memory_space<hbm>>) target(%dma_start3A_1615 : memref<128x64xf32, #tpu.memory_space<vmem>>) offsets(%dma_start3A_1618 : memref<128xi32, #tpu.memory_space<vmem>>) semaphore(%arg8 : memref<!tpu.dma_semaphore, #tpu.memory_space<semaphore_mem>>) {add = true}
      %dma_start3A_1622 = arith.constant 1 : i32
      %dma_start3A_1623 = arith.constant 17 : i32
      %dma_start3A_1624 = arith.constant 1 : i32
      %dma_start3A_1625 = arith.constant 0 : i32
      %dma_start3A_1626 = arith.constant 0 : i32
      %dma_start3A_1627 = tpu.memref_slice %arg6[%dma_start3A_1624, %dma_start3A_1625, %dma_start3A_1626] : memref<2x128x64xf32, #tpu.memory_space<vmem>> -> memref<1x128x64xf32, #tpu.memory_space<vmem>>
      %dma_start3A_1628 = tpu.memref_squeeze %dma_start3A_1627 : memref<1x128x64xf32, #tpu.memory_space<vmem>> -> memref<128x64xf32, #tpu.memory_space<vmem>>
      %dma_start3A_1629 = arith.constant 0 : i32
      %dma_start3A_1630 = tpu.memref_slice %arg5[%dma_start3A_1622, %dma_start3A_1623, %dma_start3A_1629] : memref<2x26x128xi32, #tpu.memory_space<vmem>> -> memref<1x1x128xi32, #tpu.memory_space<vmem>>
      %dma_start3A_1631 = tpu.memref_squeeze %dma_start3A_1630 : memref<1x1x128xi32, #tpu.memory_space<vmem>> -> memref<128xi32, #tpu.memory_space<vmem>>
      %dma_start3A_1632 = arith.constant 0 : i32
      %dma_start3A_1633 = arith.constant 0 : i32
      %dma_start3A_1634 = tpu.memref_slice %arg3[%dma_start3A_1632, %dma_start3A_1633] : memref<1000000x64xf32, #tpu.memory_space<hbm>> -> memref<1000000x64xf32, #tpu.memory_space<hbm>>
      tpu.enqueue_indirect_dma source(%dma_start3A_1634 : memref<1000000x64xf32, #tpu.memory_space<hbm>>) target(%dma_start3A_1628 : memref<128x64xf32, #tpu.memory_space<vmem>>) offsets(%dma_start3A_1631 : memref<128xi32, #tpu.memory_space<vmem>>) semaphore(%arg8 : memref<!tpu.dma_semaphore, #tpu.memory_space<semaphore_mem>>) {add = true}
      %dma_start3A_1635 = arith.constant 1 : i32
      %dma_start3A_1636 = arith.constant 18 : i32
      %dma_start3A_1637 = arith.constant 1 : i32
      %dma_start3A_1638 = arith.constant 0 : i32
      %dma_start3A_1639 = arith.constant 0 : i32
      %dma_start3A_1640 = tpu.memref_slice %arg6[%dma_start3A_1637, %dma_start3A_1638, %dma_start3A_1639] : memref<2x128x64xf32, #tpu.memory_space<vmem>> -> memref<1x128x64xf32, #tpu.memory_space<vmem>>
      %dma_start3A_1641 = tpu.memref_squeeze %dma_start3A_1640 : memref<1x128x64xf32, #tpu.memory_space<vmem>> -> memref<128x64xf32, #tpu.memory_space<vmem>>
      %dma_start3A_1642 = arith.constant 0 : i32
      %dma_start3A_1643 = tpu.memref_slice %arg5[%dma_start3A_1635, %dma_start3A_1636, %dma_start3A_1642] : memref<2x26x128xi32, #tpu.memory_space<vmem>> -> memref<1x1x128xi32, #tpu.memory_space<vmem>>
      %dma_start3A_1644 = tpu.memref_squeeze %dma_start3A_1643 : memref<1x1x128xi32, #tpu.memory_space<vmem>> -> memref<128xi32, #tpu.memory_space<vmem>>
      %dma_start3A_1645 = arith.constant 0 : i32
      %dma_start3A_1646 = arith.constant 0 : i32
      %dma_start3A_1647 = tpu.memref_slice %arg3[%dma_start3A_1645, %dma_start3A_1646] : memref<1000000x64xf32, #tpu.memory_space<hbm>> -> memref<1000000x64xf32, #tpu.memory_space<hbm>>
      tpu.enqueue_indirect_dma source(%dma_start3A_1647 : memref<1000000x64xf32, #tpu.memory_space<hbm>>) target(%dma_start3A_1641 : memref<128x64xf32, #tpu.memory_space<vmem>>) offsets(%dma_start3A_1644 : memref<128xi32, #tpu.memory_space<vmem>>) semaphore(%arg8 : memref<!tpu.dma_semaphore, #tpu.memory_space<semaphore_mem>>) {add = true}
      %dma_start3A_1648 = arith.constant 1 : i32
      %dma_start3A_1649 = arith.constant 19 : i32
      %dma_start3A_1650 = arith.constant 1 : i32
      %dma_start3A_1651 = arith.constant 0 : i32
      %dma_start3A_1652 = arith.constant 0 : i32
      %dma_start3A_1653 = tpu.memref_slice %arg6[%dma_start3A_1650, %dma_start3A_1651, %dma_start3A_1652] : memref<2x128x64xf32, #tpu.memory_space<vmem>> -> memref<1x128x64xf32, #tpu.memory_space<vmem>>
      %dma_start3A_1654 = tpu.memref_squeeze %dma_start3A_1653 : memref<1x128x64xf32, #tpu.memory_space<vmem>> -> memref<128x64xf32, #tpu.memory_space<vmem>>
      %dma_start3A_1655 = arith.constant 0 : i32
      %dma_start3A_1656 = tpu.memref_slice %arg5[%dma_start3A_1648, %dma_start3A_1649, %dma_start3A_1655] : memref<2x26x128xi32, #tpu.memory_space<vmem>> -> memref<1x1x128xi32, #tpu.memory_space<vmem>>
      %dma_start3A_1657 = tpu.memref_squeeze %dma_start3A_1656 : memref<1x1x128xi32, #tpu.memory_space<vmem>> -> memref<128xi32, #tpu.memory_space<vmem>>
      %dma_start3A_1658 = arith.constant 0 : i32
      %dma_start3A_1659 = arith.constant 0 : i32
      %dma_start3A_1660 = tpu.memref_slice %arg3[%dma_start3A_1658, %dma_start3A_1659] : memref<1000000x64xf32, #tpu.memory_space<hbm>> -> memref<1000000x64xf32, #tpu.memory_space<hbm>>
      tpu.enqueue_indirect_dma source(%dma_start3A_1660 : memref<1000000x64xf32, #tpu.memory_space<hbm>>) target(%dma_start3A_1654 : memref<128x64xf32, #tpu.memory_space<vmem>>) offsets(%dma_start3A_1657 : memref<128xi32, #tpu.memory_space<vmem>>) semaphore(%arg8 : memref<!tpu.dma_semaphore, #tpu.memory_space<semaphore_mem>>) {add = true}
      %dma_start3A_1661 = arith.constant 1 : i32
      %dma_start3A_1662 = arith.constant 20 : i32
      %dma_start3A_1663 = arith.constant 1 : i32
      %dma_start3A_1664 = arith.constant 0 : i32
      %dma_start3A_1665 = arith.constant 0 : i32
      %dma_start3A_1666 = tpu.memref_slice %arg6[%dma_start3A_1663, %dma_start3A_1664, %dma_start3A_1665] : memref<2x128x64xf32, #tpu.memory_space<vmem>> -> memref<1x128x64xf32, #tpu.memory_space<vmem>>
      %dma_start3A_1667 = tpu.memref_squeeze %dma_start3A_1666 : memref<1x128x64xf32, #tpu.memory_space<vmem>> -> memref<128x64xf32, #tpu.memory_space<vmem>>
      %dma_start3A_1668 = arith.constant 0 : i32
      %dma_start3A_1669 = tpu.memref_slice %arg5[%dma_start3A_1661, %dma_start3A_1662, %dma_start3A_1668] : memref<2x26x128xi32, #tpu.memory_space<vmem>> -> memref<1x1x128xi32, #tpu.memory_space<vmem>>
      %dma_start3A_1670 = tpu.memref_squeeze %dma_start3A_1669 : memref<1x1x128xi32, #tpu.memory_space<vmem>> -> memref<128xi32, #tpu.memory_space<vmem>>
      %dma_start3A_1671 = arith.constant 0 : i32
      %dma_start3A_1672 = arith.constant 0 : i32
      %dma_start3A_1673 = tpu.memref_slice %arg3[%dma_start3A_1671, %dma_start3A_1672] : memref<1000000x64xf32, #tpu.memory_space<hbm>> -> memref<1000000x64xf32, #tpu.memory_space<hbm>>
      tpu.enqueue_indirect_dma source(%dma_start3A_1673 : memref<1000000x64xf32, #tpu.memory_space<hbm>>) target(%dma_start3A_1667 : memref<128x64xf32, #tpu.memory_space<vmem>>) offsets(%dma_start3A_1670 : memref<128xi32, #tpu.memory_space<vmem>>) semaphore(%arg8 : memref<!tpu.dma_semaphore, #tpu.memory_space<semaphore_mem>>) {add = true}
      %dma_start3A_1674 = arith.constant 1 : i32
      %dma_start3A_1675 = arith.constant 21 : i32
      %dma_start3A_1676 = arith.constant 1 : i32
      %dma_start3A_1677 = arith.constant 0 : i32
      %dma_start3A_1678 = arith.constant 0 : i32
      %dma_start3A_1679 = tpu.memref_slice %arg6[%dma_start3A_1676, %dma_start3A_1677, %dma_start3A_1678] : memref<2x128x64xf32, #tpu.memory_space<vmem>> -> memref<1x128x64xf32, #tpu.memory_space<vmem>>
      %dma_start3A_1680 = tpu.memref_squeeze %dma_start3A_1679 : memref<1x128x64xf32, #tpu.memory_space<vmem>> -> memref<128x64xf32, #tpu.memory_space<vmem>>
      %dma_start3A_1681 = arith.constant 0 : i32
      %dma_start3A_1682 = tpu.memref_slice %arg5[%dma_start3A_1674, %dma_start3A_1675, %dma_start3A_1681] : memref<2x26x128xi32, #tpu.memory_space<vmem>> -> memref<1x1x128xi32, #tpu.memory_space<vmem>>
      %dma_start3A_1683 = tpu.memref_squeeze %dma_start3A_1682 : memref<1x1x128xi32, #tpu.memory_space<vmem>> -> memref<128xi32, #tpu.memory_space<vmem>>
      %dma_start3A_1684 = arith.constant 0 : i32
      %dma_start3A_1685 = arith.constant 0 : i32
      %dma_start3A_1686 = tpu.memref_slice %arg3[%dma_start3A_1684, %dma_start3A_1685] : memref<1000000x64xf32, #tpu.memory_space<hbm>> -> memref<1000000x64xf32, #tpu.memory_space<hbm>>
      tpu.enqueue_indirect_dma source(%dma_start3A_1686 : memref<1000000x64xf32, #tpu.memory_space<hbm>>) target(%dma_start3A_1680 : memref<128x64xf32, #tpu.memory_space<vmem>>) offsets(%dma_start3A_1683 : memref<128xi32, #tpu.memory_space<vmem>>) semaphore(%arg8 : memref<!tpu.dma_semaphore, #tpu.memory_space<semaphore_mem>>) {add = true}
      %dma_start3A_1687 = arith.constant 1 : i32
      %dma_start3A_1688 = arith.constant 22 : i32
      %dma_start3A_1689 = arith.constant 1 : i32
      %dma_start3A_1690 = arith.constant 0 : i32
      %dma_start3A_1691 = arith.constant 0 : i32
      %dma_start3A_1692 = tpu.memref_slice %arg6[%dma_start3A_1689, %dma_start3A_1690, %dma_start3A_1691] : memref<2x128x64xf32, #tpu.memory_space<vmem>> -> memref<1x128x64xf32, #tpu.memory_space<vmem>>
      %dma_start3A_1693 = tpu.memref_squeeze %dma_start3A_1692 : memref<1x128x64xf32, #tpu.memory_space<vmem>> -> memref<128x64xf32, #tpu.memory_space<vmem>>
      %dma_start3A_1694 = arith.constant 0 : i32
      %dma_start3A_1695 = tpu.memref_slice %arg5[%dma_start3A_1687, %dma_start3A_1688, %dma_start3A_1694] : memref<2x26x128xi32, #tpu.memory_space<vmem>> -> memref<1x1x128xi32, #tpu.memory_space<vmem>>
      %dma_start3A_1696 = tpu.memref_squeeze %dma_start3A_1695 : memref<1x1x128xi32, #tpu.memory_space<vmem>> -> memref<128xi32, #tpu.memory_space<vmem>>
      %dma_start3A_1697 = arith.constant 0 : i32
      %dma_start3A_1698 = arith.constant 0 : i32
      %dma_start3A_1699 = tpu.memref_slice %arg3[%dma_start3A_1697, %dma_start3A_1698] : memref<1000000x64xf32, #tpu.memory_space<hbm>> -> memref<1000000x64xf32, #tpu.memory_space<hbm>>
      tpu.enqueue_indirect_dma source(%dma_start3A_1699 : memref<1000000x64xf32, #tpu.memory_space<hbm>>) target(%dma_start3A_1693 : memref<128x64xf32, #tpu.memory_space<vmem>>) offsets(%dma_start3A_1696 : memref<128xi32, #tpu.memory_space<vmem>>) semaphore(%arg8 : memref<!tpu.dma_semaphore, #tpu.memory_space<semaphore_mem>>) {add = true}
      %dma_start3A_1700 = arith.constant 1 : i32
      %dma_start3A_1701 = arith.constant 23 : i32
      %dma_start3A_1702 = arith.constant 1 : i32
      %dma_start3A_1703 = arith.constant 0 : i32
      %dma_start3A_1704 = arith.constant 0 : i32
      %dma_start3A_1705 = tpu.memref_slice %arg6[%dma_start3A_1702, %dma_start3A_1703, %dma_start3A_1704] : memref<2x128x64xf32, #tpu.memory_space<vmem>> -> memref<1x128x64xf32, #tpu.memory_space<vmem>>
      %dma_start3A_1706 = tpu.memref_squeeze %dma_start3A_1705 : memref<1x128x64xf32, #tpu.memory_space<vmem>> -> memref<128x64xf32, #tpu.memory_space<vmem>>
      %dma_start3A_1707 = arith.constant 0 : i32
      %dma_start3A_1708 = tpu.memref_slice %arg5[%dma_start3A_1700, %dma_start3A_1701, %dma_start3A_1707] : memref<2x26x128xi32, #tpu.memory_space<vmem>> -> memref<1x1x128xi32, #tpu.memory_space<vmem>>
      %dma_start3A_1709 = tpu.memref_squeeze %dma_start3A_1708 : memref<1x1x128xi32, #tpu.memory_space<vmem>> -> memref<128xi32, #tpu.memory_space<vmem>>
      %dma_start3A_1710 = arith.constant 0 : i32
      %dma_start3A_1711 = arith.constant 0 : i32
      %dma_start3A_1712 = tpu.memref_slice %arg3[%dma_start3A_1710, %dma_start3A_1711] : memref<1000000x64xf32, #tpu.memory_space<hbm>> -> memref<1000000x64xf32, #tpu.memory_space<hbm>>
      tpu.enqueue_indirect_dma source(%dma_start3A_1712 : memref<1000000x64xf32, #tpu.memory_space<hbm>>) target(%dma_start3A_1706 : memref<128x64xf32, #tpu.memory_space<vmem>>) offsets(%dma_start3A_1709 : memref<128xi32, #tpu.memory_space<vmem>>) semaphore(%arg8 : memref<!tpu.dma_semaphore, #tpu.memory_space<semaphore_mem>>) {add = true}
      %dma_start3A_1713 = arith.constant 1 : i32
      %dma_start3A_1714 = arith.constant 24 : i32
      %dma_start3A_1715 = arith.constant 1 : i32
      %dma_start3A_1716 = arith.constant 0 : i32
      %dma_start3A_1717 = arith.constant 0 : i32
      %dma_start3A_1718 = tpu.memref_slice %arg6[%dma_start3A_1715, %dma_start3A_1716, %dma_start3A_1717] : memref<2x128x64xf32, #tpu.memory_space<vmem>> -> memref<1x128x64xf32, #tpu.memory_space<vmem>>
      %dma_start3A_1719 = tpu.memref_squeeze %dma_start3A_1718 : memref<1x128x64xf32, #tpu.memory_space<vmem>> -> memref<128x64xf32, #tpu.memory_space<vmem>>
      %dma_start3A_1720 = arith.constant 0 : i32
      %dma_start3A_1721 = tpu.memref_slice %arg5[%dma_start3A_1713, %dma_start3A_1714, %dma_start3A_1720] : memref<2x26x128xi32, #tpu.memory_space<vmem>> -> memref<1x1x128xi32, #tpu.memory_space<vmem>>
      %dma_start3A_1722 = tpu.memref_squeeze %dma_start3A_1721 : memref<1x1x128xi32, #tpu.memory_space<vmem>> -> memref<128xi32, #tpu.memory_space<vmem>>
      %dma_start3A_1723 = arith.constant 0 : i32
      %dma_start3A_1724 = arith.constant 0 : i32
      %dma_start3A_1725 = tpu.memref_slice %arg3[%dma_start3A_1723, %dma_start3A_1724] : memref<1000000x64xf32, #tpu.memory_space<hbm>> -> memref<1000000x64xf32, #tpu.memory_space<hbm>>
      tpu.enqueue_indirect_dma source(%dma_start3A_1725 : memref<1000000x64xf32, #tpu.memory_space<hbm>>) target(%dma_start3A_1719 : memref<128x64xf32, #tpu.memory_space<vmem>>) offsets(%dma_start3A_1722 : memref<128xi32, #tpu.memory_space<vmem>>) semaphore(%arg8 : memref<!tpu.dma_semaphore, #tpu.memory_space<semaphore_mem>>) {add = true}
      %dma_start3A_1726 = arith.constant 1 : i32
      %dma_start3A_1727 = arith.constant 25 : i32
      %dma_start3A_1728 = arith.constant 1 : i32
      %dma_start3A_1729 = arith.constant 0 : i32
      %dma_start3A_1730 = arith.constant 0 : i32
      %dma_start3A_1731 = tpu.memref_slice %arg6[%dma_start3A_1728, %dma_start3A_1729, %dma_start3A_1730] : memref<2x128x64xf32, #tpu.memory_space<vmem>> -> memref<1x128x64xf32, #tpu.memory_space<vmem>>
      %dma_start3A_1732 = tpu.memref_squeeze %dma_start3A_1731 : memref<1x128x64xf32, #tpu.memory_space<vmem>> -> memref<128x64xf32, #tpu.memory_space<vmem>>
      %dma_start3A_1733 = arith.constant 0 : i32
      %dma_start3A_1734 = tpu.memref_slice %arg5[%dma_start3A_1726, %dma_start3A_1727, %dma_start3A_1733] : memref<2x26x128xi32, #tpu.memory_space<vmem>> -> memref<1x1x128xi32, #tpu.memory_space<vmem>>
      %dma_start3A_1735 = tpu.memref_squeeze %dma_start3A_1734 : memref<1x1x128xi32, #tpu.memory_space<vmem>> -> memref<128xi32, #tpu.memory_space<vmem>>
      %dma_start3A_1736 = arith.constant 0 : i32
      %dma_start3A_1737 = arith.constant 0 : i32
      %dma_start3A_1738 = tpu.memref_slice %arg3[%dma_start3A_1736, %dma_start3A_1737] : memref<1000000x64xf32, #tpu.memory_space<hbm>> -> memref<1000000x64xf32, #tpu.memory_space<hbm>>
      tpu.enqueue_indirect_dma source(%dma_start3A_1738 : memref<1000000x64xf32, #tpu.memory_space<hbm>>) target(%dma_start3A_1732 : memref<128x64xf32, #tpu.memory_space<vmem>>) offsets(%dma_start3A_1735 : memref<128xi32, #tpu.memory_space<vmem>>) semaphore(%arg8 : memref<!tpu.dma_semaphore, #tpu.memory_space<semaphore_mem>>) {add = true}
      %sub3A_1739 = arith.constant 32 : i32
      %sub3A_1740 = arith.subi %add3A_1394, %sub3A_1739 : i32
      %dma_wait3A_1741 = arith.constant 0 : i32
      %dma_wait3A_1742 = arith.constant 0 : i32
      %dma_wait3A_1743 = arith.constant 0 : i32
      %dma_wait3A_1744 = arith.constant 0 : i32
      %dma_wait3A_1745 = arith.constant 0 : i32
      %dma_wait3A_1746 = tpu.memref_slice %arg6[%dma_wait3A_1743, %dma_wait3A_1744, %dma_wait3A_1745] : memref<2x128x64xf32, #tpu.memory_space<vmem>> -> memref<1x128x64xf32, #tpu.memory_space<vmem>>
      %dma_wait3A_1747 = tpu.memref_squeeze %dma_wait3A_1746 : memref<1x128x64xf32, #tpu.memory_space<vmem>> -> memref<128x64xf32, #tpu.memory_space<vmem>>
      %dma_wait3A_1748 = arith.constant 0 : i32
      %dma_wait3A_1749 = tpu.memref_slice %arg5[%dma_wait3A_1741, %dma_wait3A_1742, %dma_wait3A_1748] : memref<2x26x128xi32, #tpu.memory_space<vmem>> -> memref<1x1x128xi32, #tpu.memory_space<vmem>>
      %dma_wait3A_1750 = tpu.memref_squeeze %dma_wait3A_1749 : memref<1x1x128xi32, #tpu.memory_space<vmem>> -> memref<128xi32, #tpu.memory_space<vmem>>
      %dma_wait3A_1751 = arith.constant 0 : i32
      %dma_wait3A_1752 = arith.constant 0 : i32
      %dma_wait3A_1753 = tpu.memref_slice %arg3[%dma_wait3A_1751, %dma_wait3A_1752] : memref<1000000x64xf32, #tpu.memory_space<hbm>> -> memref<1000000x64xf32, #tpu.memory_space<hbm>>
      tpu.wait_indirect_dma semaphore(%arg7 : memref<!tpu.dma_semaphore, #tpu.memory_space<semaphore_mem>>) src(%dma_wait3A_1753 : memref<1000000x64xf32, #tpu.memory_space<hbm>>) dst(%dma_wait3A_1747 : memref<128x64xf32, #tpu.memory_space<vmem>>)
      %dma_wait3A_1754 = arith.constant 0 : i32
      %dma_wait3A_1755 = arith.constant 0 : i32
      %dma_wait3A_1756 = arith.constant 0 : i32
      %dma_wait3A_1757 = arith.constant 0 : i32
      %dma_wait3A_1758 = arith.constant 0 : i32
      %dma_wait3A_1759 = tpu.memref_slice %arg6[%dma_wait3A_1756, %dma_wait3A_1757, %dma_wait3A_1758] : memref<2x128x64xf32, #tpu.memory_space<vmem>> -> memref<1x128x64xf32, #tpu.memory_space<vmem>>
      %dma_wait3A_1760 = tpu.memref_squeeze %dma_wait3A_1759 : memref<1x128x64xf32, #tpu.memory_space<vmem>> -> memref<128x64xf32, #tpu.memory_space<vmem>>
      %dma_wait3A_1761 = arith.constant 0 : i32
      %dma_wait3A_1762 = tpu.memref_slice %arg5[%dma_wait3A_1754, %dma_wait3A_1755, %dma_wait3A_1761] : memref<2x26x128xi32, #tpu.memory_space<vmem>> -> memref<1x1x128xi32, #tpu.memory_space<vmem>>
      %dma_wait3A_1763 = tpu.memref_squeeze %dma_wait3A_1762 : memref<1x1x128xi32, #tpu.memory_space<vmem>> -> memref<128xi32, #tpu.memory_space<vmem>>
      %dma_wait3A_1764 = arith.constant 0 : i32
      %dma_wait3A_1765 = arith.constant 0 : i32
      %dma_wait3A_1766 = tpu.memref_slice %arg3[%dma_wait3A_1764, %dma_wait3A_1765] : memref<1000000x64xf32, #tpu.memory_space<hbm>> -> memref<1000000x64xf32, #tpu.memory_space<hbm>>
      tpu.wait_indirect_dma semaphore(%arg7 : memref<!tpu.dma_semaphore, #tpu.memory_space<semaphore_mem>>) src(%dma_wait3A_1766 : memref<1000000x64xf32, #tpu.memory_space<hbm>>) dst(%dma_wait3A_1760 : memref<128x64xf32, #tpu.memory_space<vmem>>)
      %dma_wait3A_1767 = arith.constant 0 : i32
      %dma_wait3A_1768 = arith.constant 0 : i32
      %dma_wait3A_1769 = arith.constant 0 : i32
      %dma_wait3A_1770 = arith.constant 0 : i32
      %dma_wait3A_1771 = arith.constant 0 : i32
      %dma_wait3A_1772 = tpu.memref_slice %arg6[%dma_wait3A_1769, %dma_wait3A_1770, %dma_wait3A_1771] : memref<2x128x64xf32, #tpu.memory_space<vmem>> -> memref<1x128x64xf32, #tpu.memory_space<vmem>>
      %dma_wait3A_1773 = tpu.memref_squeeze %dma_wait3A_1772 : memref<1x128x64xf32, #tpu.memory_space<vmem>> -> memref<128x64xf32, #tpu.memory_space<vmem>>
      %dma_wait3A_1774 = arith.constant 0 : i32
      %dma_wait3A_1775 = tpu.memref_slice %arg5[%dma_wait3A_1767, %dma_wait3A_1768, %dma_wait3A_1774] : memref<2x26x128xi32, #tpu.memory_space<vmem>> -> memref<1x1x128xi32, #tpu.memory_space<vmem>>
      %dma_wait3A_1776 = tpu.memref_squeeze %dma_wait3A_1775 : memref<1x1x128xi32, #tpu.memory_space<vmem>> -> memref<128xi32, #tpu.memory_space<vmem>>
      %dma_wait3A_1777 = arith.constant 0 : i32
      %dma_wait3A_1778 = arith.constant 0 : i32
      %dma_wait3A_1779 = tpu.memref_slice %arg3[%dma_wait3A_1777, %dma_wait3A_1778] : memref<1000000x64xf32, #tpu.memory_space<hbm>> -> memref<1000000x64xf32, #tpu.memory_space<hbm>>
      tpu.wait_indirect_dma semaphore(%arg7 : memref<!tpu.dma_semaphore, #tpu.memory_space<semaphore_mem>>) src(%dma_wait3A_1779 : memref<1000000x64xf32, #tpu.memory_space<hbm>>) dst(%dma_wait3A_1773 : memref<128x64xf32, #tpu.memory_space<vmem>>)
      %dma_wait3A_1780 = arith.constant 0 : i32
      %dma_wait3A_1781 = arith.constant 0 : i32
      %dma_wait3A_1782 = arith.constant 0 : i32
      %dma_wait3A_1783 = arith.constant 0 : i32
      %dma_wait3A_1784 = arith.constant 0 : i32
      %dma_wait3A_1785 = tpu.memref_slice %arg6[%dma_wait3A_1782, %dma_wait3A_1783, %dma_wait3A_1784] : memref<2x128x64xf32, #tpu.memory_space<vmem>> -> memref<1x128x64xf32, #tpu.memory_space<vmem>>
      %dma_wait3A_1786 = tpu.memref_squeeze %dma_wait3A_1785 : memref<1x128x64xf32, #tpu.memory_space<vmem>> -> memref<128x64xf32, #tpu.memory_space<vmem>>
      %dma_wait3A_1787 = arith.constant 0 : i32
      %dma_wait3A_1788 = tpu.memref_slice %arg5[%dma_wait3A_1780, %dma_wait3A_1781, %dma_wait3A_1787] : memref<2x26x128xi32, #tpu.memory_space<vmem>> -> memref<1x1x128xi32, #tpu.memory_space<vmem>>
      %dma_wait3A_1789 = tpu.memref_squeeze %dma_wait3A_1788 : memref<1x1x128xi32, #tpu.memory_space<vmem>> -> memref<128xi32, #tpu.memory_space<vmem>>
      %dma_wait3A_1790 = arith.constant 0 : i32
      %dma_wait3A_1791 = arith.constant 0 : i32
      %dma_wait3A_1792 = tpu.memref_slice %arg3[%dma_wait3A_1790, %dma_wait3A_1791] : memref<1000000x64xf32, #tpu.memory_space<hbm>> -> memref<1000000x64xf32, #tpu.memory_space<hbm>>
      tpu.wait_indirect_dma semaphore(%arg7 : memref<!tpu.dma_semaphore, #tpu.memory_space<semaphore_mem>>) src(%dma_wait3A_1792 : memref<1000000x64xf32, #tpu.memory_space<hbm>>) dst(%dma_wait3A_1786 : memref<128x64xf32, #tpu.memory_space<vmem>>)
      %dma_wait3A_1793 = arith.constant 0 : i32
      %dma_wait3A_1794 = arith.constant 0 : i32
      %dma_wait3A_1795 = arith.constant 0 : i32
      %dma_wait3A_1796 = arith.constant 0 : i32
      %dma_wait3A_1797 = arith.constant 0 : i32
      %dma_wait3A_1798 = tpu.memref_slice %arg6[%dma_wait3A_1795, %dma_wait3A_1796, %dma_wait3A_1797] : memref<2x128x64xf32, #tpu.memory_space<vmem>> -> memref<1x128x64xf32, #tpu.memory_space<vmem>>
      %dma_wait3A_1799 = tpu.memref_squeeze %dma_wait3A_1798 : memref<1x128x64xf32, #tpu.memory_space<vmem>> -> memref<128x64xf32, #tpu.memory_space<vmem>>
      %dma_wait3A_1800 = arith.constant 0 : i32
      %dma_wait3A_1801 = tpu.memref_slice %arg5[%dma_wait3A_1793, %dma_wait3A_1794, %dma_wait3A_1800] : memref<2x26x128xi32, #tpu.memory_space<vmem>> -> memref<1x1x128xi32, #tpu.memory_space<vmem>>
      %dma_wait3A_1802 = tpu.memref_squeeze %dma_wait3A_1801 : memref<1x1x128xi32, #tpu.memory_space<vmem>> -> memref<128xi32, #tpu.memory_space<vmem>>
      %dma_wait3A_1803 = arith.constant 0 : i32
      %dma_wait3A_1804 = arith.constant 0 : i32
      %dma_wait3A_1805 = tpu.memref_slice %arg3[%dma_wait3A_1803, %dma_wait3A_1804] : memref<1000000x64xf32, #tpu.memory_space<hbm>> -> memref<1000000x64xf32, #tpu.memory_space<hbm>>
      tpu.wait_indirect_dma semaphore(%arg7 : memref<!tpu.dma_semaphore, #tpu.memory_space<semaphore_mem>>) src(%dma_wait3A_1805 : memref<1000000x64xf32, #tpu.memory_space<hbm>>) dst(%dma_wait3A_1799 : memref<128x64xf32, #tpu.memory_space<vmem>>)
      %dma_wait3A_1806 = arith.constant 0 : i32
      %dma_wait3A_1807 = arith.constant 0 : i32
      %dma_wait3A_1808 = arith.constant 0 : i32
      %dma_wait3A_1809 = arith.constant 0 : i32
      %dma_wait3A_1810 = arith.constant 0 : i32
      %dma_wait3A_1811 = tpu.memref_slice %arg6[%dma_wait3A_1808, %dma_wait3A_1809, %dma_wait3A_1810] : memref<2x128x64xf32, #tpu.memory_space<vmem>> -> memref<1x128x64xf32, #tpu.memory_space<vmem>>
      %dma_wait3A_1812 = tpu.memref_squeeze %dma_wait3A_1811 : memref<1x128x64xf32, #tpu.memory_space<vmem>> -> memref<128x64xf32, #tpu.memory_space<vmem>>
      %dma_wait3A_1813 = arith.constant 0 : i32
      %dma_wait3A_1814 = tpu.memref_slice %arg5[%dma_wait3A_1806, %dma_wait3A_1807, %dma_wait3A_1813] : memref<2x26x128xi32, #tpu.memory_space<vmem>> -> memref<1x1x128xi32, #tpu.memory_space<vmem>>
      %dma_wait3A_1815 = tpu.memref_squeeze %dma_wait3A_1814 : memref<1x1x128xi32, #tpu.memory_space<vmem>> -> memref<128xi32, #tpu.memory_space<vmem>>
      %dma_wait3A_1816 = arith.constant 0 : i32
      %dma_wait3A_1817 = arith.constant 0 : i32
      %dma_wait3A_1818 = tpu.memref_slice %arg3[%dma_wait3A_1816, %dma_wait3A_1817] : memref<1000000x64xf32, #tpu.memory_space<hbm>> -> memref<1000000x64xf32, #tpu.memory_space<hbm>>
      tpu.wait_indirect_dma semaphore(%arg7 : memref<!tpu.dma_semaphore, #tpu.memory_space<semaphore_mem>>) src(%dma_wait3A_1818 : memref<1000000x64xf32, #tpu.memory_space<hbm>>) dst(%dma_wait3A_1812 : memref<128x64xf32, #tpu.memory_space<vmem>>)
      %dma_wait3A_1819 = arith.constant 0 : i32
      %dma_wait3A_1820 = arith.constant 0 : i32
      %dma_wait3A_1821 = arith.constant 0 : i32
      %dma_wait3A_1822 = arith.constant 0 : i32
      %dma_wait3A_1823 = arith.constant 0 : i32
      %dma_wait3A_1824 = tpu.memref_slice %arg6[%dma_wait3A_1821, %dma_wait3A_1822, %dma_wait3A_1823] : memref<2x128x64xf32, #tpu.memory_space<vmem>> -> memref<1x128x64xf32, #tpu.memory_space<vmem>>
      %dma_wait3A_1825 = tpu.memref_squeeze %dma_wait3A_1824 : memref<1x128x64xf32, #tpu.memory_space<vmem>> -> memref<128x64xf32, #tpu.memory_space<vmem>>
      %dma_wait3A_1826 = arith.constant 0 : i32
      %dma_wait3A_1827 = tpu.memref_slice %arg5[%dma_wait3A_1819, %dma_wait3A_1820, %dma_wait3A_1826] : memref<2x26x128xi32, #tpu.memory_space<vmem>> -> memref<1x1x128xi32, #tpu.memory_space<vmem>>
      %dma_wait3A_1828 = tpu.memref_squeeze %dma_wait3A_1827 : memref<1x1x128xi32, #tpu.memory_space<vmem>> -> memref<128xi32, #tpu.memory_space<vmem>>
      %dma_wait3A_1829 = arith.constant 0 : i32
      %dma_wait3A_1830 = arith.constant 0 : i32
      %dma_wait3A_1831 = tpu.memref_slice %arg3[%dma_wait3A_1829, %dma_wait3A_1830] : memref<1000000x64xf32, #tpu.memory_space<hbm>> -> memref<1000000x64xf32, #tpu.memory_space<hbm>>
      tpu.wait_indirect_dma semaphore(%arg7 : memref<!tpu.dma_semaphore, #tpu.memory_space<semaphore_mem>>) src(%dma_wait3A_1831 : memref<1000000x64xf32, #tpu.memory_space<hbm>>) dst(%dma_wait3A_1825 : memref<128x64xf32, #tpu.memory_space<vmem>>)
      %dma_wait3A_1832 = arith.constant 0 : i32
      %dma_wait3A_1833 = arith.constant 0 : i32
      %dma_wait3A_1834 = arith.constant 0 : i32
      %dma_wait3A_1835 = arith.constant 0 : i32
      %dma_wait3A_1836 = arith.constant 0 : i32
      %dma_wait3A_1837 = tpu.memref_slice %arg6[%dma_wait3A_1834, %dma_wait3A_1835, %dma_wait3A_1836] : memref<2x128x64xf32, #tpu.memory_space<vmem>> -> memref<1x128x64xf32, #tpu.memory_space<vmem>>
      %dma_wait3A_1838 = tpu.memref_squeeze %dma_wait3A_1837 : memref<1x128x64xf32, #tpu.memory_space<vmem>> -> memref<128x64xf32, #tpu.memory_space<vmem>>
      %dma_wait3A_1839 = arith.constant 0 : i32
      %dma_wait3A_1840 = tpu.memref_slice %arg5[%dma_wait3A_1832, %dma_wait3A_1833, %dma_wait3A_1839] : memref<2x26x128xi32, #tpu.memory_space<vmem>> -> memref<1x1x128xi32, #tpu.memory_space<vmem>>
      %dma_wait3A_1841 = tpu.memref_squeeze %dma_wait3A_1840 : memref<1x1x128xi32, #tpu.memory_space<vmem>> -> memref<128xi32, #tpu.memory_space<vmem>>
      %dma_wait3A_1842 = arith.constant 0 : i32
      %dma_wait3A_1843 = arith.constant 0 : i32
      %dma_wait3A_1844 = tpu.memref_slice %arg3[%dma_wait3A_1842, %dma_wait3A_1843] : memref<1000000x64xf32, #tpu.memory_space<hbm>> -> memref<1000000x64xf32, #tpu.memory_space<hbm>>
      tpu.wait_indirect_dma semaphore(%arg7 : memref<!tpu.dma_semaphore, #tpu.memory_space<semaphore_mem>>) src(%dma_wait3A_1844 : memref<1000000x64xf32, #tpu.memory_space<hbm>>) dst(%dma_wait3A_1838 : memref<128x64xf32, #tpu.memory_space<vmem>>)
      %dma_wait3A_1845 = arith.constant 0 : i32
      %dma_wait3A_1846 = arith.constant 0 : i32
      %dma_wait3A_1847 = arith.constant 0 : i32
      %dma_wait3A_1848 = arith.constant 0 : i32
      %dma_wait3A_1849 = arith.constant 0 : i32
      %dma_wait3A_1850 = tpu.memref_slice %arg6[%dma_wait3A_1847, %dma_wait3A_1848, %dma_wait3A_1849] : memref<2x128x64xf32, #tpu.memory_space<vmem>> -> memref<1x128x64xf32, #tpu.memory_space<vmem>>
      %dma_wait3A_1851 = tpu.memref_squeeze %dma_wait3A_1850 : memref<1x128x64xf32, #tpu.memory_space<vmem>> -> memref<128x64xf32, #tpu.memory_space<vmem>>
      %dma_wait3A_1852 = arith.constant 0 : i32
      %dma_wait3A_1853 = tpu.memref_slice %arg5[%dma_wait3A_1845, %dma_wait3A_1846, %dma_wait3A_1852] : memref<2x26x128xi32, #tpu.memory_space<vmem>> -> memref<1x1x128xi32, #tpu.memory_space<vmem>>
      %dma_wait3A_1854 = tpu.memref_squeeze %dma_wait3A_1853 : memref<1x1x128xi32, #tpu.memory_space<vmem>> -> memref<128xi32, #tpu.memory_space<vmem>>
      %dma_wait3A_1855 = arith.constant 0 : i32
      %dma_wait3A_1856 = arith.constant 0 : i32
      %dma_wait3A_1857 = tpu.memref_slice %arg3[%dma_wait3A_1855, %dma_wait3A_1856] : memref<1000000x64xf32, #tpu.memory_space<hbm>> -> memref<1000000x64xf32, #tpu.memory_space<hbm>>
      tpu.wait_indirect_dma semaphore(%arg7 : memref<!tpu.dma_semaphore, #tpu.memory_space<semaphore_mem>>) src(%dma_wait3A_1857 : memref<1000000x64xf32, #tpu.memory_space<hbm>>) dst(%dma_wait3A_1851 : memref<128x64xf32, #tpu.memory_space<vmem>>)
      %dma_wait3A_1858 = arith.constant 0 : i32
      %dma_wait3A_1859 = arith.constant 0 : i32
      %dma_wait3A_1860 = arith.constant 0 : i32
      %dma_wait3A_1861 = arith.constant 0 : i32
      %dma_wait3A_1862 = arith.constant 0 : i32
      %dma_wait3A_1863 = tpu.memref_slice %arg6[%dma_wait3A_1860, %dma_wait3A_1861, %dma_wait3A_1862] : memref<2x128x64xf32, #tpu.memory_space<vmem>> -> memref<1x128x64xf32, #tpu.memory_space<vmem>>
      %dma_wait3A_1864 = tpu.memref_squeeze %dma_wait3A_1863 : memref<1x128x64xf32, #tpu.memory_space<vmem>> -> memref<128x64xf32, #tpu.memory_space<vmem>>
      %dma_wait3A_1865 = arith.constant 0 : i32
      %dma_wait3A_1866 = tpu.memref_slice %arg5[%dma_wait3A_1858, %dma_wait3A_1859, %dma_wait3A_1865] : memref<2x26x128xi32, #tpu.memory_space<vmem>> -> memref<1x1x128xi32, #tpu.memory_space<vmem>>
      %dma_wait3A_1867 = tpu.memref_squeeze %dma_wait3A_1866 : memref<1x1x128xi32, #tpu.memory_space<vmem>> -> memref<128xi32, #tpu.memory_space<vmem>>
      %dma_wait3A_1868 = arith.constant 0 : i32
      %dma_wait3A_1869 = arith.constant 0 : i32
      %dma_wait3A_1870 = tpu.memref_slice %arg3[%dma_wait3A_1868, %dma_wait3A_1869] : memref<1000000x64xf32, #tpu.memory_space<hbm>> -> memref<1000000x64xf32, #tpu.memory_space<hbm>>
      tpu.wait_indirect_dma semaphore(%arg7 : memref<!tpu.dma_semaphore, #tpu.memory_space<semaphore_mem>>) src(%dma_wait3A_1870 : memref<1000000x64xf32, #tpu.memory_space<hbm>>) dst(%dma_wait3A_1864 : memref<128x64xf32, #tpu.memory_space<vmem>>)
      %dma_wait3A_1871 = arith.constant 0 : i32
      %dma_wait3A_1872 = arith.constant 0 : i32
      %dma_wait3A_1873 = arith.constant 0 : i32
      %dma_wait3A_1874 = arith.constant 0 : i32
      %dma_wait3A_1875 = arith.constant 0 : i32
      %dma_wait3A_1876 = tpu.memref_slice %arg6[%dma_wait3A_1873, %dma_wait3A_1874, %dma_wait3A_1875] : memref<2x128x64xf32, #tpu.memory_space<vmem>> -> memref<1x128x64xf32, #tpu.memory_space<vmem>>
      %dma_wait3A_1877 = tpu.memref_squeeze %dma_wait3A_1876 : memref<1x128x64xf32, #tpu.memory_space<vmem>> -> memref<128x64xf32, #tpu.memory_space<vmem>>
      %dma_wait3A_1878 = arith.constant 0 : i32
      %dma_wait3A_1879 = tpu.memref_slice %arg5[%dma_wait3A_1871, %dma_wait3A_1872, %dma_wait3A_1878] : memref<2x26x128xi32, #tpu.memory_space<vmem>> -> memref<1x1x128xi32, #tpu.memory_space<vmem>>
      %dma_wait3A_1880 = tpu.memref_squeeze %dma_wait3A_1879 : memref<1x1x128xi32, #tpu.memory_space<vmem>> -> memref<128xi32, #tpu.memory_space<vmem>>
      %dma_wait3A_1881 = arith.constant 0 : i32
      %dma_wait3A_1882 = arith.constant 0 : i32
      %dma_wait3A_1883 = tpu.memref_slice %arg3[%dma_wait3A_1881, %dma_wait3A_1882] : memref<1000000x64xf32, #tpu.memory_space<hbm>> -> memref<1000000x64xf32, #tpu.memory_space<hbm>>
      tpu.wait_indirect_dma semaphore(%arg7 : memref<!tpu.dma_semaphore, #tpu.memory_space<semaphore_mem>>) src(%dma_wait3A_1883 : memref<1000000x64xf32, #tpu.memory_space<hbm>>) dst(%dma_wait3A_1877 : memref<128x64xf32, #tpu.memory_space<vmem>>)
      %dma_wait3A_1884 = arith.constant 0 : i32
      %dma_wait3A_1885 = arith.constant 0 : i32
      %dma_wait3A_1886 = arith.constant 0 : i32
      %dma_wait3A_1887 = arith.constant 0 : i32
      %dma_wait3A_1888 = arith.constant 0 : i32
      %dma_wait3A_1889 = tpu.memref_slice %arg6[%dma_wait3A_1886, %dma_wait3A_1887, %dma_wait3A_1888] : memref<2x128x64xf32, #tpu.memory_space<vmem>> -> memref<1x128x64xf32, #tpu.memory_space<vmem>>
      %dma_wait3A_1890 = tpu.memref_squeeze %dma_wait3A_1889 : memref<1x128x64xf32, #tpu.memory_space<vmem>> -> memref<128x64xf32, #tpu.memory_space<vmem>>
      %dma_wait3A_1891 = arith.constant 0 : i32
      %dma_wait3A_1892 = tpu.memref_slice %arg5[%dma_wait3A_1884, %dma_wait3A_1885, %dma_wait3A_1891] : memref<2x26x128xi32, #tpu.memory_space<vmem>> -> memref<1x1x128xi32, #tpu.memory_space<vmem>>
      %dma_wait3A_1893 = tpu.memref_squeeze %dma_wait3A_1892 : memref<1x1x128xi32, #tpu.memory_space<vmem>> -> memref<128xi32, #tpu.memory_space<vmem>>
      %dma_wait3A_1894 = arith.constant 0 : i32
      %dma_wait3A_1895 = arith.constant 0 : i32
      %dma_wait3A_1896 = tpu.memref_slice %arg3[%dma_wait3A_1894, %dma_wait3A_1895] : memref<1000000x64xf32, #tpu.memory_space<hbm>> -> memref<1000000x64xf32, #tpu.memory_space<hbm>>
      tpu.wait_indirect_dma semaphore(%arg7 : memref<!tpu.dma_semaphore, #tpu.memory_space<semaphore_mem>>) src(%dma_wait3A_1896 : memref<1000000x64xf32, #tpu.memory_space<hbm>>) dst(%dma_wait3A_1890 : memref<128x64xf32, #tpu.memory_space<vmem>>)
      %dma_wait3A_1897 = arith.constant 0 : i32
      %dma_wait3A_1898 = arith.constant 0 : i32
      %dma_wait3A_1899 = arith.constant 0 : i32
      %dma_wait3A_1900 = arith.constant 0 : i32
      %dma_wait3A_1901 = arith.constant 0 : i32
      %dma_wait3A_1902 = tpu.memref_slice %arg6[%dma_wait3A_1899, %dma_wait3A_1900, %dma_wait3A_1901] : memref<2x128x64xf32, #tpu.memory_space<vmem>> -> memref<1x128x64xf32, #tpu.memory_space<vmem>>
      %dma_wait3A_1903 = tpu.memref_squeeze %dma_wait3A_1902 : memref<1x128x64xf32, #tpu.memory_space<vmem>> -> memref<128x64xf32, #tpu.memory_space<vmem>>
      %dma_wait3A_1904 = arith.constant 0 : i32
      %dma_wait3A_1905 = tpu.memref_slice %arg5[%dma_wait3A_1897, %dma_wait3A_1898, %dma_wait3A_1904] : memref<2x26x128xi32, #tpu.memory_space<vmem>> -> memref<1x1x128xi32, #tpu.memory_space<vmem>>
      %dma_wait3A_1906 = tpu.memref_squeeze %dma_wait3A_1905 : memref<1x1x128xi32, #tpu.memory_space<vmem>> -> memref<128xi32, #tpu.memory_space<vmem>>
      %dma_wait3A_1907 = arith.constant 0 : i32
      %dma_wait3A_1908 = arith.constant 0 : i32
      %dma_wait3A_1909 = tpu.memref_slice %arg3[%dma_wait3A_1907, %dma_wait3A_1908] : memref<1000000x64xf32, #tpu.memory_space<hbm>> -> memref<1000000x64xf32, #tpu.memory_space<hbm>>
      tpu.wait_indirect_dma semaphore(%arg7 : memref<!tpu.dma_semaphore, #tpu.memory_space<semaphore_mem>>) src(%dma_wait3A_1909 : memref<1000000x64xf32, #tpu.memory_space<hbm>>) dst(%dma_wait3A_1903 : memref<128x64xf32, #tpu.memory_space<vmem>>)
      %dma_wait3A_1910 = arith.constant 0 : i32
      %dma_wait3A_1911 = arith.constant 0 : i32
      %dma_wait3A_1912 = arith.constant 0 : i32
      %dma_wait3A_1913 = arith.constant 0 : i32
      %dma_wait3A_1914 = arith.constant 0 : i32
      %dma_wait3A_1915 = tpu.memref_slice %arg6[%dma_wait3A_1912, %dma_wait3A_1913, %dma_wait3A_1914] : memref<2x128x64xf32, #tpu.memory_space<vmem>> -> memref<1x128x64xf32, #tpu.memory_space<vmem>>
      %dma_wait3A_1916 = tpu.memref_squeeze %dma_wait3A_1915 : memref<1x128x64xf32, #tpu.memory_space<vmem>> -> memref<128x64xf32, #tpu.memory_space<vmem>>
      %dma_wait3A_1917 = arith.constant 0 : i32
      %dma_wait3A_1918 = tpu.memref_slice %arg5[%dma_wait3A_1910, %dma_wait3A_1911, %dma_wait3A_1917] : memref<2x26x128xi32, #tpu.memory_space<vmem>> -> memref<1x1x128xi32, #tpu.memory_space<vmem>>
      %dma_wait3A_1919 = tpu.memref_squeeze %dma_wait3A_1918 : memref<1x1x128xi32, #tpu.memory_space<vmem>> -> memref<128xi32, #tpu.memory_space<vmem>>
      %dma_wait3A_1920 = arith.constant 0 : i32
      %dma_wait3A_1921 = arith.constant 0 : i32
      %dma_wait3A_1922 = tpu.memref_slice %arg3[%dma_wait3A_1920, %dma_wait3A_1921] : memref<1000000x64xf32, #tpu.memory_space<hbm>> -> memref<1000000x64xf32, #tpu.memory_space<hbm>>
      tpu.wait_indirect_dma semaphore(%arg7 : memref<!tpu.dma_semaphore, #tpu.memory_space<semaphore_mem>>) src(%dma_wait3A_1922 : memref<1000000x64xf32, #tpu.memory_space<hbm>>) dst(%dma_wait3A_1916 : memref<128x64xf32, #tpu.memory_space<vmem>>)
      %dma_wait3A_1923 = arith.constant 0 : i32
      %dma_wait3A_1924 = arith.constant 0 : i32
      %dma_wait3A_1925 = arith.constant 0 : i32
      %dma_wait3A_1926 = arith.constant 0 : i32
      %dma_wait3A_1927 = arith.constant 0 : i32
      %dma_wait3A_1928 = tpu.memref_slice %arg6[%dma_wait3A_1925, %dma_wait3A_1926, %dma_wait3A_1927] : memref<2x128x64xf32, #tpu.memory_space<vmem>> -> memref<1x128x64xf32, #tpu.memory_space<vmem>>
      %dma_wait3A_1929 = tpu.memref_squeeze %dma_wait3A_1928 : memref<1x128x64xf32, #tpu.memory_space<vmem>> -> memref<128x64xf32, #tpu.memory_space<vmem>>
      %dma_wait3A_1930 = arith.constant 0 : i32
      %dma_wait3A_1931 = tpu.memref_slice %arg5[%dma_wait3A_1923, %dma_wait3A_1924, %dma_wait3A_1930] : memref<2x26x128xi32, #tpu.memory_space<vmem>> -> memref<1x1x128xi32, #tpu.memory_space<vmem>>
      %dma_wait3A_1932 = tpu.memref_squeeze %dma_wait3A_1931 : memref<1x1x128xi32, #tpu.memory_space<vmem>> -> memref<128xi32, #tpu.memory_space<vmem>>
      %dma_wait3A_1933 = arith.constant 0 : i32
      %dma_wait3A_1934 = arith.constant 0 : i32
      %dma_wait3A_1935 = tpu.memref_slice %arg3[%dma_wait3A_1933, %dma_wait3A_1934] : memref<1000000x64xf32, #tpu.memory_space<hbm>> -> memref<1000000x64xf32, #tpu.memory_space<hbm>>
      tpu.wait_indirect_dma semaphore(%arg7 : memref<!tpu.dma_semaphore, #tpu.memory_space<semaphore_mem>>) src(%dma_wait3A_1935 : memref<1000000x64xf32, #tpu.memory_space<hbm>>) dst(%dma_wait3A_1929 : memref<128x64xf32, #tpu.memory_space<vmem>>)
      %dma_wait3A_1936 = arith.constant 0 : i32
      %dma_wait3A_1937 = arith.constant 0 : i32
      %dma_wait3A_1938 = arith.constant 0 : i32
      %dma_wait3A_1939 = arith.constant 0 : i32
      %dma_wait3A_1940 = arith.constant 0 : i32
      %dma_wait3A_1941 = tpu.memref_slice %arg6[%dma_wait3A_1938, %dma_wait3A_1939, %dma_wait3A_1940] : memref<2x128x64xf32, #tpu.memory_space<vmem>> -> memref<1x128x64xf32, #tpu.memory_space<vmem>>
      %dma_wait3A_1942 = tpu.memref_squeeze %dma_wait3A_1941 : memref<1x128x64xf32, #tpu.memory_space<vmem>> -> memref<128x64xf32, #tpu.memory_space<vmem>>
      %dma_wait3A_1943 = arith.constant 0 : i32
      %dma_wait3A_1944 = tpu.memref_slice %arg5[%dma_wait3A_1936, %dma_wait3A_1937, %dma_wait3A_1943] : memref<2x26x128xi32, #tpu.memory_space<vmem>> -> memref<1x1x128xi32, #tpu.memory_space<vmem>>
      %dma_wait3A_1945 = tpu.memref_squeeze %dma_wait3A_1944 : memref<1x1x128xi32, #tpu.memory_space<vmem>> -> memref<128xi32, #tpu.memory_space<vmem>>
      %dma_wait3A_1946 = arith.constant 0 : i32
      %dma_wait3A_1947 = arith.constant 0 : i32
      %dma_wait3A_1948 = tpu.memref_slice %arg3[%dma_wait3A_1946, %dma_wait3A_1947] : memref<1000000x64xf32, #tpu.memory_space<hbm>> -> memref<1000000x64xf32, #tpu.memory_space<hbm>>
      tpu.wait_indirect_dma semaphore(%arg7 : memref<!tpu.dma_semaphore, #tpu.memory_space<semaphore_mem>>) src(%dma_wait3A_1948 : memref<1000000x64xf32, #tpu.memory_space<hbm>>) dst(%dma_wait3A_1942 : memref<128x64xf32, #tpu.memory_space<vmem>>)
      %dma_wait3A_1949 = arith.constant 0 : i32
      %dma_wait3A_1950 = arith.constant 0 : i32
      %dma_wait3A_1951 = arith.constant 0 : i32
      %dma_wait3A_1952 = arith.constant 0 : i32
      %dma_wait3A_1953 = arith.constant 0 : i32
      %dma_wait3A_1954 = tpu.memref_slice %arg6[%dma_wait3A_1951, %dma_wait3A_1952, %dma_wait3A_1953] : memref<2x128x64xf32, #tpu.memory_space<vmem>> -> memref<1x128x64xf32, #tpu.memory_space<vmem>>
      %dma_wait3A_1955 = tpu.memref_squeeze %dma_wait3A_1954 : memref<1x128x64xf32, #tpu.memory_space<vmem>> -> memref<128x64xf32, #tpu.memory_space<vmem>>
      %dma_wait3A_1956 = arith.constant 0 : i32
      %dma_wait3A_1957 = tpu.memref_slice %arg5[%dma_wait3A_1949, %dma_wait3A_1950, %dma_wait3A_1956] : memref<2x26x128xi32, #tpu.memory_space<vmem>> -> memref<1x1x128xi32, #tpu.memory_space<vmem>>
      %dma_wait3A_1958 = tpu.memref_squeeze %dma_wait3A_1957 : memref<1x1x128xi32, #tpu.memory_space<vmem>> -> memref<128xi32, #tpu.memory_space<vmem>>
      %dma_wait3A_1959 = arith.constant 0 : i32
      %dma_wait3A_1960 = arith.constant 0 : i32
      %dma_wait3A_1961 = tpu.memref_slice %arg3[%dma_wait3A_1959, %dma_wait3A_1960] : memref<1000000x64xf32, #tpu.memory_space<hbm>> -> memref<1000000x64xf32, #tpu.memory_space<hbm>>
      tpu.wait_indirect_dma semaphore(%arg7 : memref<!tpu.dma_semaphore, #tpu.memory_space<semaphore_mem>>) src(%dma_wait3A_1961 : memref<1000000x64xf32, #tpu.memory_space<hbm>>) dst(%dma_wait3A_1955 : memref<128x64xf32, #tpu.memory_space<vmem>>)
      %dma_wait3A_1962 = arith.constant 0 : i32
      %dma_wait3A_1963 = arith.constant 0 : i32
      %dma_wait3A_1964 = arith.constant 0 : i32
      %dma_wait3A_1965 = arith.constant 0 : i32
      %dma_wait3A_1966 = arith.constant 0 : i32
      %dma_wait3A_1967 = tpu.memref_slice %arg6[%dma_wait3A_1964, %dma_wait3A_1965, %dma_wait3A_1966] : memref<2x128x64xf32, #tpu.memory_space<vmem>> -> memref<1x128x64xf32, #tpu.memory_space<vmem>>
      %dma_wait3A_1968 = tpu.memref_squeeze %dma_wait3A_1967 : memref<1x128x64xf32, #tpu.memory_space<vmem>> -> memref<128x64xf32, #tpu.memory_space<vmem>>
      %dma_wait3A_1969 = arith.constant 0 : i32
      %dma_wait3A_1970 = tpu.memref_slice %arg5[%dma_wait3A_1962, %dma_wait3A_1963, %dma_wait3A_1969] : memref<2x26x128xi32, #tpu.memory_space<vmem>> -> memref<1x1x128xi32, #tpu.memory_space<vmem>>
      %dma_wait3A_1971 = tpu.memref_squeeze %dma_wait3A_1970 : memref<1x1x128xi32, #tpu.memory_space<vmem>> -> memref<128xi32, #tpu.memory_space<vmem>>
      %dma_wait3A_1972 = arith.constant 0 : i32
      %dma_wait3A_1973 = arith.constant 0 : i32
      %dma_wait3A_1974 = tpu.memref_slice %arg3[%dma_wait3A_1972, %dma_wait3A_1973] : memref<1000000x64xf32, #tpu.memory_space<hbm>> -> memref<1000000x64xf32, #tpu.memory_space<hbm>>
      tpu.wait_indirect_dma semaphore(%arg7 : memref<!tpu.dma_semaphore, #tpu.memory_space<semaphore_mem>>) src(%dma_wait3A_1974 : memref<1000000x64xf32, #tpu.memory_space<hbm>>) dst(%dma_wait3A_1968 : memref<128x64xf32, #tpu.memory_space<vmem>>)
      %dma_wait3A_1975 = arith.constant 0 : i32
      %dma_wait3A_1976 = arith.constant 0 : i32
      %dma_wait3A_1977 = arith.constant 0 : i32
      %dma_wait3A_1978 = arith.constant 0 : i32
      %dma_wait3A_1979 = arith.constant 0 : i32
      %dma_wait3A_1980 = tpu.memref_slice %arg6[%dma_wait3A_1977, %dma_wait3A_1978, %dma_wait3A_1979] : memref<2x128x64xf32, #tpu.memory_space<vmem>> -> memref<1x128x64xf32, #tpu.memory_space<vmem>>
      %dma_wait3A_1981 = tpu.memref_squeeze %dma_wait3A_1980 : memref<1x128x64xf32, #tpu.memory_space<vmem>> -> memref<128x64xf32, #tpu.memory_space<vmem>>
      %dma_wait3A_1982 = arith.constant 0 : i32
      %dma_wait3A_1983 = tpu.memref_slice %arg5[%dma_wait3A_1975, %dma_wait3A_1976, %dma_wait3A_1982] : memref<2x26x128xi32, #tpu.memory_space<vmem>> -> memref<1x1x128xi32, #tpu.memory_space<vmem>>
      %dma_wait3A_1984 = tpu.memref_squeeze %dma_wait3A_1983 : memref<1x1x128xi32, #tpu.memory_space<vmem>> -> memref<128xi32, #tpu.memory_space<vmem>>
      %dma_wait3A_1985 = arith.constant 0 : i32
      %dma_wait3A_1986 = arith.constant 0 : i32
      %dma_wait3A_1987 = tpu.memref_slice %arg3[%dma_wait3A_1985, %dma_wait3A_1986] : memref<1000000x64xf32, #tpu.memory_space<hbm>> -> memref<1000000x64xf32, #tpu.memory_space<hbm>>
      tpu.wait_indirect_dma semaphore(%arg7 : memref<!tpu.dma_semaphore, #tpu.memory_space<semaphore_mem>>) src(%dma_wait3A_1987 : memref<1000000x64xf32, #tpu.memory_space<hbm>>) dst(%dma_wait3A_1981 : memref<128x64xf32, #tpu.memory_space<vmem>>)
      %dma_wait3A_1988 = arith.constant 0 : i32
      %dma_wait3A_1989 = arith.constant 0 : i32
      %dma_wait3A_1990 = arith.constant 0 : i32
      %dma_wait3A_1991 = arith.constant 0 : i32
      %dma_wait3A_1992 = arith.constant 0 : i32
      %dma_wait3A_1993 = tpu.memref_slice %arg6[%dma_wait3A_1990, %dma_wait3A_1991, %dma_wait3A_1992] : memref<2x128x64xf32, #tpu.memory_space<vmem>> -> memref<1x128x64xf32, #tpu.memory_space<vmem>>
      %dma_wait3A_1994 = tpu.memref_squeeze %dma_wait3A_1993 : memref<1x128x64xf32, #tpu.memory_space<vmem>> -> memref<128x64xf32, #tpu.memory_space<vmem>>
      %dma_wait3A_1995 = arith.constant 0 : i32
      %dma_wait3A_1996 = tpu.memref_slice %arg5[%dma_wait3A_1988, %dma_wait3A_1989, %dma_wait3A_1995] : memref<2x26x128xi32, #tpu.memory_space<vmem>> -> memref<1x1x128xi32, #tpu.memory_space<vmem>>
      %dma_wait3A_1997 = tpu.memref_squeeze %dma_wait3A_1996 : memref<1x1x128xi32, #tpu.memory_space<vmem>> -> memref<128xi32, #tpu.memory_space<vmem>>
      %dma_wait3A_1998 = arith.constant 0 : i32
      %dma_wait3A_1999 = arith.constant 0 : i32
      %dma_wait3A_2000 = tpu.memref_slice %arg3[%dma_wait3A_1998, %dma_wait3A_1999] : memref<1000000x64xf32, #tpu.memory_space<hbm>> -> memref<1000000x64xf32, #tpu.memory_space<hbm>>
      tpu.wait_indirect_dma semaphore(%arg7 : memref<!tpu.dma_semaphore, #tpu.memory_space<semaphore_mem>>) src(%dma_wait3A_2000 : memref<1000000x64xf32, #tpu.memory_space<hbm>>) dst(%dma_wait3A_1994 : memref<128x64xf32, #tpu.memory_space<vmem>>)
      %dma_wait3A_2001 = arith.constant 0 : i32
      %dma_wait3A_2002 = arith.constant 0 : i32
      %dma_wait3A_2003 = arith.constant 0 : i32
      %dma_wait3A_2004 = arith.constant 0 : i32
      %dma_wait3A_2005 = arith.constant 0 : i32
      %dma_wait3A_2006 = tpu.memref_slice %arg6[%dma_wait3A_2003, %dma_wait3A_2004, %dma_wait3A_2005] : memref<2x128x64xf32, #tpu.memory_space<vmem>> -> memref<1x128x64xf32, #tpu.memory_space<vmem>>
      %dma_wait3A_2007 = tpu.memref_squeeze %dma_wait3A_2006 : memref<1x128x64xf32, #tpu.memory_space<vmem>> -> memref<128x64xf32, #tpu.memory_space<vmem>>
      %dma_wait3A_2008 = arith.constant 0 : i32
      %dma_wait3A_2009 = tpu.memref_slice %arg5[%dma_wait3A_2001, %dma_wait3A_2002, %dma_wait3A_2008] : memref<2x26x128xi32, #tpu.memory_space<vmem>> -> memref<1x1x128xi32, #tpu.memory_space<vmem>>
      %dma_wait3A_2010 = tpu.memref_squeeze %dma_wait3A_2009 : memref<1x1x128xi32, #tpu.memory_space<vmem>> -> memref<128xi32, #tpu.memory_space<vmem>>
      %dma_wait3A_2011 = arith.constant 0 : i32
      %dma_wait3A_2012 = arith.constant 0 : i32
      %dma_wait3A_2013 = tpu.memref_slice %arg3[%dma_wait3A_2011, %dma_wait3A_2012] : memref<1000000x64xf32, #tpu.memory_space<hbm>> -> memref<1000000x64xf32, #tpu.memory_space<hbm>>
      tpu.wait_indirect_dma semaphore(%arg7 : memref<!tpu.dma_semaphore, #tpu.memory_space<semaphore_mem>>) src(%dma_wait3A_2013 : memref<1000000x64xf32, #tpu.memory_space<hbm>>) dst(%dma_wait3A_2007 : memref<128x64xf32, #tpu.memory_space<vmem>>)
      %dma_wait3A_2014 = arith.constant 0 : i32
      %dma_wait3A_2015 = arith.constant 0 : i32
      %dma_wait3A_2016 = arith.constant 0 : i32
      %dma_wait3A_2017 = arith.constant 0 : i32
      %dma_wait3A_2018 = arith.constant 0 : i32
      %dma_wait3A_2019 = tpu.memref_slice %arg6[%dma_wait3A_2016, %dma_wait3A_2017, %dma_wait3A_2018] : memref<2x128x64xf32, #tpu.memory_space<vmem>> -> memref<1x128x64xf32, #tpu.memory_space<vmem>>
      %dma_wait3A_2020 = tpu.memref_squeeze %dma_wait3A_2019 : memref<1x128x64xf32, #tpu.memory_space<vmem>> -> memref<128x64xf32, #tpu.memory_space<vmem>>
      %dma_wait3A_2021 = arith.constant 0 : i32
      %dma_wait3A_2022 = tpu.memref_slice %arg5[%dma_wait3A_2014, %dma_wait3A_2015, %dma_wait3A_2021] : memref<2x26x128xi32, #tpu.memory_space<vmem>> -> memref<1x1x128xi32, #tpu.memory_space<vmem>>
      %dma_wait3A_2023 = tpu.memref_squeeze %dma_wait3A_2022 : memref<1x1x128xi32, #tpu.memory_space<vmem>> -> memref<128xi32, #tpu.memory_space<vmem>>
      %dma_wait3A_2024 = arith.constant 0 : i32
      %dma_wait3A_2025 = arith.constant 0 : i32
      %dma_wait3A_2026 = tpu.memref_slice %arg3[%dma_wait3A_2024, %dma_wait3A_2025] : memref<1000000x64xf32, #tpu.memory_space<hbm>> -> memref<1000000x64xf32, #tpu.memory_space<hbm>>
      tpu.wait_indirect_dma semaphore(%arg7 : memref<!tpu.dma_semaphore, #tpu.memory_space<semaphore_mem>>) src(%dma_wait3A_2026 : memref<1000000x64xf32, #tpu.memory_space<hbm>>) dst(%dma_wait3A_2020 : memref<128x64xf32, #tpu.memory_space<vmem>>)
      %dma_wait3A_2027 = arith.constant 0 : i32
      %dma_wait3A_2028 = arith.constant 0 : i32
      %dma_wait3A_2029 = arith.constant 0 : i32
      %dma_wait3A_2030 = arith.constant 0 : i32
      %dma_wait3A_2031 = arith.constant 0 : i32
      %dma_wait3A_2032 = tpu.memref_slice %arg6[%dma_wait3A_2029, %dma_wait3A_2030, %dma_wait3A_2031] : memref<2x128x64xf32, #tpu.memory_space<vmem>> -> memref<1x128x64xf32, #tpu.memory_space<vmem>>
      %dma_wait3A_2033 = tpu.memref_squeeze %dma_wait3A_2032 : memref<1x128x64xf32, #tpu.memory_space<vmem>> -> memref<128x64xf32, #tpu.memory_space<vmem>>
      %dma_wait3A_2034 = arith.constant 0 : i32
      %dma_wait3A_2035 = tpu.memref_slice %arg5[%dma_wait3A_2027, %dma_wait3A_2028, %dma_wait3A_2034] : memref<2x26x128xi32, #tpu.memory_space<vmem>> -> memref<1x1x128xi32, #tpu.memory_space<vmem>>
      %dma_wait3A_2036 = tpu.memref_squeeze %dma_wait3A_2035 : memref<1x1x128xi32, #tpu.memory_space<vmem>> -> memref<128xi32, #tpu.memory_space<vmem>>
      %dma_wait3A_2037 = arith.constant 0 : i32
      %dma_wait3A_2038 = arith.constant 0 : i32
      %dma_wait3A_2039 = tpu.memref_slice %arg3[%dma_wait3A_2037, %dma_wait3A_2038] : memref<1000000x64xf32, #tpu.memory_space<hbm>> -> memref<1000000x64xf32, #tpu.memory_space<hbm>>
      tpu.wait_indirect_dma semaphore(%arg7 : memref<!tpu.dma_semaphore, #tpu.memory_space<semaphore_mem>>) src(%dma_wait3A_2039 : memref<1000000x64xf32, #tpu.memory_space<hbm>>) dst(%dma_wait3A_2033 : memref<128x64xf32, #tpu.memory_space<vmem>>)
      %dma_wait3A_2040 = arith.constant 0 : i32
      %dma_wait3A_2041 = arith.constant 0 : i32
      %dma_wait3A_2042 = arith.constant 0 : i32
      %dma_wait3A_2043 = arith.constant 0 : i32
      %dma_wait3A_2044 = arith.constant 0 : i32
      %dma_wait3A_2045 = tpu.memref_slice %arg6[%dma_wait3A_2042, %dma_wait3A_2043, %dma_wait3A_2044] : memref<2x128x64xf32, #tpu.memory_space<vmem>> -> memref<1x128x64xf32, #tpu.memory_space<vmem>>
      %dma_wait3A_2046 = tpu.memref_squeeze %dma_wait3A_2045 : memref<1x128x64xf32, #tpu.memory_space<vmem>> -> memref<128x64xf32, #tpu.memory_space<vmem>>
      %dma_wait3A_2047 = arith.constant 0 : i32
      %dma_wait3A_2048 = tpu.memref_slice %arg5[%dma_wait3A_2040, %dma_wait3A_2041, %dma_wait3A_2047] : memref<2x26x128xi32, #tpu.memory_space<vmem>> -> memref<1x1x128xi32, #tpu.memory_space<vmem>>
      %dma_wait3A_2049 = tpu.memref_squeeze %dma_wait3A_2048 : memref<1x1x128xi32, #tpu.memory_space<vmem>> -> memref<128xi32, #tpu.memory_space<vmem>>
      %dma_wait3A_2050 = arith.constant 0 : i32
      %dma_wait3A_2051 = arith.constant 0 : i32
      %dma_wait3A_2052 = tpu.memref_slice %arg3[%dma_wait3A_2050, %dma_wait3A_2051] : memref<1000000x64xf32, #tpu.memory_space<hbm>> -> memref<1000000x64xf32, #tpu.memory_space<hbm>>
      tpu.wait_indirect_dma semaphore(%arg7 : memref<!tpu.dma_semaphore, #tpu.memory_space<semaphore_mem>>) src(%dma_wait3A_2052 : memref<1000000x64xf32, #tpu.memory_space<hbm>>) dst(%dma_wait3A_2046 : memref<128x64xf32, #tpu.memory_space<vmem>>)
      %dma_wait3A_2053 = arith.constant 0 : i32
      %dma_wait3A_2054 = arith.constant 0 : i32
      %dma_wait3A_2055 = arith.constant 0 : i32
      %dma_wait3A_2056 = arith.constant 0 : i32
      %dma_wait3A_2057 = arith.constant 0 : i32
      %dma_wait3A_2058 = tpu.memref_slice %arg6[%dma_wait3A_2055, %dma_wait3A_2056, %dma_wait3A_2057] : memref<2x128x64xf32, #tpu.memory_space<vmem>> -> memref<1x128x64xf32, #tpu.memory_space<vmem>>
      %dma_wait3A_2059 = tpu.memref_squeeze %dma_wait3A_2058 : memref<1x128x64xf32, #tpu.memory_space<vmem>> -> memref<128x64xf32, #tpu.memory_space<vmem>>
      %dma_wait3A_2060 = arith.constant 0 : i32
      %dma_wait3A_2061 = tpu.memref_slice %arg5[%dma_wait3A_2053, %dma_wait3A_2054, %dma_wait3A_2060] : memref<2x26x128xi32, #tpu.memory_space<vmem>> -> memref<1x1x128xi32, #tpu.memory_space<vmem>>
      %dma_wait3A_2062 = tpu.memref_squeeze %dma_wait3A_2061 : memref<1x1x128xi32, #tpu.memory_space<vmem>> -> memref<128xi32, #tpu.memory_space<vmem>>
      %dma_wait3A_2063 = arith.constant 0 : i32
      %dma_wait3A_2064 = arith.constant 0 : i32
      %dma_wait3A_2065 = tpu.memref_slice %arg3[%dma_wait3A_2063, %dma_wait3A_2064] : memref<1000000x64xf32, #tpu.memory_space<hbm>> -> memref<1000000x64xf32, #tpu.memory_space<hbm>>
      tpu.wait_indirect_dma semaphore(%arg7 : memref<!tpu.dma_semaphore, #tpu.memory_space<semaphore_mem>>) src(%dma_wait3A_2065 : memref<1000000x64xf32, #tpu.memory_space<hbm>>) dst(%dma_wait3A_2059 : memref<128x64xf32, #tpu.memory_space<vmem>>)
      %dma_wait3A_2066 = arith.constant 0 : i32
      %dma_wait3A_2067 = arith.constant 0 : i32
      %dma_wait3A_2068 = arith.constant 0 : i32
      %dma_wait3A_2069 = arith.constant 0 : i32
      %dma_wait3A_2070 = arith.constant 0 : i32
      %dma_wait3A_2071 = tpu.memref_slice %arg6[%dma_wait3A_2068, %dma_wait3A_2069, %dma_wait3A_2070] : memref<2x128x64xf32, #tpu.memory_space<vmem>> -> memref<1x128x64xf32, #tpu.memory_space<vmem>>
      %dma_wait3A_2072 = tpu.memref_squeeze %dma_wait3A_2071 : memref<1x128x64xf32, #tpu.memory_space<vmem>> -> memref<128x64xf32, #tpu.memory_space<vmem>>
      %dma_wait3A_2073 = arith.constant 0 : i32
      %dma_wait3A_2074 = tpu.memref_slice %arg5[%dma_wait3A_2066, %dma_wait3A_2067, %dma_wait3A_2073] : memref<2x26x128xi32, #tpu.memory_space<vmem>> -> memref<1x1x128xi32, #tpu.memory_space<vmem>>
      %dma_wait3A_2075 = tpu.memref_squeeze %dma_wait3A_2074 : memref<1x1x128xi32, #tpu.memory_space<vmem>> -> memref<128xi32, #tpu.memory_space<vmem>>
      %dma_wait3A_2076 = arith.constant 0 : i32
      %dma_wait3A_2077 = arith.constant 0 : i32
      %dma_wait3A_2078 = tpu.memref_slice %arg3[%dma_wait3A_2076, %dma_wait3A_2077] : memref<1000000x64xf32, #tpu.memory_space<hbm>> -> memref<1000000x64xf32, #tpu.memory_space<hbm>>
      tpu.wait_indirect_dma semaphore(%arg7 : memref<!tpu.dma_semaphore, #tpu.memory_space<semaphore_mem>>) src(%dma_wait3A_2078 : memref<1000000x64xf32, #tpu.memory_space<hbm>>) dst(%dma_wait3A_2072 : memref<128x64xf32, #tpu.memory_space<vmem>>)
      %mul3A_2079 = arith.constant 128 : i32
      %mul3A_2080 = arith.muli %sub3A_1740, %mul3A_2079 : i32
      %run_scoped3A_2081 = arith.constant 0 : i32
      "tpu.region"() ({
        %run_scoped3A_2769 = tpu.sem_alloc : memref<!tpu.dma_semaphore, #tpu.memory_space<semaphore_mem>>
        %dma_start3A_2770 = arith.constant 0 : i32
        %dma_start3A_2771 = arith.constant 0 : i32
        %dma_start3A_2772 = tpu.memref_slice %arg6[%run_scoped3A_2081, %dma_start3A_2770, %dma_start3A_2771] : memref<2x128x64xf32, #tpu.memory_space<vmem>> -> memref<1x128x64xf32, #tpu.memory_space<vmem>>
        %dma_start3A_2773 = tpu.memref_squeeze %dma_start3A_2772 : memref<1x128x64xf32, #tpu.memory_space<vmem>> -> memref<128x64xf32, #tpu.memory_space<vmem>>
        %dma_start3A_2774 = arith.constant 0 : i32
        %dma_start3A_2775 = tpu.memref_slice %arg4[%mul3A_2080, %dma_start3A_2774] : memref<51200x64xf32, #tpu.memory_space<hbm>> -> memref<128x64xf32, #tpu.memory_space<hbm>>
        %dma_start3A_2776 = arith.constant 0 : i32
        %dma_start3A_2777 = tpu.memref_slice %arg4[%mul3A_2080, %dma_start3A_2776] : memref<51200x64xf32, #tpu.memory_space<hbm>> -> memref<128x64xf32, #tpu.memory_space<hbm>>
        %dma_start3A_2778 = arith.constant 0 : i32
        %dma_start3A_2779 = arith.constant 0 : i32
        %dma_start3A_2780 = tpu.memref_slice %arg6[%run_scoped3A_2081, %dma_start3A_2778, %dma_start3A_2779] : memref<2x128x64xf32, #tpu.memory_space<vmem>> -> memref<1x128x64xf32, #tpu.memory_space<vmem>>
        %dma_start3A_2781 = tpu.memref_squeeze %dma_start3A_2780 : memref<1x128x64xf32, #tpu.memory_space<vmem>> -> memref<128x64xf32, #tpu.memory_space<vmem>>
        tpu.enqueue_dma source(%dma_start3A_2781 : memref<128x64xf32, #tpu.memory_space<vmem>>) target(%dma_start3A_2777 : memref<128x64xf32, #tpu.memory_space<hbm>>) target_semaphore(%run_scoped3A_2769 : memref<!tpu.dma_semaphore, #tpu.memory_space<semaphore_mem>>)
        %dma_wait3A_2782 = arith.constant 0 : i32
        %dma_wait3A_2783 = arith.constant 0 : i32
        %dma_wait3A_2784 = tpu.memref_slice %arg6[%run_scoped3A_2081, %dma_wait3A_2782, %dma_wait3A_2783] : memref<2x128x64xf32, #tpu.memory_space<vmem>> -> memref<1x128x64xf32, #tpu.memory_space<vmem>>
        %dma_wait3A_2785 = tpu.memref_squeeze %dma_wait3A_2784 : memref<1x128x64xf32, #tpu.memory_space<vmem>> -> memref<128x64xf32, #tpu.memory_space<vmem>>
        %dma_wait3A_2786 = arith.constant 0 : i32
        %dma_wait3A_2787 = tpu.memref_slice %arg4[%mul3A_2080, %dma_wait3A_2786] : memref<51200x64xf32, #tpu.memory_space<hbm>> -> memref<128x64xf32, #tpu.memory_space<hbm>>
        %dma_wait3A_2788 = arith.constant 0 : i32
        %dma_wait3A_2789 = tpu.memref_slice %arg4[%mul3A_2080, %dma_wait3A_2788] : memref<51200x64xf32, #tpu.memory_space<hbm>> -> memref<128x64xf32, #tpu.memory_space<hbm>>
        %dma_wait3A_2790 = arith.constant 0 : i32
        %dma_wait3A_2791 = arith.constant 0 : i32
        %dma_wait3A_2792 = tpu.memref_slice %arg6[%run_scoped3A_2081, %dma_wait3A_2790, %dma_wait3A_2791] : memref<2x128x64xf32, #tpu.memory_space<vmem>> -> memref<1x128x64xf32, #tpu.memory_space<vmem>>
        %dma_wait3A_2793 = tpu.memref_squeeze %dma_wait3A_2792 : memref<1x128x64xf32, #tpu.memory_space<vmem>> -> memref<128x64xf32, #tpu.memory_space<vmem>>
        tpu.wait_dma2 semaphore(%run_scoped3A_2769 : memref<!tpu.dma_semaphore, #tpu.memory_space<semaphore_mem>>) src(%dma_wait3A_2793 : memref<128x64xf32, #tpu.memory_space<vmem>>) dst(%dma_wait3A_2789 : memref<128x64xf32, #tpu.memory_space<hbm>>)
        tpu.yield
      }) : () -> ()
      %add3A_2082 = arith.constant 32 : i32
      %add3A_2083 = arith.addi %add3A_1394, %add3A_2082 : i32
      %scan3A_2084 = arith.constant 0 : i32
      %scan3A_2085 = arith.constant 128 : i32
      %scan3A_2086 = arith.addi %scan3A_2084, %scan3A_2085 : i32
      %scan3A_2087 = arith.constant 1 : i32
      scf.for %scan3A_2769 = %scan3A_2084 to %scan3A_2086 step %scan3A_2087  : i32 {
        %mul3A_2770 = arith.constant 1 : i32
        %mul3A_2771 = arith.muli %scan3A_2769, %mul3A_2770 : i32
        %add3A_2772 = arith.constant 0 : i32
        %add3A_2773 = arith.addi %add3A_2772, %mul3A_2771 : i32
        %swap3A = arith.constant 0 : i32
        %swap3A_2774 = arith.index_cast %swap3A : i32 to index
        %swap3A_2775 = arith.index_cast %add3A_2773 : i32 to index
        %swap3A_2776 = arith.constant 0 : index
        %swap3A_2777 = tpu.vector_load %arg6[%swap3A_2774, %swap3A_2775, %swap3A_2776] {strides = array<i32>} : memref<2x128x64xf32, #tpu.memory_space<vmem>>, vector<16xf32>,
        tpu.vector_store %arg6[%swap3A_2774, %swap3A_2775, %swap3A_2776], %broadcast_in_dim3A_1 {strides = array<i32>} : memref<2x128x64xf32, #tpu.memory_space<vmem>>, vector<16xf32>,
        %swap3A_2778 = arith.constant 0 : i32
        %swap3A_2779 = arith.index_cast %swap3A_2778 : i32 to index
        %swap3A_2780 = arith.index_cast %add3A_2773 : i32 to index
        %swap3A_2781 = arith.constant 16 : index
        %swap3A_2782 = tpu.vector_load %arg6[%swap3A_2779, %swap3A_2780, %swap3A_2781] {strides = array<i32>} : memref<2x128x64xf32, #tpu.memory_space<vmem>>, vector<16xf32>,
        tpu.vector_store %arg6[%swap3A_2779, %swap3A_2780, %swap3A_2781], %broadcast_in_dim3A_1 {strides = array<i32>} : memref<2x128x64xf32, #tpu.memory_space<vmem>>, vector<16xf32>,
        %swap3A_2783 = arith.constant 0 : i32
        %swap3A_2784 = arith.index_cast %swap3A_2783 : i32 to index
        %swap3A_2785 = arith.index_cast %add3A_2773 : i32 to index
        %swap3A_2786 = arith.constant 32 : index
        %swap3A_2787 = tpu.vector_load %arg6[%swap3A_2784, %swap3A_2785, %swap3A_2786] {strides = array<i32>} : memref<2x128x64xf32, #tpu.memory_space<vmem>>, vector<16xf32>,
        tpu.vector_store %arg6[%swap3A_2784, %swap3A_2785, %swap3A_2786], %broadcast_in_dim3A_1 {strides = array<i32>} : memref<2x128x64xf32, #tpu.memory_space<vmem>>, vector<16xf32>,
        %swap3A_2788 = arith.constant 0 : i32
        %swap3A_2789 = arith.index_cast %swap3A_2788 : i32 to index
        %swap3A_2790 = arith.index_cast %add3A_2773 : i32 to index
        %swap3A_2791 = arith.constant 48 : index
        %swap3A_2792 = tpu.vector_load %arg6[%swap3A_2789, %swap3A_2790, %swap3A_2791] {strides = array<i32>} : memref<2x128x64xf32, #tpu.memory_space<vmem>>, vector<16xf32>,
        tpu.vector_store %arg6[%swap3A_2789, %swap3A_2790, %swap3A_2791], %broadcast_in_dim3A_1 {strides = array<i32>} : memref<2x128x64xf32, #tpu.memory_space<vmem>>, vector<16xf32>,
      }
      %scan3A_2088 = arith.constant 128 : i32
      %run_scoped3A_2089 = arith.constant 0 : i32
      "tpu.region"() ({
        %run_scoped3A_2769 = tpu.sem_alloc : memref<!tpu.dma_semaphore, #tpu.memory_space<semaphore_mem>>
        %dma_start3A_2770 = arith.constant 0 : i32
        %dma_start3A_2771 = arith.constant 0 : i32
        %dma_start3A_2772 = tpu.memref_slice %arg5[%run_scoped3A_2089, %dma_start3A_2770, %dma_start3A_2771] : memref<2x26x128xi32, #tpu.memory_space<vmem>> -> memref<1x26x128xi32, #tpu.memory_space<vmem>>
        %dma_start3A_2773 = tpu.memref_squeeze %dma_start3A_2772 : memref<1x26x128xi32, #tpu.memory_space<vmem>> -> memref<26x128xi32, #tpu.memory_space<vmem>>
        %dma_start3A_2774 = arith.constant 0 : i32
        %dma_start3A_2775 = arith.constant 0 : i32
        %dma_start3A_2776 = tpu.memref_slice %arg2[%add3A_2083, %dma_start3A_2774, %dma_start3A_2775] : memref<400x26x128xi32, #tpu.memory_space<hbm>> -> memref<1x26x128xi32, #tpu.memory_space<hbm>>
        %dma_start3A_2777 = tpu.memref_squeeze %dma_start3A_2776 : memref<1x26x128xi32, #tpu.memory_space<hbm>> -> memref<26x128xi32, #tpu.memory_space<hbm>>
        %dma_start3A_2778 = arith.constant 0 : i32
        %dma_start3A_2779 = arith.constant 0 : i32
        %dma_start3A_2780 = tpu.memref_slice %arg5[%run_scoped3A_2089, %dma_start3A_2778, %dma_start3A_2779] : memref<2x26x128xi32, #tpu.memory_space<vmem>> -> memref<1x26x128xi32, #tpu.memory_space<vmem>>
        %dma_start3A_2781 = tpu.memref_squeeze %dma_start3A_2780 : memref<1x26x128xi32, #tpu.memory_space<vmem>> -> memref<26x128xi32, #tpu.memory_space<vmem>>
        %dma_start3A_2782 = arith.constant 0 : i32
        %dma_start3A_2783 = arith.constant 0 : i32
        %dma_start3A_2784 = tpu.memref_slice %arg2[%add3A_2083, %dma_start3A_2782, %dma_start3A_2783] : memref<400x26x128xi32, #tpu.memory_space<hbm>> -> memref<1x26x128xi32, #tpu.memory_space<hbm>>
        %dma_start3A_2785 = tpu.memref_squeeze %dma_start3A_2784 : memref<1x26x128xi32, #tpu.memory_space<hbm>> -> memref<26x128xi32, #tpu.memory_space<hbm>>
        tpu.enqueue_dma source(%dma_start3A_2785 : memref<26x128xi32, #tpu.memory_space<hbm>>) target(%dma_start3A_2781 : memref<26x128xi32, #tpu.memory_space<vmem>>) target_semaphore(%run_scoped3A_2769 : memref<!tpu.dma_semaphore, #tpu.memory_space<semaphore_mem>>)
        %dma_wait3A_2786 = arith.constant 0 : i32
        %dma_wait3A_2787 = arith.constant 0 : i32
        %dma_wait3A_2788 = tpu.memref_slice %arg5[%run_scoped3A_2089, %dma_wait3A_2786, %dma_wait3A_2787] : memref<2x26x128xi32, #tpu.memory_space<vmem>> -> memref<1x26x128xi32, #tpu.memory_space<vmem>>
        %dma_wait3A_2789 = tpu.memref_squeeze %dma_wait3A_2788 : memref<1x26x128xi32, #tpu.memory_space<vmem>> -> memref<26x128xi32, #tpu.memory_space<vmem>>
        %dma_wait3A_2790 = arith.constant 0 : i32
        %dma_wait3A_2791 = arith.constant 0 : i32
        %dma_wait3A_2792 = tpu.memref_slice %arg2[%add3A_2083, %dma_wait3A_2790, %dma_wait3A_2791] : memref<400x26x128xi32, #tpu.memory_space<hbm>> -> memref<1x26x128xi32, #tpu.memory_space<hbm>>
        %dma_wait3A_2793 = tpu.memref_squeeze %dma_wait3A_2792 : memref<1x26x128xi32, #tpu.memory_space<hbm>> -> memref<26x128xi32, #tpu.memory_space<hbm>>
        %dma_wait3A_2794 = arith.constant 0 : i32
        %dma_wait3A_2795 = arith.constant 0 : i32
        %dma_wait3A_2796 = tpu.memref_slice %arg5[%run_scoped3A_2089, %dma_wait3A_2794, %dma_wait3A_2795] : memref<2x26x128xi32, #tpu.memory_space<vmem>> -> memref<1x26x128xi32, #tpu.memory_space<vmem>>
        %dma_wait3A_2797 = tpu.memref_squeeze %dma_wait3A_2796 : memref<1x26x128xi32, #tpu.memory_space<vmem>> -> memref<26x128xi32, #tpu.memory_space<vmem>>
        %dma_wait3A_2798 = arith.constant 0 : i32
        %dma_wait3A_2799 = arith.constant 0 : i32
        %dma_wait3A_2800 = tpu.memref_slice %arg2[%add3A_2083, %dma_wait3A_2798, %dma_wait3A_2799] : memref<400x26x128xi32, #tpu.memory_space<hbm>> -> memref<1x26x128xi32, #tpu.memory_space<hbm>>
        %dma_wait3A_2801 = tpu.memref_squeeze %dma_wait3A_2800 : memref<1x26x128xi32, #tpu.memory_space<hbm>> -> memref<26x128xi32, #tpu.memory_space<hbm>>
        tpu.wait_dma2 semaphore(%run_scoped3A_2769 : memref<!tpu.dma_semaphore, #tpu.memory_space<semaphore_mem>>) src(%dma_wait3A_2801 : memref<26x128xi32, #tpu.memory_space<hbm>>) dst(%dma_wait3A_2797 : memref<26x128xi32, #tpu.memory_space<vmem>>)
        tpu.yield
      }) : () -> ()
      %dma_start3A_2090 = arith.constant 0 : i32
      %dma_start3A_2091 = arith.constant 0 : i32
      %dma_start3A_2092 = arith.constant 0 : i32
      %dma_start3A_2093 = arith.constant 0 : i32
      %dma_start3A_2094 = arith.constant 0 : i32
      %dma_start3A_2095 = tpu.memref_slice %arg6[%dma_start3A_2092, %dma_start3A_2093, %dma_start3A_2094] : memref<2x128x64xf32, #tpu.memory_space<vmem>> -> memref<1x128x64xf32, #tpu.memory_space<vmem>>
      %dma_start3A_2096 = tpu.memref_squeeze %dma_start3A_2095 : memref<1x128x64xf32, #tpu.memory_space<vmem>> -> memref<128x64xf32, #tpu.memory_space<vmem>>
      %dma_start3A_2097 = arith.constant 0 : i32
      %dma_start3A_2098 = tpu.memref_slice %arg5[%dma_start3A_2090, %dma_start3A_2091, %dma_start3A_2097] : memref<2x26x128xi32, #tpu.memory_space<vmem>> -> memref<1x1x128xi32, #tpu.memory_space<vmem>>
      %dma_start3A_2099 = tpu.memref_squeeze %dma_start3A_2098 : memref<1x1x128xi32, #tpu.memory_space<vmem>> -> memref<128xi32, #tpu.memory_space<vmem>>
      %dma_start3A_2100 = arith.constant 0 : i32
      %dma_start3A_2101 = arith.constant 0 : i32
      %dma_start3A_2102 = tpu.memref_slice %arg3[%dma_start3A_2100, %dma_start3A_2101] : memref<1000000x64xf32, #tpu.memory_space<hbm>> -> memref<1000000x64xf32, #tpu.memory_space<hbm>>
      tpu.enqueue_indirect_dma source(%dma_start3A_2102 : memref<1000000x64xf32, #tpu.memory_space<hbm>>) target(%dma_start3A_2096 : memref<128x64xf32, #tpu.memory_space<vmem>>) offsets(%dma_start3A_2099 : memref<128xi32, #tpu.memory_space<vmem>>) semaphore(%arg7 : memref<!tpu.dma_semaphore, #tpu.memory_space<semaphore_mem>>) {add = true}
      %dma_start3A_2103 = arith.constant 0 : i32
      %dma_start3A_2104 = arith.constant 1 : i32
      %dma_start3A_2105 = arith.constant 0 : i32
      %dma_start3A_2106 = arith.constant 0 : i32
      %dma_start3A_2107 = arith.constant 0 : i32
      %dma_start3A_2108 = tpu.memref_slice %arg6[%dma_start3A_2105, %dma_start3A_2106, %dma_start3A_2107] : memref<2x128x64xf32, #tpu.memory_space<vmem>> -> memref<1x128x64xf32, #tpu.memory_space<vmem>>
      %dma_start3A_2109 = tpu.memref_squeeze %dma_start3A_2108 : memref<1x128x64xf32, #tpu.memory_space<vmem>> -> memref<128x64xf32, #tpu.memory_space<vmem>>
      %dma_start3A_2110 = arith.constant 0 : i32
      %dma_start3A_2111 = tpu.memref_slice %arg5[%dma_start3A_2103, %dma_start3A_2104, %dma_start3A_2110] : memref<2x26x128xi32, #tpu.memory_space<vmem>> -> memref<1x1x128xi32, #tpu.memory_space<vmem>>
      %dma_start3A_2112 = tpu.memref_squeeze %dma_start3A_2111 : memref<1x1x128xi32, #tpu.memory_space<vmem>> -> memref<128xi32, #tpu.memory_space<vmem>>
      %dma_start3A_2113 = arith.constant 0 : i32
      %dma_start3A_2114 = arith.constant 0 : i32
      %dma_start3A_2115 = tpu.memref_slice %arg3[%dma_start3A_2113, %dma_start3A_2114] : memref<1000000x64xf32, #tpu.memory_space<hbm>> -> memref<1000000x64xf32, #tpu.memory_space<hbm>>
      tpu.enqueue_indirect_dma source(%dma_start3A_2115 : memref<1000000x64xf32, #tpu.memory_space<hbm>>) target(%dma_start3A_2109 : memref<128x64xf32, #tpu.memory_space<vmem>>) offsets(%dma_start3A_2112 : memref<128xi32, #tpu.memory_space<vmem>>) semaphore(%arg7 : memref<!tpu.dma_semaphore, #tpu.memory_space<semaphore_mem>>) {add = true}
      %dma_start3A_2116 = arith.constant 0 : i32
      %dma_start3A_2117 = arith.constant 2 : i32
      %dma_start3A_2118 = arith.constant 0 : i32
      %dma_start3A_2119 = arith.constant 0 : i32
      %dma_start3A_2120 = arith.constant 0 : i32
      %dma_start3A_2121 = tpu.memref_slice %arg6[%dma_start3A_2118, %dma_start3A_2119, %dma_start3A_2120] : memref<2x128x64xf32, #tpu.memory_space<vmem>> -> memref<1x128x64xf32, #tpu.memory_space<vmem>>
      %dma_start3A_2122 = tpu.memref_squeeze %dma_start3A_2121 : memref<1x128x64xf32, #tpu.memory_space<vmem>> -> memref<128x64xf32, #tpu.memory_space<vmem>>
      %dma_start3A_2123 = arith.constant 0 : i32
      %dma_start3A_2124 = tpu.memref_slice %arg5[%dma_start3A_2116, %dma_start3A_2117, %dma_start3A_2123] : memref<2x26x128xi32, #tpu.memory_space<vmem>> -> memref<1x1x128xi32, #tpu.memory_space<vmem>>
      %dma_start3A_2125 = tpu.memref_squeeze %dma_start3A_2124 : memref<1x1x128xi32, #tpu.memory_space<vmem>> -> memref<128xi32, #tpu.memory_space<vmem>>
      %dma_start3A_2126 = arith.constant 0 : i32
      %dma_start3A_2127 = arith.constant 0 : i32
      %dma_start3A_2128 = tpu.memref_slice %arg3[%dma_start3A_2126, %dma_start3A_2127] : memref<1000000x64xf32, #tpu.memory_space<hbm>> -> memref<1000000x64xf32, #tpu.memory_space<hbm>>
      tpu.enqueue_indirect_dma source(%dma_start3A_2128 : memref<1000000x64xf32, #tpu.memory_space<hbm>>) target(%dma_start3A_2122 : memref<128x64xf32, #tpu.memory_space<vmem>>) offsets(%dma_start3A_2125 : memref<128xi32, #tpu.memory_space<vmem>>) semaphore(%arg7 : memref<!tpu.dma_semaphore, #tpu.memory_space<semaphore_mem>>) {add = true}
      %dma_start3A_2129 = arith.constant 0 : i32
      %dma_start3A_2130 = arith.constant 3 : i32
      %dma_start3A_2131 = arith.constant 0 : i32
      %dma_start3A_2132 = arith.constant 0 : i32
      %dma_start3A_2133 = arith.constant 0 : i32
      %dma_start3A_2134 = tpu.memref_slice %arg6[%dma_start3A_2131, %dma_start3A_2132, %dma_start3A_2133] : memref<2x128x64xf32, #tpu.memory_space<vmem>> -> memref<1x128x64xf32, #tpu.memory_space<vmem>>
      %dma_start3A_2135 = tpu.memref_squeeze %dma_start3A_2134 : memref<1x128x64xf32, #tpu.memory_space<vmem>> -> memref<128x64xf32, #tpu.memory_space<vmem>>
      %dma_start3A_2136 = arith.constant 0 : i32
      %dma_start3A_2137 = tpu.memref_slice %arg5[%dma_start3A_2129, %dma_start3A_2130, %dma_start3A_2136] : memref<2x26x128xi32, #tpu.memory_space<vmem>> -> memref<1x1x128xi32, #tpu.memory_space<vmem>>
      %dma_start3A_2138 = tpu.memref_squeeze %dma_start3A_2137 : memref<1x1x128xi32, #tpu.memory_space<vmem>> -> memref<128xi32, #tpu.memory_space<vmem>>
      %dma_start3A_2139 = arith.constant 0 : i32
      %dma_start3A_2140 = arith.constant 0 : i32
      %dma_start3A_2141 = tpu.memref_slice %arg3[%dma_start3A_2139, %dma_start3A_2140] : memref<1000000x64xf32, #tpu.memory_space<hbm>> -> memref<1000000x64xf32, #tpu.memory_space<hbm>>
      tpu.enqueue_indirect_dma source(%dma_start3A_2141 : memref<1000000x64xf32, #tpu.memory_space<hbm>>) target(%dma_start3A_2135 : memref<128x64xf32, #tpu.memory_space<vmem>>) offsets(%dma_start3A_2138 : memref<128xi32, #tpu.memory_space<vmem>>) semaphore(%arg7 : memref<!tpu.dma_semaphore, #tpu.memory_space<semaphore_mem>>) {add = true}
      %dma_start3A_2142 = arith.constant 0 : i32
      %dma_start3A_2143 = arith.constant 4 : i32
      %dma_start3A_2144 = arith.constant 0 : i32
      %dma_start3A_2145 = arith.constant 0 : i32
      %dma_start3A_2146 = arith.constant 0 : i32
      %dma_start3A_2147 = tpu.memref_slice %arg6[%dma_start3A_2144, %dma_start3A_2145, %dma_start3A_2146] : memref<2x128x64xf32, #tpu.memory_space<vmem>> -> memref<1x128x64xf32, #tpu.memory_space<vmem>>
      %dma_start3A_2148 = tpu.memref_squeeze %dma_start3A_2147 : memref<1x128x64xf32, #tpu.memory_space<vmem>> -> memref<128x64xf32, #tpu.memory_space<vmem>>
      %dma_start3A_2149 = arith.constant 0 : i32
      %dma_start3A_2150 = tpu.memref_slice %arg5[%dma_start3A_2142, %dma_start3A_2143, %dma_start3A_2149] : memref<2x26x128xi32, #tpu.memory_space<vmem>> -> memref<1x1x128xi32, #tpu.memory_space<vmem>>
      %dma_start3A_2151 = tpu.memref_squeeze %dma_start3A_2150 : memref<1x1x128xi32, #tpu.memory_space<vmem>> -> memref<128xi32, #tpu.memory_space<vmem>>
      %dma_start3A_2152 = arith.constant 0 : i32
      %dma_start3A_2153 = arith.constant 0 : i32
      %dma_start3A_2154 = tpu.memref_slice %arg3[%dma_start3A_2152, %dma_start3A_2153] : memref<1000000x64xf32, #tpu.memory_space<hbm>> -> memref<1000000x64xf32, #tpu.memory_space<hbm>>
      tpu.enqueue_indirect_dma source(%dma_start3A_2154 : memref<1000000x64xf32, #tpu.memory_space<hbm>>) target(%dma_start3A_2148 : memref<128x64xf32, #tpu.memory_space<vmem>>) offsets(%dma_start3A_2151 : memref<128xi32, #tpu.memory_space<vmem>>) semaphore(%arg7 : memref<!tpu.dma_semaphore, #tpu.memory_space<semaphore_mem>>) {add = true}
      %dma_start3A_2155 = arith.constant 0 : i32
      %dma_start3A_2156 = arith.constant 5 : i32
      %dma_start3A_2157 = arith.constant 0 : i32
      %dma_start3A_2158 = arith.constant 0 : i32
      %dma_start3A_2159 = arith.constant 0 : i32
      %dma_start3A_2160 = tpu.memref_slice %arg6[%dma_start3A_2157, %dma_start3A_2158, %dma_start3A_2159] : memref<2x128x64xf32, #tpu.memory_space<vmem>> -> memref<1x128x64xf32, #tpu.memory_space<vmem>>
      %dma_start3A_2161 = tpu.memref_squeeze %dma_start3A_2160 : memref<1x128x64xf32, #tpu.memory_space<vmem>> -> memref<128x64xf32, #tpu.memory_space<vmem>>
      %dma_start3A_2162 = arith.constant 0 : i32
      %dma_start3A_2163 = tpu.memref_slice %arg5[%dma_start3A_2155, %dma_start3A_2156, %dma_start3A_2162] : memref<2x26x128xi32, #tpu.memory_space<vmem>> -> memref<1x1x128xi32, #tpu.memory_space<vmem>>
      %dma_start3A_2164 = tpu.memref_squeeze %dma_start3A_2163 : memref<1x1x128xi32, #tpu.memory_space<vmem>> -> memref<128xi32, #tpu.memory_space<vmem>>
      %dma_start3A_2165 = arith.constant 0 : i32
      %dma_start3A_2166 = arith.constant 0 : i32
      %dma_start3A_2167 = tpu.memref_slice %arg3[%dma_start3A_2165, %dma_start3A_2166] : memref<1000000x64xf32, #tpu.memory_space<hbm>> -> memref<1000000x64xf32, #tpu.memory_space<hbm>>
      tpu.enqueue_indirect_dma source(%dma_start3A_2167 : memref<1000000x64xf32, #tpu.memory_space<hbm>>) target(%dma_start3A_2161 : memref<128x64xf32, #tpu.memory_space<vmem>>) offsets(%dma_start3A_2164 : memref<128xi32, #tpu.memory_space<vmem>>) semaphore(%arg7 : memref<!tpu.dma_semaphore, #tpu.memory_space<semaphore_mem>>) {add = true}
      %dma_start3A_2168 = arith.constant 0 : i32
      %dma_start3A_2169 = arith.constant 6 : i32
      %dma_start3A_2170 = arith.constant 0 : i32
      %dma_start3A_2171 = arith.constant 0 : i32
      %dma_start3A_2172 = arith.constant 0 : i32
      %dma_start3A_2173 = tpu.memref_slice %arg6[%dma_start3A_2170, %dma_start3A_2171, %dma_start3A_2172] : memref<2x128x64xf32, #tpu.memory_space<vmem>> -> memref<1x128x64xf32, #tpu.memory_space<vmem>>
      %dma_start3A_2174 = tpu.memref_squeeze %dma_start3A_2173 : memref<1x128x64xf32, #tpu.memory_space<vmem>> -> memref<128x64xf32, #tpu.memory_space<vmem>>
      %dma_start3A_2175 = arith.constant 0 : i32
      %dma_start3A_2176 = tpu.memref_slice %arg5[%dma_start3A_2168, %dma_start3A_2169, %dma_start3A_2175] : memref<2x26x128xi32, #tpu.memory_space<vmem>> -> memref<1x1x128xi32, #tpu.memory_space<vmem>>
      %dma_start3A_2177 = tpu.memref_squeeze %dma_start3A_2176 : memref<1x1x128xi32, #tpu.memory_space<vmem>> -> memref<128xi32, #tpu.memory_space<vmem>>
      %dma_start3A_2178 = arith.constant 0 : i32
      %dma_start3A_2179 = arith.constant 0 : i32
      %dma_start3A_2180 = tpu.memref_slice %arg3[%dma_start3A_2178, %dma_start3A_2179] : memref<1000000x64xf32, #tpu.memory_space<hbm>> -> memref<1000000x64xf32, #tpu.memory_space<hbm>>
      tpu.enqueue_indirect_dma source(%dma_start3A_2180 : memref<1000000x64xf32, #tpu.memory_space<hbm>>) target(%dma_start3A_2174 : memref<128x64xf32, #tpu.memory_space<vmem>>) offsets(%dma_start3A_2177 : memref<128xi32, #tpu.memory_space<vmem>>) semaphore(%arg7 : memref<!tpu.dma_semaphore, #tpu.memory_space<semaphore_mem>>) {add = true}
      %dma_start3A_2181 = arith.constant 0 : i32
      %dma_start3A_2182 = arith.constant 7 : i32
      %dma_start3A_2183 = arith.constant 0 : i32
      %dma_start3A_2184 = arith.constant 0 : i32
      %dma_start3A_2185 = arith.constant 0 : i32
      %dma_start3A_2186 = tpu.memref_slice %arg6[%dma_start3A_2183, %dma_start3A_2184, %dma_start3A_2185] : memref<2x128x64xf32, #tpu.memory_space<vmem>> -> memref<1x128x64xf32, #tpu.memory_space<vmem>>
      %dma_start3A_2187 = tpu.memref_squeeze %dma_start3A_2186 : memref<1x128x64xf32, #tpu.memory_space<vmem>> -> memref<128x64xf32, #tpu.memory_space<vmem>>
      %dma_start3A_2188 = arith.constant 0 : i32
      %dma_start3A_2189 = tpu.memref_slice %arg5[%dma_start3A_2181, %dma_start3A_2182, %dma_start3A_2188] : memref<2x26x128xi32, #tpu.memory_space<vmem>> -> memref<1x1x128xi32, #tpu.memory_space<vmem>>
      %dma_start3A_2190 = tpu.memref_squeeze %dma_start3A_2189 : memref<1x1x128xi32, #tpu.memory_space<vmem>> -> memref<128xi32, #tpu.memory_space<vmem>>
      %dma_start3A_2191 = arith.constant 0 : i32
      %dma_start3A_2192 = arith.constant 0 : i32
      %dma_start3A_2193 = tpu.memref_slice %arg3[%dma_start3A_2191, %dma_start3A_2192] : memref<1000000x64xf32, #tpu.memory_space<hbm>> -> memref<1000000x64xf32, #tpu.memory_space<hbm>>
      tpu.enqueue_indirect_dma source(%dma_start3A_2193 : memref<1000000x64xf32, #tpu.memory_space<hbm>>) target(%dma_start3A_2187 : memref<128x64xf32, #tpu.memory_space<vmem>>) offsets(%dma_start3A_2190 : memref<128xi32, #tpu.memory_space<vmem>>) semaphore(%arg7 : memref<!tpu.dma_semaphore, #tpu.memory_space<semaphore_mem>>) {add = true}
      %dma_start3A_2194 = arith.constant 0 : i32
      %dma_start3A_2195 = arith.constant 8 : i32
      %dma_start3A_2196 = arith.constant 0 : i32
      %dma_start3A_2197 = arith.constant 0 : i32
      %dma_start3A_2198 = arith.constant 0 : i32
      %dma_start3A_2199 = tpu.memref_slice %arg6[%dma_start3A_2196, %dma_start3A_2197, %dma_start3A_2198] : memref<2x128x64xf32, #tpu.memory_space<vmem>> -> memref<1x128x64xf32, #tpu.memory_space<vmem>>
      %dma_start3A_2200 = tpu.memref_squeeze %dma_start3A_2199 : memref<1x128x64xf32, #tpu.memory_space<vmem>> -> memref<128x64xf32, #tpu.memory_space<vmem>>
      %dma_start3A_2201 = arith.constant 0 : i32
      %dma_start3A_2202 = tpu.memref_slice %arg5[%dma_start3A_2194, %dma_start3A_2195, %dma_start3A_2201] : memref<2x26x128xi32, #tpu.memory_space<vmem>> -> memref<1x1x128xi32, #tpu.memory_space<vmem>>
      %dma_start3A_2203 = tpu.memref_squeeze %dma_start3A_2202 : memref<1x1x128xi32, #tpu.memory_space<vmem>> -> memref<128xi32, #tpu.memory_space<vmem>>
      %dma_start3A_2204 = arith.constant 0 : i32
      %dma_start3A_2205 = arith.constant 0 : i32
      %dma_start3A_2206 = tpu.memref_slice %arg3[%dma_start3A_2204, %dma_start3A_2205] : memref<1000000x64xf32, #tpu.memory_space<hbm>> -> memref<1000000x64xf32, #tpu.memory_space<hbm>>
      tpu.enqueue_indirect_dma source(%dma_start3A_2206 : memref<1000000x64xf32, #tpu.memory_space<hbm>>) target(%dma_start3A_2200 : memref<128x64xf32, #tpu.memory_space<vmem>>) offsets(%dma_start3A_2203 : memref<128xi32, #tpu.memory_space<vmem>>) semaphore(%arg7 : memref<!tpu.dma_semaphore, #tpu.memory_space<semaphore_mem>>) {add = true}
      %dma_start3A_2207 = arith.constant 0 : i32
      %dma_start3A_2208 = arith.constant 9 : i32
      %dma_start3A_2209 = arith.constant 0 : i32
      %dma_start3A_2210 = arith.constant 0 : i32
      %dma_start3A_2211 = arith.constant 0 : i32
      %dma_start3A_2212 = tpu.memref_slice %arg6[%dma_start3A_2209, %dma_start3A_2210, %dma_start3A_2211] : memref<2x128x64xf32, #tpu.memory_space<vmem>> -> memref<1x128x64xf32, #tpu.memory_space<vmem>>
      %dma_start3A_2213 = tpu.memref_squeeze %dma_start3A_2212 : memref<1x128x64xf32, #tpu.memory_space<vmem>> -> memref<128x64xf32, #tpu.memory_space<vmem>>
      %dma_start3A_2214 = arith.constant 0 : i32
      %dma_start3A_2215 = tpu.memref_slice %arg5[%dma_start3A_2207, %dma_start3A_2208, %dma_start3A_2214] : memref<2x26x128xi32, #tpu.memory_space<vmem>> -> memref<1x1x128xi32, #tpu.memory_space<vmem>>
      %dma_start3A_2216 = tpu.memref_squeeze %dma_start3A_2215 : memref<1x1x128xi32, #tpu.memory_space<vmem>> -> memref<128xi32, #tpu.memory_space<vmem>>
      %dma_start3A_2217 = arith.constant 0 : i32
      %dma_start3A_2218 = arith.constant 0 : i32
      %dma_start3A_2219 = tpu.memref_slice %arg3[%dma_start3A_2217, %dma_start3A_2218] : memref<1000000x64xf32, #tpu.memory_space<hbm>> -> memref<1000000x64xf32, #tpu.memory_space<hbm>>
      tpu.enqueue_indirect_dma source(%dma_start3A_2219 : memref<1000000x64xf32, #tpu.memory_space<hbm>>) target(%dma_start3A_2213 : memref<128x64xf32, #tpu.memory_space<vmem>>) offsets(%dma_start3A_2216 : memref<128xi32, #tpu.memory_space<vmem>>) semaphore(%arg7 : memref<!tpu.dma_semaphore, #tpu.memory_space<semaphore_mem>>) {add = true}
      %dma_start3A_2220 = arith.constant 0 : i32
      %dma_start3A_2221 = arith.constant 10 : i32
      %dma_start3A_2222 = arith.constant 0 : i32
      %dma_start3A_2223 = arith.constant 0 : i32
      %dma_start3A_2224 = arith.constant 0 : i32
      %dma_start3A_2225 = tpu.memref_slice %arg6[%dma_start3A_2222, %dma_start3A_2223, %dma_start3A_2224] : memref<2x128x64xf32, #tpu.memory_space<vmem>> -> memref<1x128x64xf32, #tpu.memory_space<vmem>>
      %dma_start3A_2226 = tpu.memref_squeeze %dma_start3A_2225 : memref<1x128x64xf32, #tpu.memory_space<vmem>> -> memref<128x64xf32, #tpu.memory_space<vmem>>
      %dma_start3A_2227 = arith.constant 0 : i32
      %dma_start3A_2228 = tpu.memref_slice %arg5[%dma_start3A_2220, %dma_start3A_2221, %dma_start3A_2227] : memref<2x26x128xi32, #tpu.memory_space<vmem>> -> memref<1x1x128xi32, #tpu.memory_space<vmem>>
      %dma_start3A_2229 = tpu.memref_squeeze %dma_start3A_2228 : memref<1x1x128xi32, #tpu.memory_space<vmem>> -> memref<128xi32, #tpu.memory_space<vmem>>
      %dma_start3A_2230 = arith.constant 0 : i32
      %dma_start3A_2231 = arith.constant 0 : i32
      %dma_start3A_2232 = tpu.memref_slice %arg3[%dma_start3A_2230, %dma_start3A_2231] : memref<1000000x64xf32, #tpu.memory_space<hbm>> -> memref<1000000x64xf32, #tpu.memory_space<hbm>>
      tpu.enqueue_indirect_dma source(%dma_start3A_2232 : memref<1000000x64xf32, #tpu.memory_space<hbm>>) target(%dma_start3A_2226 : memref<128x64xf32, #tpu.memory_space<vmem>>) offsets(%dma_start3A_2229 : memref<128xi32, #tpu.memory_space<vmem>>) semaphore(%arg7 : memref<!tpu.dma_semaphore, #tpu.memory_space<semaphore_mem>>) {add = true}
      %dma_start3A_2233 = arith.constant 0 : i32
      %dma_start3A_2234 = arith.constant 11 : i32
      %dma_start3A_2235 = arith.constant 0 : i32
      %dma_start3A_2236 = arith.constant 0 : i32
      %dma_start3A_2237 = arith.constant 0 : i32
      %dma_start3A_2238 = tpu.memref_slice %arg6[%dma_start3A_2235, %dma_start3A_2236, %dma_start3A_2237] : memref<2x128x64xf32, #tpu.memory_space<vmem>> -> memref<1x128x64xf32, #tpu.memory_space<vmem>>
      %dma_start3A_2239 = tpu.memref_squeeze %dma_start3A_2238 : memref<1x128x64xf32, #tpu.memory_space<vmem>> -> memref<128x64xf32, #tpu.memory_space<vmem>>
      %dma_start3A_2240 = arith.constant 0 : i32
      %dma_start3A_2241 = tpu.memref_slice %arg5[%dma_start3A_2233, %dma_start3A_2234, %dma_start3A_2240] : memref<2x26x128xi32, #tpu.memory_space<vmem>> -> memref<1x1x128xi32, #tpu.memory_space<vmem>>
      %dma_start3A_2242 = tpu.memref_squeeze %dma_start3A_2241 : memref<1x1x128xi32, #tpu.memory_space<vmem>> -> memref<128xi32, #tpu.memory_space<vmem>>
      %dma_start3A_2243 = arith.constant 0 : i32
      %dma_start3A_2244 = arith.constant 0 : i32
      %dma_start3A_2245 = tpu.memref_slice %arg3[%dma_start3A_2243, %dma_start3A_2244] : memref<1000000x64xf32, #tpu.memory_space<hbm>> -> memref<1000000x64xf32, #tpu.memory_space<hbm>>
      tpu.enqueue_indirect_dma source(%dma_start3A_2245 : memref<1000000x64xf32, #tpu.memory_space<hbm>>) target(%dma_start3A_2239 : memref<128x64xf32, #tpu.memory_space<vmem>>) offsets(%dma_start3A_2242 : memref<128xi32, #tpu.memory_space<vmem>>) semaphore(%arg7 : memref<!tpu.dma_semaphore, #tpu.memory_space<semaphore_mem>>) {add = true}
      %dma_start3A_2246 = arith.constant 0 : i32
      %dma_start3A_2247 = arith.constant 12 : i32
      %dma_start3A_2248 = arith.constant 0 : i32
      %dma_start3A_2249 = arith.constant 0 : i32
      %dma_start3A_2250 = arith.constant 0 : i32
      %dma_start3A_2251 = tpu.memref_slice %arg6[%dma_start3A_2248, %dma_start3A_2249, %dma_start3A_2250] : memref<2x128x64xf32, #tpu.memory_space<vmem>> -> memref<1x128x64xf32, #tpu.memory_space<vmem>>
      %dma_start3A_2252 = tpu.memref_squeeze %dma_start3A_2251 : memref<1x128x64xf32, #tpu.memory_space<vmem>> -> memref<128x64xf32, #tpu.memory_space<vmem>>
      %dma_start3A_2253 = arith.constant 0 : i32
      %dma_start3A_2254 = tpu.memref_slice %arg5[%dma_start3A_2246, %dma_start3A_2247, %dma_start3A_2253] : memref<2x26x128xi32, #tpu.memory_space<vmem>> -> memref<1x1x128xi32, #tpu.memory_space<vmem>>
      %dma_start3A_2255 = tpu.memref_squeeze %dma_start3A_2254 : memref<1x1x128xi32, #tpu.memory_space<vmem>> -> memref<128xi32, #tpu.memory_space<vmem>>
      %dma_start3A_2256 = arith.constant 0 : i32
      %dma_start3A_2257 = arith.constant 0 : i32
      %dma_start3A_2258 = tpu.memref_slice %arg3[%dma_start3A_2256, %dma_start3A_2257] : memref<1000000x64xf32, #tpu.memory_space<hbm>> -> memref<1000000x64xf32, #tpu.memory_space<hbm>>
      tpu.enqueue_indirect_dma source(%dma_start3A_2258 : memref<1000000x64xf32, #tpu.memory_space<hbm>>) target(%dma_start3A_2252 : memref<128x64xf32, #tpu.memory_space<vmem>>) offsets(%dma_start3A_2255 : memref<128xi32, #tpu.memory_space<vmem>>) semaphore(%arg7 : memref<!tpu.dma_semaphore, #tpu.memory_space<semaphore_mem>>) {add = true}
      %dma_start3A_2259 = arith.constant 0 : i32
      %dma_start3A_2260 = arith.constant 13 : i32
      %dma_start3A_2261 = arith.constant 0 : i32
      %dma_start3A_2262 = arith.constant 0 : i32
      %dma_start3A_2263 = arith.constant 0 : i32
      %dma_start3A_2264 = tpu.memref_slice %arg6[%dma_start3A_2261, %dma_start3A_2262, %dma_start3A_2263] : memref<2x128x64xf32, #tpu.memory_space<vmem>> -> memref<1x128x64xf32, #tpu.memory_space<vmem>>
      %dma_start3A_2265 = tpu.memref_squeeze %dma_start3A_2264 : memref<1x128x64xf32, #tpu.memory_space<vmem>> -> memref<128x64xf32, #tpu.memory_space<vmem>>
      %dma_start3A_2266 = arith.constant 0 : i32
      %dma_start3A_2267 = tpu.memref_slice %arg5[%dma_start3A_2259, %dma_start3A_2260, %dma_start3A_2266] : memref<2x26x128xi32, #tpu.memory_space<vmem>> -> memref<1x1x128xi32, #tpu.memory_space<vmem>>
      %dma_start3A_2268 = tpu.memref_squeeze %dma_start3A_2267 : memref<1x1x128xi32, #tpu.memory_space<vmem>> -> memref<128xi32, #tpu.memory_space<vmem>>
      %dma_start3A_2269 = arith.constant 0 : i32
      %dma_start3A_2270 = arith.constant 0 : i32
      %dma_start3A_2271 = tpu.memref_slice %arg3[%dma_start3A_2269, %dma_start3A_2270] : memref<1000000x64xf32, #tpu.memory_space<hbm>> -> memref<1000000x64xf32, #tpu.memory_space<hbm>>
      tpu.enqueue_indirect_dma source(%dma_start3A_2271 : memref<1000000x64xf32, #tpu.memory_space<hbm>>) target(%dma_start3A_2265 : memref<128x64xf32, #tpu.memory_space<vmem>>) offsets(%dma_start3A_2268 : memref<128xi32, #tpu.memory_space<vmem>>) semaphore(%arg7 : memref<!tpu.dma_semaphore, #tpu.memory_space<semaphore_mem>>) {add = true}
      %dma_start3A_2272 = arith.constant 0 : i32
      %dma_start3A_2273 = arith.constant 14 : i32
      %dma_start3A_2274 = arith.constant 0 : i32
      %dma_start3A_2275 = arith.constant 0 : i32
      %dma_start3A_2276 = arith.constant 0 : i32
      %dma_start3A_2277 = tpu.memref_slice %arg6[%dma_start3A_2274, %dma_start3A_2275, %dma_start3A_2276] : memref<2x128x64xf32, #tpu.memory_space<vmem>> -> memref<1x128x64xf32, #tpu.memory_space<vmem>>
      %dma_start3A_2278 = tpu.memref_squeeze %dma_start3A_2277 : memref<1x128x64xf32, #tpu.memory_space<vmem>> -> memref<128x64xf32, #tpu.memory_space<vmem>>
      %dma_start3A_2279 = arith.constant 0 : i32
      %dma_start3A_2280 = tpu.memref_slice %arg5[%dma_start3A_2272, %dma_start3A_2273, %dma_start3A_2279] : memref<2x26x128xi32, #tpu.memory_space<vmem>> -> memref<1x1x128xi32, #tpu.memory_space<vmem>>
      %dma_start3A_2281 = tpu.memref_squeeze %dma_start3A_2280 : memref<1x1x128xi32, #tpu.memory_space<vmem>> -> memref<128xi32, #tpu.memory_space<vmem>>
      %dma_start3A_2282 = arith.constant 0 : i32
      %dma_start3A_2283 = arith.constant 0 : i32
      %dma_start3A_2284 = tpu.memref_slice %arg3[%dma_start3A_2282, %dma_start3A_2283] : memref<1000000x64xf32, #tpu.memory_space<hbm>> -> memref<1000000x64xf32, #tpu.memory_space<hbm>>
      tpu.enqueue_indirect_dma source(%dma_start3A_2284 : memref<1000000x64xf32, #tpu.memory_space<hbm>>) target(%dma_start3A_2278 : memref<128x64xf32, #tpu.memory_space<vmem>>) offsets(%dma_start3A_2281 : memref<128xi32, #tpu.memory_space<vmem>>) semaphore(%arg7 : memref<!tpu.dma_semaphore, #tpu.memory_space<semaphore_mem>>) {add = true}
      %dma_start3A_2285 = arith.constant 0 : i32
      %dma_start3A_2286 = arith.constant 15 : i32
      %dma_start3A_2287 = arith.constant 0 : i32
      %dma_start3A_2288 = arith.constant 0 : i32
      %dma_start3A_2289 = arith.constant 0 : i32
      %dma_start3A_2290 = tpu.memref_slice %arg6[%dma_start3A_2287, %dma_start3A_2288, %dma_start3A_2289] : memref<2x128x64xf32, #tpu.memory_space<vmem>> -> memref<1x128x64xf32, #tpu.memory_space<vmem>>
      %dma_start3A_2291 = tpu.memref_squeeze %dma_start3A_2290 : memref<1x128x64xf32, #tpu.memory_space<vmem>> -> memref<128x64xf32, #tpu.memory_space<vmem>>
      %dma_start3A_2292 = arith.constant 0 : i32
      %dma_start3A_2293 = tpu.memref_slice %arg5[%dma_start3A_2285, %dma_start3A_2286, %dma_start3A_2292] : memref<2x26x128xi32, #tpu.memory_space<vmem>> -> memref<1x1x128xi32, #tpu.memory_space<vmem>>
      %dma_start3A_2294 = tpu.memref_squeeze %dma_start3A_2293 : memref<1x1x128xi32, #tpu.memory_space<vmem>> -> memref<128xi32, #tpu.memory_space<vmem>>
      %dma_start3A_2295 = arith.constant 0 : i32
      %dma_start3A_2296 = arith.constant 0 : i32
      %dma_start3A_2297 = tpu.memref_slice %arg3[%dma_start3A_2295, %dma_start3A_2296] : memref<1000000x64xf32, #tpu.memory_space<hbm>> -> memref<1000000x64xf32, #tpu.memory_space<hbm>>
      tpu.enqueue_indirect_dma source(%dma_start3A_2297 : memref<1000000x64xf32, #tpu.memory_space<hbm>>) target(%dma_start3A_2291 : memref<128x64xf32, #tpu.memory_space<vmem>>) offsets(%dma_start3A_2294 : memref<128xi32, #tpu.memory_space<vmem>>) semaphore(%arg7 : memref<!tpu.dma_semaphore, #tpu.memory_space<semaphore_mem>>) {add = true}
      %dma_start3A_2298 = arith.constant 0 : i32
      %dma_start3A_2299 = arith.constant 16 : i32
      %dma_start3A_2300 = arith.constant 0 : i32
      %dma_start3A_2301 = arith.constant 0 : i32
      %dma_start3A_2302 = arith.constant 0 : i32
      %dma_start3A_2303 = tpu.memref_slice %arg6[%dma_start3A_2300, %dma_start3A_2301, %dma_start3A_2302] : memref<2x128x64xf32, #tpu.memory_space<vmem>> -> memref<1x128x64xf32, #tpu.memory_space<vmem>>
      %dma_start3A_2304 = tpu.memref_squeeze %dma_start3A_2303 : memref<1x128x64xf32, #tpu.memory_space<vmem>> -> memref<128x64xf32, #tpu.memory_space<vmem>>
      %dma_start3A_2305 = arith.constant 0 : i32
      %dma_start3A_2306 = tpu.memref_slice %arg5[%dma_start3A_2298, %dma_start3A_2299, %dma_start3A_2305] : memref<2x26x128xi32, #tpu.memory_space<vmem>> -> memref<1x1x128xi32, #tpu.memory_space<vmem>>
      %dma_start3A_2307 = tpu.memref_squeeze %dma_start3A_2306 : memref<1x1x128xi32, #tpu.memory_space<vmem>> -> memref<128xi32, #tpu.memory_space<vmem>>
      %dma_start3A_2308 = arith.constant 0 : i32
      %dma_start3A_2309 = arith.constant 0 : i32
      %dma_start3A_2310 = tpu.memref_slice %arg3[%dma_start3A_2308, %dma_start3A_2309] : memref<1000000x64xf32, #tpu.memory_space<hbm>> -> memref<1000000x64xf32, #tpu.memory_space<hbm>>
      tpu.enqueue_indirect_dma source(%dma_start3A_2310 : memref<1000000x64xf32, #tpu.memory_space<hbm>>) target(%dma_start3A_2304 : memref<128x64xf32, #tpu.memory_space<vmem>>) offsets(%dma_start3A_2307 : memref<128xi32, #tpu.memory_space<vmem>>) semaphore(%arg7 : memref<!tpu.dma_semaphore, #tpu.memory_space<semaphore_mem>>) {add = true}
      %dma_start3A_2311 = arith.constant 0 : i32
      %dma_start3A_2312 = arith.constant 17 : i32
      %dma_start3A_2313 = arith.constant 0 : i32
      %dma_start3A_2314 = arith.constant 0 : i32
      %dma_start3A_2315 = arith.constant 0 : i32
      %dma_start3A_2316 = tpu.memref_slice %arg6[%dma_start3A_2313, %dma_start3A_2314, %dma_start3A_2315] : memref<2x128x64xf32, #tpu.memory_space<vmem>> -> memref<1x128x64xf32, #tpu.memory_space<vmem>>
      %dma_start3A_2317 = tpu.memref_squeeze %dma_start3A_2316 : memref<1x128x64xf32, #tpu.memory_space<vmem>> -> memref<128x64xf32, #tpu.memory_space<vmem>>
      %dma_start3A_2318 = arith.constant 0 : i32
      %dma_start3A_2319 = tpu.memref_slice %arg5[%dma_start3A_2311, %dma_start3A_2312, %dma_start3A_2318] : memref<2x26x128xi32, #tpu.memory_space<vmem>> -> memref<1x1x128xi32, #tpu.memory_space<vmem>>
      %dma_start3A_2320 = tpu.memref_squeeze %dma_start3A_2319 : memref<1x1x128xi32, #tpu.memory_space<vmem>> -> memref<128xi32, #tpu.memory_space<vmem>>
      %dma_start3A_2321 = arith.constant 0 : i32
      %dma_start3A_2322 = arith.constant 0 : i32
      %dma_start3A_2323 = tpu.memref_slice %arg3[%dma_start3A_2321, %dma_start3A_2322] : memref<1000000x64xf32, #tpu.memory_space<hbm>> -> memref<1000000x64xf32, #tpu.memory_space<hbm>>
      tpu.enqueue_indirect_dma source(%dma_start3A_2323 : memref<1000000x64xf32, #tpu.memory_space<hbm>>) target(%dma_start3A_2317 : memref<128x64xf32, #tpu.memory_space<vmem>>) offsets(%dma_start3A_2320 : memref<128xi32, #tpu.memory_space<vmem>>) semaphore(%arg7 : memref<!tpu.dma_semaphore, #tpu.memory_space<semaphore_mem>>) {add = true}
      %dma_start3A_2324 = arith.constant 0 : i32
      %dma_start3A_2325 = arith.constant 18 : i32
      %dma_start3A_2326 = arith.constant 0 : i32
      %dma_start3A_2327 = arith.constant 0 : i32
      %dma_start3A_2328 = arith.constant 0 : i32
      %dma_start3A_2329 = tpu.memref_slice %arg6[%dma_start3A_2326, %dma_start3A_2327, %dma_start3A_2328] : memref<2x128x64xf32, #tpu.memory_space<vmem>> -> memref<1x128x64xf32, #tpu.memory_space<vmem>>
      %dma_start3A_2330 = tpu.memref_squeeze %dma_start3A_2329 : memref<1x128x64xf32, #tpu.memory_space<vmem>> -> memref<128x64xf32, #tpu.memory_space<vmem>>
      %dma_start3A_2331 = arith.constant 0 : i32
      %dma_start3A_2332 = tpu.memref_slice %arg5[%dma_start3A_2324, %dma_start3A_2325, %dma_start3A_2331] : memref<2x26x128xi32, #tpu.memory_space<vmem>> -> memref<1x1x128xi32, #tpu.memory_space<vmem>>
      %dma_start3A_2333 = tpu.memref_squeeze %dma_start3A_2332 : memref<1x1x128xi32, #tpu.memory_space<vmem>> -> memref<128xi32, #tpu.memory_space<vmem>>
      %dma_start3A_2334 = arith.constant 0 : i32
      %dma_start3A_2335 = arith.constant 0 : i32
      %dma_start3A_2336 = tpu.memref_slice %arg3[%dma_start3A_2334, %dma_start3A_2335] : memref<1000000x64xf32, #tpu.memory_space<hbm>> -> memref<1000000x64xf32, #tpu.memory_space<hbm>>
      tpu.enqueue_indirect_dma source(%dma_start3A_2336 : memref<1000000x64xf32, #tpu.memory_space<hbm>>) target(%dma_start3A_2330 : memref<128x64xf32, #tpu.memory_space<vmem>>) offsets(%dma_start3A_2333 : memref<128xi32, #tpu.memory_space<vmem>>) semaphore(%arg7 : memref<!tpu.dma_semaphore, #tpu.memory_space<semaphore_mem>>) {add = true}
      %dma_start3A_2337 = arith.constant 0 : i32
      %dma_start3A_2338 = arith.constant 19 : i32
      %dma_start3A_2339 = arith.constant 0 : i32
      %dma_start3A_2340 = arith.constant 0 : i32
      %dma_start3A_2341 = arith.constant 0 : i32
      %dma_start3A_2342 = tpu.memref_slice %arg6[%dma_start3A_2339, %dma_start3A_2340, %dma_start3A_2341] : memref<2x128x64xf32, #tpu.memory_space<vmem>> -> memref<1x128x64xf32, #tpu.memory_space<vmem>>
      %dma_start3A_2343 = tpu.memref_squeeze %dma_start3A_2342 : memref<1x128x64xf32, #tpu.memory_space<vmem>> -> memref<128x64xf32, #tpu.memory_space<vmem>>
      %dma_start3A_2344 = arith.constant 0 : i32
      %dma_start3A_2345 = tpu.memref_slice %arg5[%dma_start3A_2337, %dma_start3A_2338, %dma_start3A_2344] : memref<2x26x128xi32, #tpu.memory_space<vmem>> -> memref<1x1x128xi32, #tpu.memory_space<vmem>>
      %dma_start3A_2346 = tpu.memref_squeeze %dma_start3A_2345 : memref<1x1x128xi32, #tpu.memory_space<vmem>> -> memref<128xi32, #tpu.memory_space<vmem>>
      %dma_start3A_2347 = arith.constant 0 : i32
      %dma_start3A_2348 = arith.constant 0 : i32
      %dma_start3A_2349 = tpu.memref_slice %arg3[%dma_start3A_2347, %dma_start3A_2348] : memref<1000000x64xf32, #tpu.memory_space<hbm>> -> memref<1000000x64xf32, #tpu.memory_space<hbm>>
      tpu.enqueue_indirect_dma source(%dma_start3A_2349 : memref<1000000x64xf32, #tpu.memory_space<hbm>>) target(%dma_start3A_2343 : memref<128x64xf32, #tpu.memory_space<vmem>>) offsets(%dma_start3A_2346 : memref<128xi32, #tpu.memory_space<vmem>>) semaphore(%arg7 : memref<!tpu.dma_semaphore, #tpu.memory_space<semaphore_mem>>) {add = true}
      %dma_start3A_2350 = arith.constant 0 : i32
      %dma_start3A_2351 = arith.constant 20 : i32
      %dma_start3A_2352 = arith.constant 0 : i32
      %dma_start3A_2353 = arith.constant 0 : i32
      %dma_start3A_2354 = arith.constant 0 : i32
      %dma_start3A_2355 = tpu.memref_slice %arg6[%dma_start3A_2352, %dma_start3A_2353, %dma_start3A_2354] : memref<2x128x64xf32, #tpu.memory_space<vmem>> -> memref<1x128x64xf32, #tpu.memory_space<vmem>>
      %dma_start3A_2356 = tpu.memref_squeeze %dma_start3A_2355 : memref<1x128x64xf32, #tpu.memory_space<vmem>> -> memref<128x64xf32, #tpu.memory_space<vmem>>
      %dma_start3A_2357 = arith.constant 0 : i32
      %dma_start3A_2358 = tpu.memref_slice %arg5[%dma_start3A_2350, %dma_start3A_2351, %dma_start3A_2357] : memref<2x26x128xi32, #tpu.memory_space<vmem>> -> memref<1x1x128xi32, #tpu.memory_space<vmem>>
      %dma_start3A_2359 = tpu.memref_squeeze %dma_start3A_2358 : memref<1x1x128xi32, #tpu.memory_space<vmem>> -> memref<128xi32, #tpu.memory_space<vmem>>
      %dma_start3A_2360 = arith.constant 0 : i32
      %dma_start3A_2361 = arith.constant 0 : i32
      %dma_start3A_2362 = tpu.memref_slice %arg3[%dma_start3A_2360, %dma_start3A_2361] : memref<1000000x64xf32, #tpu.memory_space<hbm>> -> memref<1000000x64xf32, #tpu.memory_space<hbm>>
      tpu.enqueue_indirect_dma source(%dma_start3A_2362 : memref<1000000x64xf32, #tpu.memory_space<hbm>>) target(%dma_start3A_2356 : memref<128x64xf32, #tpu.memory_space<vmem>>) offsets(%dma_start3A_2359 : memref<128xi32, #tpu.memory_space<vmem>>) semaphore(%arg7 : memref<!tpu.dma_semaphore, #tpu.memory_space<semaphore_mem>>) {add = true}
      %dma_start3A_2363 = arith.constant 0 : i32
      %dma_start3A_2364 = arith.constant 21 : i32
      %dma_start3A_2365 = arith.constant 0 : i32
      %dma_start3A_2366 = arith.constant 0 : i32
      %dma_start3A_2367 = arith.constant 0 : i32
      %dma_start3A_2368 = tpu.memref_slice %arg6[%dma_start3A_2365, %dma_start3A_2366, %dma_start3A_2367] : memref<2x128x64xf32, #tpu.memory_space<vmem>> -> memref<1x128x64xf32, #tpu.memory_space<vmem>>
      %dma_start3A_2369 = tpu.memref_squeeze %dma_start3A_2368 : memref<1x128x64xf32, #tpu.memory_space<vmem>> -> memref<128x64xf32, #tpu.memory_space<vmem>>
      %dma_start3A_2370 = arith.constant 0 : i32
      %dma_start3A_2371 = tpu.memref_slice %arg5[%dma_start3A_2363, %dma_start3A_2364, %dma_start3A_2370] : memref<2x26x128xi32, #tpu.memory_space<vmem>> -> memref<1x1x128xi32, #tpu.memory_space<vmem>>
      %dma_start3A_2372 = tpu.memref_squeeze %dma_start3A_2371 : memref<1x1x128xi32, #tpu.memory_space<vmem>> -> memref<128xi32, #tpu.memory_space<vmem>>
      %dma_start3A_2373 = arith.constant 0 : i32
      %dma_start3A_2374 = arith.constant 0 : i32
      %dma_start3A_2375 = tpu.memref_slice %arg3[%dma_start3A_2373, %dma_start3A_2374] : memref<1000000x64xf32, #tpu.memory_space<hbm>> -> memref<1000000x64xf32, #tpu.memory_space<hbm>>
      tpu.enqueue_indirect_dma source(%dma_start3A_2375 : memref<1000000x64xf32, #tpu.memory_space<hbm>>) target(%dma_start3A_2369 : memref<128x64xf32, #tpu.memory_space<vmem>>) offsets(%dma_start3A_2372 : memref<128xi32, #tpu.memory_space<vmem>>) semaphore(%arg7 : memref<!tpu.dma_semaphore, #tpu.memory_space<semaphore_mem>>) {add = true}
      %dma_start3A_2376 = arith.constant 0 : i32
      %dma_start3A_2377 = arith.constant 22 : i32
      %dma_start3A_2378 = arith.constant 0 : i32
      %dma_start3A_2379 = arith.constant 0 : i32
      %dma_start3A_2380 = arith.constant 0 : i32
      %dma_start3A_2381 = tpu.memref_slice %arg6[%dma_start3A_2378, %dma_start3A_2379, %dma_start3A_2380] : memref<2x128x64xf32, #tpu.memory_space<vmem>> -> memref<1x128x64xf32, #tpu.memory_space<vmem>>
      %dma_start3A_2382 = tpu.memref_squeeze %dma_start3A_2381 : memref<1x128x64xf32, #tpu.memory_space<vmem>> -> memref<128x64xf32, #tpu.memory_space<vmem>>
      %dma_start3A_2383 = arith.constant 0 : i32
      %dma_start3A_2384 = tpu.memref_slice %arg5[%dma_start3A_2376, %dma_start3A_2377, %dma_start3A_2383] : memref<2x26x128xi32, #tpu.memory_space<vmem>> -> memref<1x1x128xi32, #tpu.memory_space<vmem>>
      %dma_start3A_2385 = tpu.memref_squeeze %dma_start3A_2384 : memref<1x1x128xi32, #tpu.memory_space<vmem>> -> memref<128xi32, #tpu.memory_space<vmem>>
      %dma_start3A_2386 = arith.constant 0 : i32
      %dma_start3A_2387 = arith.constant 0 : i32
      %dma_start3A_2388 = tpu.memref_slice %arg3[%dma_start3A_2386, %dma_start3A_2387] : memref<1000000x64xf32, #tpu.memory_space<hbm>> -> memref<1000000x64xf32, #tpu.memory_space<hbm>>
      tpu.enqueue_indirect_dma source(%dma_start3A_2388 : memref<1000000x64xf32, #tpu.memory_space<hbm>>) target(%dma_start3A_2382 : memref<128x64xf32, #tpu.memory_space<vmem>>) offsets(%dma_start3A_2385 : memref<128xi32, #tpu.memory_space<vmem>>) semaphore(%arg7 : memref<!tpu.dma_semaphore, #tpu.memory_space<semaphore_mem>>) {add = true}
      %dma_start3A_2389 = arith.constant 0 : i32
      %dma_start3A_2390 = arith.constant 23 : i32
      %dma_start3A_2391 = arith.constant 0 : i32
      %dma_start3A_2392 = arith.constant 0 : i32
      %dma_start3A_2393 = arith.constant 0 : i32
      %dma_start3A_2394 = tpu.memref_slice %arg6[%dma_start3A_2391, %dma_start3A_2392, %dma_start3A_2393] : memref<2x128x64xf32, #tpu.memory_space<vmem>> -> memref<1x128x64xf32, #tpu.memory_space<vmem>>
      %dma_start3A_2395 = tpu.memref_squeeze %dma_start3A_2394 : memref<1x128x64xf32, #tpu.memory_space<vmem>> -> memref<128x64xf32, #tpu.memory_space<vmem>>
      %dma_start3A_2396 = arith.constant 0 : i32
      %dma_start3A_2397 = tpu.memref_slice %arg5[%dma_start3A_2389, %dma_start3A_2390, %dma_start3A_2396] : memref<2x26x128xi32, #tpu.memory_space<vmem>> -> memref<1x1x128xi32, #tpu.memory_space<vmem>>
      %dma_start3A_2398 = tpu.memref_squeeze %dma_start3A_2397 : memref<1x1x128xi32, #tpu.memory_space<vmem>> -> memref<128xi32, #tpu.memory_space<vmem>>
      %dma_start3A_2399 = arith.constant 0 : i32
      %dma_start3A_2400 = arith.constant 0 : i32
      %dma_start3A_2401 = tpu.memref_slice %arg3[%dma_start3A_2399, %dma_start3A_2400] : memref<1000000x64xf32, #tpu.memory_space<hbm>> -> memref<1000000x64xf32, #tpu.memory_space<hbm>>
      tpu.enqueue_indirect_dma source(%dma_start3A_2401 : memref<1000000x64xf32, #tpu.memory_space<hbm>>) target(%dma_start3A_2395 : memref<128x64xf32, #tpu.memory_space<vmem>>) offsets(%dma_start3A_2398 : memref<128xi32, #tpu.memory_space<vmem>>) semaphore(%arg7 : memref<!tpu.dma_semaphore, #tpu.memory_space<semaphore_mem>>) {add = true}
      %dma_start3A_2402 = arith.constant 0 : i32
      %dma_start3A_2403 = arith.constant 24 : i32
      %dma_start3A_2404 = arith.constant 0 : i32
      %dma_start3A_2405 = arith.constant 0 : i32
      %dma_start3A_2406 = arith.constant 0 : i32
      %dma_start3A_2407 = tpu.memref_slice %arg6[%dma_start3A_2404, %dma_start3A_2405, %dma_start3A_2406] : memref<2x128x64xf32, #tpu.memory_space<vmem>> -> memref<1x128x64xf32, #tpu.memory_space<vmem>>
      %dma_start3A_2408 = tpu.memref_squeeze %dma_start3A_2407 : memref<1x128x64xf32, #tpu.memory_space<vmem>> -> memref<128x64xf32, #tpu.memory_space<vmem>>
      %dma_start3A_2409 = arith.constant 0 : i32
      %dma_start3A_2410 = tpu.memref_slice %arg5[%dma_start3A_2402, %dma_start3A_2403, %dma_start3A_2409] : memref<2x26x128xi32, #tpu.memory_space<vmem>> -> memref<1x1x128xi32, #tpu.memory_space<vmem>>
      %dma_start3A_2411 = tpu.memref_squeeze %dma_start3A_2410 : memref<1x1x128xi32, #tpu.memory_space<vmem>> -> memref<128xi32, #tpu.memory_space<vmem>>
      %dma_start3A_2412 = arith.constant 0 : i32
      %dma_start3A_2413 = arith.constant 0 : i32
      %dma_start3A_2414 = tpu.memref_slice %arg3[%dma_start3A_2412, %dma_start3A_2413] : memref<1000000x64xf32, #tpu.memory_space<hbm>> -> memref<1000000x64xf32, #tpu.memory_space<hbm>>
      tpu.enqueue_indirect_dma source(%dma_start3A_2414 : memref<1000000x64xf32, #tpu.memory_space<hbm>>) target(%dma_start3A_2408 : memref<128x64xf32, #tpu.memory_space<vmem>>) offsets(%dma_start3A_2411 : memref<128xi32, #tpu.memory_space<vmem>>) semaphore(%arg7 : memref<!tpu.dma_semaphore, #tpu.memory_space<semaphore_mem>>) {add = true}
      %dma_start3A_2415 = arith.constant 0 : i32
      %dma_start3A_2416 = arith.constant 25 : i32
      %dma_start3A_2417 = arith.constant 0 : i32
      %dma_start3A_2418 = arith.constant 0 : i32
      %dma_start3A_2419 = arith.constant 0 : i32
      %dma_start3A_2420 = tpu.memref_slice %arg6[%dma_start3A_2417, %dma_start3A_2418, %dma_start3A_2419] : memref<2x128x64xf32, #tpu.memory_space<vmem>> -> memref<1x128x64xf32, #tpu.memory_space<vmem>>
      %dma_start3A_2421 = tpu.memref_squeeze %dma_start3A_2420 : memref<1x128x64xf32, #tpu.memory_space<vmem>> -> memref<128x64xf32, #tpu.memory_space<vmem>>
      %dma_start3A_2422 = arith.constant 0 : i32
      %dma_start3A_2423 = tpu.memref_slice %arg5[%dma_start3A_2415, %dma_start3A_2416, %dma_start3A_2422] : memref<2x26x128xi32, #tpu.memory_space<vmem>> -> memref<1x1x128xi32, #tpu.memory_space<vmem>>
      %dma_start3A_2424 = tpu.memref_squeeze %dma_start3A_2423 : memref<1x1x128xi32, #tpu.memory_space<vmem>> -> memref<128xi32, #tpu.memory_space<vmem>>
      %dma_start3A_2425 = arith.constant 0 : i32
      %dma_start3A_2426 = arith.constant 0 : i32
      %dma_start3A_2427 = tpu.memref_slice %arg3[%dma_start3A_2425, %dma_start3A_2426] : memref<1000000x64xf32, #tpu.memory_space<hbm>> -> memref<1000000x64xf32, #tpu.memory_space<hbm>>
      tpu.enqueue_indirect_dma source(%dma_start3A_2427 : memref<1000000x64xf32, #tpu.memory_space<hbm>>) target(%dma_start3A_2421 : memref<128x64xf32, #tpu.memory_space<vmem>>) offsets(%dma_start3A_2424 : memref<128xi32, #tpu.memory_space<vmem>>) semaphore(%arg7 : memref<!tpu.dma_semaphore, #tpu.memory_space<semaphore_mem>>) {add = true}
      %dma_wait3A_2428 = arith.constant 1 : i32
      %dma_wait3A_2429 = arith.constant 0 : i32
      %dma_wait3A_2430 = arith.constant 1 : i32
      %dma_wait3A_2431 = arith.constant 0 : i32
      %dma_wait3A_2432 = arith.constant 0 : i32
      %dma_wait3A_2433 = tpu.memref_slice %arg6[%dma_wait3A_2430, %dma_wait3A_2431, %dma_wait3A_2432] : memref<2x128x64xf32, #tpu.memory_space<vmem>> -> memref<1x128x64xf32, #tpu.memory_space<vmem>>
      %dma_wait3A_2434 = tpu.memref_squeeze %dma_wait3A_2433 : memref<1x128x64xf32, #tpu.memory_space<vmem>> -> memref<128x64xf32, #tpu.memory_space<vmem>>
      %dma_wait3A_2435 = arith.constant 0 : i32
      %dma_wait3A_2436 = tpu.memref_slice %arg5[%dma_wait3A_2428, %dma_wait3A_2429, %dma_wait3A_2435] : memref<2x26x128xi32, #tpu.memory_space<vmem>> -> memref<1x1x128xi32, #tpu.memory_space<vmem>>
      %dma_wait3A_2437 = tpu.memref_squeeze %dma_wait3A_2436 : memref<1x1x128xi32, #tpu.memory_space<vmem>> -> memref<128xi32, #tpu.memory_space<vmem>>
      %dma_wait3A_2438 = arith.constant 0 : i32
      %dma_wait3A_2439 = arith.constant 0 : i32
      %dma_wait3A_2440 = tpu.memref_slice %arg3[%dma_wait3A_2438, %dma_wait3A_2439] : memref<1000000x64xf32, #tpu.memory_space<hbm>> -> memref<1000000x64xf32, #tpu.memory_space<hbm>>
      tpu.wait_indirect_dma semaphore(%arg8 : memref<!tpu.dma_semaphore, #tpu.memory_space<semaphore_mem>>) src(%dma_wait3A_2440 : memref<1000000x64xf32, #tpu.memory_space<hbm>>) dst(%dma_wait3A_2434 : memref<128x64xf32, #tpu.memory_space<vmem>>)
      %dma_wait3A_2441 = arith.constant 1 : i32
      %dma_wait3A_2442 = arith.constant 0 : i32
      %dma_wait3A_2443 = arith.constant 1 : i32
      %dma_wait3A_2444 = arith.constant 0 : i32
      %dma_wait3A_2445 = arith.constant 0 : i32
      %dma_wait3A_2446 = tpu.memref_slice %arg6[%dma_wait3A_2443, %dma_wait3A_2444, %dma_wait3A_2445] : memref<2x128x64xf32, #tpu.memory_space<vmem>> -> memref<1x128x64xf32, #tpu.memory_space<vmem>>
      %dma_wait3A_2447 = tpu.memref_squeeze %dma_wait3A_2446 : memref<1x128x64xf32, #tpu.memory_space<vmem>> -> memref<128x64xf32, #tpu.memory_space<vmem>>
      %dma_wait3A_2448 = arith.constant 0 : i32
      %dma_wait3A_2449 = tpu.memref_slice %arg5[%dma_wait3A_2441, %dma_wait3A_2442, %dma_wait3A_2448] : memref<2x26x128xi32, #tpu.memory_space<vmem>> -> memref<1x1x128xi32, #tpu.memory_space<vmem>>
      %dma_wait3A_2450 = tpu.memref_squeeze %dma_wait3A_2449 : memref<1x1x128xi32, #tpu.memory_space<vmem>> -> memref<128xi32, #tpu.memory_space<vmem>>
      %dma_wait3A_2451 = arith.constant 0 : i32
      %dma_wait3A_2452 = arith.constant 0 : i32
      %dma_wait3A_2453 = tpu.memref_slice %arg3[%dma_wait3A_2451, %dma_wait3A_2452] : memref<1000000x64xf32, #tpu.memory_space<hbm>> -> memref<1000000x64xf32, #tpu.memory_space<hbm>>
      tpu.wait_indirect_dma semaphore(%arg8 : memref<!tpu.dma_semaphore, #tpu.memory_space<semaphore_mem>>) src(%dma_wait3A_2453 : memref<1000000x64xf32, #tpu.memory_space<hbm>>) dst(%dma_wait3A_2447 : memref<128x64xf32, #tpu.memory_space<vmem>>)
      %dma_wait3A_2454 = arith.constant 1 : i32
      %dma_wait3A_2455 = arith.constant 0 : i32
      %dma_wait3A_2456 = arith.constant 1 : i32
      %dma_wait3A_2457 = arith.constant 0 : i32
      %dma_wait3A_2458 = arith.constant 0 : i32
      %dma_wait3A_2459 = tpu.memref_slice %arg6[%dma_wait3A_2456, %dma_wait3A_2457, %dma_wait3A_2458] : memref<2x128x64xf32, #tpu.memory_space<vmem>> -> memref<1x128x64xf32, #tpu.memory_space<vmem>>
      %dma_wait3A_2460 = tpu.memref_squeeze %dma_wait3A_2459 : memref<1x128x64xf32, #tpu.memory_space<vmem>> -> memref<128x64xf32, #tpu.memory_space<vmem>>
      %dma_wait3A_2461 = arith.constant 0 : i32
      %dma_wait3A_2462 = tpu.memref_slice %arg5[%dma_wait3A_2454, %dma_wait3A_2455, %dma_wait3A_2461] : memref<2x26x128xi32, #tpu.memory_space<vmem>> -> memref<1x1x128xi32, #tpu.memory_space<vmem>>
      %dma_wait3A_2463 = tpu.memref_squeeze %dma_wait3A_2462 : memref<1x1x128xi32, #tpu.memory_space<vmem>> -> memref<128xi32, #tpu.memory_space<vmem>>
      %dma_wait3A_2464 = arith.constant 0 : i32
      %dma_wait3A_2465 = arith.constant 0 : i32
      %dma_wait3A_2466 = tpu.memref_slice %arg3[%dma_wait3A_2464, %dma_wait3A_2465] : memref<1000000x64xf32, #tpu.memory_space<hbm>> -> memref<1000000x64xf32, #tpu.memory_space<hbm>>
      tpu.wait_indirect_dma semaphore(%arg8 : memref<!tpu.dma_semaphore, #tpu.memory_space<semaphore_mem>>) src(%dma_wait3A_2466 : memref<1000000x64xf32, #tpu.memory_space<hbm>>) dst(%dma_wait3A_2460 : memref<128x64xf32, #tpu.memory_space<vmem>>)
      %dma_wait3A_2467 = arith.constant 1 : i32
      %dma_wait3A_2468 = arith.constant 0 : i32
      %dma_wait3A_2469 = arith.constant 1 : i32
      %dma_wait3A_2470 = arith.constant 0 : i32
      %dma_wait3A_2471 = arith.constant 0 : i32
      %dma_wait3A_2472 = tpu.memref_slice %arg6[%dma_wait3A_2469, %dma_wait3A_2470, %dma_wait3A_2471] : memref<2x128x64xf32, #tpu.memory_space<vmem>> -> memref<1x128x64xf32, #tpu.memory_space<vmem>>
      %dma_wait3A_2473 = tpu.memref_squeeze %dma_wait3A_2472 : memref<1x128x64xf32, #tpu.memory_space<vmem>> -> memref<128x64xf32, #tpu.memory_space<vmem>>
      %dma_wait3A_2474 = arith.constant 0 : i32
      %dma_wait3A_2475 = tpu.memref_slice %arg5[%dma_wait3A_2467, %dma_wait3A_2468, %dma_wait3A_2474] : memref<2x26x128xi32, #tpu.memory_space<vmem>> -> memref<1x1x128xi32, #tpu.memory_space<vmem>>
      %dma_wait3A_2476 = tpu.memref_squeeze %dma_wait3A_2475 : memref<1x1x128xi32, #tpu.memory_space<vmem>> -> memref<128xi32, #tpu.memory_space<vmem>>
      %dma_wait3A_2477 = arith.constant 0 : i32
      %dma_wait3A_2478 = arith.constant 0 : i32
      %dma_wait3A_2479 = tpu.memref_slice %arg3[%dma_wait3A_2477, %dma_wait3A_2478] : memref<1000000x64xf32, #tpu.memory_space<hbm>> -> memref<1000000x64xf32, #tpu.memory_space<hbm>>
      tpu.wait_indirect_dma semaphore(%arg8 : memref<!tpu.dma_semaphore, #tpu.memory_space<semaphore_mem>>) src(%dma_wait3A_2479 : memref<1000000x64xf32, #tpu.memory_space<hbm>>) dst(%dma_wait3A_2473 : memref<128x64xf32, #tpu.memory_space<vmem>>)
      %dma_wait3A_2480 = arith.constant 1 : i32
      %dma_wait3A_2481 = arith.constant 0 : i32
      %dma_wait3A_2482 = arith.constant 1 : i32
      %dma_wait3A_2483 = arith.constant 0 : i32
      %dma_wait3A_2484 = arith.constant 0 : i32
      %dma_wait3A_2485 = tpu.memref_slice %arg6[%dma_wait3A_2482, %dma_wait3A_2483, %dma_wait3A_2484] : memref<2x128x64xf32, #tpu.memory_space<vmem>> -> memref<1x128x64xf32, #tpu.memory_space<vmem>>
      %dma_wait3A_2486 = tpu.memref_squeeze %dma_wait3A_2485 : memref<1x128x64xf32, #tpu.memory_space<vmem>> -> memref<128x64xf32, #tpu.memory_space<vmem>>
      %dma_wait3A_2487 = arith.constant 0 : i32
      %dma_wait3A_2488 = tpu.memref_slice %arg5[%dma_wait3A_2480, %dma_wait3A_2481, %dma_wait3A_2487] : memref<2x26x128xi32, #tpu.memory_space<vmem>> -> memref<1x1x128xi32, #tpu.memory_space<vmem>>
      %dma_wait3A_2489 = tpu.memref_squeeze %dma_wait3A_2488 : memref<1x1x128xi32, #tpu.memory_space<vmem>> -> memref<128xi32, #tpu.memory_space<vmem>>
      %dma_wait3A_2490 = arith.constant 0 : i32
      %dma_wait3A_2491 = arith.constant 0 : i32
      %dma_wait3A_2492 = tpu.memref_slice %arg3[%dma_wait3A_2490, %dma_wait3A_2491] : memref<1000000x64xf32, #tpu.memory_space<hbm>> -> memref<1000000x64xf32, #tpu.memory_space<hbm>>
      tpu.wait_indirect_dma semaphore(%arg8 : memref<!tpu.dma_semaphore, #tpu.memory_space<semaphore_mem>>) src(%dma_wait3A_2492 : memref<1000000x64xf32, #tpu.memory_space<hbm>>) dst(%dma_wait3A_2486 : memref<128x64xf32, #tpu.memory_space<vmem>>)
      %dma_wait3A_2493 = arith.constant 1 : i32
      %dma_wait3A_2494 = arith.constant 0 : i32
      %dma_wait3A_2495 = arith.constant 1 : i32
      %dma_wait3A_2496 = arith.constant 0 : i32
      %dma_wait3A_2497 = arith.constant 0 : i32
      %dma_wait3A_2498 = tpu.memref_slice %arg6[%dma_wait3A_2495, %dma_wait3A_2496, %dma_wait3A_2497] : memref<2x128x64xf32, #tpu.memory_space<vmem>> -> memref<1x128x64xf32, #tpu.memory_space<vmem>>
      %dma_wait3A_2499 = tpu.memref_squeeze %dma_wait3A_2498 : memref<1x128x64xf32, #tpu.memory_space<vmem>> -> memref<128x64xf32, #tpu.memory_space<vmem>>
      %dma_wait3A_2500 = arith.constant 0 : i32
      %dma_wait3A_2501 = tpu.memref_slice %arg5[%dma_wait3A_2493, %dma_wait3A_2494, %dma_wait3A_2500] : memref<2x26x128xi32, #tpu.memory_space<vmem>> -> memref<1x1x128xi32, #tpu.memory_space<vmem>>
      %dma_wait3A_2502 = tpu.memref_squeeze %dma_wait3A_2501 : memref<1x1x128xi32, #tpu.memory_space<vmem>> -> memref<128xi32, #tpu.memory_space<vmem>>
      %dma_wait3A_2503 = arith.constant 0 : i32
      %dma_wait3A_2504 = arith.constant 0 : i32
      %dma_wait3A_2505 = tpu.memref_slice %arg3[%dma_wait3A_2503, %dma_wait3A_2504] : memref<1000000x64xf32, #tpu.memory_space<hbm>> -> memref<1000000x64xf32, #tpu.memory_space<hbm>>
      tpu.wait_indirect_dma semaphore(%arg8 : memref<!tpu.dma_semaphore, #tpu.memory_space<semaphore_mem>>) src(%dma_wait3A_2505 : memref<1000000x64xf32, #tpu.memory_space<hbm>>) dst(%dma_wait3A_2499 : memref<128x64xf32, #tpu.memory_space<vmem>>)
      %dma_wait3A_2506 = arith.constant 1 : i32
      %dma_wait3A_2507 = arith.constant 0 : i32
      %dma_wait3A_2508 = arith.constant 1 : i32
      %dma_wait3A_2509 = arith.constant 0 : i32
      %dma_wait3A_2510 = arith.constant 0 : i32
      %dma_wait3A_2511 = tpu.memref_slice %arg6[%dma_wait3A_2508, %dma_wait3A_2509, %dma_wait3A_2510] : memref<2x128x64xf32, #tpu.memory_space<vmem>> -> memref<1x128x64xf32, #tpu.memory_space<vmem>>
      %dma_wait3A_2512 = tpu.memref_squeeze %dma_wait3A_2511 : memref<1x128x64xf32, #tpu.memory_space<vmem>> -> memref<128x64xf32, #tpu.memory_space<vmem>>
      %dma_wait3A_2513 = arith.constant 0 : i32
      %dma_wait3A_2514 = tpu.memref_slice %arg5[%dma_wait3A_2506, %dma_wait3A_2507, %dma_wait3A_2513] : memref<2x26x128xi32, #tpu.memory_space<vmem>> -> memref<1x1x128xi32, #tpu.memory_space<vmem>>
      %dma_wait3A_2515 = tpu.memref_squeeze %dma_wait3A_2514 : memref<1x1x128xi32, #tpu.memory_space<vmem>> -> memref<128xi32, #tpu.memory_space<vmem>>
      %dma_wait3A_2516 = arith.constant 0 : i32
      %dma_wait3A_2517 = arith.constant 0 : i32
      %dma_wait3A_2518 = tpu.memref_slice %arg3[%dma_wait3A_2516, %dma_wait3A_2517] : memref<1000000x64xf32, #tpu.memory_space<hbm>> -> memref<1000000x64xf32, #tpu.memory_space<hbm>>
      tpu.wait_indirect_dma semaphore(%arg8 : memref<!tpu.dma_semaphore, #tpu.memory_space<semaphore_mem>>) src(%dma_wait3A_2518 : memref<1000000x64xf32, #tpu.memory_space<hbm>>) dst(%dma_wait3A_2512 : memref<128x64xf32, #tpu.memory_space<vmem>>)
      %dma_wait3A_2519 = arith.constant 1 : i32
      %dma_wait3A_2520 = arith.constant 0 : i32
      %dma_wait3A_2521 = arith.constant 1 : i32
      %dma_wait3A_2522 = arith.constant 0 : i32
      %dma_wait3A_2523 = arith.constant 0 : i32
      %dma_wait3A_2524 = tpu.memref_slice %arg6[%dma_wait3A_2521, %dma_wait3A_2522, %dma_wait3A_2523] : memref<2x128x64xf32, #tpu.memory_space<vmem>> -> memref<1x128x64xf32, #tpu.memory_space<vmem>>
      %dma_wait3A_2525 = tpu.memref_squeeze %dma_wait3A_2524 : memref<1x128x64xf32, #tpu.memory_space<vmem>> -> memref<128x64xf32, #tpu.memory_space<vmem>>
      %dma_wait3A_2526 = arith.constant 0 : i32
      %dma_wait3A_2527 = tpu.memref_slice %arg5[%dma_wait3A_2519, %dma_wait3A_2520, %dma_wait3A_2526] : memref<2x26x128xi32, #tpu.memory_space<vmem>> -> memref<1x1x128xi32, #tpu.memory_space<vmem>>
      %dma_wait3A_2528 = tpu.memref_squeeze %dma_wait3A_2527 : memref<1x1x128xi32, #tpu.memory_space<vmem>> -> memref<128xi32, #tpu.memory_space<vmem>>
      %dma_wait3A_2529 = arith.constant 0 : i32
      %dma_wait3A_2530 = arith.constant 0 : i32
      %dma_wait3A_2531 = tpu.memref_slice %arg3[%dma_wait3A_2529, %dma_wait3A_2530] : memref<1000000x64xf32, #tpu.memory_space<hbm>> -> memref<1000000x64xf32, #tpu.memory_space<hbm>>
      tpu.wait_indirect_dma semaphore(%arg8 : memref<!tpu.dma_semaphore, #tpu.memory_space<semaphore_mem>>) src(%dma_wait3A_2531 : memref<1000000x64xf32, #tpu.memory_space<hbm>>) dst(%dma_wait3A_2525 : memref<128x64xf32, #tpu.memory_space<vmem>>)
      %dma_wait3A_2532 = arith.constant 1 : i32
      %dma_wait3A_2533 = arith.constant 0 : i32
      %dma_wait3A_2534 = arith.constant 1 : i32
      %dma_wait3A_2535 = arith.constant 0 : i32
      %dma_wait3A_2536 = arith.constant 0 : i32
      %dma_wait3A_2537 = tpu.memref_slice %arg6[%dma_wait3A_2534, %dma_wait3A_2535, %dma_wait3A_2536] : memref<2x128x64xf32, #tpu.memory_space<vmem>> -> memref<1x128x64xf32, #tpu.memory_space<vmem>>
      %dma_wait3A_2538 = tpu.memref_squeeze %dma_wait3A_2537 : memref<1x128x64xf32, #tpu.memory_space<vmem>> -> memref<128x64xf32, #tpu.memory_space<vmem>>
      %dma_wait3A_2539 = arith.constant 0 : i32
      %dma_wait3A_2540 = tpu.memref_slice %arg5[%dma_wait3A_2532, %dma_wait3A_2533, %dma_wait3A_2539] : memref<2x26x128xi32, #tpu.memory_space<vmem>> -> memref<1x1x128xi32, #tpu.memory_space<vmem>>
      %dma_wait3A_2541 = tpu.memref_squeeze %dma_wait3A_2540 : memref<1x1x128xi32, #tpu.memory_space<vmem>> -> memref<128xi32, #tpu.memory_space<vmem>>
      %dma_wait3A_2542 = arith.constant 0 : i32
      %dma_wait3A_2543 = arith.constant 0 : i32
      %dma_wait3A_2544 = tpu.memref_slice %arg3[%dma_wait3A_2542, %dma_wait3A_2543] : memref<1000000x64xf32, #tpu.memory_space<hbm>> -> memref<1000000x64xf32, #tpu.memory_space<hbm>>
      tpu.wait_indirect_dma semaphore(%arg8 : memref<!tpu.dma_semaphore, #tpu.memory_space<semaphore_mem>>) src(%dma_wait3A_2544 : memref<1000000x64xf32, #tpu.memory_space<hbm>>) dst(%dma_wait3A_2538 : memref<128x64xf32, #tpu.memory_space<vmem>>)
      %dma_wait3A_2545 = arith.constant 1 : i32
      %dma_wait3A_2546 = arith.constant 0 : i32
      %dma_wait3A_2547 = arith.constant 1 : i32
      %dma_wait3A_2548 = arith.constant 0 : i32
      %dma_wait3A_2549 = arith.constant 0 : i32
      %dma_wait3A_2550 = tpu.memref_slice %arg6[%dma_wait3A_2547, %dma_wait3A_2548, %dma_wait3A_2549] : memref<2x128x64xf32, #tpu.memory_space<vmem>> -> memref<1x128x64xf32, #tpu.memory_space<vmem>>
      %dma_wait3A_2551 = tpu.memref_squeeze %dma_wait3A_2550 : memref<1x128x64xf32, #tpu.memory_space<vmem>> -> memref<128x64xf32, #tpu.memory_space<vmem>>
      %dma_wait3A_2552 = arith.constant 0 : i32
      %dma_wait3A_2553 = tpu.memref_slice %arg5[%dma_wait3A_2545, %dma_wait3A_2546, %dma_wait3A_2552] : memref<2x26x128xi32, #tpu.memory_space<vmem>> -> memref<1x1x128xi32, #tpu.memory_space<vmem>>
      %dma_wait3A_2554 = tpu.memref_squeeze %dma_wait3A_2553 : memref<1x1x128xi32, #tpu.memory_space<vmem>> -> memref<128xi32, #tpu.memory_space<vmem>>
      %dma_wait3A_2555 = arith.constant 0 : i32
      %dma_wait3A_2556 = arith.constant 0 : i32
      %dma_wait3A_2557 = tpu.memref_slice %arg3[%dma_wait3A_2555, %dma_wait3A_2556] : memref<1000000x64xf32, #tpu.memory_space<hbm>> -> memref<1000000x64xf32, #tpu.memory_space<hbm>>
      tpu.wait_indirect_dma semaphore(%arg8 : memref<!tpu.dma_semaphore, #tpu.memory_space<semaphore_mem>>) src(%dma_wait3A_2557 : memref<1000000x64xf32, #tpu.memory_space<hbm>>) dst(%dma_wait3A_2551 : memref<128x64xf32, #tpu.memory_space<vmem>>)
      %dma_wait3A_2558 = arith.constant 1 : i32
      %dma_wait3A_2559 = arith.constant 0 : i32
      %dma_wait3A_2560 = arith.constant 1 : i32
      %dma_wait3A_2561 = arith.constant 0 : i32
      %dma_wait3A_2562 = arith.constant 0 : i32
      %dma_wait3A_2563 = tpu.memref_slice %arg6[%dma_wait3A_2560, %dma_wait3A_2561, %dma_wait3A_2562] : memref<2x128x64xf32, #tpu.memory_space<vmem>> -> memref<1x128x64xf32, #tpu.memory_space<vmem>>
      %dma_wait3A_2564 = tpu.memref_squeeze %dma_wait3A_2563 : memref<1x128x64xf32, #tpu.memory_space<vmem>> -> memref<128x64xf32, #tpu.memory_space<vmem>>
      %dma_wait3A_2565 = arith.constant 0 : i32
      %dma_wait3A_2566 = tpu.memref_slice %arg5[%dma_wait3A_2558, %dma_wait3A_2559, %dma_wait3A_2565] : memref<2x26x128xi32, #tpu.memory_space<vmem>> -> memref<1x1x128xi32, #tpu.memory_space<vmem>>
      %dma_wait3A_2567 = tpu.memref_squeeze %dma_wait3A_2566 : memref<1x1x128xi32, #tpu.memory_space<vmem>> -> memref<128xi32, #tpu.memory_space<vmem>>
      %dma_wait3A_2568 = arith.constant 0 : i32
      %dma_wait3A_2569 = arith.constant 0 : i32
      %dma_wait3A_2570 = tpu.memref_slice %arg3[%dma_wait3A_2568, %dma_wait3A_2569] : memref<1000000x64xf32, #tpu.memory_space<hbm>> -> memref<1000000x64xf32, #tpu.memory_space<hbm>>
      tpu.wait_indirect_dma semaphore(%arg8 : memref<!tpu.dma_semaphore, #tpu.memory_space<semaphore_mem>>) src(%dma_wait3A_2570 : memref<1000000x64xf32, #tpu.memory_space<hbm>>) dst(%dma_wait3A_2564 : memref<128x64xf32, #tpu.memory_space<vmem>>)
      %dma_wait3A_2571 = arith.constant 1 : i32
      %dma_wait3A_2572 = arith.constant 0 : i32
      %dma_wait3A_2573 = arith.constant 1 : i32
      %dma_wait3A_2574 = arith.constant 0 : i32
      %dma_wait3A_2575 = arith.constant 0 : i32
      %dma_wait3A_2576 = tpu.memref_slice %arg6[%dma_wait3A_2573, %dma_wait3A_2574, %dma_wait3A_2575] : memref<2x128x64xf32, #tpu.memory_space<vmem>> -> memref<1x128x64xf32, #tpu.memory_space<vmem>>
      %dma_wait3A_2577 = tpu.memref_squeeze %dma_wait3A_2576 : memref<1x128x64xf32, #tpu.memory_space<vmem>> -> memref<128x64xf32, #tpu.memory_space<vmem>>
      %dma_wait3A_2578 = arith.constant 0 : i32
      %dma_wait3A_2579 = tpu.memref_slice %arg5[%dma_wait3A_2571, %dma_wait3A_2572, %dma_wait3A_2578] : memref<2x26x128xi32, #tpu.memory_space<vmem>> -> memref<1x1x128xi32, #tpu.memory_space<vmem>>
      %dma_wait3A_2580 = tpu.memref_squeeze %dma_wait3A_2579 : memref<1x1x128xi32, #tpu.memory_space<vmem>> -> memref<128xi32, #tpu.memory_space<vmem>>
      %dma_wait3A_2581 = arith.constant 0 : i32
      %dma_wait3A_2582 = arith.constant 0 : i32
      %dma_wait3A_2583 = tpu.memref_slice %arg3[%dma_wait3A_2581, %dma_wait3A_2582] : memref<1000000x64xf32, #tpu.memory_space<hbm>> -> memref<1000000x64xf32, #tpu.memory_space<hbm>>
      tpu.wait_indirect_dma semaphore(%arg8 : memref<!tpu.dma_semaphore, #tpu.memory_space<semaphore_mem>>) src(%dma_wait3A_2583 : memref<1000000x64xf32, #tpu.memory_space<hbm>>) dst(%dma_wait3A_2577 : memref<128x64xf32, #tpu.memory_space<vmem>>)
      %dma_wait3A_2584 = arith.constant 1 : i32
      %dma_wait3A_2585 = arith.constant 0 : i32
      %dma_wait3A_2586 = arith.constant 1 : i32
      %dma_wait3A_2587 = arith.constant 0 : i32
      %dma_wait3A_2588 = arith.constant 0 : i32
      %dma_wait3A_2589 = tpu.memref_slice %arg6[%dma_wait3A_2586, %dma_wait3A_2587, %dma_wait3A_2588] : memref<2x128x64xf32, #tpu.memory_space<vmem>> -> memref<1x128x64xf32, #tpu.memory_space<vmem>>
      %dma_wait3A_2590 = tpu.memref_squeeze %dma_wait3A_2589 : memref<1x128x64xf32, #tpu.memory_space<vmem>> -> memref<128x64xf32, #tpu.memory_space<vmem>>
      %dma_wait3A_2591 = arith.constant 0 : i32
      %dma_wait3A_2592 = tpu.memref_slice %arg5[%dma_wait3A_2584, %dma_wait3A_2585, %dma_wait3A_2591] : memref<2x26x128xi32, #tpu.memory_space<vmem>> -> memref<1x1x128xi32, #tpu.memory_space<vmem>>
      %dma_wait3A_2593 = tpu.memref_squeeze %dma_wait3A_2592 : memref<1x1x128xi32, #tpu.memory_space<vmem>> -> memref<128xi32, #tpu.memory_space<vmem>>
      %dma_wait3A_2594 = arith.constant 0 : i32
      %dma_wait3A_2595 = arith.constant 0 : i32
      %dma_wait3A_2596 = tpu.memref_slice %arg3[%dma_wait3A_2594, %dma_wait3A_2595] : memref<1000000x64xf32, #tpu.memory_space<hbm>> -> memref<1000000x64xf32, #tpu.memory_space<hbm>>
      tpu.wait_indirect_dma semaphore(%arg8 : memref<!tpu.dma_semaphore, #tpu.memory_space<semaphore_mem>>) src(%dma_wait3A_2596 : memref<1000000x64xf32, #tpu.memory_space<hbm>>) dst(%dma_wait3A_2590 : memref<128x64xf32, #tpu.memory_space<vmem>>)
      %dma_wait3A_2597 = arith.constant 1 : i32
      %dma_wait3A_2598 = arith.constant 0 : i32
      %dma_wait3A_2599 = arith.constant 1 : i32
      %dma_wait3A_2600 = arith.constant 0 : i32
      %dma_wait3A_2601 = arith.constant 0 : i32
      %dma_wait3A_2602 = tpu.memref_slice %arg6[%dma_wait3A_2599, %dma_wait3A_2600, %dma_wait3A_2601] : memref<2x128x64xf32, #tpu.memory_space<vmem>> -> memref<1x128x64xf32, #tpu.memory_space<vmem>>
      %dma_wait3A_2603 = tpu.memref_squeeze %dma_wait3A_2602 : memref<1x128x64xf32, #tpu.memory_space<vmem>> -> memref<128x64xf32, #tpu.memory_space<vmem>>
      %dma_wait3A_2604 = arith.constant 0 : i32
      %dma_wait3A_2605 = tpu.memref_slice %arg5[%dma_wait3A_2597, %dma_wait3A_2598, %dma_wait3A_2604] : memref<2x26x128xi32, #tpu.memory_space<vmem>> -> memref<1x1x128xi32, #tpu.memory_space<vmem>>
      %dma_wait3A_2606 = tpu.memref_squeeze %dma_wait3A_2605 : memref<1x1x128xi32, #tpu.memory_space<vmem>> -> memref<128xi32, #tpu.memory_space<vmem>>
      %dma_wait3A_2607 = arith.constant 0 : i32
      %dma_wait3A_2608 = arith.constant 0 : i32
      %dma_wait3A_2609 = tpu.memref_slice %arg3[%dma_wait3A_2607, %dma_wait3A_2608] : memref<1000000x64xf32, #tpu.memory_space<hbm>> -> memref<1000000x64xf32, #tpu.memory_space<hbm>>
      tpu.wait_indirect_dma semaphore(%arg8 : memref<!tpu.dma_semaphore, #tpu.memory_space<semaphore_mem>>) src(%dma_wait3A_2609 : memref<1000000x64xf32, #tpu.memory_space<hbm>>) dst(%dma_wait3A_2603 : memref<128x64xf32, #tpu.memory_space<vmem>>)
      %dma_wait3A_2610 = arith.constant 1 : i32
      %dma_wait3A_2611 = arith.constant 0 : i32
      %dma_wait3A_2612 = arith.constant 1 : i32
      %dma_wait3A_2613 = arith.constant 0 : i32
      %dma_wait3A_2614 = arith.constant 0 : i32
      %dma_wait3A_2615 = tpu.memref_slice %arg6[%dma_wait3A_2612, %dma_wait3A_2613, %dma_wait3A_2614] : memref<2x128x64xf32, #tpu.memory_space<vmem>> -> memref<1x128x64xf32, #tpu.memory_space<vmem>>
      %dma_wait3A_2616 = tpu.memref_squeeze %dma_wait3A_2615 : memref<1x128x64xf32, #tpu.memory_space<vmem>> -> memref<128x64xf32, #tpu.memory_space<vmem>>
      %dma_wait3A_2617 = arith.constant 0 : i32
      %dma_wait3A_2618 = tpu.memref_slice %arg5[%dma_wait3A_2610, %dma_wait3A_2611, %dma_wait3A_2617] : memref<2x26x128xi32, #tpu.memory_space<vmem>> -> memref<1x1x128xi32, #tpu.memory_space<vmem>>
      %dma_wait3A_2619 = tpu.memref_squeeze %dma_wait3A_2618 : memref<1x1x128xi32, #tpu.memory_space<vmem>> -> memref<128xi32, #tpu.memory_space<vmem>>
      %dma_wait3A_2620 = arith.constant 0 : i32
      %dma_wait3A_2621 = arith.constant 0 : i32
      %dma_wait3A_2622 = tpu.memref_slice %arg3[%dma_wait3A_2620, %dma_wait3A_2621] : memref<1000000x64xf32, #tpu.memory_space<hbm>> -> memref<1000000x64xf32, #tpu.memory_space<hbm>>
      tpu.wait_indirect_dma semaphore(%arg8 : memref<!tpu.dma_semaphore, #tpu.memory_space<semaphore_mem>>) src(%dma_wait3A_2622 : memref<1000000x64xf32, #tpu.memory_space<hbm>>) dst(%dma_wait3A_2616 : memref<128x64xf32, #tpu.memory_space<vmem>>)
      %dma_wait3A_2623 = arith.constant 1 : i32
      %dma_wait3A_2624 = arith.constant 0 : i32
      %dma_wait3A_2625 = arith.constant 1 : i32
      %dma_wait3A_2626 = arith.constant 0 : i32
      %dma_wait3A_2627 = arith.constant 0 : i32
      %dma_wait3A_2628 = tpu.memref_slice %arg6[%dma_wait3A_2625, %dma_wait3A_2626, %dma_wait3A_2627] : memref<2x128x64xf32, #tpu.memory_space<vmem>> -> memref<1x128x64xf32, #tpu.memory_space<vmem>>
      %dma_wait3A_2629 = tpu.memref_squeeze %dma_wait3A_2628 : memref<1x128x64xf32, #tpu.memory_space<vmem>> -> memref<128x64xf32, #tpu.memory_space<vmem>>
      %dma_wait3A_2630 = arith.constant 0 : i32
      %dma_wait3A_2631 = tpu.memref_slice %arg5[%dma_wait3A_2623, %dma_wait3A_2624, %dma_wait3A_2630] : memref<2x26x128xi32, #tpu.memory_space<vmem>> -> memref<1x1x128xi32, #tpu.memory_space<vmem>>
      %dma_wait3A_2632 = tpu.memref_squeeze %dma_wait3A_2631 : memref<1x1x128xi32, #tpu.memory_space<vmem>> -> memref<128xi32, #tpu.memory_space<vmem>>
      %dma_wait3A_2633 = arith.constant 0 : i32
      %dma_wait3A_2634 = arith.constant 0 : i32
      %dma_wait3A_2635 = tpu.memref_slice %arg3[%dma_wait3A_2633, %dma_wait3A_2634] : memref<1000000x64xf32, #tpu.memory_space<hbm>> -> memref<1000000x64xf32, #tpu.memory_space<hbm>>
      tpu.wait_indirect_dma semaphore(%arg8 : memref<!tpu.dma_semaphore, #tpu.memory_space<semaphore_mem>>) src(%dma_wait3A_2635 : memref<1000000x64xf32, #tpu.memory_space<hbm>>) dst(%dma_wait3A_2629 : memref<128x64xf32, #tpu.memory_space<vmem>>)
      %dma_wait3A_2636 = arith.constant 1 : i32
      %dma_wait3A_2637 = arith.constant 0 : i32
      %dma_wait3A_2638 = arith.constant 1 : i32
      %dma_wait3A_2639 = arith.constant 0 : i32
      %dma_wait3A_2640 = arith.constant 0 : i32
      %dma_wait3A_2641 = tpu.memref_slice %arg6[%dma_wait3A_2638, %dma_wait3A_2639, %dma_wait3A_2640] : memref<2x128x64xf32, #tpu.memory_space<vmem>> -> memref<1x128x64xf32, #tpu.memory_space<vmem>>
      %dma_wait3A_2642 = tpu.memref_squeeze %dma_wait3A_2641 : memref<1x128x64xf32, #tpu.memory_space<vmem>> -> memref<128x64xf32, #tpu.memory_space<vmem>>
      %dma_wait3A_2643 = arith.constant 0 : i32
      %dma_wait3A_2644 = tpu.memref_slice %arg5[%dma_wait3A_2636, %dma_wait3A_2637, %dma_wait3A_2643] : memref<2x26x128xi32, #tpu.memory_space<vmem>> -> memref<1x1x128xi32, #tpu.memory_space<vmem>>
      %dma_wait3A_2645 = tpu.memref_squeeze %dma_wait3A_2644 : memref<1x1x128xi32, #tpu.memory_space<vmem>> -> memref<128xi32, #tpu.memory_space<vmem>>
      %dma_wait3A_2646 = arith.constant 0 : i32
      %dma_wait3A_2647 = arith.constant 0 : i32
      %dma_wait3A_2648 = tpu.memref_slice %arg3[%dma_wait3A_2646, %dma_wait3A_2647] : memref<1000000x64xf32, #tpu.memory_space<hbm>> -> memref<1000000x64xf32, #tpu.memory_space<hbm>>
      tpu.wait_indirect_dma semaphore(%arg8 : memref<!tpu.dma_semaphore, #tpu.memory_space<semaphore_mem>>) src(%dma_wait3A_2648 : memref<1000000x64xf32, #tpu.memory_space<hbm>>) dst(%dma_wait3A_2642 : memref<128x64xf32, #tpu.memory_space<vmem>>)
      %dma_wait3A_2649 = arith.constant 1 : i32
      %dma_wait3A_2650 = arith.constant 0 : i32
      %dma_wait3A_2651 = arith.constant 1 : i32
      %dma_wait3A_2652 = arith.constant 0 : i32
      %dma_wait3A_2653 = arith.constant 0 : i32
      %dma_wait3A_2654 = tpu.memref_slice %arg6[%dma_wait3A_2651, %dma_wait3A_2652, %dma_wait3A_2653] : memref<2x128x64xf32, #tpu.memory_space<vmem>> -> memref<1x128x64xf32, #tpu.memory_space<vmem>>
      %dma_wait3A_2655 = tpu.memref_squeeze %dma_wait3A_2654 : memref<1x128x64xf32, #tpu.memory_space<vmem>> -> memref<128x64xf32, #tpu.memory_space<vmem>>
      %dma_wait3A_2656 = arith.constant 0 : i32
      %dma_wait3A_2657 = tpu.memref_slice %arg5[%dma_wait3A_2649, %dma_wait3A_2650, %dma_wait3A_2656] : memref<2x26x128xi32, #tpu.memory_space<vmem>> -> memref<1x1x128xi32, #tpu.memory_space<vmem>>
      %dma_wait3A_2658 = tpu.memref_squeeze %dma_wait3A_2657 : memref<1x1x128xi32, #tpu.memory_space<vmem>> -> memref<128xi32, #tpu.memory_space<vmem>>
      %dma_wait3A_2659 = arith.constant 0 : i32
      %dma_wait3A_2660 = arith.constant 0 : i32
      %dma_wait3A_2661 = tpu.memref_slice %arg3[%dma_wait3A_2659, %dma_wait3A_2660] : memref<1000000x64xf32, #tpu.memory_space<hbm>> -> memref<1000000x64xf32, #tpu.memory_space<hbm>>
      tpu.wait_indirect_dma semaphore(%arg8 : memref<!tpu.dma_semaphore, #tpu.memory_space<semaphore_mem>>) src(%dma_wait3A_2661 : memref<1000000x64xf32, #tpu.memory_space<hbm>>) dst(%dma_wait3A_2655 : memref<128x64xf32, #tpu.memory_space<vmem>>)
      %dma_wait3A_2662 = arith.constant 1 : i32
      %dma_wait3A_2663 = arith.constant 0 : i32
      %dma_wait3A_2664 = arith.constant 1 : i32
      %dma_wait3A_2665 = arith.constant 0 : i32
      %dma_wait3A_2666 = arith.constant 0 : i32
      %dma_wait3A_2667 = tpu.memref_slice %arg6[%dma_wait3A_2664, %dma_wait3A_2665, %dma_wait3A_2666] : memref<2x128x64xf32, #tpu.memory_space<vmem>> -> memref<1x128x64xf32, #tpu.memory_space<vmem>>
      %dma_wait3A_2668 = tpu.memref_squeeze %dma_wait3A_2667 : memref<1x128x64xf32, #tpu.memory_space<vmem>> -> memref<128x64xf32, #tpu.memory_space<vmem>>
      %dma_wait3A_2669 = arith.constant 0 : i32
      %dma_wait3A_2670 = tpu.memref_slice %arg5[%dma_wait3A_2662, %dma_wait3A_2663, %dma_wait3A_2669] : memref<2x26x128xi32, #tpu.memory_space<vmem>> -> memref<1x1x128xi32, #tpu.memory_space<vmem>>
      %dma_wait3A_2671 = tpu.memref_squeeze %dma_wait3A_2670 : memref<1x1x128xi32, #tpu.memory_space<vmem>> -> memref<128xi32, #tpu.memory_space<vmem>>
      %dma_wait3A_2672 = arith.constant 0 : i32
      %dma_wait3A_2673 = arith.constant 0 : i32
      %dma_wait3A_2674 = tpu.memref_slice %arg3[%dma_wait3A_2672, %dma_wait3A_2673] : memref<1000000x64xf32, #tpu.memory_space<hbm>> -> memref<1000000x64xf32, #tpu.memory_space<hbm>>
      tpu.wait_indirect_dma semaphore(%arg8 : memref<!tpu.dma_semaphore, #tpu.memory_space<semaphore_mem>>) src(%dma_wait3A_2674 : memref<1000000x64xf32, #tpu.memory_space<hbm>>) dst(%dma_wait3A_2668 : memref<128x64xf32, #tpu.memory_space<vmem>>)
      %dma_wait3A_2675 = arith.constant 1 : i32
      %dma_wait3A_2676 = arith.constant 0 : i32
      %dma_wait3A_2677 = arith.constant 1 : i32
      %dma_wait3A_2678 = arith.constant 0 : i32
      %dma_wait3A_2679 = arith.constant 0 : i32
      %dma_wait3A_2680 = tpu.memref_slice %arg6[%dma_wait3A_2677, %dma_wait3A_2678, %dma_wait3A_2679] : memref<2x128x64xf32, #tpu.memory_space<vmem>> -> memref<1x128x64xf32, #tpu.memory_space<vmem>>
      %dma_wait3A_2681 = tpu.memref_squeeze %dma_wait3A_2680 : memref<1x128x64xf32, #tpu.memory_space<vmem>> -> memref<128x64xf32, #tpu.memory_space<vmem>>
      %dma_wait3A_2682 = arith.constant 0 : i32
      %dma_wait3A_2683 = tpu.memref_slice %arg5[%dma_wait3A_2675, %dma_wait3A_2676, %dma_wait3A_2682] : memref<2x26x128xi32, #tpu.memory_space<vmem>> -> memref<1x1x128xi32, #tpu.memory_space<vmem>>
      %dma_wait3A_2684 = tpu.memref_squeeze %dma_wait3A_2683 : memref<1x1x128xi32, #tpu.memory_space<vmem>> -> memref<128xi32, #tpu.memory_space<vmem>>
      %dma_wait3A_2685 = arith.constant 0 : i32
      %dma_wait3A_2686 = arith.constant 0 : i32
      %dma_wait3A_2687 = tpu.memref_slice %arg3[%dma_wait3A_2685, %dma_wait3A_2686] : memref<1000000x64xf32, #tpu.memory_space<hbm>> -> memref<1000000x64xf32, #tpu.memory_space<hbm>>
      tpu.wait_indirect_dma semaphore(%arg8 : memref<!tpu.dma_semaphore, #tpu.memory_space<semaphore_mem>>) src(%dma_wait3A_2687 : memref<1000000x64xf32, #tpu.memory_space<hbm>>) dst(%dma_wait3A_2681 : memref<128x64xf32, #tpu.memory_space<vmem>>)
      %dma_wait3A_2688 = arith.constant 1 : i32
      %dma_wait3A_2689 = arith.constant 0 : i32
      %dma_wait3A_2690 = arith.constant 1 : i32
      %dma_wait3A_2691 = arith.constant 0 : i32
      %dma_wait3A_2692 = arith.constant 0 : i32
      %dma_wait3A_2693 = tpu.memref_slice %arg6[%dma_wait3A_2690, %dma_wait3A_2691, %dma_wait3A_2692] : memref<2x128x64xf32, #tpu.memory_space<vmem>> -> memref<1x128x64xf32, #tpu.memory_space<vmem>>
      %dma_wait3A_2694 = tpu.memref_squeeze %dma_wait3A_2693 : memref<1x128x64xf32, #tpu.memory_space<vmem>> -> memref<128x64xf32, #tpu.memory_space<vmem>>
      %dma_wait3A_2695 = arith.constant 0 : i32
      %dma_wait3A_2696 = tpu.memref_slice %arg5[%dma_wait3A_2688, %dma_wait3A_2689, %dma_wait3A_2695] : memref<2x26x128xi32, #tpu.memory_space<vmem>> -> memref<1x1x128xi32, #tpu.memory_space<vmem>>
      %dma_wait3A_2697 = tpu.memref_squeeze %dma_wait3A_2696 : memref<1x1x128xi32, #tpu.memory_space<vmem>> -> memref<128xi32, #tpu.memory_space<vmem>>
      %dma_wait3A_2698 = arith.constant 0 : i32
      %dma_wait3A_2699 = arith.constant 0 : i32
      %dma_wait3A_2700 = tpu.memref_slice %arg3[%dma_wait3A_2698, %dma_wait3A_2699] : memref<1000000x64xf32, #tpu.memory_space<hbm>> -> memref<1000000x64xf32, #tpu.memory_space<hbm>>
      tpu.wait_indirect_dma semaphore(%arg8 : memref<!tpu.dma_semaphore, #tpu.memory_space<semaphore_mem>>) src(%dma_wait3A_2700 : memref<1000000x64xf32, #tpu.memory_space<hbm>>) dst(%dma_wait3A_2694 : memref<128x64xf32, #tpu.memory_space<vmem>>)
      %dma_wait3A_2701 = arith.constant 1 : i32
      %dma_wait3A_2702 = arith.constant 0 : i32
      %dma_wait3A_2703 = arith.constant 1 : i32
      %dma_wait3A_2704 = arith.constant 0 : i32
      %dma_wait3A_2705 = arith.constant 0 : i32
      %dma_wait3A_2706 = tpu.memref_slice %arg6[%dma_wait3A_2703, %dma_wait3A_2704, %dma_wait3A_2705] : memref<2x128x64xf32, #tpu.memory_space<vmem>> -> memref<1x128x64xf32, #tpu.memory_space<vmem>>
      %dma_wait3A_2707 = tpu.memref_squeeze %dma_wait3A_2706 : memref<1x128x64xf32, #tpu.memory_space<vmem>> -> memref<128x64xf32, #tpu.memory_space<vmem>>
      %dma_wait3A_2708 = arith.constant 0 : i32
      %dma_wait3A_2709 = tpu.memref_slice %arg5[%dma_wait3A_2701, %dma_wait3A_2702, %dma_wait3A_2708] : memref<2x26x128xi32, #tpu.memory_space<vmem>> -> memref<1x1x128xi32, #tpu.memory_space<vmem>>
      %dma_wait3A_2710 = tpu.memref_squeeze %dma_wait3A_2709 : memref<1x1x128xi32, #tpu.memory_space<vmem>> -> memref<128xi32, #tpu.memory_space<vmem>>
      %dma_wait3A_2711 = arith.constant 0 : i32
      %dma_wait3A_2712 = arith.constant 0 : i32
      %dma_wait3A_2713 = tpu.memref_slice %arg3[%dma_wait3A_2711, %dma_wait3A_2712] : memref<1000000x64xf32, #tpu.memory_space<hbm>> -> memref<1000000x64xf32, #tpu.memory_space<hbm>>
      tpu.wait_indirect_dma semaphore(%arg8 : memref<!tpu.dma_semaphore, #tpu.memory_space<semaphore_mem>>) src(%dma_wait3A_2713 : memref<1000000x64xf32, #tpu.memory_space<hbm>>) dst(%dma_wait3A_2707 : memref<128x64xf32, #tpu.memory_space<vmem>>)
      %dma_wait3A_2714 = arith.constant 1 : i32
      %dma_wait3A_2715 = arith.constant 0 : i32
      %dma_wait3A_2716 = arith.constant 1 : i32
      %dma_wait3A_2717 = arith.constant 0 : i32
      %dma_wait3A_2718 = arith.constant 0 : i32
      %dma_wait3A_2719 = tpu.memref_slice %arg6[%dma_wait3A_2716, %dma_wait3A_2717, %dma_wait3A_2718] : memref<2x128x64xf32, #tpu.memory_space<vmem>> -> memref<1x128x64xf32, #tpu.memory_space<vmem>>
      %dma_wait3A_2720 = tpu.memref_squeeze %dma_wait3A_2719 : memref<1x128x64xf32, #tpu.memory_space<vmem>> -> memref<128x64xf32, #tpu.memory_space<vmem>>
      %dma_wait3A_2721 = arith.constant 0 : i32
      %dma_wait3A_2722 = tpu.memref_slice %arg5[%dma_wait3A_2714, %dma_wait3A_2715, %dma_wait3A_2721] : memref<2x26x128xi32, #tpu.memory_space<vmem>> -> memref<1x1x128xi32, #tpu.memory_space<vmem>>
      %dma_wait3A_2723 = tpu.memref_squeeze %dma_wait3A_2722 : memref<1x1x128xi32, #tpu.memory_space<vmem>> -> memref<128xi32, #tpu.memory_space<vmem>>
      %dma_wait3A_2724 = arith.constant 0 : i32
      %dma_wait3A_2725 = arith.constant 0 : i32
      %dma_wait3A_2726 = tpu.memref_slice %arg3[%dma_wait3A_2724, %dma_wait3A_2725] : memref<1000000x64xf32, #tpu.memory_space<hbm>> -> memref<1000000x64xf32, #tpu.memory_space<hbm>>
      tpu.wait_indirect_dma semaphore(%arg8 : memref<!tpu.dma_semaphore, #tpu.memory_space<semaphore_mem>>) src(%dma_wait3A_2726 : memref<1000000x64xf32, #tpu.memory_space<hbm>>) dst(%dma_wait3A_2720 : memref<128x64xf32, #tpu.memory_space<vmem>>)
      %dma_wait3A_2727 = arith.constant 1 : i32
      %dma_wait3A_2728 = arith.constant 0 : i32
      %dma_wait3A_2729 = arith.constant 1 : i32
      %dma_wait3A_2730 = arith.constant 0 : i32
      %dma_wait3A_2731 = arith.constant 0 : i32
      %dma_wait3A_2732 = tpu.memref_slice %arg6[%dma_wait3A_2729, %dma_wait3A_2730, %dma_wait3A_2731] : memref<2x128x64xf32, #tpu.memory_space<vmem>> -> memref<1x128x64xf32, #tpu.memory_space<vmem>>
      %dma_wait3A_2733 = tpu.memref_squeeze %dma_wait3A_2732 : memref<1x128x64xf32, #tpu.memory_space<vmem>> -> memref<128x64xf32, #tpu.memory_space<vmem>>
      %dma_wait3A_2734 = arith.constant 0 : i32
      %dma_wait3A_2735 = tpu.memref_slice %arg5[%dma_wait3A_2727, %dma_wait3A_2728, %dma_wait3A_2734] : memref<2x26x128xi32, #tpu.memory_space<vmem>> -> memref<1x1x128xi32, #tpu.memory_space<vmem>>
      %dma_wait3A_2736 = tpu.memref_squeeze %dma_wait3A_2735 : memref<1x1x128xi32, #tpu.memory_space<vmem>> -> memref<128xi32, #tpu.memory_space<vmem>>
      %dma_wait3A_2737 = arith.constant 0 : i32
      %dma_wait3A_2738 = arith.constant 0 : i32
      %dma_wait3A_2739 = tpu.memref_slice %arg3[%dma_wait3A_2737, %dma_wait3A_2738] : memref<1000000x64xf32, #tpu.memory_space<hbm>> -> memref<1000000x64xf32, #tpu.memory_space<hbm>>
      tpu.wait_indirect_dma semaphore(%arg8 : memref<!tpu.dma_semaphore, #tpu.memory_space<semaphore_mem>>) src(%dma_wait3A_2739 : memref<1000000x64xf32, #tpu.memory_space<hbm>>) dst(%dma_wait3A_2733 : memref<128x64xf32, #tpu.memory_space<vmem>>)
      %dma_wait3A_2740 = arith.constant 1 : i32
      %dma_wait3A_2741 = arith.constant 0 : i32
      %dma_wait3A_2742 = arith.constant 1 : i32
      %dma_wait3A_2743 = arith.constant 0 : i32
      %dma_wait3A_2744 = arith.constant 0 : i32
      %dma_wait3A_2745 = tpu.memref_slice %arg6[%dma_wait3A_2742, %dma_wait3A_2743, %dma_wait3A_2744] : memref<2x128x64xf32, #tpu.memory_space<vmem>> -> memref<1x128x64xf32, #tpu.memory_space<vmem>>
      %dma_wait3A_2746 = tpu.memref_squeeze %dma_wait3A_2745 : memref<1x128x64xf32, #tpu.memory_space<vmem>> -> memref<128x64xf32, #tpu.memory_space<vmem>>
      %dma_wait3A_2747 = arith.constant 0 : i32
      %dma_wait3A_2748 = tpu.memref_slice %arg5[%dma_wait3A_2740, %dma_wait3A_2741, %dma_wait3A_2747] : memref<2x26x128xi32, #tpu.memory_space<vmem>> -> memref<1x1x128xi32, #tpu.memory_space<vmem>>
      %dma_wait3A_2749 = tpu.memref_squeeze %dma_wait3A_2748 : memref<1x1x128xi32, #tpu.memory_space<vmem>> -> memref<128xi32, #tpu.memory_space<vmem>>
      %dma_wait3A_2750 = arith.constant 0 : i32
      %dma_wait3A_2751 = arith.constant 0 : i32
      %dma_wait3A_2752 = tpu.memref_slice %arg3[%dma_wait3A_2750, %dma_wait3A_2751] : memref<1000000x64xf32, #tpu.memory_space<hbm>> -> memref<1000000x64xf32, #tpu.memory_space<hbm>>
      tpu.wait_indirect_dma semaphore(%arg8 : memref<!tpu.dma_semaphore, #tpu.memory_space<semaphore_mem>>) src(%dma_wait3A_2752 : memref<1000000x64xf32, #tpu.memory_space<hbm>>) dst(%dma_wait3A_2746 : memref<128x64xf32, #tpu.memory_space<vmem>>)
      %dma_wait3A_2753 = arith.constant 1 : i32
      %dma_wait3A_2754 = arith.constant 0 : i32
      %dma_wait3A_2755 = arith.constant 1 : i32
      %dma_wait3A_2756 = arith.constant 0 : i32
      %dma_wait3A_2757 = arith.constant 0 : i32
      %dma_wait3A_2758 = tpu.memref_slice %arg6[%dma_wait3A_2755, %dma_wait3A_2756, %dma_wait3A_2757] : memref<2x128x64xf32, #tpu.memory_space<vmem>> -> memref<1x128x64xf32, #tpu.memory_space<vmem>>
      %dma_wait3A_2759 = tpu.memref_squeeze %dma_wait3A_2758 : memref<1x128x64xf32, #tpu.memory_space<vmem>> -> memref<128x64xf32, #tpu.memory_space<vmem>>
      %dma_wait3A_2760 = arith.constant 0 : i32
      %dma_wait3A_2761 = tpu.memref_slice %arg5[%dma_wait3A_2753, %dma_wait3A_2754, %dma_wait3A_2760] : memref<2x26x128xi32, #tpu.memory_space<vmem>> -> memref<1x1x128xi32, #tpu.memory_space<vmem>>
      %dma_wait3A_2762 = tpu.memref_squeeze %dma_wait3A_2761 : memref<1x1x128xi32, #tpu.memory_space<vmem>> -> memref<128xi32, #tpu.memory_space<vmem>>
      %dma_wait3A_2763 = arith.constant 0 : i32
      %dma_wait3A_2764 = arith.constant 0 : i32
      %dma_wait3A_2765 = tpu.memref_slice %arg3[%dma_wait3A_2763, %dma_wait3A_2764] : memref<1000000x64xf32, #tpu.memory_space<hbm>> -> memref<1000000x64xf32, #tpu.memory_space<hbm>>
      tpu.wait_indirect_dma semaphore(%arg8 : memref<!tpu.dma_semaphore, #tpu.memory_space<semaphore_mem>>) src(%dma_wait3A_2765 : memref<1000000x64xf32, #tpu.memory_space<hbm>>) dst(%dma_wait3A_2759 : memref<128x64xf32, #tpu.memory_space<vmem>>)
      %mul3A_2766 = arith.constant 128 : i32
      %mul3A_2767 = arith.muli %add3A_1394, %mul3A_2766 : i32
      %run_scoped3A_2768 = arith.constant 1 : i32
      "tpu.region"() ({
        %run_scoped3A_2769 = tpu.sem_alloc : memref<!tpu.dma_semaphore, #tpu.memory_space<semaphore_mem>>
        %dma_start3A_2770 = arith.constant 0 : i32
        %dma_start3A_2771 = arith.constant 0 : i32
        %dma_start3A_2772 = tpu.memref_slice %arg6[%run_scoped3A_2768, %dma_start3A_2770, %dma_start3A_2771] : memref<2x128x64xf32, #tpu.memory_space<vmem>> -> memref<1x128x64xf32, #tpu.memory_space<vmem>>
        %dma_start3A_2773 = tpu.memref_squeeze %dma_start3A_2772 : memref<1x128x64xf32, #tpu.memory_space<vmem>> -> memref<128x64xf32, #tpu.memory_space<vmem>>
        %dma_start3A_2774 = arith.constant 0 : i32
        %dma_start3A_2775 = tpu.memref_slice %arg4[%mul3A_2767, %dma_start3A_2774] : memref<51200x64xf32, #tpu.memory_space<hbm>> -> memref<128x64xf32, #tpu.memory_space<hbm>>
        %dma_start3A_2776 = arith.constant 0 : i32
        %dma_start3A_2777 = tpu.memref_slice %arg4[%mul3A_2767, %dma_start3A_2776] : memref<51200x64xf32, #tpu.memory_space<hbm>> -> memref<128x64xf32, #tpu.memory_space<hbm>>
        %dma_start3A_2778 = arith.constant 0 : i32
        %dma_start3A_2779 = arith.constant 0 : i32
        %dma_start3A_2780 = tpu.memref_slice %arg6[%run_scoped3A_2768, %dma_start3A_2778, %dma_start3A_2779] : memref<2x128x64xf32, #tpu.memory_space<vmem>> -> memref<1x128x64xf32, #tpu.memory_space<vmem>>
        %dma_start3A_2781 = tpu.memref_squeeze %dma_start3A_2780 : memref<1x128x64xf32, #tpu.memory_space<vmem>> -> memref<128x64xf32, #tpu.memory_space<vmem>>
        tpu.enqueue_dma source(%dma_start3A_2781 : memref<128x64xf32, #tpu.memory_space<vmem>>) target(%dma_start3A_2777 : memref<128x64xf32, #tpu.memory_space<hbm>>) target_semaphore(%run_scoped3A_2769 : memref<!tpu.dma_semaphore, #tpu.memory_space<semaphore_mem>>)
        %dma_wait3A_2782 = arith.constant 0 : i32
        %dma_wait3A_2783 = arith.constant 0 : i32
        %dma_wait3A_2784 = tpu.memref_slice %arg6[%run_scoped3A_2768, %dma_wait3A_2782, %dma_wait3A_2783] : memref<2x128x64xf32, #tpu.memory_space<vmem>> -> memref<1x128x64xf32, #tpu.memory_space<vmem>>
        %dma_wait3A_2785 = tpu.memref_squeeze %dma_wait3A_2784 : memref<1x128x64xf32, #tpu.memory_space<vmem>> -> memref<128x64xf32, #tpu.memory_space<vmem>>
        %dma_wait3A_2786 = arith.constant 0 : i32
        %dma_wait3A_2787 = tpu.memref_slice %arg4[%mul3A_2767, %dma_wait3A_2786] : memref<51200x64xf32, #tpu.memory_space<hbm>> -> memref<128x64xf32, #tpu.memory_space<hbm>>
        %dma_wait3A_2788 = arith.constant 0 : i32
        %dma_wait3A_2789 = tpu.memref_slice %arg4[%mul3A_2767, %dma_wait3A_2788] : memref<51200x64xf32, #tpu.memory_space<hbm>> -> memref<128x64xf32, #tpu.memory_space<hbm>>
        %dma_wait3A_2790 = arith.constant 0 : i32
        %dma_wait3A_2791 = arith.constant 0 : i32
        %dma_wait3A_2792 = tpu.memref_slice %arg6[%run_scoped3A_2768, %dma_wait3A_2790, %dma_wait3A_2791] : memref<2x128x64xf32, #tpu.memory_space<vmem>> -> memref<1x128x64xf32, #tpu.memory_space<vmem>>
        %dma_wait3A_2793 = tpu.memref_squeeze %dma_wait3A_2792 : memref<1x128x64xf32, #tpu.memory_space<vmem>> -> memref<128x64xf32, #tpu.memory_space<vmem>>
        tpu.wait_dma2 semaphore(%run_scoped3A_2769 : memref<!tpu.dma_semaphore, #tpu.memory_space<semaphore_mem>>) src(%dma_wait3A_2793 : memref<128x64xf32, #tpu.memory_space<vmem>>) dst(%dma_wait3A_2789 : memref<128x64xf32, #tpu.memory_space<hbm>>)
        tpu.yield
      }) : () -> ()
    }
    %scan3A_347 = arith.constant 5 : i32
    %add3A_348 = arith.constant 352 : i32
    %add3A_349 = arith.addi %add3A, %add3A_348 : i32
    %scan3A_350 = arith.constant 0 : i32
    %scan3A_351 = arith.constant 128 : i32
    %scan3A_352 = arith.addi %scan3A_350, %scan3A_351 : i32
    %scan3A_353 = arith.constant 1 : i32
    scf.for %scan3A_1383 = %scan3A_350 to %scan3A_352 step %scan3A_353  : i32 {
      %mul3A_1384 = arith.constant 1 : i32
      %mul3A_1385 = arith.muli %scan3A_1383, %mul3A_1384 : i32
      %add3A_1386 = arith.constant 0 : i32
      %add3A_1387 = arith.addi %add3A_1386, %mul3A_1385 : i32
      %swap3A = arith.constant 1 : i32
      %swap3A_1388 = arith.index_cast %swap3A : i32 to index
      %swap3A_1389 = arith.index_cast %add3A_1387 : i32 to index
      %swap3A_1390 = arith.constant 0 : index
      %swap3A_1391 = tpu.vector_load %arg6[%swap3A_1388, %swap3A_1389, %swap3A_1390] {strides = array<i32>} : memref<2x128x64xf32, #tpu.memory_space<vmem>>, vector<16xf32>,
      tpu.vector_store %arg6[%swap3A_1388, %swap3A_1389, %swap3A_1390], %broadcast_in_dim3A_1 {strides = array<i32>} : memref<2x128x64xf32, #tpu.memory_space<vmem>>, vector<16xf32>,
      %swap3A_1392 = arith.constant 1 : i32
      %swap3A_1393 = arith.index_cast %swap3A_1392 : i32 to index
      %swap3A_1394 = arith.index_cast %add3A_1387 : i32 to index
      %swap3A_1395 = arith.constant 16 : index
      %swap3A_1396 = tpu.vector_load %arg6[%swap3A_1393, %swap3A_1394, %swap3A_1395] {strides = array<i32>} : memref<2x128x64xf32, #tpu.memory_space<vmem>>, vector<16xf32>,
      tpu.vector_store %arg6[%swap3A_1393, %swap3A_1394, %swap3A_1395], %broadcast_in_dim3A_1 {strides = array<i32>} : memref<2x128x64xf32, #tpu.memory_space<vmem>>, vector<16xf32>,
      %swap3A_1397 = arith.constant 1 : i32
      %swap3A_1398 = arith.index_cast %swap3A_1397 : i32 to index
      %swap3A_1399 = arith.index_cast %add3A_1387 : i32 to index
      %swap3A_1400 = arith.constant 32 : index
      %swap3A_1401 = tpu.vector_load %arg6[%swap3A_1398, %swap3A_1399, %swap3A_1400] {strides = array<i32>} : memref<2x128x64xf32, #tpu.memory_space<vmem>>, vector<16xf32>,
      tpu.vector_store %arg6[%swap3A_1398, %swap3A_1399, %swap3A_1400], %broadcast_in_dim3A_1 {strides = array<i32>} : memref<2x128x64xf32, #tpu.memory_space<vmem>>, vector<16xf32>,
      %swap3A_1402 = arith.constant 1 : i32
      %swap3A_1403 = arith.index_cast %swap3A_1402 : i32 to index
      %swap3A_1404 = arith.index_cast %add3A_1387 : i32 to index
      %swap3A_1405 = arith.constant 48 : index
      %swap3A_1406 = tpu.vector_load %arg6[%swap3A_1403, %swap3A_1404, %swap3A_1405] {strides = array<i32>} : memref<2x128x64xf32, #tpu.memory_space<vmem>>, vector<16xf32>,
      tpu.vector_store %arg6[%swap3A_1403, %swap3A_1404, %swap3A_1405], %broadcast_in_dim3A_1 {strides = array<i32>} : memref<2x128x64xf32, #tpu.memory_space<vmem>>, vector<16xf32>,
    }
    %scan3A_354 = arith.constant 128 : i32
    %run_scoped3A_355 = arith.constant 1 : i32
    "tpu.region"() ({
      %run_scoped3A_1383 = tpu.sem_alloc : memref<!tpu.dma_semaphore, #tpu.memory_space<semaphore_mem>>
      %dma_start3A_1384 = arith.constant 0 : i32
      %dma_start3A_1385 = arith.constant 0 : i32
      %dma_start3A_1386 = tpu.memref_slice %arg5[%run_scoped3A_355, %dma_start3A_1384, %dma_start3A_1385] : memref<2x26x128xi32, #tpu.memory_space<vmem>> -> memref<1x26x128xi32, #tpu.memory_space<vmem>>
      %dma_start3A_1387 = tpu.memref_squeeze %dma_start3A_1386 : memref<1x26x128xi32, #tpu.memory_space<vmem>> -> memref<26x128xi32, #tpu.memory_space<vmem>>
      %dma_start3A_1388 = arith.constant 0 : i32
      %dma_start3A_1389 = arith.constant 0 : i32
      %dma_start3A_1390 = tpu.memref_slice %arg2[%add3A_349, %dma_start3A_1388, %dma_start3A_1389] : memref<400x26x128xi32, #tpu.memory_space<hbm>> -> memref<1x26x128xi32, #tpu.memory_space<hbm>>
      %dma_start3A_1391 = tpu.memref_squeeze %dma_start3A_1390 : memref<1x26x128xi32, #tpu.memory_space<hbm>> -> memref<26x128xi32, #tpu.memory_space<hbm>>
      %dma_start3A_1392 = arith.constant 0 : i32
      %dma_start3A_1393 = arith.constant 0 : i32
      %dma_start3A_1394 = tpu.memref_slice %arg5[%run_scoped3A_355, %dma_start3A_1392, %dma_start3A_1393] : memref<2x26x128xi32, #tpu.memory_space<vmem>> -> memref<1x26x128xi32, #tpu.memory_space<vmem>>
      %dma_start3A_1395 = tpu.memref_squeeze %dma_start3A_1394 : memref<1x26x128xi32, #tpu.memory_space<vmem>> -> memref<26x128xi32, #tpu.memory_space<vmem>>
      %dma_start3A_1396 = arith.constant 0 : i32
      %dma_start3A_1397 = arith.constant 0 : i32
      %dma_start3A_1398 = tpu.memref_slice %arg2[%add3A_349, %dma_start3A_1396, %dma_start3A_1397] : memref<400x26x128xi32, #tpu.memory_space<hbm>> -> memref<1x26x128xi32, #tpu.memory_space<hbm>>
      %dma_start3A_1399 = tpu.memref_squeeze %dma_start3A_1398 : memref<1x26x128xi32, #tpu.memory_space<hbm>> -> memref<26x128xi32, #tpu.memory_space<hbm>>
      tpu.enqueue_dma source(%dma_start3A_1399 : memref<26x128xi32, #tpu.memory_space<hbm>>) target(%dma_start3A_1395 : memref<26x128xi32, #tpu.memory_space<vmem>>) target_semaphore(%run_scoped3A_1383 : memref<!tpu.dma_semaphore, #tpu.memory_space<semaphore_mem>>)
      %dma_wait3A_1400 = arith.constant 0 : i32
      %dma_wait3A_1401 = arith.constant 0 : i32
      %dma_wait3A_1402 = tpu.memref_slice %arg5[%run_scoped3A_355, %dma_wait3A_1400, %dma_wait3A_1401] : memref<2x26x128xi32, #tpu.memory_space<vmem>> -> memref<1x26x128xi32, #tpu.memory_space<vmem>>
      %dma_wait3A_1403 = tpu.memref_squeeze %dma_wait3A_1402 : memref<1x26x128xi32, #tpu.memory_space<vmem>> -> memref<26x128xi32, #tpu.memory_space<vmem>>
      %dma_wait3A_1404 = arith.constant 0 : i32
      %dma_wait3A_1405 = arith.constant 0 : i32
      %dma_wait3A_1406 = tpu.memref_slice %arg2[%add3A_349, %dma_wait3A_1404, %dma_wait3A_1405] : memref<400x26x128xi32, #tpu.memory_space<hbm>> -> memref<1x26x128xi32, #tpu.memory_space<hbm>>
      %dma_wait3A_1407 = tpu.memref_squeeze %dma_wait3A_1406 : memref<1x26x128xi32, #tpu.memory_space<hbm>> -> memref<26x128xi32, #tpu.memory_space<hbm>>
      %dma_wait3A_1408 = arith.constant 0 : i32
      %dma_wait3A_1409 = arith.constant 0 : i32
      %dma_wait3A_1410 = tpu.memref_slice %arg5[%run_scoped3A_355, %dma_wait3A_1408, %dma_wait3A_1409] : memref<2x26x128xi32, #tpu.memory_space<vmem>> -> memref<1x26x128xi32, #tpu.memory_space<vmem>>
      %dma_wait3A_1411 = tpu.memref_squeeze %dma_wait3A_1410 : memref<1x26x128xi32, #tpu.memory_space<vmem>> -> memref<26x128xi32, #tpu.memory_space<vmem>>
      %dma_wait3A_1412 = arith.constant 0 : i32
      %dma_wait3A_1413 = arith.constant 0 : i32
      %dma_wait3A_1414 = tpu.memref_slice %arg2[%add3A_349, %dma_wait3A_1412, %dma_wait3A_1413] : memref<400x26x128xi32, #tpu.memory_space<hbm>> -> memref<1x26x128xi32, #tpu.memory_space<hbm>>
      %dma_wait3A_1415 = tpu.memref_squeeze %dma_wait3A_1414 : memref<1x26x128xi32, #tpu.memory_space<hbm>> -> memref<26x128xi32, #tpu.memory_space<hbm>>
      tpu.wait_dma2 semaphore(%run_scoped3A_1383 : memref<!tpu.dma_semaphore, #tpu.memory_space<semaphore_mem>>) src(%dma_wait3A_1415 : memref<26x128xi32, #tpu.memory_space<hbm>>) dst(%dma_wait3A_1411 : memref<26x128xi32, #tpu.memory_space<vmem>>)
      tpu.yield
    }) : () -> ()
    %dma_start3A_356 = arith.constant 1 : i32
    %dma_start3A_357 = arith.constant 0 : i32
    %dma_start3A_358 = arith.constant 1 : i32
    %dma_start3A_359 = arith.constant 0 : i32
    %dma_start3A_360 = arith.constant 0 : i32
    %dma_start3A_361 = tpu.memref_slice %arg6[%dma_start3A_358, %dma_start3A_359, %dma_start3A_360] : memref<2x128x64xf32, #tpu.memory_space<vmem>> -> memref<1x128x64xf32, #tpu.memory_space<vmem>>
    %dma_start3A_362 = tpu.memref_squeeze %dma_start3A_361 : memref<1x128x64xf32, #tpu.memory_space<vmem>> -> memref<128x64xf32, #tpu.memory_space<vmem>>
    %dma_start3A_363 = arith.constant 0 : i32
    %dma_start3A_364 = tpu.memref_slice %arg5[%dma_start3A_356, %dma_start3A_357, %dma_start3A_363] : memref<2x26x128xi32, #tpu.memory_space<vmem>> -> memref<1x1x128xi32, #tpu.memory_space<vmem>>
    %dma_start3A_365 = tpu.memref_squeeze %dma_start3A_364 : memref<1x1x128xi32, #tpu.memory_space<vmem>> -> memref<128xi32, #tpu.memory_space<vmem>>
    %dma_start3A_366 = arith.constant 0 : i32
    %dma_start3A_367 = arith.constant 0 : i32
    %dma_start3A_368 = tpu.memref_slice %arg3[%dma_start3A_366, %dma_start3A_367] : memref<1000000x64xf32, #tpu.memory_space<hbm>> -> memref<1000000x64xf32, #tpu.memory_space<hbm>>
    tpu.enqueue_indirect_dma source(%dma_start3A_368 : memref<1000000x64xf32, #tpu.memory_space<hbm>>) target(%dma_start3A_362 : memref<128x64xf32, #tpu.memory_space<vmem>>) offsets(%dma_start3A_365 : memref<128xi32, #tpu.memory_space<vmem>>) semaphore(%arg8 : memref<!tpu.dma_semaphore, #tpu.memory_space<semaphore_mem>>) {add = true}
    %dma_start3A_369 = arith.constant 1 : i32
    %dma_start3A_370 = arith.constant 1 : i32
    %dma_start3A_371 = arith.constant 1 : i32
    %dma_start3A_372 = arith.constant 0 : i32
    %dma_start3A_373 = arith.constant 0 : i32
    %dma_start3A_374 = tpu.memref_slice %arg6[%dma_start3A_371, %dma_start3A_372, %dma_start3A_373] : memref<2x128x64xf32, #tpu.memory_space<vmem>> -> memref<1x128x64xf32, #tpu.memory_space<vmem>>
    %dma_start3A_375 = tpu.memref_squeeze %dma_start3A_374 : memref<1x128x64xf32, #tpu.memory_space<vmem>> -> memref<128x64xf32, #tpu.memory_space<vmem>>
    %dma_start3A_376 = arith.constant 0 : i32
    %dma_start3A_377 = tpu.memref_slice %arg5[%dma_start3A_369, %dma_start3A_370, %dma_start3A_376] : memref<2x26x128xi32, #tpu.memory_space<vmem>> -> memref<1x1x128xi32, #tpu.memory_space<vmem>>
    %dma_start3A_378 = tpu.memref_squeeze %dma_start3A_377 : memref<1x1x128xi32, #tpu.memory_space<vmem>> -> memref<128xi32, #tpu.memory_space<vmem>>
    %dma_start3A_379 = arith.constant 0 : i32
    %dma_start3A_380 = arith.constant 0 : i32
    %dma_start3A_381 = tpu.memref_slice %arg3[%dma_start3A_379, %dma_start3A_380] : memref<1000000x64xf32, #tpu.memory_space<hbm>> -> memref<1000000x64xf32, #tpu.memory_space<hbm>>
    tpu.enqueue_indirect_dma source(%dma_start3A_381 : memref<1000000x64xf32, #tpu.memory_space<hbm>>) target(%dma_start3A_375 : memref<128x64xf32, #tpu.memory_space<vmem>>) offsets(%dma_start3A_378 : memref<128xi32, #tpu.memory_space<vmem>>) semaphore(%arg8 : memref<!tpu.dma_semaphore, #tpu.memory_space<semaphore_mem>>) {add = true}
    %dma_start3A_382 = arith.constant 1 : i32
    %dma_start3A_383 = arith.constant 2 : i32
    %dma_start3A_384 = arith.constant 1 : i32
    %dma_start3A_385 = arith.constant 0 : i32
    %dma_start3A_386 = arith.constant 0 : i32
    %dma_start3A_387 = tpu.memref_slice %arg6[%dma_start3A_384, %dma_start3A_385, %dma_start3A_386] : memref<2x128x64xf32, #tpu.memory_space<vmem>> -> memref<1x128x64xf32, #tpu.memory_space<vmem>>
    %dma_start3A_388 = tpu.memref_squeeze %dma_start3A_387 : memref<1x128x64xf32, #tpu.memory_space<vmem>> -> memref<128x64xf32, #tpu.memory_space<vmem>>
    %dma_start3A_389 = arith.constant 0 : i32
    %dma_start3A_390 = tpu.memref_slice %arg5[%dma_start3A_382, %dma_start3A_383, %dma_start3A_389] : memref<2x26x128xi32, #tpu.memory_space<vmem>> -> memref<1x1x128xi32, #tpu.memory_space<vmem>>
    %dma_start3A_391 = tpu.memref_squeeze %dma_start3A_390 : memref<1x1x128xi32, #tpu.memory_space<vmem>> -> memref<128xi32, #tpu.memory_space<vmem>>
    %dma_start3A_392 = arith.constant 0 : i32
    %dma_start3A_393 = arith.constant 0 : i32
    %dma_start3A_394 = tpu.memref_slice %arg3[%dma_start3A_392, %dma_start3A_393] : memref<1000000x64xf32, #tpu.memory_space<hbm>> -> memref<1000000x64xf32, #tpu.memory_space<hbm>>
    tpu.enqueue_indirect_dma source(%dma_start3A_394 : memref<1000000x64xf32, #tpu.memory_space<hbm>>) target(%dma_start3A_388 : memref<128x64xf32, #tpu.memory_space<vmem>>) offsets(%dma_start3A_391 : memref<128xi32, #tpu.memory_space<vmem>>) semaphore(%arg8 : memref<!tpu.dma_semaphore, #tpu.memory_space<semaphore_mem>>) {add = true}
    %dma_start3A_395 = arith.constant 1 : i32
    %dma_start3A_396 = arith.constant 3 : i32
    %dma_start3A_397 = arith.constant 1 : i32
    %dma_start3A_398 = arith.constant 0 : i32
    %dma_start3A_399 = arith.constant 0 : i32
    %dma_start3A_400 = tpu.memref_slice %arg6[%dma_start3A_397, %dma_start3A_398, %dma_start3A_399] : memref<2x128x64xf32, #tpu.memory_space<vmem>> -> memref<1x128x64xf32, #tpu.memory_space<vmem>>
    %dma_start3A_401 = tpu.memref_squeeze %dma_start3A_400 : memref<1x128x64xf32, #tpu.memory_space<vmem>> -> memref<128x64xf32, #tpu.memory_space<vmem>>
    %dma_start3A_402 = arith.constant 0 : i32
    %dma_start3A_403 = tpu.memref_slice %arg5[%dma_start3A_395, %dma_start3A_396, %dma_start3A_402] : memref<2x26x128xi32, #tpu.memory_space<vmem>> -> memref<1x1x128xi32, #tpu.memory_space<vmem>>
    %dma_start3A_404 = tpu.memref_squeeze %dma_start3A_403 : memref<1x1x128xi32, #tpu.memory_space<vmem>> -> memref<128xi32, #tpu.memory_space<vmem>>
    %dma_start3A_405 = arith.constant 0 : i32
    %dma_start3A_406 = arith.constant 0 : i32
    %dma_start3A_407 = tpu.memref_slice %arg3[%dma_start3A_405, %dma_start3A_406] : memref<1000000x64xf32, #tpu.memory_space<hbm>> -> memref<1000000x64xf32, #tpu.memory_space<hbm>>
    tpu.enqueue_indirect_dma source(%dma_start3A_407 : memref<1000000x64xf32, #tpu.memory_space<hbm>>) target(%dma_start3A_401 : memref<128x64xf32, #tpu.memory_space<vmem>>) offsets(%dma_start3A_404 : memref<128xi32, #tpu.memory_space<vmem>>) semaphore(%arg8 : memref<!tpu.dma_semaphore, #tpu.memory_space<semaphore_mem>>) {add = true}
    %dma_start3A_408 = arith.constant 1 : i32
    %dma_start3A_409 = arith.constant 4 : i32
    %dma_start3A_410 = arith.constant 1 : i32
    %dma_start3A_411 = arith.constant 0 : i32
    %dma_start3A_412 = arith.constant 0 : i32
    %dma_start3A_413 = tpu.memref_slice %arg6[%dma_start3A_410, %dma_start3A_411, %dma_start3A_412] : memref<2x128x64xf32, #tpu.memory_space<vmem>> -> memref<1x128x64xf32, #tpu.memory_space<vmem>>
    %dma_start3A_414 = tpu.memref_squeeze %dma_start3A_413 : memref<1x128x64xf32, #tpu.memory_space<vmem>> -> memref<128x64xf32, #tpu.memory_space<vmem>>
    %dma_start3A_415 = arith.constant 0 : i32
    %dma_start3A_416 = tpu.memref_slice %arg5[%dma_start3A_408, %dma_start3A_409, %dma_start3A_415] : memref<2x26x128xi32, #tpu.memory_space<vmem>> -> memref<1x1x128xi32, #tpu.memory_space<vmem>>
    %dma_start3A_417 = tpu.memref_squeeze %dma_start3A_416 : memref<1x1x128xi32, #tpu.memory_space<vmem>> -> memref<128xi32, #tpu.memory_space<vmem>>
    %dma_start3A_418 = arith.constant 0 : i32
    %dma_start3A_419 = arith.constant 0 : i32
    %dma_start3A_420 = tpu.memref_slice %arg3[%dma_start3A_418, %dma_start3A_419] : memref<1000000x64xf32, #tpu.memory_space<hbm>> -> memref<1000000x64xf32, #tpu.memory_space<hbm>>
    tpu.enqueue_indirect_dma source(%dma_start3A_420 : memref<1000000x64xf32, #tpu.memory_space<hbm>>) target(%dma_start3A_414 : memref<128x64xf32, #tpu.memory_space<vmem>>) offsets(%dma_start3A_417 : memref<128xi32, #tpu.memory_space<vmem>>) semaphore(%arg8 : memref<!tpu.dma_semaphore, #tpu.memory_space<semaphore_mem>>) {add = true}
    %dma_start3A_421 = arith.constant 1 : i32
    %dma_start3A_422 = arith.constant 5 : i32
    %dma_start3A_423 = arith.constant 1 : i32
    %dma_start3A_424 = arith.constant 0 : i32
    %dma_start3A_425 = arith.constant 0 : i32
    %dma_start3A_426 = tpu.memref_slice %arg6[%dma_start3A_423, %dma_start3A_424, %dma_start3A_425] : memref<2x128x64xf32, #tpu.memory_space<vmem>> -> memref<1x128x64xf32, #tpu.memory_space<vmem>>
    %dma_start3A_427 = tpu.memref_squeeze %dma_start3A_426 : memref<1x128x64xf32, #tpu.memory_space<vmem>> -> memref<128x64xf32, #tpu.memory_space<vmem>>
    %dma_start3A_428 = arith.constant 0 : i32
    %dma_start3A_429 = tpu.memref_slice %arg5[%dma_start3A_421, %dma_start3A_422, %dma_start3A_428] : memref<2x26x128xi32, #tpu.memory_space<vmem>> -> memref<1x1x128xi32, #tpu.memory_space<vmem>>
    %dma_start3A_430 = tpu.memref_squeeze %dma_start3A_429 : memref<1x1x128xi32, #tpu.memory_space<vmem>> -> memref<128xi32, #tpu.memory_space<vmem>>
    %dma_start3A_431 = arith.constant 0 : i32
    %dma_start3A_432 = arith.constant 0 : i32
    %dma_start3A_433 = tpu.memref_slice %arg3[%dma_start3A_431, %dma_start3A_432] : memref<1000000x64xf32, #tpu.memory_space<hbm>> -> memref<1000000x64xf32, #tpu.memory_space<hbm>>
    tpu.enqueue_indirect_dma source(%dma_start3A_433 : memref<1000000x64xf32, #tpu.memory_space<hbm>>) target(%dma_start3A_427 : memref<128x64xf32, #tpu.memory_space<vmem>>) offsets(%dma_start3A_430 : memref<128xi32, #tpu.memory_space<vmem>>) semaphore(%arg8 : memref<!tpu.dma_semaphore, #tpu.memory_space<semaphore_mem>>) {add = true}
    %dma_start3A_434 = arith.constant 1 : i32
    %dma_start3A_435 = arith.constant 6 : i32
    %dma_start3A_436 = arith.constant 1 : i32
    %dma_start3A_437 = arith.constant 0 : i32
    %dma_start3A_438 = arith.constant 0 : i32
    %dma_start3A_439 = tpu.memref_slice %arg6[%dma_start3A_436, %dma_start3A_437, %dma_start3A_438] : memref<2x128x64xf32, #tpu.memory_space<vmem>> -> memref<1x128x64xf32, #tpu.memory_space<vmem>>
    %dma_start3A_440 = tpu.memref_squeeze %dma_start3A_439 : memref<1x128x64xf32, #tpu.memory_space<vmem>> -> memref<128x64xf32, #tpu.memory_space<vmem>>
    %dma_start3A_441 = arith.constant 0 : i32
    %dma_start3A_442 = tpu.memref_slice %arg5[%dma_start3A_434, %dma_start3A_435, %dma_start3A_441] : memref<2x26x128xi32, #tpu.memory_space<vmem>> -> memref<1x1x128xi32, #tpu.memory_space<vmem>>
    %dma_start3A_443 = tpu.memref_squeeze %dma_start3A_442 : memref<1x1x128xi32, #tpu.memory_space<vmem>> -> memref<128xi32, #tpu.memory_space<vmem>>
    %dma_start3A_444 = arith.constant 0 : i32
    %dma_start3A_445 = arith.constant 0 : i32
    %dma_start3A_446 = tpu.memref_slice %arg3[%dma_start3A_444, %dma_start3A_445] : memref<1000000x64xf32, #tpu.memory_space<hbm>> -> memref<1000000x64xf32, #tpu.memory_space<hbm>>
    tpu.enqueue_indirect_dma source(%dma_start3A_446 : memref<1000000x64xf32, #tpu.memory_space<hbm>>) target(%dma_start3A_440 : memref<128x64xf32, #tpu.memory_space<vmem>>) offsets(%dma_start3A_443 : memref<128xi32, #tpu.memory_space<vmem>>) semaphore(%arg8 : memref<!tpu.dma_semaphore, #tpu.memory_space<semaphore_mem>>) {add = true}
    %dma_start3A_447 = arith.constant 1 : i32
    %dma_start3A_448 = arith.constant 7 : i32
    %dma_start3A_449 = arith.constant 1 : i32
    %dma_start3A_450 = arith.constant 0 : i32
    %dma_start3A_451 = arith.constant 0 : i32
    %dma_start3A_452 = tpu.memref_slice %arg6[%dma_start3A_449, %dma_start3A_450, %dma_start3A_451] : memref<2x128x64xf32, #tpu.memory_space<vmem>> -> memref<1x128x64xf32, #tpu.memory_space<vmem>>
    %dma_start3A_453 = tpu.memref_squeeze %dma_start3A_452 : memref<1x128x64xf32, #tpu.memory_space<vmem>> -> memref<128x64xf32, #tpu.memory_space<vmem>>
    %dma_start3A_454 = arith.constant 0 : i32
    %dma_start3A_455 = tpu.memref_slice %arg5[%dma_start3A_447, %dma_start3A_448, %dma_start3A_454] : memref<2x26x128xi32, #tpu.memory_space<vmem>> -> memref<1x1x128xi32, #tpu.memory_space<vmem>>
    %dma_start3A_456 = tpu.memref_squeeze %dma_start3A_455 : memref<1x1x128xi32, #tpu.memory_space<vmem>> -> memref<128xi32, #tpu.memory_space<vmem>>
    %dma_start3A_457 = arith.constant 0 : i32
    %dma_start3A_458 = arith.constant 0 : i32
    %dma_start3A_459 = tpu.memref_slice %arg3[%dma_start3A_457, %dma_start3A_458] : memref<1000000x64xf32, #tpu.memory_space<hbm>> -> memref<1000000x64xf32, #tpu.memory_space<hbm>>
    tpu.enqueue_indirect_dma source(%dma_start3A_459 : memref<1000000x64xf32, #tpu.memory_space<hbm>>) target(%dma_start3A_453 : memref<128x64xf32, #tpu.memory_space<vmem>>) offsets(%dma_start3A_456 : memref<128xi32, #tpu.memory_space<vmem>>) semaphore(%arg8 : memref<!tpu.dma_semaphore, #tpu.memory_space<semaphore_mem>>) {add = true}
    %dma_start3A_460 = arith.constant 1 : i32
    %dma_start3A_461 = arith.constant 8 : i32
    %dma_start3A_462 = arith.constant 1 : i32
    %dma_start3A_463 = arith.constant 0 : i32
    %dma_start3A_464 = arith.constant 0 : i32
    %dma_start3A_465 = tpu.memref_slice %arg6[%dma_start3A_462, %dma_start3A_463, %dma_start3A_464] : memref<2x128x64xf32, #tpu.memory_space<vmem>> -> memref<1x128x64xf32, #tpu.memory_space<vmem>>
    %dma_start3A_466 = tpu.memref_squeeze %dma_start3A_465 : memref<1x128x64xf32, #tpu.memory_space<vmem>> -> memref<128x64xf32, #tpu.memory_space<vmem>>
    %dma_start3A_467 = arith.constant 0 : i32
    %dma_start3A_468 = tpu.memref_slice %arg5[%dma_start3A_460, %dma_start3A_461, %dma_start3A_467] : memref<2x26x128xi32, #tpu.memory_space<vmem>> -> memref<1x1x128xi32, #tpu.memory_space<vmem>>
    %dma_start3A_469 = tpu.memref_squeeze %dma_start3A_468 : memref<1x1x128xi32, #tpu.memory_space<vmem>> -> memref<128xi32, #tpu.memory_space<vmem>>
    %dma_start3A_470 = arith.constant 0 : i32
    %dma_start3A_471 = arith.constant 0 : i32
    %dma_start3A_472 = tpu.memref_slice %arg3[%dma_start3A_470, %dma_start3A_471] : memref<1000000x64xf32, #tpu.memory_space<hbm>> -> memref<1000000x64xf32, #tpu.memory_space<hbm>>
    tpu.enqueue_indirect_dma source(%dma_start3A_472 : memref<1000000x64xf32, #tpu.memory_space<hbm>>) target(%dma_start3A_466 : memref<128x64xf32, #tpu.memory_space<vmem>>) offsets(%dma_start3A_469 : memref<128xi32, #tpu.memory_space<vmem>>) semaphore(%arg8 : memref<!tpu.dma_semaphore, #tpu.memory_space<semaphore_mem>>) {add = true}
    %dma_start3A_473 = arith.constant 1 : i32
    %dma_start3A_474 = arith.constant 9 : i32
    %dma_start3A_475 = arith.constant 1 : i32
    %dma_start3A_476 = arith.constant 0 : i32
    %dma_start3A_477 = arith.constant 0 : i32
    %dma_start3A_478 = tpu.memref_slice %arg6[%dma_start3A_475, %dma_start3A_476, %dma_start3A_477] : memref<2x128x64xf32, #tpu.memory_space<vmem>> -> memref<1x128x64xf32, #tpu.memory_space<vmem>>
    %dma_start3A_479 = tpu.memref_squeeze %dma_start3A_478 : memref<1x128x64xf32, #tpu.memory_space<vmem>> -> memref<128x64xf32, #tpu.memory_space<vmem>>
    %dma_start3A_480 = arith.constant 0 : i32
    %dma_start3A_481 = tpu.memref_slice %arg5[%dma_start3A_473, %dma_start3A_474, %dma_start3A_480] : memref<2x26x128xi32, #tpu.memory_space<vmem>> -> memref<1x1x128xi32, #tpu.memory_space<vmem>>
    %dma_start3A_482 = tpu.memref_squeeze %dma_start3A_481 : memref<1x1x128xi32, #tpu.memory_space<vmem>> -> memref<128xi32, #tpu.memory_space<vmem>>
    %dma_start3A_483 = arith.constant 0 : i32
    %dma_start3A_484 = arith.constant 0 : i32
    %dma_start3A_485 = tpu.memref_slice %arg3[%dma_start3A_483, %dma_start3A_484] : memref<1000000x64xf32, #tpu.memory_space<hbm>> -> memref<1000000x64xf32, #tpu.memory_space<hbm>>
    tpu.enqueue_indirect_dma source(%dma_start3A_485 : memref<1000000x64xf32, #tpu.memory_space<hbm>>) target(%dma_start3A_479 : memref<128x64xf32, #tpu.memory_space<vmem>>) offsets(%dma_start3A_482 : memref<128xi32, #tpu.memory_space<vmem>>) semaphore(%arg8 : memref<!tpu.dma_semaphore, #tpu.memory_space<semaphore_mem>>) {add = true}
    %dma_start3A_486 = arith.constant 1 : i32
    %dma_start3A_487 = arith.constant 10 : i32
    %dma_start3A_488 = arith.constant 1 : i32
    %dma_start3A_489 = arith.constant 0 : i32
    %dma_start3A_490 = arith.constant 0 : i32
    %dma_start3A_491 = tpu.memref_slice %arg6[%dma_start3A_488, %dma_start3A_489, %dma_start3A_490] : memref<2x128x64xf32, #tpu.memory_space<vmem>> -> memref<1x128x64xf32, #tpu.memory_space<vmem>>
    %dma_start3A_492 = tpu.memref_squeeze %dma_start3A_491 : memref<1x128x64xf32, #tpu.memory_space<vmem>> -> memref<128x64xf32, #tpu.memory_space<vmem>>
    %dma_start3A_493 = arith.constant 0 : i32
    %dma_start3A_494 = tpu.memref_slice %arg5[%dma_start3A_486, %dma_start3A_487, %dma_start3A_493] : memref<2x26x128xi32, #tpu.memory_space<vmem>> -> memref<1x1x128xi32, #tpu.memory_space<vmem>>
    %dma_start3A_495 = tpu.memref_squeeze %dma_start3A_494 : memref<1x1x128xi32, #tpu.memory_space<vmem>> -> memref<128xi32, #tpu.memory_space<vmem>>
    %dma_start3A_496 = arith.constant 0 : i32
    %dma_start3A_497 = arith.constant 0 : i32
    %dma_start3A_498 = tpu.memref_slice %arg3[%dma_start3A_496, %dma_start3A_497] : memref<1000000x64xf32, #tpu.memory_space<hbm>> -> memref<1000000x64xf32, #tpu.memory_space<hbm>>
    tpu.enqueue_indirect_dma source(%dma_start3A_498 : memref<1000000x64xf32, #tpu.memory_space<hbm>>) target(%dma_start3A_492 : memref<128x64xf32, #tpu.memory_space<vmem>>) offsets(%dma_start3A_495 : memref<128xi32, #tpu.memory_space<vmem>>) semaphore(%arg8 : memref<!tpu.dma_semaphore, #tpu.memory_space<semaphore_mem>>) {add = true}
    %dma_start3A_499 = arith.constant 1 : i32
    %dma_start3A_500 = arith.constant 11 : i32
    %dma_start3A_501 = arith.constant 1 : i32
    %dma_start3A_502 = arith.constant 0 : i32
    %dma_start3A_503 = arith.constant 0 : i32
    %dma_start3A_504 = tpu.memref_slice %arg6[%dma_start3A_501, %dma_start3A_502, %dma_start3A_503] : memref<2x128x64xf32, #tpu.memory_space<vmem>> -> memref<1x128x64xf32, #tpu.memory_space<vmem>>
    %dma_start3A_505 = tpu.memref_squeeze %dma_start3A_504 : memref<1x128x64xf32, #tpu.memory_space<vmem>> -> memref<128x64xf32, #tpu.memory_space<vmem>>
    %dma_start3A_506 = arith.constant 0 : i32
    %dma_start3A_507 = tpu.memref_slice %arg5[%dma_start3A_499, %dma_start3A_500, %dma_start3A_506] : memref<2x26x128xi32, #tpu.memory_space<vmem>> -> memref<1x1x128xi32, #tpu.memory_space<vmem>>
    %dma_start3A_508 = tpu.memref_squeeze %dma_start3A_507 : memref<1x1x128xi32, #tpu.memory_space<vmem>> -> memref<128xi32, #tpu.memory_space<vmem>>
    %dma_start3A_509 = arith.constant 0 : i32
    %dma_start3A_510 = arith.constant 0 : i32
    %dma_start3A_511 = tpu.memref_slice %arg3[%dma_start3A_509, %dma_start3A_510] : memref<1000000x64xf32, #tpu.memory_space<hbm>> -> memref<1000000x64xf32, #tpu.memory_space<hbm>>
    tpu.enqueue_indirect_dma source(%dma_start3A_511 : memref<1000000x64xf32, #tpu.memory_space<hbm>>) target(%dma_start3A_505 : memref<128x64xf32, #tpu.memory_space<vmem>>) offsets(%dma_start3A_508 : memref<128xi32, #tpu.memory_space<vmem>>) semaphore(%arg8 : memref<!tpu.dma_semaphore, #tpu.memory_space<semaphore_mem>>) {add = true}
    %dma_start3A_512 = arith.constant 1 : i32
    %dma_start3A_513 = arith.constant 12 : i32
    %dma_start3A_514 = arith.constant 1 : i32
    %dma_start3A_515 = arith.constant 0 : i32
    %dma_start3A_516 = arith.constant 0 : i32
    %dma_start3A_517 = tpu.memref_slice %arg6[%dma_start3A_514, %dma_start3A_515, %dma_start3A_516] : memref<2x128x64xf32, #tpu.memory_space<vmem>> -> memref<1x128x64xf32, #tpu.memory_space<vmem>>
    %dma_start3A_518 = tpu.memref_squeeze %dma_start3A_517 : memref<1x128x64xf32, #tpu.memory_space<vmem>> -> memref<128x64xf32, #tpu.memory_space<vmem>>
    %dma_start3A_519 = arith.constant 0 : i32
    %dma_start3A_520 = tpu.memref_slice %arg5[%dma_start3A_512, %dma_start3A_513, %dma_start3A_519] : memref<2x26x128xi32, #tpu.memory_space<vmem>> -> memref<1x1x128xi32, #tpu.memory_space<vmem>>
    %dma_start3A_521 = tpu.memref_squeeze %dma_start3A_520 : memref<1x1x128xi32, #tpu.memory_space<vmem>> -> memref<128xi32, #tpu.memory_space<vmem>>
    %dma_start3A_522 = arith.constant 0 : i32
    %dma_start3A_523 = arith.constant 0 : i32
    %dma_start3A_524 = tpu.memref_slice %arg3[%dma_start3A_522, %dma_start3A_523] : memref<1000000x64xf32, #tpu.memory_space<hbm>> -> memref<1000000x64xf32, #tpu.memory_space<hbm>>
    tpu.enqueue_indirect_dma source(%dma_start3A_524 : memref<1000000x64xf32, #tpu.memory_space<hbm>>) target(%dma_start3A_518 : memref<128x64xf32, #tpu.memory_space<vmem>>) offsets(%dma_start3A_521 : memref<128xi32, #tpu.memory_space<vmem>>) semaphore(%arg8 : memref<!tpu.dma_semaphore, #tpu.memory_space<semaphore_mem>>) {add = true}
    %dma_start3A_525 = arith.constant 1 : i32
    %dma_start3A_526 = arith.constant 13 : i32
    %dma_start3A_527 = arith.constant 1 : i32
    %dma_start3A_528 = arith.constant 0 : i32
    %dma_start3A_529 = arith.constant 0 : i32
    %dma_start3A_530 = tpu.memref_slice %arg6[%dma_start3A_527, %dma_start3A_528, %dma_start3A_529] : memref<2x128x64xf32, #tpu.memory_space<vmem>> -> memref<1x128x64xf32, #tpu.memory_space<vmem>>
    %dma_start3A_531 = tpu.memref_squeeze %dma_start3A_530 : memref<1x128x64xf32, #tpu.memory_space<vmem>> -> memref<128x64xf32, #tpu.memory_space<vmem>>
    %dma_start3A_532 = arith.constant 0 : i32
    %dma_start3A_533 = tpu.memref_slice %arg5[%dma_start3A_525, %dma_start3A_526, %dma_start3A_532] : memref<2x26x128xi32, #tpu.memory_space<vmem>> -> memref<1x1x128xi32, #tpu.memory_space<vmem>>
    %dma_start3A_534 = tpu.memref_squeeze %dma_start3A_533 : memref<1x1x128xi32, #tpu.memory_space<vmem>> -> memref<128xi32, #tpu.memory_space<vmem>>
    %dma_start3A_535 = arith.constant 0 : i32
    %dma_start3A_536 = arith.constant 0 : i32
    %dma_start3A_537 = tpu.memref_slice %arg3[%dma_start3A_535, %dma_start3A_536] : memref<1000000x64xf32, #tpu.memory_space<hbm>> -> memref<1000000x64xf32, #tpu.memory_space<hbm>>
    tpu.enqueue_indirect_dma source(%dma_start3A_537 : memref<1000000x64xf32, #tpu.memory_space<hbm>>) target(%dma_start3A_531 : memref<128x64xf32, #tpu.memory_space<vmem>>) offsets(%dma_start3A_534 : memref<128xi32, #tpu.memory_space<vmem>>) semaphore(%arg8 : memref<!tpu.dma_semaphore, #tpu.memory_space<semaphore_mem>>) {add = true}
    %dma_start3A_538 = arith.constant 1 : i32
    %dma_start3A_539 = arith.constant 14 : i32
    %dma_start3A_540 = arith.constant 1 : i32
    %dma_start3A_541 = arith.constant 0 : i32
    %dma_start3A_542 = arith.constant 0 : i32
    %dma_start3A_543 = tpu.memref_slice %arg6[%dma_start3A_540, %dma_start3A_541, %dma_start3A_542] : memref<2x128x64xf32, #tpu.memory_space<vmem>> -> memref<1x128x64xf32, #tpu.memory_space<vmem>>
    %dma_start3A_544 = tpu.memref_squeeze %dma_start3A_543 : memref<1x128x64xf32, #tpu.memory_space<vmem>> -> memref<128x64xf32, #tpu.memory_space<vmem>>
    %dma_start3A_545 = arith.constant 0 : i32
    %dma_start3A_546 = tpu.memref_slice %arg5[%dma_start3A_538, %dma_start3A_539, %dma_start3A_545] : memref<2x26x128xi32, #tpu.memory_space<vmem>> -> memref<1x1x128xi32, #tpu.memory_space<vmem>>
    %dma_start3A_547 = tpu.memref_squeeze %dma_start3A_546 : memref<1x1x128xi32, #tpu.memory_space<vmem>> -> memref<128xi32, #tpu.memory_space<vmem>>
    %dma_start3A_548 = arith.constant 0 : i32
    %dma_start3A_549 = arith.constant 0 : i32
    %dma_start3A_550 = tpu.memref_slice %arg3[%dma_start3A_548, %dma_start3A_549] : memref<1000000x64xf32, #tpu.memory_space<hbm>> -> memref<1000000x64xf32, #tpu.memory_space<hbm>>
    tpu.enqueue_indirect_dma source(%dma_start3A_550 : memref<1000000x64xf32, #tpu.memory_space<hbm>>) target(%dma_start3A_544 : memref<128x64xf32, #tpu.memory_space<vmem>>) offsets(%dma_start3A_547 : memref<128xi32, #tpu.memory_space<vmem>>) semaphore(%arg8 : memref<!tpu.dma_semaphore, #tpu.memory_space<semaphore_mem>>) {add = true}
    %dma_start3A_551 = arith.constant 1 : i32
    %dma_start3A_552 = arith.constant 15 : i32
    %dma_start3A_553 = arith.constant 1 : i32
    %dma_start3A_554 = arith.constant 0 : i32
    %dma_start3A_555 = arith.constant 0 : i32
    %dma_start3A_556 = tpu.memref_slice %arg6[%dma_start3A_553, %dma_start3A_554, %dma_start3A_555] : memref<2x128x64xf32, #tpu.memory_space<vmem>> -> memref<1x128x64xf32, #tpu.memory_space<vmem>>
    %dma_start3A_557 = tpu.memref_squeeze %dma_start3A_556 : memref<1x128x64xf32, #tpu.memory_space<vmem>> -> memref<128x64xf32, #tpu.memory_space<vmem>>
    %dma_start3A_558 = arith.constant 0 : i32
    %dma_start3A_559 = tpu.memref_slice %arg5[%dma_start3A_551, %dma_start3A_552, %dma_start3A_558] : memref<2x26x128xi32, #tpu.memory_space<vmem>> -> memref<1x1x128xi32, #tpu.memory_space<vmem>>
    %dma_start3A_560 = tpu.memref_squeeze %dma_start3A_559 : memref<1x1x128xi32, #tpu.memory_space<vmem>> -> memref<128xi32, #tpu.memory_space<vmem>>
    %dma_start3A_561 = arith.constant 0 : i32
    %dma_start3A_562 = arith.constant 0 : i32
    %dma_start3A_563 = tpu.memref_slice %arg3[%dma_start3A_561, %dma_start3A_562] : memref<1000000x64xf32, #tpu.memory_space<hbm>> -> memref<1000000x64xf32, #tpu.memory_space<hbm>>
    tpu.enqueue_indirect_dma source(%dma_start3A_563 : memref<1000000x64xf32, #tpu.memory_space<hbm>>) target(%dma_start3A_557 : memref<128x64xf32, #tpu.memory_space<vmem>>) offsets(%dma_start3A_560 : memref<128xi32, #tpu.memory_space<vmem>>) semaphore(%arg8 : memref<!tpu.dma_semaphore, #tpu.memory_space<semaphore_mem>>) {add = true}
    %dma_start3A_564 = arith.constant 1 : i32
    %dma_start3A_565 = arith.constant 16 : i32
    %dma_start3A_566 = arith.constant 1 : i32
    %dma_start3A_567 = arith.constant 0 : i32
    %dma_start3A_568 = arith.constant 0 : i32
    %dma_start3A_569 = tpu.memref_slice %arg6[%dma_start3A_566, %dma_start3A_567, %dma_start3A_568] : memref<2x128x64xf32, #tpu.memory_space<vmem>> -> memref<1x128x64xf32, #tpu.memory_space<vmem>>
    %dma_start3A_570 = tpu.memref_squeeze %dma_start3A_569 : memref<1x128x64xf32, #tpu.memory_space<vmem>> -> memref<128x64xf32, #tpu.memory_space<vmem>>
    %dma_start3A_571 = arith.constant 0 : i32
    %dma_start3A_572 = tpu.memref_slice %arg5[%dma_start3A_564, %dma_start3A_565, %dma_start3A_571] : memref<2x26x128xi32, #tpu.memory_space<vmem>> -> memref<1x1x128xi32, #tpu.memory_space<vmem>>
    %dma_start3A_573 = tpu.memref_squeeze %dma_start3A_572 : memref<1x1x128xi32, #tpu.memory_space<vmem>> -> memref<128xi32, #tpu.memory_space<vmem>>
    %dma_start3A_574 = arith.constant 0 : i32
    %dma_start3A_575 = arith.constant 0 : i32
    %dma_start3A_576 = tpu.memref_slice %arg3[%dma_start3A_574, %dma_start3A_575] : memref<1000000x64xf32, #tpu.memory_space<hbm>> -> memref<1000000x64xf32, #tpu.memory_space<hbm>>
    tpu.enqueue_indirect_dma source(%dma_start3A_576 : memref<1000000x64xf32, #tpu.memory_space<hbm>>) target(%dma_start3A_570 : memref<128x64xf32, #tpu.memory_space<vmem>>) offsets(%dma_start3A_573 : memref<128xi32, #tpu.memory_space<vmem>>) semaphore(%arg8 : memref<!tpu.dma_semaphore, #tpu.memory_space<semaphore_mem>>) {add = true}
    %dma_start3A_577 = arith.constant 1 : i32
    %dma_start3A_578 = arith.constant 17 : i32
    %dma_start3A_579 = arith.constant 1 : i32
    %dma_start3A_580 = arith.constant 0 : i32
    %dma_start3A_581 = arith.constant 0 : i32
    %dma_start3A_582 = tpu.memref_slice %arg6[%dma_start3A_579, %dma_start3A_580, %dma_start3A_581] : memref<2x128x64xf32, #tpu.memory_space<vmem>> -> memref<1x128x64xf32, #tpu.memory_space<vmem>>
    %dma_start3A_583 = tpu.memref_squeeze %dma_start3A_582 : memref<1x128x64xf32, #tpu.memory_space<vmem>> -> memref<128x64xf32, #tpu.memory_space<vmem>>
    %dma_start3A_584 = arith.constant 0 : i32
    %dma_start3A_585 = tpu.memref_slice %arg5[%dma_start3A_577, %dma_start3A_578, %dma_start3A_584] : memref<2x26x128xi32, #tpu.memory_space<vmem>> -> memref<1x1x128xi32, #tpu.memory_space<vmem>>
    %dma_start3A_586 = tpu.memref_squeeze %dma_start3A_585 : memref<1x1x128xi32, #tpu.memory_space<vmem>> -> memref<128xi32, #tpu.memory_space<vmem>>
    %dma_start3A_587 = arith.constant 0 : i32
    %dma_start3A_588 = arith.constant 0 : i32
    %dma_start3A_589 = tpu.memref_slice %arg3[%dma_start3A_587, %dma_start3A_588] : memref<1000000x64xf32, #tpu.memory_space<hbm>> -> memref<1000000x64xf32, #tpu.memory_space<hbm>>
    tpu.enqueue_indirect_dma source(%dma_start3A_589 : memref<1000000x64xf32, #tpu.memory_space<hbm>>) target(%dma_start3A_583 : memref<128x64xf32, #tpu.memory_space<vmem>>) offsets(%dma_start3A_586 : memref<128xi32, #tpu.memory_space<vmem>>) semaphore(%arg8 : memref<!tpu.dma_semaphore, #tpu.memory_space<semaphore_mem>>) {add = true}
    %dma_start3A_590 = arith.constant 1 : i32
    %dma_start3A_591 = arith.constant 18 : i32
    %dma_start3A_592 = arith.constant 1 : i32
    %dma_start3A_593 = arith.constant 0 : i32
    %dma_start3A_594 = arith.constant 0 : i32
    %dma_start3A_595 = tpu.memref_slice %arg6[%dma_start3A_592, %dma_start3A_593, %dma_start3A_594] : memref<2x128x64xf32, #tpu.memory_space<vmem>> -> memref<1x128x64xf32, #tpu.memory_space<vmem>>
    %dma_start3A_596 = tpu.memref_squeeze %dma_start3A_595 : memref<1x128x64xf32, #tpu.memory_space<vmem>> -> memref<128x64xf32, #tpu.memory_space<vmem>>
    %dma_start3A_597 = arith.constant 0 : i32
    %dma_start3A_598 = tpu.memref_slice %arg5[%dma_start3A_590, %dma_start3A_591, %dma_start3A_597] : memref<2x26x128xi32, #tpu.memory_space<vmem>> -> memref<1x1x128xi32, #tpu.memory_space<vmem>>
    %dma_start3A_599 = tpu.memref_squeeze %dma_start3A_598 : memref<1x1x128xi32, #tpu.memory_space<vmem>> -> memref<128xi32, #tpu.memory_space<vmem>>
    %dma_start3A_600 = arith.constant 0 : i32
    %dma_start3A_601 = arith.constant 0 : i32
    %dma_start3A_602 = tpu.memref_slice %arg3[%dma_start3A_600, %dma_start3A_601] : memref<1000000x64xf32, #tpu.memory_space<hbm>> -> memref<1000000x64xf32, #tpu.memory_space<hbm>>
    tpu.enqueue_indirect_dma source(%dma_start3A_602 : memref<1000000x64xf32, #tpu.memory_space<hbm>>) target(%dma_start3A_596 : memref<128x64xf32, #tpu.memory_space<vmem>>) offsets(%dma_start3A_599 : memref<128xi32, #tpu.memory_space<vmem>>) semaphore(%arg8 : memref<!tpu.dma_semaphore, #tpu.memory_space<semaphore_mem>>) {add = true}
    %dma_start3A_603 = arith.constant 1 : i32
    %dma_start3A_604 = arith.constant 19 : i32
    %dma_start3A_605 = arith.constant 1 : i32
    %dma_start3A_606 = arith.constant 0 : i32
    %dma_start3A_607 = arith.constant 0 : i32
    %dma_start3A_608 = tpu.memref_slice %arg6[%dma_start3A_605, %dma_start3A_606, %dma_start3A_607] : memref<2x128x64xf32, #tpu.memory_space<vmem>> -> memref<1x128x64xf32, #tpu.memory_space<vmem>>
    %dma_start3A_609 = tpu.memref_squeeze %dma_start3A_608 : memref<1x128x64xf32, #tpu.memory_space<vmem>> -> memref<128x64xf32, #tpu.memory_space<vmem>>
    %dma_start3A_610 = arith.constant 0 : i32
    %dma_start3A_611 = tpu.memref_slice %arg5[%dma_start3A_603, %dma_start3A_604, %dma_start3A_610] : memref<2x26x128xi32, #tpu.memory_space<vmem>> -> memref<1x1x128xi32, #tpu.memory_space<vmem>>
    %dma_start3A_612 = tpu.memref_squeeze %dma_start3A_611 : memref<1x1x128xi32, #tpu.memory_space<vmem>> -> memref<128xi32, #tpu.memory_space<vmem>>
    %dma_start3A_613 = arith.constant 0 : i32
    %dma_start3A_614 = arith.constant 0 : i32
    %dma_start3A_615 = tpu.memref_slice %arg3[%dma_start3A_613, %dma_start3A_614] : memref<1000000x64xf32, #tpu.memory_space<hbm>> -> memref<1000000x64xf32, #tpu.memory_space<hbm>>
    tpu.enqueue_indirect_dma source(%dma_start3A_615 : memref<1000000x64xf32, #tpu.memory_space<hbm>>) target(%dma_start3A_609 : memref<128x64xf32, #tpu.memory_space<vmem>>) offsets(%dma_start3A_612 : memref<128xi32, #tpu.memory_space<vmem>>) semaphore(%arg8 : memref<!tpu.dma_semaphore, #tpu.memory_space<semaphore_mem>>) {add = true}
    %dma_start3A_616 = arith.constant 1 : i32
    %dma_start3A_617 = arith.constant 20 : i32
    %dma_start3A_618 = arith.constant 1 : i32
    %dma_start3A_619 = arith.constant 0 : i32
    %dma_start3A_620 = arith.constant 0 : i32
    %dma_start3A_621 = tpu.memref_slice %arg6[%dma_start3A_618, %dma_start3A_619, %dma_start3A_620] : memref<2x128x64xf32, #tpu.memory_space<vmem>> -> memref<1x128x64xf32, #tpu.memory_space<vmem>>
    %dma_start3A_622 = tpu.memref_squeeze %dma_start3A_621 : memref<1x128x64xf32, #tpu.memory_space<vmem>> -> memref<128x64xf32, #tpu.memory_space<vmem>>
    %dma_start3A_623 = arith.constant 0 : i32
    %dma_start3A_624 = tpu.memref_slice %arg5[%dma_start3A_616, %dma_start3A_617, %dma_start3A_623] : memref<2x26x128xi32, #tpu.memory_space<vmem>> -> memref<1x1x128xi32, #tpu.memory_space<vmem>>
    %dma_start3A_625 = tpu.memref_squeeze %dma_start3A_624 : memref<1x1x128xi32, #tpu.memory_space<vmem>> -> memref<128xi32, #tpu.memory_space<vmem>>
    %dma_start3A_626 = arith.constant 0 : i32
    %dma_start3A_627 = arith.constant 0 : i32
    %dma_start3A_628 = tpu.memref_slice %arg3[%dma_start3A_626, %dma_start3A_627] : memref<1000000x64xf32, #tpu.memory_space<hbm>> -> memref<1000000x64xf32, #tpu.memory_space<hbm>>
    tpu.enqueue_indirect_dma source(%dma_start3A_628 : memref<1000000x64xf32, #tpu.memory_space<hbm>>) target(%dma_start3A_622 : memref<128x64xf32, #tpu.memory_space<vmem>>) offsets(%dma_start3A_625 : memref<128xi32, #tpu.memory_space<vmem>>) semaphore(%arg8 : memref<!tpu.dma_semaphore, #tpu.memory_space<semaphore_mem>>) {add = true}
    %dma_start3A_629 = arith.constant 1 : i32
    %dma_start3A_630 = arith.constant 21 : i32
    %dma_start3A_631 = arith.constant 1 : i32
    %dma_start3A_632 = arith.constant 0 : i32
    %dma_start3A_633 = arith.constant 0 : i32
    %dma_start3A_634 = tpu.memref_slice %arg6[%dma_start3A_631, %dma_start3A_632, %dma_start3A_633] : memref<2x128x64xf32, #tpu.memory_space<vmem>> -> memref<1x128x64xf32, #tpu.memory_space<vmem>>
    %dma_start3A_635 = tpu.memref_squeeze %dma_start3A_634 : memref<1x128x64xf32, #tpu.memory_space<vmem>> -> memref<128x64xf32, #tpu.memory_space<vmem>>
    %dma_start3A_636 = arith.constant 0 : i32
    %dma_start3A_637 = tpu.memref_slice %arg5[%dma_start3A_629, %dma_start3A_630, %dma_start3A_636] : memref<2x26x128xi32, #tpu.memory_space<vmem>> -> memref<1x1x128xi32, #tpu.memory_space<vmem>>
    %dma_start3A_638 = tpu.memref_squeeze %dma_start3A_637 : memref<1x1x128xi32, #tpu.memory_space<vmem>> -> memref<128xi32, #tpu.memory_space<vmem>>
    %dma_start3A_639 = arith.constant 0 : i32
    %dma_start3A_640 = arith.constant 0 : i32
    %dma_start3A_641 = tpu.memref_slice %arg3[%dma_start3A_639, %dma_start3A_640] : memref<1000000x64xf32, #tpu.memory_space<hbm>> -> memref<1000000x64xf32, #tpu.memory_space<hbm>>
    tpu.enqueue_indirect_dma source(%dma_start3A_641 : memref<1000000x64xf32, #tpu.memory_space<hbm>>) target(%dma_start3A_635 : memref<128x64xf32, #tpu.memory_space<vmem>>) offsets(%dma_start3A_638 : memref<128xi32, #tpu.memory_space<vmem>>) semaphore(%arg8 : memref<!tpu.dma_semaphore, #tpu.memory_space<semaphore_mem>>) {add = true}
    %dma_start3A_642 = arith.constant 1 : i32
    %dma_start3A_643 = arith.constant 22 : i32
    %dma_start3A_644 = arith.constant 1 : i32
    %dma_start3A_645 = arith.constant 0 : i32
    %dma_start3A_646 = arith.constant 0 : i32
    %dma_start3A_647 = tpu.memref_slice %arg6[%dma_start3A_644, %dma_start3A_645, %dma_start3A_646] : memref<2x128x64xf32, #tpu.memory_space<vmem>> -> memref<1x128x64xf32, #tpu.memory_space<vmem>>
    %dma_start3A_648 = tpu.memref_squeeze %dma_start3A_647 : memref<1x128x64xf32, #tpu.memory_space<vmem>> -> memref<128x64xf32, #tpu.memory_space<vmem>>
    %dma_start3A_649 = arith.constant 0 : i32
    %dma_start3A_650 = tpu.memref_slice %arg5[%dma_start3A_642, %dma_start3A_643, %dma_start3A_649] : memref<2x26x128xi32, #tpu.memory_space<vmem>> -> memref<1x1x128xi32, #tpu.memory_space<vmem>>
    %dma_start3A_651 = tpu.memref_squeeze %dma_start3A_650 : memref<1x1x128xi32, #tpu.memory_space<vmem>> -> memref<128xi32, #tpu.memory_space<vmem>>
    %dma_start3A_652 = arith.constant 0 : i32
    %dma_start3A_653 = arith.constant 0 : i32
    %dma_start3A_654 = tpu.memref_slice %arg3[%dma_start3A_652, %dma_start3A_653] : memref<1000000x64xf32, #tpu.memory_space<hbm>> -> memref<1000000x64xf32, #tpu.memory_space<hbm>>
    tpu.enqueue_indirect_dma source(%dma_start3A_654 : memref<1000000x64xf32, #tpu.memory_space<hbm>>) target(%dma_start3A_648 : memref<128x64xf32, #tpu.memory_space<vmem>>) offsets(%dma_start3A_651 : memref<128xi32, #tpu.memory_space<vmem>>) semaphore(%arg8 : memref<!tpu.dma_semaphore, #tpu.memory_space<semaphore_mem>>) {add = true}
    %dma_start3A_655 = arith.constant 1 : i32
    %dma_start3A_656 = arith.constant 23 : i32
    %dma_start3A_657 = arith.constant 1 : i32
    %dma_start3A_658 = arith.constant 0 : i32
    %dma_start3A_659 = arith.constant 0 : i32
    %dma_start3A_660 = tpu.memref_slice %arg6[%dma_start3A_657, %dma_start3A_658, %dma_start3A_659] : memref<2x128x64xf32, #tpu.memory_space<vmem>> -> memref<1x128x64xf32, #tpu.memory_space<vmem>>
    %dma_start3A_661 = tpu.memref_squeeze %dma_start3A_660 : memref<1x128x64xf32, #tpu.memory_space<vmem>> -> memref<128x64xf32, #tpu.memory_space<vmem>>
    %dma_start3A_662 = arith.constant 0 : i32
    %dma_start3A_663 = tpu.memref_slice %arg5[%dma_start3A_655, %dma_start3A_656, %dma_start3A_662] : memref<2x26x128xi32, #tpu.memory_space<vmem>> -> memref<1x1x128xi32, #tpu.memory_space<vmem>>
    %dma_start3A_664 = tpu.memref_squeeze %dma_start3A_663 : memref<1x1x128xi32, #tpu.memory_space<vmem>> -> memref<128xi32, #tpu.memory_space<vmem>>
    %dma_start3A_665 = arith.constant 0 : i32
    %dma_start3A_666 = arith.constant 0 : i32
    %dma_start3A_667 = tpu.memref_slice %arg3[%dma_start3A_665, %dma_start3A_666] : memref<1000000x64xf32, #tpu.memory_space<hbm>> -> memref<1000000x64xf32, #tpu.memory_space<hbm>>
    tpu.enqueue_indirect_dma source(%dma_start3A_667 : memref<1000000x64xf32, #tpu.memory_space<hbm>>) target(%dma_start3A_661 : memref<128x64xf32, #tpu.memory_space<vmem>>) offsets(%dma_start3A_664 : memref<128xi32, #tpu.memory_space<vmem>>) semaphore(%arg8 : memref<!tpu.dma_semaphore, #tpu.memory_space<semaphore_mem>>) {add = true}
    %dma_start3A_668 = arith.constant 1 : i32
    %dma_start3A_669 = arith.constant 24 : i32
    %dma_start3A_670 = arith.constant 1 : i32
    %dma_start3A_671 = arith.constant 0 : i32
    %dma_start3A_672 = arith.constant 0 : i32
    %dma_start3A_673 = tpu.memref_slice %arg6[%dma_start3A_670, %dma_start3A_671, %dma_start3A_672] : memref<2x128x64xf32, #tpu.memory_space<vmem>> -> memref<1x128x64xf32, #tpu.memory_space<vmem>>
    %dma_start3A_674 = tpu.memref_squeeze %dma_start3A_673 : memref<1x128x64xf32, #tpu.memory_space<vmem>> -> memref<128x64xf32, #tpu.memory_space<vmem>>
    %dma_start3A_675 = arith.constant 0 : i32
    %dma_start3A_676 = tpu.memref_slice %arg5[%dma_start3A_668, %dma_start3A_669, %dma_start3A_675] : memref<2x26x128xi32, #tpu.memory_space<vmem>> -> memref<1x1x128xi32, #tpu.memory_space<vmem>>
    %dma_start3A_677 = tpu.memref_squeeze %dma_start3A_676 : memref<1x1x128xi32, #tpu.memory_space<vmem>> -> memref<128xi32, #tpu.memory_space<vmem>>
    %dma_start3A_678 = arith.constant 0 : i32
    %dma_start3A_679 = arith.constant 0 : i32
    %dma_start3A_680 = tpu.memref_slice %arg3[%dma_start3A_678, %dma_start3A_679] : memref<1000000x64xf32, #tpu.memory_space<hbm>> -> memref<1000000x64xf32, #tpu.memory_space<hbm>>
    tpu.enqueue_indirect_dma source(%dma_start3A_680 : memref<1000000x64xf32, #tpu.memory_space<hbm>>) target(%dma_start3A_674 : memref<128x64xf32, #tpu.memory_space<vmem>>) offsets(%dma_start3A_677 : memref<128xi32, #tpu.memory_space<vmem>>) semaphore(%arg8 : memref<!tpu.dma_semaphore, #tpu.memory_space<semaphore_mem>>) {add = true}
    %dma_start3A_681 = arith.constant 1 : i32
    %dma_start3A_682 = arith.constant 25 : i32
    %dma_start3A_683 = arith.constant 1 : i32
    %dma_start3A_684 = arith.constant 0 : i32
    %dma_start3A_685 = arith.constant 0 : i32
    %dma_start3A_686 = tpu.memref_slice %arg6[%dma_start3A_683, %dma_start3A_684, %dma_start3A_685] : memref<2x128x64xf32, #tpu.memory_space<vmem>> -> memref<1x128x64xf32, #tpu.memory_space<vmem>>
    %dma_start3A_687 = tpu.memref_squeeze %dma_start3A_686 : memref<1x128x64xf32, #tpu.memory_space<vmem>> -> memref<128x64xf32, #tpu.memory_space<vmem>>
    %dma_start3A_688 = arith.constant 0 : i32
    %dma_start3A_689 = tpu.memref_slice %arg5[%dma_start3A_681, %dma_start3A_682, %dma_start3A_688] : memref<2x26x128xi32, #tpu.memory_space<vmem>> -> memref<1x1x128xi32, #tpu.memory_space<vmem>>
    %dma_start3A_690 = tpu.memref_squeeze %dma_start3A_689 : memref<1x1x128xi32, #tpu.memory_space<vmem>> -> memref<128xi32, #tpu.memory_space<vmem>>
    %dma_start3A_691 = arith.constant 0 : i32
    %dma_start3A_692 = arith.constant 0 : i32
    %dma_start3A_693 = tpu.memref_slice %arg3[%dma_start3A_691, %dma_start3A_692] : memref<1000000x64xf32, #tpu.memory_space<hbm>> -> memref<1000000x64xf32, #tpu.memory_space<hbm>>
    tpu.enqueue_indirect_dma source(%dma_start3A_693 : memref<1000000x64xf32, #tpu.memory_space<hbm>>) target(%dma_start3A_687 : memref<128x64xf32, #tpu.memory_space<vmem>>) offsets(%dma_start3A_690 : memref<128xi32, #tpu.memory_space<vmem>>) semaphore(%arg8 : memref<!tpu.dma_semaphore, #tpu.memory_space<semaphore_mem>>) {add = true}
    %sub3A = arith.constant 32 : i32
    %sub3A_694 = arith.subi %add3A_349, %sub3A : i32
    %dma_wait3A = arith.constant 0 : i32
    %dma_wait3A_695 = arith.constant 0 : i32
    %dma_wait3A_696 = arith.constant 0 : i32
    %dma_wait3A_697 = arith.constant 0 : i32
    %dma_wait3A_698 = arith.constant 0 : i32
    %dma_wait3A_699 = tpu.memref_slice %arg6[%dma_wait3A_696, %dma_wait3A_697, %dma_wait3A_698] : memref<2x128x64xf32, #tpu.memory_space<vmem>> -> memref<1x128x64xf32, #tpu.memory_space<vmem>>
    %dma_wait3A_700 = tpu.memref_squeeze %dma_wait3A_699 : memref<1x128x64xf32, #tpu.memory_space<vmem>> -> memref<128x64xf32, #tpu.memory_space<vmem>>
    %dma_wait3A_701 = arith.constant 0 : i32
    %dma_wait3A_702 = tpu.memref_slice %arg5[%dma_wait3A, %dma_wait3A_695, %dma_wait3A_701] : memref<2x26x128xi32, #tpu.memory_space<vmem>> -> memref<1x1x128xi32, #tpu.memory_space<vmem>>
    %dma_wait3A_703 = tpu.memref_squeeze %dma_wait3A_702 : memref<1x1x128xi32, #tpu.memory_space<vmem>> -> memref<128xi32, #tpu.memory_space<vmem>>
    %dma_wait3A_704 = arith.constant 0 : i32
    %dma_wait3A_705 = arith.constant 0 : i32
    %dma_wait3A_706 = tpu.memref_slice %arg3[%dma_wait3A_704, %dma_wait3A_705] : memref<1000000x64xf32, #tpu.memory_space<hbm>> -> memref<1000000x64xf32, #tpu.memory_space<hbm>>
    tpu.wait_indirect_dma semaphore(%arg7 : memref<!tpu.dma_semaphore, #tpu.memory_space<semaphore_mem>>) src(%dma_wait3A_706 : memref<1000000x64xf32, #tpu.memory_space<hbm>>) dst(%dma_wait3A_700 : memref<128x64xf32, #tpu.memory_space<vmem>>)
    %dma_wait3A_707 = arith.constant 0 : i32
    %dma_wait3A_708 = arith.constant 0 : i32
    %dma_wait3A_709 = arith.constant 0 : i32
    %dma_wait3A_710 = arith.constant 0 : i32
    %dma_wait3A_711 = arith.constant 0 : i32
    %dma_wait3A_712 = tpu.memref_slice %arg6[%dma_wait3A_709, %dma_wait3A_710, %dma_wait3A_711] : memref<2x128x64xf32, #tpu.memory_space<vmem>> -> memref<1x128x64xf32, #tpu.memory_space<vmem>>
    %dma_wait3A_713 = tpu.memref_squeeze %dma_wait3A_712 : memref<1x128x64xf32, #tpu.memory_space<vmem>> -> memref<128x64xf32, #tpu.memory_space<vmem>>
    %dma_wait3A_714 = arith.constant 0 : i32
    %dma_wait3A_715 = tpu.memref_slice %arg5[%dma_wait3A_707, %dma_wait3A_708, %dma_wait3A_714] : memref<2x26x128xi32, #tpu.memory_space<vmem>> -> memref<1x1x128xi32, #tpu.memory_space<vmem>>
    %dma_wait3A_716 = tpu.memref_squeeze %dma_wait3A_715 : memref<1x1x128xi32, #tpu.memory_space<vmem>> -> memref<128xi32, #tpu.memory_space<vmem>>
    %dma_wait3A_717 = arith.constant 0 : i32
    %dma_wait3A_718 = arith.constant 0 : i32
    %dma_wait3A_719 = tpu.memref_slice %arg3[%dma_wait3A_717, %dma_wait3A_718] : memref<1000000x64xf32, #tpu.memory_space<hbm>> -> memref<1000000x64xf32, #tpu.memory_space<hbm>>
    tpu.wait_indirect_dma semaphore(%arg7 : memref<!tpu.dma_semaphore, #tpu.memory_space<semaphore_mem>>) src(%dma_wait3A_719 : memref<1000000x64xf32, #tpu.memory_space<hbm>>) dst(%dma_wait3A_713 : memref<128x64xf32, #tpu.memory_space<vmem>>)
    %dma_wait3A_720 = arith.constant 0 : i32
    %dma_wait3A_721 = arith.constant 0 : i32
    %dma_wait3A_722 = arith.constant 0 : i32
    %dma_wait3A_723 = arith.constant 0 : i32
    %dma_wait3A_724 = arith.constant 0 : i32
    %dma_wait3A_725 = tpu.memref_slice %arg6[%dma_wait3A_722, %dma_wait3A_723, %dma_wait3A_724] : memref<2x128x64xf32, #tpu.memory_space<vmem>> -> memref<1x128x64xf32, #tpu.memory_space<vmem>>
    %dma_wait3A_726 = tpu.memref_squeeze %dma_wait3A_725 : memref<1x128x64xf32, #tpu.memory_space<vmem>> -> memref<128x64xf32, #tpu.memory_space<vmem>>
    %dma_wait3A_727 = arith.constant 0 : i32
    %dma_wait3A_728 = tpu.memref_slice %arg5[%dma_wait3A_720, %dma_wait3A_721, %dma_wait3A_727] : memref<2x26x128xi32, #tpu.memory_space<vmem>> -> memref<1x1x128xi32, #tpu.memory_space<vmem>>
    %dma_wait3A_729 = tpu.memref_squeeze %dma_wait3A_728 : memref<1x1x128xi32, #tpu.memory_space<vmem>> -> memref<128xi32, #tpu.memory_space<vmem>>
    %dma_wait3A_730 = arith.constant 0 : i32
    %dma_wait3A_731 = arith.constant 0 : i32
    %dma_wait3A_732 = tpu.memref_slice %arg3[%dma_wait3A_730, %dma_wait3A_731] : memref<1000000x64xf32, #tpu.memory_space<hbm>> -> memref<1000000x64xf32, #tpu.memory_space<hbm>>
    tpu.wait_indirect_dma semaphore(%arg7 : memref<!tpu.dma_semaphore, #tpu.memory_space<semaphore_mem>>) src(%dma_wait3A_732 : memref<1000000x64xf32, #tpu.memory_space<hbm>>) dst(%dma_wait3A_726 : memref<128x64xf32, #tpu.memory_space<vmem>>)
    %dma_wait3A_733 = arith.constant 0 : i32
    %dma_wait3A_734 = arith.constant 0 : i32
    %dma_wait3A_735 = arith.constant 0 : i32
    %dma_wait3A_736 = arith.constant 0 : i32
    %dma_wait3A_737 = arith.constant 0 : i32
    %dma_wait3A_738 = tpu.memref_slice %arg6[%dma_wait3A_735, %dma_wait3A_736, %dma_wait3A_737] : memref<2x128x64xf32, #tpu.memory_space<vmem>> -> memref<1x128x64xf32, #tpu.memory_space<vmem>>
    %dma_wait3A_739 = tpu.memref_squeeze %dma_wait3A_738 : memref<1x128x64xf32, #tpu.memory_space<vmem>> -> memref<128x64xf32, #tpu.memory_space<vmem>>
    %dma_wait3A_740 = arith.constant 0 : i32
    %dma_wait3A_741 = tpu.memref_slice %arg5[%dma_wait3A_733, %dma_wait3A_734, %dma_wait3A_740] : memref<2x26x128xi32, #tpu.memory_space<vmem>> -> memref<1x1x128xi32, #tpu.memory_space<vmem>>
    %dma_wait3A_742 = tpu.memref_squeeze %dma_wait3A_741 : memref<1x1x128xi32, #tpu.memory_space<vmem>> -> memref<128xi32, #tpu.memory_space<vmem>>
    %dma_wait3A_743 = arith.constant 0 : i32
    %dma_wait3A_744 = arith.constant 0 : i32
    %dma_wait3A_745 = tpu.memref_slice %arg3[%dma_wait3A_743, %dma_wait3A_744] : memref<1000000x64xf32, #tpu.memory_space<hbm>> -> memref<1000000x64xf32, #tpu.memory_space<hbm>>
    tpu.wait_indirect_dma semaphore(%arg7 : memref<!tpu.dma_semaphore, #tpu.memory_space<semaphore_mem>>) src(%dma_wait3A_745 : memref<1000000x64xf32, #tpu.memory_space<hbm>>) dst(%dma_wait3A_739 : memref<128x64xf32, #tpu.memory_space<vmem>>)
    %dma_wait3A_746 = arith.constant 0 : i32
    %dma_wait3A_747 = arith.constant 0 : i32
    %dma_wait3A_748 = arith.constant 0 : i32
    %dma_wait3A_749 = arith.constant 0 : i32
    %dma_wait3A_750 = arith.constant 0 : i32
    %dma_wait3A_751 = tpu.memref_slice %arg6[%dma_wait3A_748, %dma_wait3A_749, %dma_wait3A_750] : memref<2x128x64xf32, #tpu.memory_space<vmem>> -> memref<1x128x64xf32, #tpu.memory_space<vmem>>
    %dma_wait3A_752 = tpu.memref_squeeze %dma_wait3A_751 : memref<1x128x64xf32, #tpu.memory_space<vmem>> -> memref<128x64xf32, #tpu.memory_space<vmem>>
    %dma_wait3A_753 = arith.constant 0 : i32
    %dma_wait3A_754 = tpu.memref_slice %arg5[%dma_wait3A_746, %dma_wait3A_747, %dma_wait3A_753] : memref<2x26x128xi32, #tpu.memory_space<vmem>> -> memref<1x1x128xi32, #tpu.memory_space<vmem>>
    %dma_wait3A_755 = tpu.memref_squeeze %dma_wait3A_754 : memref<1x1x128xi32, #tpu.memory_space<vmem>> -> memref<128xi32, #tpu.memory_space<vmem>>
    %dma_wait3A_756 = arith.constant 0 : i32
    %dma_wait3A_757 = arith.constant 0 : i32
    %dma_wait3A_758 = tpu.memref_slice %arg3[%dma_wait3A_756, %dma_wait3A_757] : memref<1000000x64xf32, #tpu.memory_space<hbm>> -> memref<1000000x64xf32, #tpu.memory_space<hbm>>
    tpu.wait_indirect_dma semaphore(%arg7 : memref<!tpu.dma_semaphore, #tpu.memory_space<semaphore_mem>>) src(%dma_wait3A_758 : memref<1000000x64xf32, #tpu.memory_space<hbm>>) dst(%dma_wait3A_752 : memref<128x64xf32, #tpu.memory_space<vmem>>)
    %dma_wait3A_759 = arith.constant 0 : i32
    %dma_wait3A_760 = arith.constant 0 : i32
    %dma_wait3A_761 = arith.constant 0 : i32
    %dma_wait3A_762 = arith.constant 0 : i32
    %dma_wait3A_763 = arith.constant 0 : i32
    %dma_wait3A_764 = tpu.memref_slice %arg6[%dma_wait3A_761, %dma_wait3A_762, %dma_wait3A_763] : memref<2x128x64xf32, #tpu.memory_space<vmem>> -> memref<1x128x64xf32, #tpu.memory_space<vmem>>
    %dma_wait3A_765 = tpu.memref_squeeze %dma_wait3A_764 : memref<1x128x64xf32, #tpu.memory_space<vmem>> -> memref<128x64xf32, #tpu.memory_space<vmem>>
    %dma_wait3A_766 = arith.constant 0 : i32
    %dma_wait3A_767 = tpu.memref_slice %arg5[%dma_wait3A_759, %dma_wait3A_760, %dma_wait3A_766] : memref<2x26x128xi32, #tpu.memory_space<vmem>> -> memref<1x1x128xi32, #tpu.memory_space<vmem>>
    %dma_wait3A_768 = tpu.memref_squeeze %dma_wait3A_767 : memref<1x1x128xi32, #tpu.memory_space<vmem>> -> memref<128xi32, #tpu.memory_space<vmem>>
    %dma_wait3A_769 = arith.constant 0 : i32
    %dma_wait3A_770 = arith.constant 0 : i32
    %dma_wait3A_771 = tpu.memref_slice %arg3[%dma_wait3A_769, %dma_wait3A_770] : memref<1000000x64xf32, #tpu.memory_space<hbm>> -> memref<1000000x64xf32, #tpu.memory_space<hbm>>
    tpu.wait_indirect_dma semaphore(%arg7 : memref<!tpu.dma_semaphore, #tpu.memory_space<semaphore_mem>>) src(%dma_wait3A_771 : memref<1000000x64xf32, #tpu.memory_space<hbm>>) dst(%dma_wait3A_765 : memref<128x64xf32, #tpu.memory_space<vmem>>)
    %dma_wait3A_772 = arith.constant 0 : i32
    %dma_wait3A_773 = arith.constant 0 : i32
    %dma_wait3A_774 = arith.constant 0 : i32
    %dma_wait3A_775 = arith.constant 0 : i32
    %dma_wait3A_776 = arith.constant 0 : i32
    %dma_wait3A_777 = tpu.memref_slice %arg6[%dma_wait3A_774, %dma_wait3A_775, %dma_wait3A_776] : memref<2x128x64xf32, #tpu.memory_space<vmem>> -> memref<1x128x64xf32, #tpu.memory_space<vmem>>
    %dma_wait3A_778 = tpu.memref_squeeze %dma_wait3A_777 : memref<1x128x64xf32, #tpu.memory_space<vmem>> -> memref<128x64xf32, #tpu.memory_space<vmem>>
    %dma_wait3A_779 = arith.constant 0 : i32
    %dma_wait3A_780 = tpu.memref_slice %arg5[%dma_wait3A_772, %dma_wait3A_773, %dma_wait3A_779] : memref<2x26x128xi32, #tpu.memory_space<vmem>> -> memref<1x1x128xi32, #tpu.memory_space<vmem>>
    %dma_wait3A_781 = tpu.memref_squeeze %dma_wait3A_780 : memref<1x1x128xi32, #tpu.memory_space<vmem>> -> memref<128xi32, #tpu.memory_space<vmem>>
    %dma_wait3A_782 = arith.constant 0 : i32
    %dma_wait3A_783 = arith.constant 0 : i32
    %dma_wait3A_784 = tpu.memref_slice %arg3[%dma_wait3A_782, %dma_wait3A_783] : memref<1000000x64xf32, #tpu.memory_space<hbm>> -> memref<1000000x64xf32, #tpu.memory_space<hbm>>
    tpu.wait_indirect_dma semaphore(%arg7 : memref<!tpu.dma_semaphore, #tpu.memory_space<semaphore_mem>>) src(%dma_wait3A_784 : memref<1000000x64xf32, #tpu.memory_space<hbm>>) dst(%dma_wait3A_778 : memref<128x64xf32, #tpu.memory_space<vmem>>)
    %dma_wait3A_785 = arith.constant 0 : i32
    %dma_wait3A_786 = arith.constant 0 : i32
    %dma_wait3A_787 = arith.constant 0 : i32
    %dma_wait3A_788 = arith.constant 0 : i32
    %dma_wait3A_789 = arith.constant 0 : i32
    %dma_wait3A_790 = tpu.memref_slice %arg6[%dma_wait3A_787, %dma_wait3A_788, %dma_wait3A_789] : memref<2x128x64xf32, #tpu.memory_space<vmem>> -> memref<1x128x64xf32, #tpu.memory_space<vmem>>
    %dma_wait3A_791 = tpu.memref_squeeze %dma_wait3A_790 : memref<1x128x64xf32, #tpu.memory_space<vmem>> -> memref<128x64xf32, #tpu.memory_space<vmem>>
    %dma_wait3A_792 = arith.constant 0 : i32
    %dma_wait3A_793 = tpu.memref_slice %arg5[%dma_wait3A_785, %dma_wait3A_786, %dma_wait3A_792] : memref<2x26x128xi32, #tpu.memory_space<vmem>> -> memref<1x1x128xi32, #tpu.memory_space<vmem>>
    %dma_wait3A_794 = tpu.memref_squeeze %dma_wait3A_793 : memref<1x1x128xi32, #tpu.memory_space<vmem>> -> memref<128xi32, #tpu.memory_space<vmem>>
    %dma_wait3A_795 = arith.constant 0 : i32
    %dma_wait3A_796 = arith.constant 0 : i32
    %dma_wait3A_797 = tpu.memref_slice %arg3[%dma_wait3A_795, %dma_wait3A_796] : memref<1000000x64xf32, #tpu.memory_space<hbm>> -> memref<1000000x64xf32, #tpu.memory_space<hbm>>
    tpu.wait_indirect_dma semaphore(%arg7 : memref<!tpu.dma_semaphore, #tpu.memory_space<semaphore_mem>>) src(%dma_wait3A_797 : memref<1000000x64xf32, #tpu.memory_space<hbm>>) dst(%dma_wait3A_791 : memref<128x64xf32, #tpu.memory_space<vmem>>)
    %dma_wait3A_798 = arith.constant 0 : i32
    %dma_wait3A_799 = arith.constant 0 : i32
    %dma_wait3A_800 = arith.constant 0 : i32
    %dma_wait3A_801 = arith.constant 0 : i32
    %dma_wait3A_802 = arith.constant 0 : i32
    %dma_wait3A_803 = tpu.memref_slice %arg6[%dma_wait3A_800, %dma_wait3A_801, %dma_wait3A_802] : memref<2x128x64xf32, #tpu.memory_space<vmem>> -> memref<1x128x64xf32, #tpu.memory_space<vmem>>
    %dma_wait3A_804 = tpu.memref_squeeze %dma_wait3A_803 : memref<1x128x64xf32, #tpu.memory_space<vmem>> -> memref<128x64xf32, #tpu.memory_space<vmem>>
    %dma_wait3A_805 = arith.constant 0 : i32
    %dma_wait3A_806 = tpu.memref_slice %arg5[%dma_wait3A_798, %dma_wait3A_799, %dma_wait3A_805] : memref<2x26x128xi32, #tpu.memory_space<vmem>> -> memref<1x1x128xi32, #tpu.memory_space<vmem>>
    %dma_wait3A_807 = tpu.memref_squeeze %dma_wait3A_806 : memref<1x1x128xi32, #tpu.memory_space<vmem>> -> memref<128xi32, #tpu.memory_space<vmem>>
    %dma_wait3A_808 = arith.constant 0 : i32
    %dma_wait3A_809 = arith.constant 0 : i32
    %dma_wait3A_810 = tpu.memref_slice %arg3[%dma_wait3A_808, %dma_wait3A_809] : memref<1000000x64xf32, #tpu.memory_space<hbm>> -> memref<1000000x64xf32, #tpu.memory_space<hbm>>
    tpu.wait_indirect_dma semaphore(%arg7 : memref<!tpu.dma_semaphore, #tpu.memory_space<semaphore_mem>>) src(%dma_wait3A_810 : memref<1000000x64xf32, #tpu.memory_space<hbm>>) dst(%dma_wait3A_804 : memref<128x64xf32, #tpu.memory_space<vmem>>)
    %dma_wait3A_811 = arith.constant 0 : i32
    %dma_wait3A_812 = arith.constant 0 : i32
    %dma_wait3A_813 = arith.constant 0 : i32
    %dma_wait3A_814 = arith.constant 0 : i32
    %dma_wait3A_815 = arith.constant 0 : i32
    %dma_wait3A_816 = tpu.memref_slice %arg6[%dma_wait3A_813, %dma_wait3A_814, %dma_wait3A_815] : memref<2x128x64xf32, #tpu.memory_space<vmem>> -> memref<1x128x64xf32, #tpu.memory_space<vmem>>
    %dma_wait3A_817 = tpu.memref_squeeze %dma_wait3A_816 : memref<1x128x64xf32, #tpu.memory_space<vmem>> -> memref<128x64xf32, #tpu.memory_space<vmem>>
    %dma_wait3A_818 = arith.constant 0 : i32
    %dma_wait3A_819 = tpu.memref_slice %arg5[%dma_wait3A_811, %dma_wait3A_812, %dma_wait3A_818] : memref<2x26x128xi32, #tpu.memory_space<vmem>> -> memref<1x1x128xi32, #tpu.memory_space<vmem>>
    %dma_wait3A_820 = tpu.memref_squeeze %dma_wait3A_819 : memref<1x1x128xi32, #tpu.memory_space<vmem>> -> memref<128xi32, #tpu.memory_space<vmem>>
    %dma_wait3A_821 = arith.constant 0 : i32
    %dma_wait3A_822 = arith.constant 0 : i32
    %dma_wait3A_823 = tpu.memref_slice %arg3[%dma_wait3A_821, %dma_wait3A_822] : memref<1000000x64xf32, #tpu.memory_space<hbm>> -> memref<1000000x64xf32, #tpu.memory_space<hbm>>
    tpu.wait_indirect_dma semaphore(%arg7 : memref<!tpu.dma_semaphore, #tpu.memory_space<semaphore_mem>>) src(%dma_wait3A_823 : memref<1000000x64xf32, #tpu.memory_space<hbm>>) dst(%dma_wait3A_817 : memref<128x64xf32, #tpu.memory_space<vmem>>)
    %dma_wait3A_824 = arith.constant 0 : i32
    %dma_wait3A_825 = arith.constant 0 : i32
    %dma_wait3A_826 = arith.constant 0 : i32
    %dma_wait3A_827 = arith.constant 0 : i32
    %dma_wait3A_828 = arith.constant 0 : i32
    %dma_wait3A_829 = tpu.memref_slice %arg6[%dma_wait3A_826, %dma_wait3A_827, %dma_wait3A_828] : memref<2x128x64xf32, #tpu.memory_space<vmem>> -> memref<1x128x64xf32, #tpu.memory_space<vmem>>
    %dma_wait3A_830 = tpu.memref_squeeze %dma_wait3A_829 : memref<1x128x64xf32, #tpu.memory_space<vmem>> -> memref<128x64xf32, #tpu.memory_space<vmem>>
    %dma_wait3A_831 = arith.constant 0 : i32
    %dma_wait3A_832 = tpu.memref_slice %arg5[%dma_wait3A_824, %dma_wait3A_825, %dma_wait3A_831] : memref<2x26x128xi32, #tpu.memory_space<vmem>> -> memref<1x1x128xi32, #tpu.memory_space<vmem>>
    %dma_wait3A_833 = tpu.memref_squeeze %dma_wait3A_832 : memref<1x1x128xi32, #tpu.memory_space<vmem>> -> memref<128xi32, #tpu.memory_space<vmem>>
    %dma_wait3A_834 = arith.constant 0 : i32
    %dma_wait3A_835 = arith.constant 0 : i32
    %dma_wait3A_836 = tpu.memref_slice %arg3[%dma_wait3A_834, %dma_wait3A_835] : memref<1000000x64xf32, #tpu.memory_space<hbm>> -> memref<1000000x64xf32, #tpu.memory_space<hbm>>
    tpu.wait_indirect_dma semaphore(%arg7 : memref<!tpu.dma_semaphore, #tpu.memory_space<semaphore_mem>>) src(%dma_wait3A_836 : memref<1000000x64xf32, #tpu.memory_space<hbm>>) dst(%dma_wait3A_830 : memref<128x64xf32, #tpu.memory_space<vmem>>)
    %dma_wait3A_837 = arith.constant 0 : i32
    %dma_wait3A_838 = arith.constant 0 : i32
    %dma_wait3A_839 = arith.constant 0 : i32
    %dma_wait3A_840 = arith.constant 0 : i32
    %dma_wait3A_841 = arith.constant 0 : i32
    %dma_wait3A_842 = tpu.memref_slice %arg6[%dma_wait3A_839, %dma_wait3A_840, %dma_wait3A_841] : memref<2x128x64xf32, #tpu.memory_space<vmem>> -> memref<1x128x64xf32, #tpu.memory_space<vmem>>
    %dma_wait3A_843 = tpu.memref_squeeze %dma_wait3A_842 : memref<1x128x64xf32, #tpu.memory_space<vmem>> -> memref<128x64xf32, #tpu.memory_space<vmem>>
    %dma_wait3A_844 = arith.constant 0 : i32
    %dma_wait3A_845 = tpu.memref_slice %arg5[%dma_wait3A_837, %dma_wait3A_838, %dma_wait3A_844] : memref<2x26x128xi32, #tpu.memory_space<vmem>> -> memref<1x1x128xi32, #tpu.memory_space<vmem>>
    %dma_wait3A_846 = tpu.memref_squeeze %dma_wait3A_845 : memref<1x1x128xi32, #tpu.memory_space<vmem>> -> memref<128xi32, #tpu.memory_space<vmem>>
    %dma_wait3A_847 = arith.constant 0 : i32
    %dma_wait3A_848 = arith.constant 0 : i32
    %dma_wait3A_849 = tpu.memref_slice %arg3[%dma_wait3A_847, %dma_wait3A_848] : memref<1000000x64xf32, #tpu.memory_space<hbm>> -> memref<1000000x64xf32, #tpu.memory_space<hbm>>
    tpu.wait_indirect_dma semaphore(%arg7 : memref<!tpu.dma_semaphore, #tpu.memory_space<semaphore_mem>>) src(%dma_wait3A_849 : memref<1000000x64xf32, #tpu.memory_space<hbm>>) dst(%dma_wait3A_843 : memref<128x64xf32, #tpu.memory_space<vmem>>)
    %dma_wait3A_850 = arith.constant 0 : i32
    %dma_wait3A_851 = arith.constant 0 : i32
    %dma_wait3A_852 = arith.constant 0 : i32
    %dma_wait3A_853 = arith.constant 0 : i32
    %dma_wait3A_854 = arith.constant 0 : i32
    %dma_wait3A_855 = tpu.memref_slice %arg6[%dma_wait3A_852, %dma_wait3A_853, %dma_wait3A_854] : memref<2x128x64xf32, #tpu.memory_space<vmem>> -> memref<1x128x64xf32, #tpu.memory_space<vmem>>
    %dma_wait3A_856 = tpu.memref_squeeze %dma_wait3A_855 : memref<1x128x64xf32, #tpu.memory_space<vmem>> -> memref<128x64xf32, #tpu.memory_space<vmem>>
    %dma_wait3A_857 = arith.constant 0 : i32
    %dma_wait3A_858 = tpu.memref_slice %arg5[%dma_wait3A_850, %dma_wait3A_851, %dma_wait3A_857] : memref<2x26x128xi32, #tpu.memory_space<vmem>> -> memref<1x1x128xi32, #tpu.memory_space<vmem>>
    %dma_wait3A_859 = tpu.memref_squeeze %dma_wait3A_858 : memref<1x1x128xi32, #tpu.memory_space<vmem>> -> memref<128xi32, #tpu.memory_space<vmem>>
    %dma_wait3A_860 = arith.constant 0 : i32
    %dma_wait3A_861 = arith.constant 0 : i32
    %dma_wait3A_862 = tpu.memref_slice %arg3[%dma_wait3A_860, %dma_wait3A_861] : memref<1000000x64xf32, #tpu.memory_space<hbm>> -> memref<1000000x64xf32, #tpu.memory_space<hbm>>
    tpu.wait_indirect_dma semaphore(%arg7 : memref<!tpu.dma_semaphore, #tpu.memory_space<semaphore_mem>>) src(%dma_wait3A_862 : memref<1000000x64xf32, #tpu.memory_space<hbm>>) dst(%dma_wait3A_856 : memref<128x64xf32, #tpu.memory_space<vmem>>)
    %dma_wait3A_863 = arith.constant 0 : i32
    %dma_wait3A_864 = arith.constant 0 : i32
    %dma_wait3A_865 = arith.constant 0 : i32
    %dma_wait3A_866 = arith.constant 0 : i32
    %dma_wait3A_867 = arith.constant 0 : i32
    %dma_wait3A_868 = tpu.memref_slice %arg6[%dma_wait3A_865, %dma_wait3A_866, %dma_wait3A_867] : memref<2x128x64xf32, #tpu.memory_space<vmem>> -> memref<1x128x64xf32, #tpu.memory_space<vmem>>
    %dma_wait3A_869 = tpu.memref_squeeze %dma_wait3A_868 : memref<1x128x64xf32, #tpu.memory_space<vmem>> -> memref<128x64xf32, #tpu.memory_space<vmem>>
    %dma_wait3A_870 = arith.constant 0 : i32
    %dma_wait3A_871 = tpu.memref_slice %arg5[%dma_wait3A_863, %dma_wait3A_864, %dma_wait3A_870] : memref<2x26x128xi32, #tpu.memory_space<vmem>> -> memref<1x1x128xi32, #tpu.memory_space<vmem>>
    %dma_wait3A_872 = tpu.memref_squeeze %dma_wait3A_871 : memref<1x1x128xi32, #tpu.memory_space<vmem>> -> memref<128xi32, #tpu.memory_space<vmem>>
    %dma_wait3A_873 = arith.constant 0 : i32
    %dma_wait3A_874 = arith.constant 0 : i32
    %dma_wait3A_875 = tpu.memref_slice %arg3[%dma_wait3A_873, %dma_wait3A_874] : memref<1000000x64xf32, #tpu.memory_space<hbm>> -> memref<1000000x64xf32, #tpu.memory_space<hbm>>
    tpu.wait_indirect_dma semaphore(%arg7 : memref<!tpu.dma_semaphore, #tpu.memory_space<semaphore_mem>>) src(%dma_wait3A_875 : memref<1000000x64xf32, #tpu.memory_space<hbm>>) dst(%dma_wait3A_869 : memref<128x64xf32, #tpu.memory_space<vmem>>)
    %dma_wait3A_876 = arith.constant 0 : i32
    %dma_wait3A_877 = arith.constant 0 : i32
    %dma_wait3A_878 = arith.constant 0 : i32
    %dma_wait3A_879 = arith.constant 0 : i32
    %dma_wait3A_880 = arith.constant 0 : i32
    %dma_wait3A_881 = tpu.memref_slice %arg6[%dma_wait3A_878, %dma_wait3A_879, %dma_wait3A_880] : memref<2x128x64xf32, #tpu.memory_space<vmem>> -> memref<1x128x64xf32, #tpu.memory_space<vmem>>
    %dma_wait3A_882 = tpu.memref_squeeze %dma_wait3A_881 : memref<1x128x64xf32, #tpu.memory_space<vmem>> -> memref<128x64xf32, #tpu.memory_space<vmem>>
    %dma_wait3A_883 = arith.constant 0 : i32
    %dma_wait3A_884 = tpu.memref_slice %arg5[%dma_wait3A_876, %dma_wait3A_877, %dma_wait3A_883] : memref<2x26x128xi32, #tpu.memory_space<vmem>> -> memref<1x1x128xi32, #tpu.memory_space<vmem>>
    %dma_wait3A_885 = tpu.memref_squeeze %dma_wait3A_884 : memref<1x1x128xi32, #tpu.memory_space<vmem>> -> memref<128xi32, #tpu.memory_space<vmem>>
    %dma_wait3A_886 = arith.constant 0 : i32
    %dma_wait3A_887 = arith.constant 0 : i32
    %dma_wait3A_888 = tpu.memref_slice %arg3[%dma_wait3A_886, %dma_wait3A_887] : memref<1000000x64xf32, #tpu.memory_space<hbm>> -> memref<1000000x64xf32, #tpu.memory_space<hbm>>
    tpu.wait_indirect_dma semaphore(%arg7 : memref<!tpu.dma_semaphore, #tpu.memory_space<semaphore_mem>>) src(%dma_wait3A_888 : memref<1000000x64xf32, #tpu.memory_space<hbm>>) dst(%dma_wait3A_882 : memref<128x64xf32, #tpu.memory_space<vmem>>)
    %dma_wait3A_889 = arith.constant 0 : i32
    %dma_wait3A_890 = arith.constant 0 : i32
    %dma_wait3A_891 = arith.constant 0 : i32
    %dma_wait3A_892 = arith.constant 0 : i32
    %dma_wait3A_893 = arith.constant 0 : i32
    %dma_wait3A_894 = tpu.memref_slice %arg6[%dma_wait3A_891, %dma_wait3A_892, %dma_wait3A_893] : memref<2x128x64xf32, #tpu.memory_space<vmem>> -> memref<1x128x64xf32, #tpu.memory_space<vmem>>
    %dma_wait3A_895 = tpu.memref_squeeze %dma_wait3A_894 : memref<1x128x64xf32, #tpu.memory_space<vmem>> -> memref<128x64xf32, #tpu.memory_space<vmem>>
    %dma_wait3A_896 = arith.constant 0 : i32
    %dma_wait3A_897 = tpu.memref_slice %arg5[%dma_wait3A_889, %dma_wait3A_890, %dma_wait3A_896] : memref<2x26x128xi32, #tpu.memory_space<vmem>> -> memref<1x1x128xi32, #tpu.memory_space<vmem>>
    %dma_wait3A_898 = tpu.memref_squeeze %dma_wait3A_897 : memref<1x1x128xi32, #tpu.memory_space<vmem>> -> memref<128xi32, #tpu.memory_space<vmem>>
    %dma_wait3A_899 = arith.constant 0 : i32
    %dma_wait3A_900 = arith.constant 0 : i32
    %dma_wait3A_901 = tpu.memref_slice %arg3[%dma_wait3A_899, %dma_wait3A_900] : memref<1000000x64xf32, #tpu.memory_space<hbm>> -> memref<1000000x64xf32, #tpu.memory_space<hbm>>
    tpu.wait_indirect_dma semaphore(%arg7 : memref<!tpu.dma_semaphore, #tpu.memory_space<semaphore_mem>>) src(%dma_wait3A_901 : memref<1000000x64xf32, #tpu.memory_space<hbm>>) dst(%dma_wait3A_895 : memref<128x64xf32, #tpu.memory_space<vmem>>)
    %dma_wait3A_902 = arith.constant 0 : i32
    %dma_wait3A_903 = arith.constant 0 : i32
    %dma_wait3A_904 = arith.constant 0 : i32
    %dma_wait3A_905 = arith.constant 0 : i32
    %dma_wait3A_906 = arith.constant 0 : i32
    %dma_wait3A_907 = tpu.memref_slice %arg6[%dma_wait3A_904, %dma_wait3A_905, %dma_wait3A_906] : memref<2x128x64xf32, #tpu.memory_space<vmem>> -> memref<1x128x64xf32, #tpu.memory_space<vmem>>
    %dma_wait3A_908 = tpu.memref_squeeze %dma_wait3A_907 : memref<1x128x64xf32, #tpu.memory_space<vmem>> -> memref<128x64xf32, #tpu.memory_space<vmem>>
    %dma_wait3A_909 = arith.constant 0 : i32
    %dma_wait3A_910 = tpu.memref_slice %arg5[%dma_wait3A_902, %dma_wait3A_903, %dma_wait3A_909] : memref<2x26x128xi32, #tpu.memory_space<vmem>> -> memref<1x1x128xi32, #tpu.memory_space<vmem>>
    %dma_wait3A_911 = tpu.memref_squeeze %dma_wait3A_910 : memref<1x1x128xi32, #tpu.memory_space<vmem>> -> memref<128xi32, #tpu.memory_space<vmem>>
    %dma_wait3A_912 = arith.constant 0 : i32
    %dma_wait3A_913 = arith.constant 0 : i32
    %dma_wait3A_914 = tpu.memref_slice %arg3[%dma_wait3A_912, %dma_wait3A_913] : memref<1000000x64xf32, #tpu.memory_space<hbm>> -> memref<1000000x64xf32, #tpu.memory_space<hbm>>
    tpu.wait_indirect_dma semaphore(%arg7 : memref<!tpu.dma_semaphore, #tpu.memory_space<semaphore_mem>>) src(%dma_wait3A_914 : memref<1000000x64xf32, #tpu.memory_space<hbm>>) dst(%dma_wait3A_908 : memref<128x64xf32, #tpu.memory_space<vmem>>)
    %dma_wait3A_915 = arith.constant 0 : i32
    %dma_wait3A_916 = arith.constant 0 : i32
    %dma_wait3A_917 = arith.constant 0 : i32
    %dma_wait3A_918 = arith.constant 0 : i32
    %dma_wait3A_919 = arith.constant 0 : i32
    %dma_wait3A_920 = tpu.memref_slice %arg6[%dma_wait3A_917, %dma_wait3A_918, %dma_wait3A_919] : memref<2x128x64xf32, #tpu.memory_space<vmem>> -> memref<1x128x64xf32, #tpu.memory_space<vmem>>
    %dma_wait3A_921 = tpu.memref_squeeze %dma_wait3A_920 : memref<1x128x64xf32, #tpu.memory_space<vmem>> -> memref<128x64xf32, #tpu.memory_space<vmem>>
    %dma_wait3A_922 = arith.constant 0 : i32
    %dma_wait3A_923 = tpu.memref_slice %arg5[%dma_wait3A_915, %dma_wait3A_916, %dma_wait3A_922] : memref<2x26x128xi32, #tpu.memory_space<vmem>> -> memref<1x1x128xi32, #tpu.memory_space<vmem>>
    %dma_wait3A_924 = tpu.memref_squeeze %dma_wait3A_923 : memref<1x1x128xi32, #tpu.memory_space<vmem>> -> memref<128xi32, #tpu.memory_space<vmem>>
    %dma_wait3A_925 = arith.constant 0 : i32
    %dma_wait3A_926 = arith.constant 0 : i32
    %dma_wait3A_927 = tpu.memref_slice %arg3[%dma_wait3A_925, %dma_wait3A_926] : memref<1000000x64xf32, #tpu.memory_space<hbm>> -> memref<1000000x64xf32, #tpu.memory_space<hbm>>
    tpu.wait_indirect_dma semaphore(%arg7 : memref<!tpu.dma_semaphore, #tpu.memory_space<semaphore_mem>>) src(%dma_wait3A_927 : memref<1000000x64xf32, #tpu.memory_space<hbm>>) dst(%dma_wait3A_921 : memref<128x64xf32, #tpu.memory_space<vmem>>)
    %dma_wait3A_928 = arith.constant 0 : i32
    %dma_wait3A_929 = arith.constant 0 : i32
    %dma_wait3A_930 = arith.constant 0 : i32
    %dma_wait3A_931 = arith.constant 0 : i32
    %dma_wait3A_932 = arith.constant 0 : i32
    %dma_wait3A_933 = tpu.memref_slice %arg6[%dma_wait3A_930, %dma_wait3A_931, %dma_wait3A_932] : memref<2x128x64xf32, #tpu.memory_space<vmem>> -> memref<1x128x64xf32, #tpu.memory_space<vmem>>
    %dma_wait3A_934 = tpu.memref_squeeze %dma_wait3A_933 : memref<1x128x64xf32, #tpu.memory_space<vmem>> -> memref<128x64xf32, #tpu.memory_space<vmem>>
    %dma_wait3A_935 = arith.constant 0 : i32
    %dma_wait3A_936 = tpu.memref_slice %arg5[%dma_wait3A_928, %dma_wait3A_929, %dma_wait3A_935] : memref<2x26x128xi32, #tpu.memory_space<vmem>> -> memref<1x1x128xi32, #tpu.memory_space<vmem>>
    %dma_wait3A_937 = tpu.memref_squeeze %dma_wait3A_936 : memref<1x1x128xi32, #tpu.memory_space<vmem>> -> memref<128xi32, #tpu.memory_space<vmem>>
    %dma_wait3A_938 = arith.constant 0 : i32
    %dma_wait3A_939 = arith.constant 0 : i32
    %dma_wait3A_940 = tpu.memref_slice %arg3[%dma_wait3A_938, %dma_wait3A_939] : memref<1000000x64xf32, #tpu.memory_space<hbm>> -> memref<1000000x64xf32, #tpu.memory_space<hbm>>
    tpu.wait_indirect_dma semaphore(%arg7 : memref<!tpu.dma_semaphore, #tpu.memory_space<semaphore_mem>>) src(%dma_wait3A_940 : memref<1000000x64xf32, #tpu.memory_space<hbm>>) dst(%dma_wait3A_934 : memref<128x64xf32, #tpu.memory_space<vmem>>)
    %dma_wait3A_941 = arith.constant 0 : i32
    %dma_wait3A_942 = arith.constant 0 : i32
    %dma_wait3A_943 = arith.constant 0 : i32
    %dma_wait3A_944 = arith.constant 0 : i32
    %dma_wait3A_945 = arith.constant 0 : i32
    %dma_wait3A_946 = tpu.memref_slice %arg6[%dma_wait3A_943, %dma_wait3A_944, %dma_wait3A_945] : memref<2x128x64xf32, #tpu.memory_space<vmem>> -> memref<1x128x64xf32, #tpu.memory_space<vmem>>
    %dma_wait3A_947 = tpu.memref_squeeze %dma_wait3A_946 : memref<1x128x64xf32, #tpu.memory_space<vmem>> -> memref<128x64xf32, #tpu.memory_space<vmem>>
    %dma_wait3A_948 = arith.constant 0 : i32
    %dma_wait3A_949 = tpu.memref_slice %arg5[%dma_wait3A_941, %dma_wait3A_942, %dma_wait3A_948] : memref<2x26x128xi32, #tpu.memory_space<vmem>> -> memref<1x1x128xi32, #tpu.memory_space<vmem>>
    %dma_wait3A_950 = tpu.memref_squeeze %dma_wait3A_949 : memref<1x1x128xi32, #tpu.memory_space<vmem>> -> memref<128xi32, #tpu.memory_space<vmem>>
    %dma_wait3A_951 = arith.constant 0 : i32
    %dma_wait3A_952 = arith.constant 0 : i32
    %dma_wait3A_953 = tpu.memref_slice %arg3[%dma_wait3A_951, %dma_wait3A_952] : memref<1000000x64xf32, #tpu.memory_space<hbm>> -> memref<1000000x64xf32, #tpu.memory_space<hbm>>
    tpu.wait_indirect_dma semaphore(%arg7 : memref<!tpu.dma_semaphore, #tpu.memory_space<semaphore_mem>>) src(%dma_wait3A_953 : memref<1000000x64xf32, #tpu.memory_space<hbm>>) dst(%dma_wait3A_947 : memref<128x64xf32, #tpu.memory_space<vmem>>)
    %dma_wait3A_954 = arith.constant 0 : i32
    %dma_wait3A_955 = arith.constant 0 : i32
    %dma_wait3A_956 = arith.constant 0 : i32
    %dma_wait3A_957 = arith.constant 0 : i32
    %dma_wait3A_958 = arith.constant 0 : i32
    %dma_wait3A_959 = tpu.memref_slice %arg6[%dma_wait3A_956, %dma_wait3A_957, %dma_wait3A_958] : memref<2x128x64xf32, #tpu.memory_space<vmem>> -> memref<1x128x64xf32, #tpu.memory_space<vmem>>
    %dma_wait3A_960 = tpu.memref_squeeze %dma_wait3A_959 : memref<1x128x64xf32, #tpu.memory_space<vmem>> -> memref<128x64xf32, #tpu.memory_space<vmem>>
    %dma_wait3A_961 = arith.constant 0 : i32
    %dma_wait3A_962 = tpu.memref_slice %arg5[%dma_wait3A_954, %dma_wait3A_955, %dma_wait3A_961] : memref<2x26x128xi32, #tpu.memory_space<vmem>> -> memref<1x1x128xi32, #tpu.memory_space<vmem>>
    %dma_wait3A_963 = tpu.memref_squeeze %dma_wait3A_962 : memref<1x1x128xi32, #tpu.memory_space<vmem>> -> memref<128xi32, #tpu.memory_space<vmem>>
    %dma_wait3A_964 = arith.constant 0 : i32
    %dma_wait3A_965 = arith.constant 0 : i32
    %dma_wait3A_966 = tpu.memref_slice %arg3[%dma_wait3A_964, %dma_wait3A_965] : memref<1000000x64xf32, #tpu.memory_space<hbm>> -> memref<1000000x64xf32, #tpu.memory_space<hbm>>
    tpu.wait_indirect_dma semaphore(%arg7 : memref<!tpu.dma_semaphore, #tpu.memory_space<semaphore_mem>>) src(%dma_wait3A_966 : memref<1000000x64xf32, #tpu.memory_space<hbm>>) dst(%dma_wait3A_960 : memref<128x64xf32, #tpu.memory_space<vmem>>)
    %dma_wait3A_967 = arith.constant 0 : i32
    %dma_wait3A_968 = arith.constant 0 : i32
    %dma_wait3A_969 = arith.constant 0 : i32
    %dma_wait3A_970 = arith.constant 0 : i32
    %dma_wait3A_971 = arith.constant 0 : i32
    %dma_wait3A_972 = tpu.memref_slice %arg6[%dma_wait3A_969, %dma_wait3A_970, %dma_wait3A_971] : memref<2x128x64xf32, #tpu.memory_space<vmem>> -> memref<1x128x64xf32, #tpu.memory_space<vmem>>
    %dma_wait3A_973 = tpu.memref_squeeze %dma_wait3A_972 : memref<1x128x64xf32, #tpu.memory_space<vmem>> -> memref<128x64xf32, #tpu.memory_space<vmem>>
    %dma_wait3A_974 = arith.constant 0 : i32
    %dma_wait3A_975 = tpu.memref_slice %arg5[%dma_wait3A_967, %dma_wait3A_968, %dma_wait3A_974] : memref<2x26x128xi32, #tpu.memory_space<vmem>> -> memref<1x1x128xi32, #tpu.memory_space<vmem>>
    %dma_wait3A_976 = tpu.memref_squeeze %dma_wait3A_975 : memref<1x1x128xi32, #tpu.memory_space<vmem>> -> memref<128xi32, #tpu.memory_space<vmem>>
    %dma_wait3A_977 = arith.constant 0 : i32
    %dma_wait3A_978 = arith.constant 0 : i32
    %dma_wait3A_979 = tpu.memref_slice %arg3[%dma_wait3A_977, %dma_wait3A_978] : memref<1000000x64xf32, #tpu.memory_space<hbm>> -> memref<1000000x64xf32, #tpu.memory_space<hbm>>
    tpu.wait_indirect_dma semaphore(%arg7 : memref<!tpu.dma_semaphore, #tpu.memory_space<semaphore_mem>>) src(%dma_wait3A_979 : memref<1000000x64xf32, #tpu.memory_space<hbm>>) dst(%dma_wait3A_973 : memref<128x64xf32, #tpu.memory_space<vmem>>)
    %dma_wait3A_980 = arith.constant 0 : i32
    %dma_wait3A_981 = arith.constant 0 : i32
    %dma_wait3A_982 = arith.constant 0 : i32
    %dma_wait3A_983 = arith.constant 0 : i32
    %dma_wait3A_984 = arith.constant 0 : i32
    %dma_wait3A_985 = tpu.memref_slice %arg6[%dma_wait3A_982, %dma_wait3A_983, %dma_wait3A_984] : memref<2x128x64xf32, #tpu.memory_space<vmem>> -> memref<1x128x64xf32, #tpu.memory_space<vmem>>
    %dma_wait3A_986 = tpu.memref_squeeze %dma_wait3A_985 : memref<1x128x64xf32, #tpu.memory_space<vmem>> -> memref<128x64xf32, #tpu.memory_space<vmem>>
    %dma_wait3A_987 = arith.constant 0 : i32
    %dma_wait3A_988 = tpu.memref_slice %arg5[%dma_wait3A_980, %dma_wait3A_981, %dma_wait3A_987] : memref<2x26x128xi32, #tpu.memory_space<vmem>> -> memref<1x1x128xi32, #tpu.memory_space<vmem>>
    %dma_wait3A_989 = tpu.memref_squeeze %dma_wait3A_988 : memref<1x1x128xi32, #tpu.memory_space<vmem>> -> memref<128xi32, #tpu.memory_space<vmem>>
    %dma_wait3A_990 = arith.constant 0 : i32
    %dma_wait3A_991 = arith.constant 0 : i32
    %dma_wait3A_992 = tpu.memref_slice %arg3[%dma_wait3A_990, %dma_wait3A_991] : memref<1000000x64xf32, #tpu.memory_space<hbm>> -> memref<1000000x64xf32, #tpu.memory_space<hbm>>
    tpu.wait_indirect_dma semaphore(%arg7 : memref<!tpu.dma_semaphore, #tpu.memory_space<semaphore_mem>>) src(%dma_wait3A_992 : memref<1000000x64xf32, #tpu.memory_space<hbm>>) dst(%dma_wait3A_986 : memref<128x64xf32, #tpu.memory_space<vmem>>)
    %dma_wait3A_993 = arith.constant 0 : i32
    %dma_wait3A_994 = arith.constant 0 : i32
    %dma_wait3A_995 = arith.constant 0 : i32
    %dma_wait3A_996 = arith.constant 0 : i32
    %dma_wait3A_997 = arith.constant 0 : i32
    %dma_wait3A_998 = tpu.memref_slice %arg6[%dma_wait3A_995, %dma_wait3A_996, %dma_wait3A_997] : memref<2x128x64xf32, #tpu.memory_space<vmem>> -> memref<1x128x64xf32, #tpu.memory_space<vmem>>
    %dma_wait3A_999 = tpu.memref_squeeze %dma_wait3A_998 : memref<1x128x64xf32, #tpu.memory_space<vmem>> -> memref<128x64xf32, #tpu.memory_space<vmem>>
    %dma_wait3A_1000 = arith.constant 0 : i32
    %dma_wait3A_1001 = tpu.memref_slice %arg5[%dma_wait3A_993, %dma_wait3A_994, %dma_wait3A_1000] : memref<2x26x128xi32, #tpu.memory_space<vmem>> -> memref<1x1x128xi32, #tpu.memory_space<vmem>>
    %dma_wait3A_1002 = tpu.memref_squeeze %dma_wait3A_1001 : memref<1x1x128xi32, #tpu.memory_space<vmem>> -> memref<128xi32, #tpu.memory_space<vmem>>
    %dma_wait3A_1003 = arith.constant 0 : i32
    %dma_wait3A_1004 = arith.constant 0 : i32
    %dma_wait3A_1005 = tpu.memref_slice %arg3[%dma_wait3A_1003, %dma_wait3A_1004] : memref<1000000x64xf32, #tpu.memory_space<hbm>> -> memref<1000000x64xf32, #tpu.memory_space<hbm>>
    tpu.wait_indirect_dma semaphore(%arg7 : memref<!tpu.dma_semaphore, #tpu.memory_space<semaphore_mem>>) src(%dma_wait3A_1005 : memref<1000000x64xf32, #tpu.memory_space<hbm>>) dst(%dma_wait3A_999 : memref<128x64xf32, #tpu.memory_space<vmem>>)
    %dma_wait3A_1006 = arith.constant 0 : i32
    %dma_wait3A_1007 = arith.constant 0 : i32
    %dma_wait3A_1008 = arith.constant 0 : i32
    %dma_wait3A_1009 = arith.constant 0 : i32
    %dma_wait3A_1010 = arith.constant 0 : i32
    %dma_wait3A_1011 = tpu.memref_slice %arg6[%dma_wait3A_1008, %dma_wait3A_1009, %dma_wait3A_1010] : memref<2x128x64xf32, #tpu.memory_space<vmem>> -> memref<1x128x64xf32, #tpu.memory_space<vmem>>
    %dma_wait3A_1012 = tpu.memref_squeeze %dma_wait3A_1011 : memref<1x128x64xf32, #tpu.memory_space<vmem>> -> memref<128x64xf32, #tpu.memory_space<vmem>>
    %dma_wait3A_1013 = arith.constant 0 : i32
    %dma_wait3A_1014 = tpu.memref_slice %arg5[%dma_wait3A_1006, %dma_wait3A_1007, %dma_wait3A_1013] : memref<2x26x128xi32, #tpu.memory_space<vmem>> -> memref<1x1x128xi32, #tpu.memory_space<vmem>>
    %dma_wait3A_1015 = tpu.memref_squeeze %dma_wait3A_1014 : memref<1x1x128xi32, #tpu.memory_space<vmem>> -> memref<128xi32, #tpu.memory_space<vmem>>
    %dma_wait3A_1016 = arith.constant 0 : i32
    %dma_wait3A_1017 = arith.constant 0 : i32
    %dma_wait3A_1018 = tpu.memref_slice %arg3[%dma_wait3A_1016, %dma_wait3A_1017] : memref<1000000x64xf32, #tpu.memory_space<hbm>> -> memref<1000000x64xf32, #tpu.memory_space<hbm>>
    tpu.wait_indirect_dma semaphore(%arg7 : memref<!tpu.dma_semaphore, #tpu.memory_space<semaphore_mem>>) src(%dma_wait3A_1018 : memref<1000000x64xf32, #tpu.memory_space<hbm>>) dst(%dma_wait3A_1012 : memref<128x64xf32, #tpu.memory_space<vmem>>)
    %dma_wait3A_1019 = arith.constant 0 : i32
    %dma_wait3A_1020 = arith.constant 0 : i32
    %dma_wait3A_1021 = arith.constant 0 : i32
    %dma_wait3A_1022 = arith.constant 0 : i32
    %dma_wait3A_1023 = arith.constant 0 : i32
    %dma_wait3A_1024 = tpu.memref_slice %arg6[%dma_wait3A_1021, %dma_wait3A_1022, %dma_wait3A_1023] : memref<2x128x64xf32, #tpu.memory_space<vmem>> -> memref<1x128x64xf32, #tpu.memory_space<vmem>>
    %dma_wait3A_1025 = tpu.memref_squeeze %dma_wait3A_1024 : memref<1x128x64xf32, #tpu.memory_space<vmem>> -> memref<128x64xf32, #tpu.memory_space<vmem>>
    %dma_wait3A_1026 = arith.constant 0 : i32
    %dma_wait3A_1027 = tpu.memref_slice %arg5[%dma_wait3A_1019, %dma_wait3A_1020, %dma_wait3A_1026] : memref<2x26x128xi32, #tpu.memory_space<vmem>> -> memref<1x1x128xi32, #tpu.memory_space<vmem>>
    %dma_wait3A_1028 = tpu.memref_squeeze %dma_wait3A_1027 : memref<1x1x128xi32, #tpu.memory_space<vmem>> -> memref<128xi32, #tpu.memory_space<vmem>>
    %dma_wait3A_1029 = arith.constant 0 : i32
    %dma_wait3A_1030 = arith.constant 0 : i32
    %dma_wait3A_1031 = tpu.memref_slice %arg3[%dma_wait3A_1029, %dma_wait3A_1030] : memref<1000000x64xf32, #tpu.memory_space<hbm>> -> memref<1000000x64xf32, #tpu.memory_space<hbm>>
    tpu.wait_indirect_dma semaphore(%arg7 : memref<!tpu.dma_semaphore, #tpu.memory_space<semaphore_mem>>) src(%dma_wait3A_1031 : memref<1000000x64xf32, #tpu.memory_space<hbm>>) dst(%dma_wait3A_1025 : memref<128x64xf32, #tpu.memory_space<vmem>>)
    %mul3A_1032 = arith.constant 128 : i32
    %mul3A_1033 = arith.muli %sub3A_694, %mul3A_1032 : i32
    %run_scoped3A_1034 = arith.constant 0 : i32
    "tpu.region"() ({
      %run_scoped3A_1383 = tpu.sem_alloc : memref<!tpu.dma_semaphore, #tpu.memory_space<semaphore_mem>>
      %dma_start3A_1384 = arith.constant 0 : i32
      %dma_start3A_1385 = arith.constant 0 : i32
      %dma_start3A_1386 = tpu.memref_slice %arg6[%run_scoped3A_1034, %dma_start3A_1384, %dma_start3A_1385] : memref<2x128x64xf32, #tpu.memory_space<vmem>> -> memref<1x128x64xf32, #tpu.memory_space<vmem>>
      %dma_start3A_1387 = tpu.memref_squeeze %dma_start3A_1386 : memref<1x128x64xf32, #tpu.memory_space<vmem>> -> memref<128x64xf32, #tpu.memory_space<vmem>>
      %dma_start3A_1388 = arith.constant 0 : i32
      %dma_start3A_1389 = tpu.memref_slice %arg4[%mul3A_1033, %dma_start3A_1388] : memref<51200x64xf32, #tpu.memory_space<hbm>> -> memref<128x64xf32, #tpu.memory_space<hbm>>
      %dma_start3A_1390 = arith.constant 0 : i32
      %dma_start3A_1391 = tpu.memref_slice %arg4[%mul3A_1033, %dma_start3A_1390] : memref<51200x64xf32, #tpu.memory_space<hbm>> -> memref<128x64xf32, #tpu.memory_space<hbm>>
      %dma_start3A_1392 = arith.constant 0 : i32
      %dma_start3A_1393 = arith.constant 0 : i32
      %dma_start3A_1394 = tpu.memref_slice %arg6[%run_scoped3A_1034, %dma_start3A_1392, %dma_start3A_1393] : memref<2x128x64xf32, #tpu.memory_space<vmem>> -> memref<1x128x64xf32, #tpu.memory_space<vmem>>
      %dma_start3A_1395 = tpu.memref_squeeze %dma_start3A_1394 : memref<1x128x64xf32, #tpu.memory_space<vmem>> -> memref<128x64xf32, #tpu.memory_space<vmem>>
      tpu.enqueue_dma source(%dma_start3A_1395 : memref<128x64xf32, #tpu.memory_space<vmem>>) target(%dma_start3A_1391 : memref<128x64xf32, #tpu.memory_space<hbm>>) target_semaphore(%run_scoped3A_1383 : memref<!tpu.dma_semaphore, #tpu.memory_space<semaphore_mem>>)
      %dma_wait3A_1396 = arith.constant 0 : i32
      %dma_wait3A_1397 = arith.constant 0 : i32
      %dma_wait3A_1398 = tpu.memref_slice %arg6[%run_scoped3A_1034, %dma_wait3A_1396, %dma_wait3A_1397] : memref<2x128x64xf32, #tpu.memory_space<vmem>> -> memref<1x128x64xf32, #tpu.memory_space<vmem>>
      %dma_wait3A_1399 = tpu.memref_squeeze %dma_wait3A_1398 : memref<1x128x64xf32, #tpu.memory_space<vmem>> -> memref<128x64xf32, #tpu.memory_space<vmem>>
      %dma_wait3A_1400 = arith.constant 0 : i32
      %dma_wait3A_1401 = tpu.memref_slice %arg4[%mul3A_1033, %dma_wait3A_1400] : memref<51200x64xf32, #tpu.memory_space<hbm>> -> memref<128x64xf32, #tpu.memory_space<hbm>>
      %dma_wait3A_1402 = arith.constant 0 : i32
      %dma_wait3A_1403 = tpu.memref_slice %arg4[%mul3A_1033, %dma_wait3A_1402] : memref<51200x64xf32, #tpu.memory_space<hbm>> -> memref<128x64xf32, #tpu.memory_space<hbm>>
      %dma_wait3A_1404 = arith.constant 0 : i32
      %dma_wait3A_1405 = arith.constant 0 : i32
      %dma_wait3A_1406 = tpu.memref_slice %arg6[%run_scoped3A_1034, %dma_wait3A_1404, %dma_wait3A_1405] : memref<2x128x64xf32, #tpu.memory_space<vmem>> -> memref<1x128x64xf32, #tpu.memory_space<vmem>>
      %dma_wait3A_1407 = tpu.memref_squeeze %dma_wait3A_1406 : memref<1x128x64xf32, #tpu.memory_space<vmem>> -> memref<128x64xf32, #tpu.memory_space<vmem>>
      tpu.wait_dma2 semaphore(%run_scoped3A_1383 : memref<!tpu.dma_semaphore, #tpu.memory_space<semaphore_mem>>) src(%dma_wait3A_1407 : memref<128x64xf32, #tpu.memory_space<vmem>>) dst(%dma_wait3A_1403 : memref<128x64xf32, #tpu.memory_space<hbm>>)
      tpu.yield
    }) : () -> ()
    %lt3A = arith.constant 16 : i32
    %lt3A_1035 = arith.cmpi slt, %add3A, %lt3A : i32
    %convert_element_type3A = arith.extui %lt3A_1035 : i1 to i32
    %cond3A = arith.constant 0 : i32
    %cond3A_1036 = arith.cmpi ne, %convert_element_type3A, %cond3A : i32
    scf.if %cond3A_1036 {
      %add3A_1383 = arith.constant 384 : i32
      %add3A_1384 = arith.addi %add3A_1383, %add3A : i32
      %scan3A_1385 = arith.constant 0 : i32
      %scan3A_1386 = arith.constant 128 : i32
      %scan3A_1387 = arith.addi %scan3A_1385, %scan3A_1386 : i32
      %scan3A_1388 = arith.constant 1 : i32
      scf.for %scan3A_1729 = %scan3A_1385 to %scan3A_1387 step %scan3A_1388  : i32 {
        %mul3A_1730 = arith.constant 1 : i32
        %mul3A_1731 = arith.muli %scan3A_1729, %mul3A_1730 : i32
        %add3A_1732 = arith.constant 0 : i32
        %add3A_1733 = arith.addi %add3A_1732, %mul3A_1731 : i32
        %swap3A = arith.constant 0 : i32
        %swap3A_1734 = arith.index_cast %swap3A : i32 to index
        %swap3A_1735 = arith.index_cast %add3A_1733 : i32 to index
        %swap3A_1736 = arith.constant 0 : index
        %swap3A_1737 = tpu.vector_load %arg6[%swap3A_1734, %swap3A_1735, %swap3A_1736] {strides = array<i32>} : memref<2x128x64xf32, #tpu.memory_space<vmem>>, vector<16xf32>,
        tpu.vector_store %arg6[%swap3A_1734, %swap3A_1735, %swap3A_1736], %broadcast_in_dim3A_1 {strides = array<i32>} : memref<2x128x64xf32, #tpu.memory_space<vmem>>, vector<16xf32>,
        %swap3A_1738 = arith.constant 0 : i32
        %swap3A_1739 = arith.index_cast %swap3A_1738 : i32 to index
        %swap3A_1740 = arith.index_cast %add3A_1733 : i32 to index
        %swap3A_1741 = arith.constant 16 : index
        %swap3A_1742 = tpu.vector_load %arg6[%swap3A_1739, %swap3A_1740, %swap3A_1741] {strides = array<i32>} : memref<2x128x64xf32, #tpu.memory_space<vmem>>, vector<16xf32>,
        tpu.vector_store %arg6[%swap3A_1739, %swap3A_1740, %swap3A_1741], %broadcast_in_dim3A_1 {strides = array<i32>} : memref<2x128x64xf32, #tpu.memory_space<vmem>>, vector<16xf32>,
        %swap3A_1743 = arith.constant 0 : i32
        %swap3A_1744 = arith.index_cast %swap3A_1743 : i32 to index
        %swap3A_1745 = arith.index_cast %add3A_1733 : i32 to index
        %swap3A_1746 = arith.constant 32 : index
        %swap3A_1747 = tpu.vector_load %arg6[%swap3A_1744, %swap3A_1745, %swap3A_1746] {strides = array<i32>} : memref<2x128x64xf32, #tpu.memory_space<vmem>>, vector<16xf32>,
        tpu.vector_store %arg6[%swap3A_1744, %swap3A_1745, %swap3A_1746], %broadcast_in_dim3A_1 {strides = array<i32>} : memref<2x128x64xf32, #tpu.memory_space<vmem>>, vector<16xf32>,
        %swap3A_1748 = arith.constant 0 : i32
        %swap3A_1749 = arith.index_cast %swap3A_1748 : i32 to index
        %swap3A_1750 = arith.index_cast %add3A_1733 : i32 to index
        %swap3A_1751 = arith.constant 48 : index
        %swap3A_1752 = tpu.vector_load %arg6[%swap3A_1749, %swap3A_1750, %swap3A_1751] {strides = array<i32>} : memref<2x128x64xf32, #tpu.memory_space<vmem>>, vector<16xf32>,
        tpu.vector_store %arg6[%swap3A_1749, %swap3A_1750, %swap3A_1751], %broadcast_in_dim3A_1 {strides = array<i32>} : memref<2x128x64xf32, #tpu.memory_space<vmem>>, vector<16xf32>,
      }
      %scan3A_1389 = arith.constant 128 : i32
      %run_scoped3A_1390 = arith.constant 0 : i32
      "tpu.region"() ({
        %run_scoped3A_1729 = tpu.sem_alloc : memref<!tpu.dma_semaphore, #tpu.memory_space<semaphore_mem>>
        %dma_start3A_1730 = arith.constant 0 : i32
        %dma_start3A_1731 = arith.constant 0 : i32
        %dma_start3A_1732 = tpu.memref_slice %arg5[%run_scoped3A_1390, %dma_start3A_1730, %dma_start3A_1731] : memref<2x26x128xi32, #tpu.memory_space<vmem>> -> memref<1x26x128xi32, #tpu.memory_space<vmem>>
        %dma_start3A_1733 = tpu.memref_squeeze %dma_start3A_1732 : memref<1x26x128xi32, #tpu.memory_space<vmem>> -> memref<26x128xi32, #tpu.memory_space<vmem>>
        %dma_start3A_1734 = arith.constant 0 : i32
        %dma_start3A_1735 = arith.constant 0 : i32
        %dma_start3A_1736 = tpu.memref_slice %arg2[%add3A_1384, %dma_start3A_1734, %dma_start3A_1735] : memref<400x26x128xi32, #tpu.memory_space<hbm>> -> memref<1x26x128xi32, #tpu.memory_space<hbm>>
        %dma_start3A_1737 = tpu.memref_squeeze %dma_start3A_1736 : memref<1x26x128xi32, #tpu.memory_space<hbm>> -> memref<26x128xi32, #tpu.memory_space<hbm>>
        %dma_start3A_1738 = arith.constant 0 : i32
        %dma_start3A_1739 = arith.constant 0 : i32
        %dma_start3A_1740 = tpu.memref_slice %arg5[%run_scoped3A_1390, %dma_start3A_1738, %dma_start3A_1739] : memref<2x26x128xi32, #tpu.memory_space<vmem>> -> memref<1x26x128xi32, #tpu.memory_space<vmem>>
        %dma_start3A_1741 = tpu.memref_squeeze %dma_start3A_1740 : memref<1x26x128xi32, #tpu.memory_space<vmem>> -> memref<26x128xi32, #tpu.memory_space<vmem>>
        %dma_start3A_1742 = arith.constant 0 : i32
        %dma_start3A_1743 = arith.constant 0 : i32
        %dma_start3A_1744 = tpu.memref_slice %arg2[%add3A_1384, %dma_start3A_1742, %dma_start3A_1743] : memref<400x26x128xi32, #tpu.memory_space<hbm>> -> memref<1x26x128xi32, #tpu.memory_space<hbm>>
        %dma_start3A_1745 = tpu.memref_squeeze %dma_start3A_1744 : memref<1x26x128xi32, #tpu.memory_space<hbm>> -> memref<26x128xi32, #tpu.memory_space<hbm>>
        tpu.enqueue_dma source(%dma_start3A_1745 : memref<26x128xi32, #tpu.memory_space<hbm>>) target(%dma_start3A_1741 : memref<26x128xi32, #tpu.memory_space<vmem>>) target_semaphore(%run_scoped3A_1729 : memref<!tpu.dma_semaphore, #tpu.memory_space<semaphore_mem>>)
        %dma_wait3A_1746 = arith.constant 0 : i32
        %dma_wait3A_1747 = arith.constant 0 : i32
        %dma_wait3A_1748 = tpu.memref_slice %arg5[%run_scoped3A_1390, %dma_wait3A_1746, %dma_wait3A_1747] : memref<2x26x128xi32, #tpu.memory_space<vmem>> -> memref<1x26x128xi32, #tpu.memory_space<vmem>>
        %dma_wait3A_1749 = tpu.memref_squeeze %dma_wait3A_1748 : memref<1x26x128xi32, #tpu.memory_space<vmem>> -> memref<26x128xi32, #tpu.memory_space<vmem>>
        %dma_wait3A_1750 = arith.constant 0 : i32
        %dma_wait3A_1751 = arith.constant 0 : i32
        %dma_wait3A_1752 = tpu.memref_slice %arg2[%add3A_1384, %dma_wait3A_1750, %dma_wait3A_1751] : memref<400x26x128xi32, #tpu.memory_space<hbm>> -> memref<1x26x128xi32, #tpu.memory_space<hbm>>
        %dma_wait3A_1753 = tpu.memref_squeeze %dma_wait3A_1752 : memref<1x26x128xi32, #tpu.memory_space<hbm>> -> memref<26x128xi32, #tpu.memory_space<hbm>>
        %dma_wait3A_1754 = arith.constant 0 : i32
        %dma_wait3A_1755 = arith.constant 0 : i32
        %dma_wait3A_1756 = tpu.memref_slice %arg5[%run_scoped3A_1390, %dma_wait3A_1754, %dma_wait3A_1755] : memref<2x26x128xi32, #tpu.memory_space<vmem>> -> memref<1x26x128xi32, #tpu.memory_space<vmem>>
        %dma_wait3A_1757 = tpu.memref_squeeze %dma_wait3A_1756 : memref<1x26x128xi32, #tpu.memory_space<vmem>> -> memref<26x128xi32, #tpu.memory_space<vmem>>
        %dma_wait3A_1758 = arith.constant 0 : i32
        %dma_wait3A_1759 = arith.constant 0 : i32
        %dma_wait3A_1760 = tpu.memref_slice %arg2[%add3A_1384, %dma_wait3A_1758, %dma_wait3A_1759] : memref<400x26x128xi32, #tpu.memory_space<hbm>> -> memref<1x26x128xi32, #tpu.memory_space<hbm>>
        %dma_wait3A_1761 = tpu.memref_squeeze %dma_wait3A_1760 : memref<1x26x128xi32, #tpu.memory_space<hbm>> -> memref<26x128xi32, #tpu.memory_space<hbm>>
        tpu.wait_dma2 semaphore(%run_scoped3A_1729 : memref<!tpu.dma_semaphore, #tpu.memory_space<semaphore_mem>>) src(%dma_wait3A_1761 : memref<26x128xi32, #tpu.memory_space<hbm>>) dst(%dma_wait3A_1757 : memref<26x128xi32, #tpu.memory_space<vmem>>)
        tpu.yield
      }) : () -> ()
      %dma_start3A_1391 = arith.constant 0 : i32
      %dma_start3A_1392 = arith.constant 0 : i32
      %dma_start3A_1393 = arith.constant 0 : i32
      %dma_start3A_1394 = arith.constant 0 : i32
      %dma_start3A_1395 = arith.constant 0 : i32
      %dma_start3A_1396 = tpu.memref_slice %arg6[%dma_start3A_1393, %dma_start3A_1394, %dma_start3A_1395] : memref<2x128x64xf32, #tpu.memory_space<vmem>> -> memref<1x128x64xf32, #tpu.memory_space<vmem>>
      %dma_start3A_1397 = tpu.memref_squeeze %dma_start3A_1396 : memref<1x128x64xf32, #tpu.memory_space<vmem>> -> memref<128x64xf32, #tpu.memory_space<vmem>>
      %dma_start3A_1398 = arith.constant 0 : i32
      %dma_start3A_1399 = tpu.memref_slice %arg5[%dma_start3A_1391, %dma_start3A_1392, %dma_start3A_1398] : memref<2x26x128xi32, #tpu.memory_space<vmem>> -> memref<1x1x128xi32, #tpu.memory_space<vmem>>
      %dma_start3A_1400 = tpu.memref_squeeze %dma_start3A_1399 : memref<1x1x128xi32, #tpu.memory_space<vmem>> -> memref<128xi32, #tpu.memory_space<vmem>>
      %dma_start3A_1401 = arith.constant 0 : i32
      %dma_start3A_1402 = arith.constant 0 : i32
      %dma_start3A_1403 = tpu.memref_slice %arg3[%dma_start3A_1401, %dma_start3A_1402] : memref<1000000x64xf32, #tpu.memory_space<hbm>> -> memref<1000000x64xf32, #tpu.memory_space<hbm>>
      tpu.enqueue_indirect_dma source(%dma_start3A_1403 : memref<1000000x64xf32, #tpu.memory_space<hbm>>) target(%dma_start3A_1397 : memref<128x64xf32, #tpu.memory_space<vmem>>) offsets(%dma_start3A_1400 : memref<128xi32, #tpu.memory_space<vmem>>) semaphore(%arg7 : memref<!tpu.dma_semaphore, #tpu.memory_space<semaphore_mem>>) {add = true}
      %dma_start3A_1404 = arith.constant 0 : i32
      %dma_start3A_1405 = arith.constant 1 : i32
      %dma_start3A_1406 = arith.constant 0 : i32
      %dma_start3A_1407 = arith.constant 0 : i32
      %dma_start3A_1408 = arith.constant 0 : i32
      %dma_start3A_1409 = tpu.memref_slice %arg6[%dma_start3A_1406, %dma_start3A_1407, %dma_start3A_1408] : memref<2x128x64xf32, #tpu.memory_space<vmem>> -> memref<1x128x64xf32, #tpu.memory_space<vmem>>
      %dma_start3A_1410 = tpu.memref_squeeze %dma_start3A_1409 : memref<1x128x64xf32, #tpu.memory_space<vmem>> -> memref<128x64xf32, #tpu.memory_space<vmem>>
      %dma_start3A_1411 = arith.constant 0 : i32
      %dma_start3A_1412 = tpu.memref_slice %arg5[%dma_start3A_1404, %dma_start3A_1405, %dma_start3A_1411] : memref<2x26x128xi32, #tpu.memory_space<vmem>> -> memref<1x1x128xi32, #tpu.memory_space<vmem>>
      %dma_start3A_1413 = tpu.memref_squeeze %dma_start3A_1412 : memref<1x1x128xi32, #tpu.memory_space<vmem>> -> memref<128xi32, #tpu.memory_space<vmem>>
      %dma_start3A_1414 = arith.constant 0 : i32
      %dma_start3A_1415 = arith.constant 0 : i32
      %dma_start3A_1416 = tpu.memref_slice %arg3[%dma_start3A_1414, %dma_start3A_1415] : memref<1000000x64xf32, #tpu.memory_space<hbm>> -> memref<1000000x64xf32, #tpu.memory_space<hbm>>
      tpu.enqueue_indirect_dma source(%dma_start3A_1416 : memref<1000000x64xf32, #tpu.memory_space<hbm>>) target(%dma_start3A_1410 : memref<128x64xf32, #tpu.memory_space<vmem>>) offsets(%dma_start3A_1413 : memref<128xi32, #tpu.memory_space<vmem>>) semaphore(%arg7 : memref<!tpu.dma_semaphore, #tpu.memory_space<semaphore_mem>>) {add = true}
      %dma_start3A_1417 = arith.constant 0 : i32
      %dma_start3A_1418 = arith.constant 2 : i32
      %dma_start3A_1419 = arith.constant 0 : i32
      %dma_start3A_1420 = arith.constant 0 : i32
      %dma_start3A_1421 = arith.constant 0 : i32
      %dma_start3A_1422 = tpu.memref_slice %arg6[%dma_start3A_1419, %dma_start3A_1420, %dma_start3A_1421] : memref<2x128x64xf32, #tpu.memory_space<vmem>> -> memref<1x128x64xf32, #tpu.memory_space<vmem>>
      %dma_start3A_1423 = tpu.memref_squeeze %dma_start3A_1422 : memref<1x128x64xf32, #tpu.memory_space<vmem>> -> memref<128x64xf32, #tpu.memory_space<vmem>>
      %dma_start3A_1424 = arith.constant 0 : i32
      %dma_start3A_1425 = tpu.memref_slice %arg5[%dma_start3A_1417, %dma_start3A_1418, %dma_start3A_1424] : memref<2x26x128xi32, #tpu.memory_space<vmem>> -> memref<1x1x128xi32, #tpu.memory_space<vmem>>
      %dma_start3A_1426 = tpu.memref_squeeze %dma_start3A_1425 : memref<1x1x128xi32, #tpu.memory_space<vmem>> -> memref<128xi32, #tpu.memory_space<vmem>>
      %dma_start3A_1427 = arith.constant 0 : i32
      %dma_start3A_1428 = arith.constant 0 : i32
      %dma_start3A_1429 = tpu.memref_slice %arg3[%dma_start3A_1427, %dma_start3A_1428] : memref<1000000x64xf32, #tpu.memory_space<hbm>> -> memref<1000000x64xf32, #tpu.memory_space<hbm>>
      tpu.enqueue_indirect_dma source(%dma_start3A_1429 : memref<1000000x64xf32, #tpu.memory_space<hbm>>) target(%dma_start3A_1423 : memref<128x64xf32, #tpu.memory_space<vmem>>) offsets(%dma_start3A_1426 : memref<128xi32, #tpu.memory_space<vmem>>) semaphore(%arg7 : memref<!tpu.dma_semaphore, #tpu.memory_space<semaphore_mem>>) {add = true}
      %dma_start3A_1430 = arith.constant 0 : i32
      %dma_start3A_1431 = arith.constant 3 : i32
      %dma_start3A_1432 = arith.constant 0 : i32
      %dma_start3A_1433 = arith.constant 0 : i32
      %dma_start3A_1434 = arith.constant 0 : i32
      %dma_start3A_1435 = tpu.memref_slice %arg6[%dma_start3A_1432, %dma_start3A_1433, %dma_start3A_1434] : memref<2x128x64xf32, #tpu.memory_space<vmem>> -> memref<1x128x64xf32, #tpu.memory_space<vmem>>
      %dma_start3A_1436 = tpu.memref_squeeze %dma_start3A_1435 : memref<1x128x64xf32, #tpu.memory_space<vmem>> -> memref<128x64xf32, #tpu.memory_space<vmem>>
      %dma_start3A_1437 = arith.constant 0 : i32
      %dma_start3A_1438 = tpu.memref_slice %arg5[%dma_start3A_1430, %dma_start3A_1431, %dma_start3A_1437] : memref<2x26x128xi32, #tpu.memory_space<vmem>> -> memref<1x1x128xi32, #tpu.memory_space<vmem>>
      %dma_start3A_1439 = tpu.memref_squeeze %dma_start3A_1438 : memref<1x1x128xi32, #tpu.memory_space<vmem>> -> memref<128xi32, #tpu.memory_space<vmem>>
      %dma_start3A_1440 = arith.constant 0 : i32
      %dma_start3A_1441 = arith.constant 0 : i32
      %dma_start3A_1442 = tpu.memref_slice %arg3[%dma_start3A_1440, %dma_start3A_1441] : memref<1000000x64xf32, #tpu.memory_space<hbm>> -> memref<1000000x64xf32, #tpu.memory_space<hbm>>
      tpu.enqueue_indirect_dma source(%dma_start3A_1442 : memref<1000000x64xf32, #tpu.memory_space<hbm>>) target(%dma_start3A_1436 : memref<128x64xf32, #tpu.memory_space<vmem>>) offsets(%dma_start3A_1439 : memref<128xi32, #tpu.memory_space<vmem>>) semaphore(%arg7 : memref<!tpu.dma_semaphore, #tpu.memory_space<semaphore_mem>>) {add = true}
      %dma_start3A_1443 = arith.constant 0 : i32
      %dma_start3A_1444 = arith.constant 4 : i32
      %dma_start3A_1445 = arith.constant 0 : i32
      %dma_start3A_1446 = arith.constant 0 : i32
      %dma_start3A_1447 = arith.constant 0 : i32
      %dma_start3A_1448 = tpu.memref_slice %arg6[%dma_start3A_1445, %dma_start3A_1446, %dma_start3A_1447] : memref<2x128x64xf32, #tpu.memory_space<vmem>> -> memref<1x128x64xf32, #tpu.memory_space<vmem>>
      %dma_start3A_1449 = tpu.memref_squeeze %dma_start3A_1448 : memref<1x128x64xf32, #tpu.memory_space<vmem>> -> memref<128x64xf32, #tpu.memory_space<vmem>>
      %dma_start3A_1450 = arith.constant 0 : i32
      %dma_start3A_1451 = tpu.memref_slice %arg5[%dma_start3A_1443, %dma_start3A_1444, %dma_start3A_1450] : memref<2x26x128xi32, #tpu.memory_space<vmem>> -> memref<1x1x128xi32, #tpu.memory_space<vmem>>
      %dma_start3A_1452 = tpu.memref_squeeze %dma_start3A_1451 : memref<1x1x128xi32, #tpu.memory_space<vmem>> -> memref<128xi32, #tpu.memory_space<vmem>>
      %dma_start3A_1453 = arith.constant 0 : i32
      %dma_start3A_1454 = arith.constant 0 : i32
      %dma_start3A_1455 = tpu.memref_slice %arg3[%dma_start3A_1453, %dma_start3A_1454] : memref<1000000x64xf32, #tpu.memory_space<hbm>> -> memref<1000000x64xf32, #tpu.memory_space<hbm>>
      tpu.enqueue_indirect_dma source(%dma_start3A_1455 : memref<1000000x64xf32, #tpu.memory_space<hbm>>) target(%dma_start3A_1449 : memref<128x64xf32, #tpu.memory_space<vmem>>) offsets(%dma_start3A_1452 : memref<128xi32, #tpu.memory_space<vmem>>) semaphore(%arg7 : memref<!tpu.dma_semaphore, #tpu.memory_space<semaphore_mem>>) {add = true}
      %dma_start3A_1456 = arith.constant 0 : i32
      %dma_start3A_1457 = arith.constant 5 : i32
      %dma_start3A_1458 = arith.constant 0 : i32
      %dma_start3A_1459 = arith.constant 0 : i32
      %dma_start3A_1460 = arith.constant 0 : i32
      %dma_start3A_1461 = tpu.memref_slice %arg6[%dma_start3A_1458, %dma_start3A_1459, %dma_start3A_1460] : memref<2x128x64xf32, #tpu.memory_space<vmem>> -> memref<1x128x64xf32, #tpu.memory_space<vmem>>
      %dma_start3A_1462 = tpu.memref_squeeze %dma_start3A_1461 : memref<1x128x64xf32, #tpu.memory_space<vmem>> -> memref<128x64xf32, #tpu.memory_space<vmem>>
      %dma_start3A_1463 = arith.constant 0 : i32
      %dma_start3A_1464 = tpu.memref_slice %arg5[%dma_start3A_1456, %dma_start3A_1457, %dma_start3A_1463] : memref<2x26x128xi32, #tpu.memory_space<vmem>> -> memref<1x1x128xi32, #tpu.memory_space<vmem>>
      %dma_start3A_1465 = tpu.memref_squeeze %dma_start3A_1464 : memref<1x1x128xi32, #tpu.memory_space<vmem>> -> memref<128xi32, #tpu.memory_space<vmem>>
      %dma_start3A_1466 = arith.constant 0 : i32
      %dma_start3A_1467 = arith.constant 0 : i32
      %dma_start3A_1468 = tpu.memref_slice %arg3[%dma_start3A_1466, %dma_start3A_1467] : memref<1000000x64xf32, #tpu.memory_space<hbm>> -> memref<1000000x64xf32, #tpu.memory_space<hbm>>
      tpu.enqueue_indirect_dma source(%dma_start3A_1468 : memref<1000000x64xf32, #tpu.memory_space<hbm>>) target(%dma_start3A_1462 : memref<128x64xf32, #tpu.memory_space<vmem>>) offsets(%dma_start3A_1465 : memref<128xi32, #tpu.memory_space<vmem>>) semaphore(%arg7 : memref<!tpu.dma_semaphore, #tpu.memory_space<semaphore_mem>>) {add = true}
      %dma_start3A_1469 = arith.constant 0 : i32
      %dma_start3A_1470 = arith.constant 6 : i32
      %dma_start3A_1471 = arith.constant 0 : i32
      %dma_start3A_1472 = arith.constant 0 : i32
      %dma_start3A_1473 = arith.constant 0 : i32
      %dma_start3A_1474 = tpu.memref_slice %arg6[%dma_start3A_1471, %dma_start3A_1472, %dma_start3A_1473] : memref<2x128x64xf32, #tpu.memory_space<vmem>> -> memref<1x128x64xf32, #tpu.memory_space<vmem>>
      %dma_start3A_1475 = tpu.memref_squeeze %dma_start3A_1474 : memref<1x128x64xf32, #tpu.memory_space<vmem>> -> memref<128x64xf32, #tpu.memory_space<vmem>>
      %dma_start3A_1476 = arith.constant 0 : i32
      %dma_start3A_1477 = tpu.memref_slice %arg5[%dma_start3A_1469, %dma_start3A_1470, %dma_start3A_1476] : memref<2x26x128xi32, #tpu.memory_space<vmem>> -> memref<1x1x128xi32, #tpu.memory_space<vmem>>
      %dma_start3A_1478 = tpu.memref_squeeze %dma_start3A_1477 : memref<1x1x128xi32, #tpu.memory_space<vmem>> -> memref<128xi32, #tpu.memory_space<vmem>>
      %dma_start3A_1479 = arith.constant 0 : i32
      %dma_start3A_1480 = arith.constant 0 : i32
      %dma_start3A_1481 = tpu.memref_slice %arg3[%dma_start3A_1479, %dma_start3A_1480] : memref<1000000x64xf32, #tpu.memory_space<hbm>> -> memref<1000000x64xf32, #tpu.memory_space<hbm>>
      tpu.enqueue_indirect_dma source(%dma_start3A_1481 : memref<1000000x64xf32, #tpu.memory_space<hbm>>) target(%dma_start3A_1475 : memref<128x64xf32, #tpu.memory_space<vmem>>) offsets(%dma_start3A_1478 : memref<128xi32, #tpu.memory_space<vmem>>) semaphore(%arg7 : memref<!tpu.dma_semaphore, #tpu.memory_space<semaphore_mem>>) {add = true}
      %dma_start3A_1482 = arith.constant 0 : i32
      %dma_start3A_1483 = arith.constant 7 : i32
      %dma_start3A_1484 = arith.constant 0 : i32
      %dma_start3A_1485 = arith.constant 0 : i32
      %dma_start3A_1486 = arith.constant 0 : i32
      %dma_start3A_1487 = tpu.memref_slice %arg6[%dma_start3A_1484, %dma_start3A_1485, %dma_start3A_1486] : memref<2x128x64xf32, #tpu.memory_space<vmem>> -> memref<1x128x64xf32, #tpu.memory_space<vmem>>
      %dma_start3A_1488 = tpu.memref_squeeze %dma_start3A_1487 : memref<1x128x64xf32, #tpu.memory_space<vmem>> -> memref<128x64xf32, #tpu.memory_space<vmem>>
      %dma_start3A_1489 = arith.constant 0 : i32
      %dma_start3A_1490 = tpu.memref_slice %arg5[%dma_start3A_1482, %dma_start3A_1483, %dma_start3A_1489] : memref<2x26x128xi32, #tpu.memory_space<vmem>> -> memref<1x1x128xi32, #tpu.memory_space<vmem>>
      %dma_start3A_1491 = tpu.memref_squeeze %dma_start3A_1490 : memref<1x1x128xi32, #tpu.memory_space<vmem>> -> memref<128xi32, #tpu.memory_space<vmem>>
      %dma_start3A_1492 = arith.constant 0 : i32
      %dma_start3A_1493 = arith.constant 0 : i32
      %dma_start3A_1494 = tpu.memref_slice %arg3[%dma_start3A_1492, %dma_start3A_1493] : memref<1000000x64xf32, #tpu.memory_space<hbm>> -> memref<1000000x64xf32, #tpu.memory_space<hbm>>
      tpu.enqueue_indirect_dma source(%dma_start3A_1494 : memref<1000000x64xf32, #tpu.memory_space<hbm>>) target(%dma_start3A_1488 : memref<128x64xf32, #tpu.memory_space<vmem>>) offsets(%dma_start3A_1491 : memref<128xi32, #tpu.memory_space<vmem>>) semaphore(%arg7 : memref<!tpu.dma_semaphore, #tpu.memory_space<semaphore_mem>>) {add = true}
      %dma_start3A_1495 = arith.constant 0 : i32
      %dma_start3A_1496 = arith.constant 8 : i32
      %dma_start3A_1497 = arith.constant 0 : i32
      %dma_start3A_1498 = arith.constant 0 : i32
      %dma_start3A_1499 = arith.constant 0 : i32
      %dma_start3A_1500 = tpu.memref_slice %arg6[%dma_start3A_1497, %dma_start3A_1498, %dma_start3A_1499] : memref<2x128x64xf32, #tpu.memory_space<vmem>> -> memref<1x128x64xf32, #tpu.memory_space<vmem>>
      %dma_start3A_1501 = tpu.memref_squeeze %dma_start3A_1500 : memref<1x128x64xf32, #tpu.memory_space<vmem>> -> memref<128x64xf32, #tpu.memory_space<vmem>>
      %dma_start3A_1502 = arith.constant 0 : i32
      %dma_start3A_1503 = tpu.memref_slice %arg5[%dma_start3A_1495, %dma_start3A_1496, %dma_start3A_1502] : memref<2x26x128xi32, #tpu.memory_space<vmem>> -> memref<1x1x128xi32, #tpu.memory_space<vmem>>
      %dma_start3A_1504 = tpu.memref_squeeze %dma_start3A_1503 : memref<1x1x128xi32, #tpu.memory_space<vmem>> -> memref<128xi32, #tpu.memory_space<vmem>>
      %dma_start3A_1505 = arith.constant 0 : i32
      %dma_start3A_1506 = arith.constant 0 : i32
      %dma_start3A_1507 = tpu.memref_slice %arg3[%dma_start3A_1505, %dma_start3A_1506] : memref<1000000x64xf32, #tpu.memory_space<hbm>> -> memref<1000000x64xf32, #tpu.memory_space<hbm>>
      tpu.enqueue_indirect_dma source(%dma_start3A_1507 : memref<1000000x64xf32, #tpu.memory_space<hbm>>) target(%dma_start3A_1501 : memref<128x64xf32, #tpu.memory_space<vmem>>) offsets(%dma_start3A_1504 : memref<128xi32, #tpu.memory_space<vmem>>) semaphore(%arg7 : memref<!tpu.dma_semaphore, #tpu.memory_space<semaphore_mem>>) {add = true}
      %dma_start3A_1508 = arith.constant 0 : i32
      %dma_start3A_1509 = arith.constant 9 : i32
      %dma_start3A_1510 = arith.constant 0 : i32
      %dma_start3A_1511 = arith.constant 0 : i32
      %dma_start3A_1512 = arith.constant 0 : i32
      %dma_start3A_1513 = tpu.memref_slice %arg6[%dma_start3A_1510, %dma_start3A_1511, %dma_start3A_1512] : memref<2x128x64xf32, #tpu.memory_space<vmem>> -> memref<1x128x64xf32, #tpu.memory_space<vmem>>
      %dma_start3A_1514 = tpu.memref_squeeze %dma_start3A_1513 : memref<1x128x64xf32, #tpu.memory_space<vmem>> -> memref<128x64xf32, #tpu.memory_space<vmem>>
      %dma_start3A_1515 = arith.constant 0 : i32
      %dma_start3A_1516 = tpu.memref_slice %arg5[%dma_start3A_1508, %dma_start3A_1509, %dma_start3A_1515] : memref<2x26x128xi32, #tpu.memory_space<vmem>> -> memref<1x1x128xi32, #tpu.memory_space<vmem>>
      %dma_start3A_1517 = tpu.memref_squeeze %dma_start3A_1516 : memref<1x1x128xi32, #tpu.memory_space<vmem>> -> memref<128xi32, #tpu.memory_space<vmem>>
      %dma_start3A_1518 = arith.constant 0 : i32
      %dma_start3A_1519 = arith.constant 0 : i32
      %dma_start3A_1520 = tpu.memref_slice %arg3[%dma_start3A_1518, %dma_start3A_1519] : memref<1000000x64xf32, #tpu.memory_space<hbm>> -> memref<1000000x64xf32, #tpu.memory_space<hbm>>
      tpu.enqueue_indirect_dma source(%dma_start3A_1520 : memref<1000000x64xf32, #tpu.memory_space<hbm>>) target(%dma_start3A_1514 : memref<128x64xf32, #tpu.memory_space<vmem>>) offsets(%dma_start3A_1517 : memref<128xi32, #tpu.memory_space<vmem>>) semaphore(%arg7 : memref<!tpu.dma_semaphore, #tpu.memory_space<semaphore_mem>>) {add = true}
      %dma_start3A_1521 = arith.constant 0 : i32
      %dma_start3A_1522 = arith.constant 10 : i32
      %dma_start3A_1523 = arith.constant 0 : i32
      %dma_start3A_1524 = arith.constant 0 : i32
      %dma_start3A_1525 = arith.constant 0 : i32
      %dma_start3A_1526 = tpu.memref_slice %arg6[%dma_start3A_1523, %dma_start3A_1524, %dma_start3A_1525] : memref<2x128x64xf32, #tpu.memory_space<vmem>> -> memref<1x128x64xf32, #tpu.memory_space<vmem>>
      %dma_start3A_1527 = tpu.memref_squeeze %dma_start3A_1526 : memref<1x128x64xf32, #tpu.memory_space<vmem>> -> memref<128x64xf32, #tpu.memory_space<vmem>>
      %dma_start3A_1528 = arith.constant 0 : i32
      %dma_start3A_1529 = tpu.memref_slice %arg5[%dma_start3A_1521, %dma_start3A_1522, %dma_start3A_1528] : memref<2x26x128xi32, #tpu.memory_space<vmem>> -> memref<1x1x128xi32, #tpu.memory_space<vmem>>
      %dma_start3A_1530 = tpu.memref_squeeze %dma_start3A_1529 : memref<1x1x128xi32, #tpu.memory_space<vmem>> -> memref<128xi32, #tpu.memory_space<vmem>>
      %dma_start3A_1531 = arith.constant 0 : i32
      %dma_start3A_1532 = arith.constant 0 : i32
      %dma_start3A_1533 = tpu.memref_slice %arg3[%dma_start3A_1531, %dma_start3A_1532] : memref<1000000x64xf32, #tpu.memory_space<hbm>> -> memref<1000000x64xf32, #tpu.memory_space<hbm>>
      tpu.enqueue_indirect_dma source(%dma_start3A_1533 : memref<1000000x64xf32, #tpu.memory_space<hbm>>) target(%dma_start3A_1527 : memref<128x64xf32, #tpu.memory_space<vmem>>) offsets(%dma_start3A_1530 : memref<128xi32, #tpu.memory_space<vmem>>) semaphore(%arg7 : memref<!tpu.dma_semaphore, #tpu.memory_space<semaphore_mem>>) {add = true}
      %dma_start3A_1534 = arith.constant 0 : i32
      %dma_start3A_1535 = arith.constant 11 : i32
      %dma_start3A_1536 = arith.constant 0 : i32
      %dma_start3A_1537 = arith.constant 0 : i32
      %dma_start3A_1538 = arith.constant 0 : i32
      %dma_start3A_1539 = tpu.memref_slice %arg6[%dma_start3A_1536, %dma_start3A_1537, %dma_start3A_1538] : memref<2x128x64xf32, #tpu.memory_space<vmem>> -> memref<1x128x64xf32, #tpu.memory_space<vmem>>
      %dma_start3A_1540 = tpu.memref_squeeze %dma_start3A_1539 : memref<1x128x64xf32, #tpu.memory_space<vmem>> -> memref<128x64xf32, #tpu.memory_space<vmem>>
      %dma_start3A_1541 = arith.constant 0 : i32
      %dma_start3A_1542 = tpu.memref_slice %arg5[%dma_start3A_1534, %dma_start3A_1535, %dma_start3A_1541] : memref<2x26x128xi32, #tpu.memory_space<vmem>> -> memref<1x1x128xi32, #tpu.memory_space<vmem>>
      %dma_start3A_1543 = tpu.memref_squeeze %dma_start3A_1542 : memref<1x1x128xi32, #tpu.memory_space<vmem>> -> memref<128xi32, #tpu.memory_space<vmem>>
      %dma_start3A_1544 = arith.constant 0 : i32
      %dma_start3A_1545 = arith.constant 0 : i32
      %dma_start3A_1546 = tpu.memref_slice %arg3[%dma_start3A_1544, %dma_start3A_1545] : memref<1000000x64xf32, #tpu.memory_space<hbm>> -> memref<1000000x64xf32, #tpu.memory_space<hbm>>
      tpu.enqueue_indirect_dma source(%dma_start3A_1546 : memref<1000000x64xf32, #tpu.memory_space<hbm>>) target(%dma_start3A_1540 : memref<128x64xf32, #tpu.memory_space<vmem>>) offsets(%dma_start3A_1543 : memref<128xi32, #tpu.memory_space<vmem>>) semaphore(%arg7 : memref<!tpu.dma_semaphore, #tpu.memory_space<semaphore_mem>>) {add = true}
      %dma_start3A_1547 = arith.constant 0 : i32
      %dma_start3A_1548 = arith.constant 12 : i32
      %dma_start3A_1549 = arith.constant 0 : i32
      %dma_start3A_1550 = arith.constant 0 : i32
      %dma_start3A_1551 = arith.constant 0 : i32
      %dma_start3A_1552 = tpu.memref_slice %arg6[%dma_start3A_1549, %dma_start3A_1550, %dma_start3A_1551] : memref<2x128x64xf32, #tpu.memory_space<vmem>> -> memref<1x128x64xf32, #tpu.memory_space<vmem>>
      %dma_start3A_1553 = tpu.memref_squeeze %dma_start3A_1552 : memref<1x128x64xf32, #tpu.memory_space<vmem>> -> memref<128x64xf32, #tpu.memory_space<vmem>>
      %dma_start3A_1554 = arith.constant 0 : i32
      %dma_start3A_1555 = tpu.memref_slice %arg5[%dma_start3A_1547, %dma_start3A_1548, %dma_start3A_1554] : memref<2x26x128xi32, #tpu.memory_space<vmem>> -> memref<1x1x128xi32, #tpu.memory_space<vmem>>
      %dma_start3A_1556 = tpu.memref_squeeze %dma_start3A_1555 : memref<1x1x128xi32, #tpu.memory_space<vmem>> -> memref<128xi32, #tpu.memory_space<vmem>>
      %dma_start3A_1557 = arith.constant 0 : i32
      %dma_start3A_1558 = arith.constant 0 : i32
      %dma_start3A_1559 = tpu.memref_slice %arg3[%dma_start3A_1557, %dma_start3A_1558] : memref<1000000x64xf32, #tpu.memory_space<hbm>> -> memref<1000000x64xf32, #tpu.memory_space<hbm>>
      tpu.enqueue_indirect_dma source(%dma_start3A_1559 : memref<1000000x64xf32, #tpu.memory_space<hbm>>) target(%dma_start3A_1553 : memref<128x64xf32, #tpu.memory_space<vmem>>) offsets(%dma_start3A_1556 : memref<128xi32, #tpu.memory_space<vmem>>) semaphore(%arg7 : memref<!tpu.dma_semaphore, #tpu.memory_space<semaphore_mem>>) {add = true}
      %dma_start3A_1560 = arith.constant 0 : i32
      %dma_start3A_1561 = arith.constant 13 : i32
      %dma_start3A_1562 = arith.constant 0 : i32
      %dma_start3A_1563 = arith.constant 0 : i32
      %dma_start3A_1564 = arith.constant 0 : i32
      %dma_start3A_1565 = tpu.memref_slice %arg6[%dma_start3A_1562, %dma_start3A_1563, %dma_start3A_1564] : memref<2x128x64xf32, #tpu.memory_space<vmem>> -> memref<1x128x64xf32, #tpu.memory_space<vmem>>
      %dma_start3A_1566 = tpu.memref_squeeze %dma_start3A_1565 : memref<1x128x64xf32, #tpu.memory_space<vmem>> -> memref<128x64xf32, #tpu.memory_space<vmem>>
      %dma_start3A_1567 = arith.constant 0 : i32
      %dma_start3A_1568 = tpu.memref_slice %arg5[%dma_start3A_1560, %dma_start3A_1561, %dma_start3A_1567] : memref<2x26x128xi32, #tpu.memory_space<vmem>> -> memref<1x1x128xi32, #tpu.memory_space<vmem>>
      %dma_start3A_1569 = tpu.memref_squeeze %dma_start3A_1568 : memref<1x1x128xi32, #tpu.memory_space<vmem>> -> memref<128xi32, #tpu.memory_space<vmem>>
      %dma_start3A_1570 = arith.constant 0 : i32
      %dma_start3A_1571 = arith.constant 0 : i32
      %dma_start3A_1572 = tpu.memref_slice %arg3[%dma_start3A_1570, %dma_start3A_1571] : memref<1000000x64xf32, #tpu.memory_space<hbm>> -> memref<1000000x64xf32, #tpu.memory_space<hbm>>
      tpu.enqueue_indirect_dma source(%dma_start3A_1572 : memref<1000000x64xf32, #tpu.memory_space<hbm>>) target(%dma_start3A_1566 : memref<128x64xf32, #tpu.memory_space<vmem>>) offsets(%dma_start3A_1569 : memref<128xi32, #tpu.memory_space<vmem>>) semaphore(%arg7 : memref<!tpu.dma_semaphore, #tpu.memory_space<semaphore_mem>>) {add = true}
      %dma_start3A_1573 = arith.constant 0 : i32
      %dma_start3A_1574 = arith.constant 14 : i32
      %dma_start3A_1575 = arith.constant 0 : i32
      %dma_start3A_1576 = arith.constant 0 : i32
      %dma_start3A_1577 = arith.constant 0 : i32
      %dma_start3A_1578 = tpu.memref_slice %arg6[%dma_start3A_1575, %dma_start3A_1576, %dma_start3A_1577] : memref<2x128x64xf32, #tpu.memory_space<vmem>> -> memref<1x128x64xf32, #tpu.memory_space<vmem>>
      %dma_start3A_1579 = tpu.memref_squeeze %dma_start3A_1578 : memref<1x128x64xf32, #tpu.memory_space<vmem>> -> memref<128x64xf32, #tpu.memory_space<vmem>>
      %dma_start3A_1580 = arith.constant 0 : i32
      %dma_start3A_1581 = tpu.memref_slice %arg5[%dma_start3A_1573, %dma_start3A_1574, %dma_start3A_1580] : memref<2x26x128xi32, #tpu.memory_space<vmem>> -> memref<1x1x128xi32, #tpu.memory_space<vmem>>
      %dma_start3A_1582 = tpu.memref_squeeze %dma_start3A_1581 : memref<1x1x128xi32, #tpu.memory_space<vmem>> -> memref<128xi32, #tpu.memory_space<vmem>>
      %dma_start3A_1583 = arith.constant 0 : i32
      %dma_start3A_1584 = arith.constant 0 : i32
      %dma_start3A_1585 = tpu.memref_slice %arg3[%dma_start3A_1583, %dma_start3A_1584] : memref<1000000x64xf32, #tpu.memory_space<hbm>> -> memref<1000000x64xf32, #tpu.memory_space<hbm>>
      tpu.enqueue_indirect_dma source(%dma_start3A_1585 : memref<1000000x64xf32, #tpu.memory_space<hbm>>) target(%dma_start3A_1579 : memref<128x64xf32, #tpu.memory_space<vmem>>) offsets(%dma_start3A_1582 : memref<128xi32, #tpu.memory_space<vmem>>) semaphore(%arg7 : memref<!tpu.dma_semaphore, #tpu.memory_space<semaphore_mem>>) {add = true}
      %dma_start3A_1586 = arith.constant 0 : i32
      %dma_start3A_1587 = arith.constant 15 : i32
      %dma_start3A_1588 = arith.constant 0 : i32
      %dma_start3A_1589 = arith.constant 0 : i32
      %dma_start3A_1590 = arith.constant 0 : i32
      %dma_start3A_1591 = tpu.memref_slice %arg6[%dma_start3A_1588, %dma_start3A_1589, %dma_start3A_1590] : memref<2x128x64xf32, #tpu.memory_space<vmem>> -> memref<1x128x64xf32, #tpu.memory_space<vmem>>
      %dma_start3A_1592 = tpu.memref_squeeze %dma_start3A_1591 : memref<1x128x64xf32, #tpu.memory_space<vmem>> -> memref<128x64xf32, #tpu.memory_space<vmem>>
      %dma_start3A_1593 = arith.constant 0 : i32
      %dma_start3A_1594 = tpu.memref_slice %arg5[%dma_start3A_1586, %dma_start3A_1587, %dma_start3A_1593] : memref<2x26x128xi32, #tpu.memory_space<vmem>> -> memref<1x1x128xi32, #tpu.memory_space<vmem>>
      %dma_start3A_1595 = tpu.memref_squeeze %dma_start3A_1594 : memref<1x1x128xi32, #tpu.memory_space<vmem>> -> memref<128xi32, #tpu.memory_space<vmem>>
      %dma_start3A_1596 = arith.constant 0 : i32
      %dma_start3A_1597 = arith.constant 0 : i32
      %dma_start3A_1598 = tpu.memref_slice %arg3[%dma_start3A_1596, %dma_start3A_1597] : memref<1000000x64xf32, #tpu.memory_space<hbm>> -> memref<1000000x64xf32, #tpu.memory_space<hbm>>
      tpu.enqueue_indirect_dma source(%dma_start3A_1598 : memref<1000000x64xf32, #tpu.memory_space<hbm>>) target(%dma_start3A_1592 : memref<128x64xf32, #tpu.memory_space<vmem>>) offsets(%dma_start3A_1595 : memref<128xi32, #tpu.memory_space<vmem>>) semaphore(%arg7 : memref<!tpu.dma_semaphore, #tpu.memory_space<semaphore_mem>>) {add = true}
      %dma_start3A_1599 = arith.constant 0 : i32
      %dma_start3A_1600 = arith.constant 16 : i32
      %dma_start3A_1601 = arith.constant 0 : i32
      %dma_start3A_1602 = arith.constant 0 : i32
      %dma_start3A_1603 = arith.constant 0 : i32
      %dma_start3A_1604 = tpu.memref_slice %arg6[%dma_start3A_1601, %dma_start3A_1602, %dma_start3A_1603] : memref<2x128x64xf32, #tpu.memory_space<vmem>> -> memref<1x128x64xf32, #tpu.memory_space<vmem>>
      %dma_start3A_1605 = tpu.memref_squeeze %dma_start3A_1604 : memref<1x128x64xf32, #tpu.memory_space<vmem>> -> memref<128x64xf32, #tpu.memory_space<vmem>>
      %dma_start3A_1606 = arith.constant 0 : i32
      %dma_start3A_1607 = tpu.memref_slice %arg5[%dma_start3A_1599, %dma_start3A_1600, %dma_start3A_1606] : memref<2x26x128xi32, #tpu.memory_space<vmem>> -> memref<1x1x128xi32, #tpu.memory_space<vmem>>
      %dma_start3A_1608 = tpu.memref_squeeze %dma_start3A_1607 : memref<1x1x128xi32, #tpu.memory_space<vmem>> -> memref<128xi32, #tpu.memory_space<vmem>>
      %dma_start3A_1609 = arith.constant 0 : i32
      %dma_start3A_1610 = arith.constant 0 : i32
      %dma_start3A_1611 = tpu.memref_slice %arg3[%dma_start3A_1609, %dma_start3A_1610] : memref<1000000x64xf32, #tpu.memory_space<hbm>> -> memref<1000000x64xf32, #tpu.memory_space<hbm>>
      tpu.enqueue_indirect_dma source(%dma_start3A_1611 : memref<1000000x64xf32, #tpu.memory_space<hbm>>) target(%dma_start3A_1605 : memref<128x64xf32, #tpu.memory_space<vmem>>) offsets(%dma_start3A_1608 : memref<128xi32, #tpu.memory_space<vmem>>) semaphore(%arg7 : memref<!tpu.dma_semaphore, #tpu.memory_space<semaphore_mem>>) {add = true}
      %dma_start3A_1612 = arith.constant 0 : i32
      %dma_start3A_1613 = arith.constant 17 : i32
      %dma_start3A_1614 = arith.constant 0 : i32
      %dma_start3A_1615 = arith.constant 0 : i32
      %dma_start3A_1616 = arith.constant 0 : i32
      %dma_start3A_1617 = tpu.memref_slice %arg6[%dma_start3A_1614, %dma_start3A_1615, %dma_start3A_1616] : memref<2x128x64xf32, #tpu.memory_space<vmem>> -> memref<1x128x64xf32, #tpu.memory_space<vmem>>
      %dma_start3A_1618 = tpu.memref_squeeze %dma_start3A_1617 : memref<1x128x64xf32, #tpu.memory_space<vmem>> -> memref<128x64xf32, #tpu.memory_space<vmem>>
      %dma_start3A_1619 = arith.constant 0 : i32
      %dma_start3A_1620 = tpu.memref_slice %arg5[%dma_start3A_1612, %dma_start3A_1613, %dma_start3A_1619] : memref<2x26x128xi32, #tpu.memory_space<vmem>> -> memref<1x1x128xi32, #tpu.memory_space<vmem>>
      %dma_start3A_1621 = tpu.memref_squeeze %dma_start3A_1620 : memref<1x1x128xi32, #tpu.memory_space<vmem>> -> memref<128xi32, #tpu.memory_space<vmem>>
      %dma_start3A_1622 = arith.constant 0 : i32
      %dma_start3A_1623 = arith.constant 0 : i32
      %dma_start3A_1624 = tpu.memref_slice %arg3[%dma_start3A_1622, %dma_start3A_1623] : memref<1000000x64xf32, #tpu.memory_space<hbm>> -> memref<1000000x64xf32, #tpu.memory_space<hbm>>
      tpu.enqueue_indirect_dma source(%dma_start3A_1624 : memref<1000000x64xf32, #tpu.memory_space<hbm>>) target(%dma_start3A_1618 : memref<128x64xf32, #tpu.memory_space<vmem>>) offsets(%dma_start3A_1621 : memref<128xi32, #tpu.memory_space<vmem>>) semaphore(%arg7 : memref<!tpu.dma_semaphore, #tpu.memory_space<semaphore_mem>>) {add = true}
      %dma_start3A_1625 = arith.constant 0 : i32
      %dma_start3A_1626 = arith.constant 18 : i32
      %dma_start3A_1627 = arith.constant 0 : i32
      %dma_start3A_1628 = arith.constant 0 : i32
      %dma_start3A_1629 = arith.constant 0 : i32
      %dma_start3A_1630 = tpu.memref_slice %arg6[%dma_start3A_1627, %dma_start3A_1628, %dma_start3A_1629] : memref<2x128x64xf32, #tpu.memory_space<vmem>> -> memref<1x128x64xf32, #tpu.memory_space<vmem>>
      %dma_start3A_1631 = tpu.memref_squeeze %dma_start3A_1630 : memref<1x128x64xf32, #tpu.memory_space<vmem>> -> memref<128x64xf32, #tpu.memory_space<vmem>>
      %dma_start3A_1632 = arith.constant 0 : i32
      %dma_start3A_1633 = tpu.memref_slice %arg5[%dma_start3A_1625, %dma_start3A_1626, %dma_start3A_1632] : memref<2x26x128xi32, #tpu.memory_space<vmem>> -> memref<1x1x128xi32, #tpu.memory_space<vmem>>
      %dma_start3A_1634 = tpu.memref_squeeze %dma_start3A_1633 : memref<1x1x128xi32, #tpu.memory_space<vmem>> -> memref<128xi32, #tpu.memory_space<vmem>>
      %dma_start3A_1635 = arith.constant 0 : i32
      %dma_start3A_1636 = arith.constant 0 : i32
      %dma_start3A_1637 = tpu.memref_slice %arg3[%dma_start3A_1635, %dma_start3A_1636] : memref<1000000x64xf32, #tpu.memory_space<hbm>> -> memref<1000000x64xf32, #tpu.memory_space<hbm>>
      tpu.enqueue_indirect_dma source(%dma_start3A_1637 : memref<1000000x64xf32, #tpu.memory_space<hbm>>) target(%dma_start3A_1631 : memref<128x64xf32, #tpu.memory_space<vmem>>) offsets(%dma_start3A_1634 : memref<128xi32, #tpu.memory_space<vmem>>) semaphore(%arg7 : memref<!tpu.dma_semaphore, #tpu.memory_space<semaphore_mem>>) {add = true}
      %dma_start3A_1638 = arith.constant 0 : i32
      %dma_start3A_1639 = arith.constant 19 : i32
      %dma_start3A_1640 = arith.constant 0 : i32
      %dma_start3A_1641 = arith.constant 0 : i32
      %dma_start3A_1642 = arith.constant 0 : i32
      %dma_start3A_1643 = tpu.memref_slice %arg6[%dma_start3A_1640, %dma_start3A_1641, %dma_start3A_1642] : memref<2x128x64xf32, #tpu.memory_space<vmem>> -> memref<1x128x64xf32, #tpu.memory_space<vmem>>
      %dma_start3A_1644 = tpu.memref_squeeze %dma_start3A_1643 : memref<1x128x64xf32, #tpu.memory_space<vmem>> -> memref<128x64xf32, #tpu.memory_space<vmem>>
      %dma_start3A_1645 = arith.constant 0 : i32
      %dma_start3A_1646 = tpu.memref_slice %arg5[%dma_start3A_1638, %dma_start3A_1639, %dma_start3A_1645] : memref<2x26x128xi32, #tpu.memory_space<vmem>> -> memref<1x1x128xi32, #tpu.memory_space<vmem>>
      %dma_start3A_1647 = tpu.memref_squeeze %dma_start3A_1646 : memref<1x1x128xi32, #tpu.memory_space<vmem>> -> memref<128xi32, #tpu.memory_space<vmem>>
      %dma_start3A_1648 = arith.constant 0 : i32
      %dma_start3A_1649 = arith.constant 0 : i32
      %dma_start3A_1650 = tpu.memref_slice %arg3[%dma_start3A_1648, %dma_start3A_1649] : memref<1000000x64xf32, #tpu.memory_space<hbm>> -> memref<1000000x64xf32, #tpu.memory_space<hbm>>
      tpu.enqueue_indirect_dma source(%dma_start3A_1650 : memref<1000000x64xf32, #tpu.memory_space<hbm>>) target(%dma_start3A_1644 : memref<128x64xf32, #tpu.memory_space<vmem>>) offsets(%dma_start3A_1647 : memref<128xi32, #tpu.memory_space<vmem>>) semaphore(%arg7 : memref<!tpu.dma_semaphore, #tpu.memory_space<semaphore_mem>>) {add = true}
      %dma_start3A_1651 = arith.constant 0 : i32
      %dma_start3A_1652 = arith.constant 20 : i32
      %dma_start3A_1653 = arith.constant 0 : i32
      %dma_start3A_1654 = arith.constant 0 : i32
      %dma_start3A_1655 = arith.constant 0 : i32
      %dma_start3A_1656 = tpu.memref_slice %arg6[%dma_start3A_1653, %dma_start3A_1654, %dma_start3A_1655] : memref<2x128x64xf32, #tpu.memory_space<vmem>> -> memref<1x128x64xf32, #tpu.memory_space<vmem>>
      %dma_start3A_1657 = tpu.memref_squeeze %dma_start3A_1656 : memref<1x128x64xf32, #tpu.memory_space<vmem>> -> memref<128x64xf32, #tpu.memory_space<vmem>>
      %dma_start3A_1658 = arith.constant 0 : i32
      %dma_start3A_1659 = tpu.memref_slice %arg5[%dma_start3A_1651, %dma_start3A_1652, %dma_start3A_1658] : memref<2x26x128xi32, #tpu.memory_space<vmem>> -> memref<1x1x128xi32, #tpu.memory_space<vmem>>
      %dma_start3A_1660 = tpu.memref_squeeze %dma_start3A_1659 : memref<1x1x128xi32, #tpu.memory_space<vmem>> -> memref<128xi32, #tpu.memory_space<vmem>>
      %dma_start3A_1661 = arith.constant 0 : i32
      %dma_start3A_1662 = arith.constant 0 : i32
      %dma_start3A_1663 = tpu.memref_slice %arg3[%dma_start3A_1661, %dma_start3A_1662] : memref<1000000x64xf32, #tpu.memory_space<hbm>> -> memref<1000000x64xf32, #tpu.memory_space<hbm>>
      tpu.enqueue_indirect_dma source(%dma_start3A_1663 : memref<1000000x64xf32, #tpu.memory_space<hbm>>) target(%dma_start3A_1657 : memref<128x64xf32, #tpu.memory_space<vmem>>) offsets(%dma_start3A_1660 : memref<128xi32, #tpu.memory_space<vmem>>) semaphore(%arg7 : memref<!tpu.dma_semaphore, #tpu.memory_space<semaphore_mem>>) {add = true}
      %dma_start3A_1664 = arith.constant 0 : i32
      %dma_start3A_1665 = arith.constant 21 : i32
      %dma_start3A_1666 = arith.constant 0 : i32
      %dma_start3A_1667 = arith.constant 0 : i32
      %dma_start3A_1668 = arith.constant 0 : i32
      %dma_start3A_1669 = tpu.memref_slice %arg6[%dma_start3A_1666, %dma_start3A_1667, %dma_start3A_1668] : memref<2x128x64xf32, #tpu.memory_space<vmem>> -> memref<1x128x64xf32, #tpu.memory_space<vmem>>
      %dma_start3A_1670 = tpu.memref_squeeze %dma_start3A_1669 : memref<1x128x64xf32, #tpu.memory_space<vmem>> -> memref<128x64xf32, #tpu.memory_space<vmem>>
      %dma_start3A_1671 = arith.constant 0 : i32
      %dma_start3A_1672 = tpu.memref_slice %arg5[%dma_start3A_1664, %dma_start3A_1665, %dma_start3A_1671] : memref<2x26x128xi32, #tpu.memory_space<vmem>> -> memref<1x1x128xi32, #tpu.memory_space<vmem>>
      %dma_start3A_1673 = tpu.memref_squeeze %dma_start3A_1672 : memref<1x1x128xi32, #tpu.memory_space<vmem>> -> memref<128xi32, #tpu.memory_space<vmem>>
      %dma_start3A_1674 = arith.constant 0 : i32
      %dma_start3A_1675 = arith.constant 0 : i32
      %dma_start3A_1676 = tpu.memref_slice %arg3[%dma_start3A_1674, %dma_start3A_1675] : memref<1000000x64xf32, #tpu.memory_space<hbm>> -> memref<1000000x64xf32, #tpu.memory_space<hbm>>
      tpu.enqueue_indirect_dma source(%dma_start3A_1676 : memref<1000000x64xf32, #tpu.memory_space<hbm>>) target(%dma_start3A_1670 : memref<128x64xf32, #tpu.memory_space<vmem>>) offsets(%dma_start3A_1673 : memref<128xi32, #tpu.memory_space<vmem>>) semaphore(%arg7 : memref<!tpu.dma_semaphore, #tpu.memory_space<semaphore_mem>>) {add = true}
      %dma_start3A_1677 = arith.constant 0 : i32
      %dma_start3A_1678 = arith.constant 22 : i32
      %dma_start3A_1679 = arith.constant 0 : i32
      %dma_start3A_1680 = arith.constant 0 : i32
      %dma_start3A_1681 = arith.constant 0 : i32
      %dma_start3A_1682 = tpu.memref_slice %arg6[%dma_start3A_1679, %dma_start3A_1680, %dma_start3A_1681] : memref<2x128x64xf32, #tpu.memory_space<vmem>> -> memref<1x128x64xf32, #tpu.memory_space<vmem>>
      %dma_start3A_1683 = tpu.memref_squeeze %dma_start3A_1682 : memref<1x128x64xf32, #tpu.memory_space<vmem>> -> memref<128x64xf32, #tpu.memory_space<vmem>>
      %dma_start3A_1684 = arith.constant 0 : i32
      %dma_start3A_1685 = tpu.memref_slice %arg5[%dma_start3A_1677, %dma_start3A_1678, %dma_start3A_1684] : memref<2x26x128xi32, #tpu.memory_space<vmem>> -> memref<1x1x128xi32, #tpu.memory_space<vmem>>
      %dma_start3A_1686 = tpu.memref_squeeze %dma_start3A_1685 : memref<1x1x128xi32, #tpu.memory_space<vmem>> -> memref<128xi32, #tpu.memory_space<vmem>>
      %dma_start3A_1687 = arith.constant 0 : i32
      %dma_start3A_1688 = arith.constant 0 : i32
      %dma_start3A_1689 = tpu.memref_slice %arg3[%dma_start3A_1687, %dma_start3A_1688] : memref<1000000x64xf32, #tpu.memory_space<hbm>> -> memref<1000000x64xf32, #tpu.memory_space<hbm>>
      tpu.enqueue_indirect_dma source(%dma_start3A_1689 : memref<1000000x64xf32, #tpu.memory_space<hbm>>) target(%dma_start3A_1683 : memref<128x64xf32, #tpu.memory_space<vmem>>) offsets(%dma_start3A_1686 : memref<128xi32, #tpu.memory_space<vmem>>) semaphore(%arg7 : memref<!tpu.dma_semaphore, #tpu.memory_space<semaphore_mem>>) {add = true}
      %dma_start3A_1690 = arith.constant 0 : i32
      %dma_start3A_1691 = arith.constant 23 : i32
      %dma_start3A_1692 = arith.constant 0 : i32
      %dma_start3A_1693 = arith.constant 0 : i32
      %dma_start3A_1694 = arith.constant 0 : i32
      %dma_start3A_1695 = tpu.memref_slice %arg6[%dma_start3A_1692, %dma_start3A_1693, %dma_start3A_1694] : memref<2x128x64xf32, #tpu.memory_space<vmem>> -> memref<1x128x64xf32, #tpu.memory_space<vmem>>
      %dma_start3A_1696 = tpu.memref_squeeze %dma_start3A_1695 : memref<1x128x64xf32, #tpu.memory_space<vmem>> -> memref<128x64xf32, #tpu.memory_space<vmem>>
      %dma_start3A_1697 = arith.constant 0 : i32
      %dma_start3A_1698 = tpu.memref_slice %arg5[%dma_start3A_1690, %dma_start3A_1691, %dma_start3A_1697] : memref<2x26x128xi32, #tpu.memory_space<vmem>> -> memref<1x1x128xi32, #tpu.memory_space<vmem>>
      %dma_start3A_1699 = tpu.memref_squeeze %dma_start3A_1698 : memref<1x1x128xi32, #tpu.memory_space<vmem>> -> memref<128xi32, #tpu.memory_space<vmem>>
      %dma_start3A_1700 = arith.constant 0 : i32
      %dma_start3A_1701 = arith.constant 0 : i32
      %dma_start3A_1702 = tpu.memref_slice %arg3[%dma_start3A_1700, %dma_start3A_1701] : memref<1000000x64xf32, #tpu.memory_space<hbm>> -> memref<1000000x64xf32, #tpu.memory_space<hbm>>
      tpu.enqueue_indirect_dma source(%dma_start3A_1702 : memref<1000000x64xf32, #tpu.memory_space<hbm>>) target(%dma_start3A_1696 : memref<128x64xf32, #tpu.memory_space<vmem>>) offsets(%dma_start3A_1699 : memref<128xi32, #tpu.memory_space<vmem>>) semaphore(%arg7 : memref<!tpu.dma_semaphore, #tpu.memory_space<semaphore_mem>>) {add = true}
      %dma_start3A_1703 = arith.constant 0 : i32
      %dma_start3A_1704 = arith.constant 24 : i32
      %dma_start3A_1705 = arith.constant 0 : i32
      %dma_start3A_1706 = arith.constant 0 : i32
      %dma_start3A_1707 = arith.constant 0 : i32
      %dma_start3A_1708 = tpu.memref_slice %arg6[%dma_start3A_1705, %dma_start3A_1706, %dma_start3A_1707] : memref<2x128x64xf32, #tpu.memory_space<vmem>> -> memref<1x128x64xf32, #tpu.memory_space<vmem>>
      %dma_start3A_1709 = tpu.memref_squeeze %dma_start3A_1708 : memref<1x128x64xf32, #tpu.memory_space<vmem>> -> memref<128x64xf32, #tpu.memory_space<vmem>>
      %dma_start3A_1710 = arith.constant 0 : i32
      %dma_start3A_1711 = tpu.memref_slice %arg5[%dma_start3A_1703, %dma_start3A_1704, %dma_start3A_1710] : memref<2x26x128xi32, #tpu.memory_space<vmem>> -> memref<1x1x128xi32, #tpu.memory_space<vmem>>
      %dma_start3A_1712 = tpu.memref_squeeze %dma_start3A_1711 : memref<1x1x128xi32, #tpu.memory_space<vmem>> -> memref<128xi32, #tpu.memory_space<vmem>>
      %dma_start3A_1713 = arith.constant 0 : i32
      %dma_start3A_1714 = arith.constant 0 : i32
      %dma_start3A_1715 = tpu.memref_slice %arg3[%dma_start3A_1713, %dma_start3A_1714] : memref<1000000x64xf32, #tpu.memory_space<hbm>> -> memref<1000000x64xf32, #tpu.memory_space<hbm>>
      tpu.enqueue_indirect_dma source(%dma_start3A_1715 : memref<1000000x64xf32, #tpu.memory_space<hbm>>) target(%dma_start3A_1709 : memref<128x64xf32, #tpu.memory_space<vmem>>) offsets(%dma_start3A_1712 : memref<128xi32, #tpu.memory_space<vmem>>) semaphore(%arg7 : memref<!tpu.dma_semaphore, #tpu.memory_space<semaphore_mem>>) {add = true}
      %dma_start3A_1716 = arith.constant 0 : i32
      %dma_start3A_1717 = arith.constant 25 : i32
      %dma_start3A_1718 = arith.constant 0 : i32
      %dma_start3A_1719 = arith.constant 0 : i32
      %dma_start3A_1720 = arith.constant 0 : i32
      %dma_start3A_1721 = tpu.memref_slice %arg6[%dma_start3A_1718, %dma_start3A_1719, %dma_start3A_1720] : memref<2x128x64xf32, #tpu.memory_space<vmem>> -> memref<1x128x64xf32, #tpu.memory_space<vmem>>
      %dma_start3A_1722 = tpu.memref_squeeze %dma_start3A_1721 : memref<1x128x64xf32, #tpu.memory_space<vmem>> -> memref<128x64xf32, #tpu.memory_space<vmem>>
      %dma_start3A_1723 = arith.constant 0 : i32
      %dma_start3A_1724 = tpu.memref_slice %arg5[%dma_start3A_1716, %dma_start3A_1717, %dma_start3A_1723] : memref<2x26x128xi32, #tpu.memory_space<vmem>> -> memref<1x1x128xi32, #tpu.memory_space<vmem>>
      %dma_start3A_1725 = tpu.memref_squeeze %dma_start3A_1724 : memref<1x1x128xi32, #tpu.memory_space<vmem>> -> memref<128xi32, #tpu.memory_space<vmem>>
      %dma_start3A_1726 = arith.constant 0 : i32
      %dma_start3A_1727 = arith.constant 0 : i32
      %dma_start3A_1728 = tpu.memref_slice %arg3[%dma_start3A_1726, %dma_start3A_1727] : memref<1000000x64xf32, #tpu.memory_space<hbm>> -> memref<1000000x64xf32, #tpu.memory_space<hbm>>
      tpu.enqueue_indirect_dma source(%dma_start3A_1728 : memref<1000000x64xf32, #tpu.memory_space<hbm>>) target(%dma_start3A_1722 : memref<128x64xf32, #tpu.memory_space<vmem>>) offsets(%dma_start3A_1725 : memref<128xi32, #tpu.memory_space<vmem>>) semaphore(%arg7 : memref<!tpu.dma_semaphore, #tpu.memory_space<semaphore_mem>>) {add = true}
    } else {
    }
    %dma_wait3A_1037 = arith.constant 1 : i32
    %dma_wait3A_1038 = arith.constant 0 : i32
    %dma_wait3A_1039 = arith.constant 1 : i32
    %dma_wait3A_1040 = arith.constant 0 : i32
    %dma_wait3A_1041 = arith.constant 0 : i32
    %dma_wait3A_1042 = tpu.memref_slice %arg6[%dma_wait3A_1039, %dma_wait3A_1040, %dma_wait3A_1041] : memref<2x128x64xf32, #tpu.memory_space<vmem>> -> memref<1x128x64xf32, #tpu.memory_space<vmem>>
    %dma_wait3A_1043 = tpu.memref_squeeze %dma_wait3A_1042 : memref<1x128x64xf32, #tpu.memory_space<vmem>> -> memref<128x64xf32, #tpu.memory_space<vmem>>
    %dma_wait3A_1044 = arith.constant 0 : i32
    %dma_wait3A_1045 = tpu.memref_slice %arg5[%dma_wait3A_1037, %dma_wait3A_1038, %dma_wait3A_1044] : memref<2x26x128xi32, #tpu.memory_space<vmem>> -> memref<1x1x128xi32, #tpu.memory_space<vmem>>
    %dma_wait3A_1046 = tpu.memref_squeeze %dma_wait3A_1045 : memref<1x1x128xi32, #tpu.memory_space<vmem>> -> memref<128xi32, #tpu.memory_space<vmem>>
    %dma_wait3A_1047 = arith.constant 0 : i32
    %dma_wait3A_1048 = arith.constant 0 : i32
    %dma_wait3A_1049 = tpu.memref_slice %arg3[%dma_wait3A_1047, %dma_wait3A_1048] : memref<1000000x64xf32, #tpu.memory_space<hbm>> -> memref<1000000x64xf32, #tpu.memory_space<hbm>>
    tpu.wait_indirect_dma semaphore(%arg8 : memref<!tpu.dma_semaphore, #tpu.memory_space<semaphore_mem>>) src(%dma_wait3A_1049 : memref<1000000x64xf32, #tpu.memory_space<hbm>>) dst(%dma_wait3A_1043 : memref<128x64xf32, #tpu.memory_space<vmem>>)
    %dma_wait3A_1050 = arith.constant 1 : i32
    %dma_wait3A_1051 = arith.constant 0 : i32
    %dma_wait3A_1052 = arith.constant 1 : i32
    %dma_wait3A_1053 = arith.constant 0 : i32
    %dma_wait3A_1054 = arith.constant 0 : i32
    %dma_wait3A_1055 = tpu.memref_slice %arg6[%dma_wait3A_1052, %dma_wait3A_1053, %dma_wait3A_1054] : memref<2x128x64xf32, #tpu.memory_space<vmem>> -> memref<1x128x64xf32, #tpu.memory_space<vmem>>
    %dma_wait3A_1056 = tpu.memref_squeeze %dma_wait3A_1055 : memref<1x128x64xf32, #tpu.memory_space<vmem>> -> memref<128x64xf32, #tpu.memory_space<vmem>>
    %dma_wait3A_1057 = arith.constant 0 : i32
    %dma_wait3A_1058 = tpu.memref_slice %arg5[%dma_wait3A_1050, %dma_wait3A_1051, %dma_wait3A_1057] : memref<2x26x128xi32, #tpu.memory_space<vmem>> -> memref<1x1x128xi32, #tpu.memory_space<vmem>>
    %dma_wait3A_1059 = tpu.memref_squeeze %dma_wait3A_1058 : memref<1x1x128xi32, #tpu.memory_space<vmem>> -> memref<128xi32, #tpu.memory_space<vmem>>
    %dma_wait3A_1060 = arith.constant 0 : i32
    %dma_wait3A_1061 = arith.constant 0 : i32
    %dma_wait3A_1062 = tpu.memref_slice %arg3[%dma_wait3A_1060, %dma_wait3A_1061] : memref<1000000x64xf32, #tpu.memory_space<hbm>> -> memref<1000000x64xf32, #tpu.memory_space<hbm>>
    tpu.wait_indirect_dma semaphore(%arg8 : memref<!tpu.dma_semaphore, #tpu.memory_space<semaphore_mem>>) src(%dma_wait3A_1062 : memref<1000000x64xf32, #tpu.memory_space<hbm>>) dst(%dma_wait3A_1056 : memref<128x64xf32, #tpu.memory_space<vmem>>)
    %dma_wait3A_1063 = arith.constant 1 : i32
    %dma_wait3A_1064 = arith.constant 0 : i32
    %dma_wait3A_1065 = arith.constant 1 : i32
    %dma_wait3A_1066 = arith.constant 0 : i32
    %dma_wait3A_1067 = arith.constant 0 : i32
    %dma_wait3A_1068 = tpu.memref_slice %arg6[%dma_wait3A_1065, %dma_wait3A_1066, %dma_wait3A_1067] : memref<2x128x64xf32, #tpu.memory_space<vmem>> -> memref<1x128x64xf32, #tpu.memory_space<vmem>>
    %dma_wait3A_1069 = tpu.memref_squeeze %dma_wait3A_1068 : memref<1x128x64xf32, #tpu.memory_space<vmem>> -> memref<128x64xf32, #tpu.memory_space<vmem>>
    %dma_wait3A_1070 = arith.constant 0 : i32
    %dma_wait3A_1071 = tpu.memref_slice %arg5[%dma_wait3A_1063, %dma_wait3A_1064, %dma_wait3A_1070] : memref<2x26x128xi32, #tpu.memory_space<vmem>> -> memref<1x1x128xi32, #tpu.memory_space<vmem>>
    %dma_wait3A_1072 = tpu.memref_squeeze %dma_wait3A_1071 : memref<1x1x128xi32, #tpu.memory_space<vmem>> -> memref<128xi32, #tpu.memory_space<vmem>>
    %dma_wait3A_1073 = arith.constant 0 : i32
    %dma_wait3A_1074 = arith.constant 0 : i32
    %dma_wait3A_1075 = tpu.memref_slice %arg3[%dma_wait3A_1073, %dma_wait3A_1074] : memref<1000000x64xf32, #tpu.memory_space<hbm>> -> memref<1000000x64xf32, #tpu.memory_space<hbm>>
    tpu.wait_indirect_dma semaphore(%arg8 : memref<!tpu.dma_semaphore, #tpu.memory_space<semaphore_mem>>) src(%dma_wait3A_1075 : memref<1000000x64xf32, #tpu.memory_space<hbm>>) dst(%dma_wait3A_1069 : memref<128x64xf32, #tpu.memory_space<vmem>>)
    %dma_wait3A_1076 = arith.constant 1 : i32
    %dma_wait3A_1077 = arith.constant 0 : i32
    %dma_wait3A_1078 = arith.constant 1 : i32
    %dma_wait3A_1079 = arith.constant 0 : i32
    %dma_wait3A_1080 = arith.constant 0 : i32
    %dma_wait3A_1081 = tpu.memref_slice %arg6[%dma_wait3A_1078, %dma_wait3A_1079, %dma_wait3A_1080] : memref<2x128x64xf32, #tpu.memory_space<vmem>> -> memref<1x128x64xf32, #tpu.memory_space<vmem>>
    %dma_wait3A_1082 = tpu.memref_squeeze %dma_wait3A_1081 : memref<1x128x64xf32, #tpu.memory_space<vmem>> -> memref<128x64xf32, #tpu.memory_space<vmem>>
    %dma_wait3A_1083 = arith.constant 0 : i32
    %dma_wait3A_1084 = tpu.memref_slice %arg5[%dma_wait3A_1076, %dma_wait3A_1077, %dma_wait3A_1083] : memref<2x26x128xi32, #tpu.memory_space<vmem>> -> memref<1x1x128xi32, #tpu.memory_space<vmem>>
    %dma_wait3A_1085 = tpu.memref_squeeze %dma_wait3A_1084 : memref<1x1x128xi32, #tpu.memory_space<vmem>> -> memref<128xi32, #tpu.memory_space<vmem>>
    %dma_wait3A_1086 = arith.constant 0 : i32
    %dma_wait3A_1087 = arith.constant 0 : i32
    %dma_wait3A_1088 = tpu.memref_slice %arg3[%dma_wait3A_1086, %dma_wait3A_1087] : memref<1000000x64xf32, #tpu.memory_space<hbm>> -> memref<1000000x64xf32, #tpu.memory_space<hbm>>
    tpu.wait_indirect_dma semaphore(%arg8 : memref<!tpu.dma_semaphore, #tpu.memory_space<semaphore_mem>>) src(%dma_wait3A_1088 : memref<1000000x64xf32, #tpu.memory_space<hbm>>) dst(%dma_wait3A_1082 : memref<128x64xf32, #tpu.memory_space<vmem>>)
    %dma_wait3A_1089 = arith.constant 1 : i32
    %dma_wait3A_1090 = arith.constant 0 : i32
    %dma_wait3A_1091 = arith.constant 1 : i32
    %dma_wait3A_1092 = arith.constant 0 : i32
    %dma_wait3A_1093 = arith.constant 0 : i32
    %dma_wait3A_1094 = tpu.memref_slice %arg6[%dma_wait3A_1091, %dma_wait3A_1092, %dma_wait3A_1093] : memref<2x128x64xf32, #tpu.memory_space<vmem>> -> memref<1x128x64xf32, #tpu.memory_space<vmem>>
    %dma_wait3A_1095 = tpu.memref_squeeze %dma_wait3A_1094 : memref<1x128x64xf32, #tpu.memory_space<vmem>> -> memref<128x64xf32, #tpu.memory_space<vmem>>
    %dma_wait3A_1096 = arith.constant 0 : i32
    %dma_wait3A_1097 = tpu.memref_slice %arg5[%dma_wait3A_1089, %dma_wait3A_1090, %dma_wait3A_1096] : memref<2x26x128xi32, #tpu.memory_space<vmem>> -> memref<1x1x128xi32, #tpu.memory_space<vmem>>
    %dma_wait3A_1098 = tpu.memref_squeeze %dma_wait3A_1097 : memref<1x1x128xi32, #tpu.memory_space<vmem>> -> memref<128xi32, #tpu.memory_space<vmem>>
    %dma_wait3A_1099 = arith.constant 0 : i32
    %dma_wait3A_1100 = arith.constant 0 : i32
    %dma_wait3A_1101 = tpu.memref_slice %arg3[%dma_wait3A_1099, %dma_wait3A_1100] : memref<1000000x64xf32, #tpu.memory_space<hbm>> -> memref<1000000x64xf32, #tpu.memory_space<hbm>>
    tpu.wait_indirect_dma semaphore(%arg8 : memref<!tpu.dma_semaphore, #tpu.memory_space<semaphore_mem>>) src(%dma_wait3A_1101 : memref<1000000x64xf32, #tpu.memory_space<hbm>>) dst(%dma_wait3A_1095 : memref<128x64xf32, #tpu.memory_space<vmem>>)
    %dma_wait3A_1102 = arith.constant 1 : i32
    %dma_wait3A_1103 = arith.constant 0 : i32
    %dma_wait3A_1104 = arith.constant 1 : i32
    %dma_wait3A_1105 = arith.constant 0 : i32
    %dma_wait3A_1106 = arith.constant 0 : i32
    %dma_wait3A_1107 = tpu.memref_slice %arg6[%dma_wait3A_1104, %dma_wait3A_1105, %dma_wait3A_1106] : memref<2x128x64xf32, #tpu.memory_space<vmem>> -> memref<1x128x64xf32, #tpu.memory_space<vmem>>
    %dma_wait3A_1108 = tpu.memref_squeeze %dma_wait3A_1107 : memref<1x128x64xf32, #tpu.memory_space<vmem>> -> memref<128x64xf32, #tpu.memory_space<vmem>>
    %dma_wait3A_1109 = arith.constant 0 : i32
    %dma_wait3A_1110 = tpu.memref_slice %arg5[%dma_wait3A_1102, %dma_wait3A_1103, %dma_wait3A_1109] : memref<2x26x128xi32, #tpu.memory_space<vmem>> -> memref<1x1x128xi32, #tpu.memory_space<vmem>>
    %dma_wait3A_1111 = tpu.memref_squeeze %dma_wait3A_1110 : memref<1x1x128xi32, #tpu.memory_space<vmem>> -> memref<128xi32, #tpu.memory_space<vmem>>
    %dma_wait3A_1112 = arith.constant 0 : i32
    %dma_wait3A_1113 = arith.constant 0 : i32
    %dma_wait3A_1114 = tpu.memref_slice %arg3[%dma_wait3A_1112, %dma_wait3A_1113] : memref<1000000x64xf32, #tpu.memory_space<hbm>> -> memref<1000000x64xf32, #tpu.memory_space<hbm>>
    tpu.wait_indirect_dma semaphore(%arg8 : memref<!tpu.dma_semaphore, #tpu.memory_space<semaphore_mem>>) src(%dma_wait3A_1114 : memref<1000000x64xf32, #tpu.memory_space<hbm>>) dst(%dma_wait3A_1108 : memref<128x64xf32, #tpu.memory_space<vmem>>)
    %dma_wait3A_1115 = arith.constant 1 : i32
    %dma_wait3A_1116 = arith.constant 0 : i32
    %dma_wait3A_1117 = arith.constant 1 : i32
    %dma_wait3A_1118 = arith.constant 0 : i32
    %dma_wait3A_1119 = arith.constant 0 : i32
    %dma_wait3A_1120 = tpu.memref_slice %arg6[%dma_wait3A_1117, %dma_wait3A_1118, %dma_wait3A_1119] : memref<2x128x64xf32, #tpu.memory_space<vmem>> -> memref<1x128x64xf32, #tpu.memory_space<vmem>>
    %dma_wait3A_1121 = tpu.memref_squeeze %dma_wait3A_1120 : memref<1x128x64xf32, #tpu.memory_space<vmem>> -> memref<128x64xf32, #tpu.memory_space<vmem>>
    %dma_wait3A_1122 = arith.constant 0 : i32
    %dma_wait3A_1123 = tpu.memref_slice %arg5[%dma_wait3A_1115, %dma_wait3A_1116, %dma_wait3A_1122] : memref<2x26x128xi32, #tpu.memory_space<vmem>> -> memref<1x1x128xi32, #tpu.memory_space<vmem>>
    %dma_wait3A_1124 = tpu.memref_squeeze %dma_wait3A_1123 : memref<1x1x128xi32, #tpu.memory_space<vmem>> -> memref<128xi32, #tpu.memory_space<vmem>>
    %dma_wait3A_1125 = arith.constant 0 : i32
    %dma_wait3A_1126 = arith.constant 0 : i32
    %dma_wait3A_1127 = tpu.memref_slice %arg3[%dma_wait3A_1125, %dma_wait3A_1126] : memref<1000000x64xf32, #tpu.memory_space<hbm>> -> memref<1000000x64xf32, #tpu.memory_space<hbm>>
    tpu.wait_indirect_dma semaphore(%arg8 : memref<!tpu.dma_semaphore, #tpu.memory_space<semaphore_mem>>) src(%dma_wait3A_1127 : memref<1000000x64xf32, #tpu.memory_space<hbm>>) dst(%dma_wait3A_1121 : memref<128x64xf32, #tpu.memory_space<vmem>>)
    %dma_wait3A_1128 = arith.constant 1 : i32
    %dma_wait3A_1129 = arith.constant 0 : i32
    %dma_wait3A_1130 = arith.constant 1 : i32
    %dma_wait3A_1131 = arith.constant 0 : i32
    %dma_wait3A_1132 = arith.constant 0 : i32
    %dma_wait3A_1133 = tpu.memref_slice %arg6[%dma_wait3A_1130, %dma_wait3A_1131, %dma_wait3A_1132] : memref<2x128x64xf32, #tpu.memory_space<vmem>> -> memref<1x128x64xf32, #tpu.memory_space<vmem>>
    %dma_wait3A_1134 = tpu.memref_squeeze %dma_wait3A_1133 : memref<1x128x64xf32, #tpu.memory_space<vmem>> -> memref<128x64xf32, #tpu.memory_space<vmem>>
    %dma_wait3A_1135 = arith.constant 0 : i32
    %dma_wait3A_1136 = tpu.memref_slice %arg5[%dma_wait3A_1128, %dma_wait3A_1129, %dma_wait3A_1135] : memref<2x26x128xi32, #tpu.memory_space<vmem>> -> memref<1x1x128xi32, #tpu.memory_space<vmem>>
    %dma_wait3A_1137 = tpu.memref_squeeze %dma_wait3A_1136 : memref<1x1x128xi32, #tpu.memory_space<vmem>> -> memref<128xi32, #tpu.memory_space<vmem>>
    %dma_wait3A_1138 = arith.constant 0 : i32
    %dma_wait3A_1139 = arith.constant 0 : i32
    %dma_wait3A_1140 = tpu.memref_slice %arg3[%dma_wait3A_1138, %dma_wait3A_1139] : memref<1000000x64xf32, #tpu.memory_space<hbm>> -> memref<1000000x64xf32, #tpu.memory_space<hbm>>
    tpu.wait_indirect_dma semaphore(%arg8 : memref<!tpu.dma_semaphore, #tpu.memory_space<semaphore_mem>>) src(%dma_wait3A_1140 : memref<1000000x64xf32, #tpu.memory_space<hbm>>) dst(%dma_wait3A_1134 : memref<128x64xf32, #tpu.memory_space<vmem>>)
    %dma_wait3A_1141 = arith.constant 1 : i32
    %dma_wait3A_1142 = arith.constant 0 : i32
    %dma_wait3A_1143 = arith.constant 1 : i32
    %dma_wait3A_1144 = arith.constant 0 : i32
    %dma_wait3A_1145 = arith.constant 0 : i32
    %dma_wait3A_1146 = tpu.memref_slice %arg6[%dma_wait3A_1143, %dma_wait3A_1144, %dma_wait3A_1145] : memref<2x128x64xf32, #tpu.memory_space<vmem>> -> memref<1x128x64xf32, #tpu.memory_space<vmem>>
    %dma_wait3A_1147 = tpu.memref_squeeze %dma_wait3A_1146 : memref<1x128x64xf32, #tpu.memory_space<vmem>> -> memref<128x64xf32, #tpu.memory_space<vmem>>
    %dma_wait3A_1148 = arith.constant 0 : i32
    %dma_wait3A_1149 = tpu.memref_slice %arg5[%dma_wait3A_1141, %dma_wait3A_1142, %dma_wait3A_1148] : memref<2x26x128xi32, #tpu.memory_space<vmem>> -> memref<1x1x128xi32, #tpu.memory_space<vmem>>
    %dma_wait3A_1150 = tpu.memref_squeeze %dma_wait3A_1149 : memref<1x1x128xi32, #tpu.memory_space<vmem>> -> memref<128xi32, #tpu.memory_space<vmem>>
    %dma_wait3A_1151 = arith.constant 0 : i32
    %dma_wait3A_1152 = arith.constant 0 : i32
    %dma_wait3A_1153 = tpu.memref_slice %arg3[%dma_wait3A_1151, %dma_wait3A_1152] : memref<1000000x64xf32, #tpu.memory_space<hbm>> -> memref<1000000x64xf32, #tpu.memory_space<hbm>>
    tpu.wait_indirect_dma semaphore(%arg8 : memref<!tpu.dma_semaphore, #tpu.memory_space<semaphore_mem>>) src(%dma_wait3A_1153 : memref<1000000x64xf32, #tpu.memory_space<hbm>>) dst(%dma_wait3A_1147 : memref<128x64xf32, #tpu.memory_space<vmem>>)
    %dma_wait3A_1154 = arith.constant 1 : i32
    %dma_wait3A_1155 = arith.constant 0 : i32
    %dma_wait3A_1156 = arith.constant 1 : i32
    %dma_wait3A_1157 = arith.constant 0 : i32
    %dma_wait3A_1158 = arith.constant 0 : i32
    %dma_wait3A_1159 = tpu.memref_slice %arg6[%dma_wait3A_1156, %dma_wait3A_1157, %dma_wait3A_1158] : memref<2x128x64xf32, #tpu.memory_space<vmem>> -> memref<1x128x64xf32, #tpu.memory_space<vmem>>
    %dma_wait3A_1160 = tpu.memref_squeeze %dma_wait3A_1159 : memref<1x128x64xf32, #tpu.memory_space<vmem>> -> memref<128x64xf32, #tpu.memory_space<vmem>>
    %dma_wait3A_1161 = arith.constant 0 : i32
    %dma_wait3A_1162 = tpu.memref_slice %arg5[%dma_wait3A_1154, %dma_wait3A_1155, %dma_wait3A_1161] : memref<2x26x128xi32, #tpu.memory_space<vmem>> -> memref<1x1x128xi32, #tpu.memory_space<vmem>>
    %dma_wait3A_1163 = tpu.memref_squeeze %dma_wait3A_1162 : memref<1x1x128xi32, #tpu.memory_space<vmem>> -> memref<128xi32, #tpu.memory_space<vmem>>
    %dma_wait3A_1164 = arith.constant 0 : i32
    %dma_wait3A_1165 = arith.constant 0 : i32
    %dma_wait3A_1166 = tpu.memref_slice %arg3[%dma_wait3A_1164, %dma_wait3A_1165] : memref<1000000x64xf32, #tpu.memory_space<hbm>> -> memref<1000000x64xf32, #tpu.memory_space<hbm>>
    tpu.wait_indirect_dma semaphore(%arg8 : memref<!tpu.dma_semaphore, #tpu.memory_space<semaphore_mem>>) src(%dma_wait3A_1166 : memref<1000000x64xf32, #tpu.memory_space<hbm>>) dst(%dma_wait3A_1160 : memref<128x64xf32, #tpu.memory_space<vmem>>)
    %dma_wait3A_1167 = arith.constant 1 : i32
    %dma_wait3A_1168 = arith.constant 0 : i32
    %dma_wait3A_1169 = arith.constant 1 : i32
    %dma_wait3A_1170 = arith.constant 0 : i32
    %dma_wait3A_1171 = arith.constant 0 : i32
    %dma_wait3A_1172 = tpu.memref_slice %arg6[%dma_wait3A_1169, %dma_wait3A_1170, %dma_wait3A_1171] : memref<2x128x64xf32, #tpu.memory_space<vmem>> -> memref<1x128x64xf32, #tpu.memory_space<vmem>>
    %dma_wait3A_1173 = tpu.memref_squeeze %dma_wait3A_1172 : memref<1x128x64xf32, #tpu.memory_space<vmem>> -> memref<128x64xf32, #tpu.memory_space<vmem>>
    %dma_wait3A_1174 = arith.constant 0 : i32
    %dma_wait3A_1175 = tpu.memref_slice %arg5[%dma_wait3A_1167, %dma_wait3A_1168, %dma_wait3A_1174] : memref<2x26x128xi32, #tpu.memory_space<vmem>> -> memref<1x1x128xi32, #tpu.memory_space<vmem>>
    %dma_wait3A_1176 = tpu.memref_squeeze %dma_wait3A_1175 : memref<1x1x128xi32, #tpu.memory_space<vmem>> -> memref<128xi32, #tpu.memory_space<vmem>>
    %dma_wait3A_1177 = arith.constant 0 : i32
    %dma_wait3A_1178 = arith.constant 0 : i32
    %dma_wait3A_1179 = tpu.memref_slice %arg3[%dma_wait3A_1177, %dma_wait3A_1178] : memref<1000000x64xf32, #tpu.memory_space<hbm>> -> memref<1000000x64xf32, #tpu.memory_space<hbm>>
    tpu.wait_indirect_dma semaphore(%arg8 : memref<!tpu.dma_semaphore, #tpu.memory_space<semaphore_mem>>) src(%dma_wait3A_1179 : memref<1000000x64xf32, #tpu.memory_space<hbm>>) dst(%dma_wait3A_1173 : memref<128x64xf32, #tpu.memory_space<vmem>>)
    %dma_wait3A_1180 = arith.constant 1 : i32
    %dma_wait3A_1181 = arith.constant 0 : i32
    %dma_wait3A_1182 = arith.constant 1 : i32
    %dma_wait3A_1183 = arith.constant 0 : i32
    %dma_wait3A_1184 = arith.constant 0 : i32
    %dma_wait3A_1185 = tpu.memref_slice %arg6[%dma_wait3A_1182, %dma_wait3A_1183, %dma_wait3A_1184] : memref<2x128x64xf32, #tpu.memory_space<vmem>> -> memref<1x128x64xf32, #tpu.memory_space<vmem>>
    %dma_wait3A_1186 = tpu.memref_squeeze %dma_wait3A_1185 : memref<1x128x64xf32, #tpu.memory_space<vmem>> -> memref<128x64xf32, #tpu.memory_space<vmem>>
    %dma_wait3A_1187 = arith.constant 0 : i32
    %dma_wait3A_1188 = tpu.memref_slice %arg5[%dma_wait3A_1180, %dma_wait3A_1181, %dma_wait3A_1187] : memref<2x26x128xi32, #tpu.memory_space<vmem>> -> memref<1x1x128xi32, #tpu.memory_space<vmem>>
    %dma_wait3A_1189 = tpu.memref_squeeze %dma_wait3A_1188 : memref<1x1x128xi32, #tpu.memory_space<vmem>> -> memref<128xi32, #tpu.memory_space<vmem>>
    %dma_wait3A_1190 = arith.constant 0 : i32
    %dma_wait3A_1191 = arith.constant 0 : i32
    %dma_wait3A_1192 = tpu.memref_slice %arg3[%dma_wait3A_1190, %dma_wait3A_1191] : memref<1000000x64xf32, #tpu.memory_space<hbm>> -> memref<1000000x64xf32, #tpu.memory_space<hbm>>
    tpu.wait_indirect_dma semaphore(%arg8 : memref<!tpu.dma_semaphore, #tpu.memory_space<semaphore_mem>>) src(%dma_wait3A_1192 : memref<1000000x64xf32, #tpu.memory_space<hbm>>) dst(%dma_wait3A_1186 : memref<128x64xf32, #tpu.memory_space<vmem>>)
    %dma_wait3A_1193 = arith.constant 1 : i32
    %dma_wait3A_1194 = arith.constant 0 : i32
    %dma_wait3A_1195 = arith.constant 1 : i32
    %dma_wait3A_1196 = arith.constant 0 : i32
    %dma_wait3A_1197 = arith.constant 0 : i32
    %dma_wait3A_1198 = tpu.memref_slice %arg6[%dma_wait3A_1195, %dma_wait3A_1196, %dma_wait3A_1197] : memref<2x128x64xf32, #tpu.memory_space<vmem>> -> memref<1x128x64xf32, #tpu.memory_space<vmem>>
    %dma_wait3A_1199 = tpu.memref_squeeze %dma_wait3A_1198 : memref<1x128x64xf32, #tpu.memory_space<vmem>> -> memref<128x64xf32, #tpu.memory_space<vmem>>
    %dma_wait3A_1200 = arith.constant 0 : i32
    %dma_wait3A_1201 = tpu.memref_slice %arg5[%dma_wait3A_1193, %dma_wait3A_1194, %dma_wait3A_1200] : memref<2x26x128xi32, #tpu.memory_space<vmem>> -> memref<1x1x128xi32, #tpu.memory_space<vmem>>
    %dma_wait3A_1202 = tpu.memref_squeeze %dma_wait3A_1201 : memref<1x1x128xi32, #tpu.memory_space<vmem>> -> memref<128xi32, #tpu.memory_space<vmem>>
    %dma_wait3A_1203 = arith.constant 0 : i32
    %dma_wait3A_1204 = arith.constant 0 : i32
    %dma_wait3A_1205 = tpu.memref_slice %arg3[%dma_wait3A_1203, %dma_wait3A_1204] : memref<1000000x64xf32, #tpu.memory_space<hbm>> -> memref<1000000x64xf32, #tpu.memory_space<hbm>>
    tpu.wait_indirect_dma semaphore(%arg8 : memref<!tpu.dma_semaphore, #tpu.memory_space<semaphore_mem>>) src(%dma_wait3A_1205 : memref<1000000x64xf32, #tpu.memory_space<hbm>>) dst(%dma_wait3A_1199 : memref<128x64xf32, #tpu.memory_space<vmem>>)
    %dma_wait3A_1206 = arith.constant 1 : i32
    %dma_wait3A_1207 = arith.constant 0 : i32
    %dma_wait3A_1208 = arith.constant 1 : i32
    %dma_wait3A_1209 = arith.constant 0 : i32
    %dma_wait3A_1210 = arith.constant 0 : i32
    %dma_wait3A_1211 = tpu.memref_slice %arg6[%dma_wait3A_1208, %dma_wait3A_1209, %dma_wait3A_1210] : memref<2x128x64xf32, #tpu.memory_space<vmem>> -> memref<1x128x64xf32, #tpu.memory_space<vmem>>
    %dma_wait3A_1212 = tpu.memref_squeeze %dma_wait3A_1211 : memref<1x128x64xf32, #tpu.memory_space<vmem>> -> memref<128x64xf32, #tpu.memory_space<vmem>>
    %dma_wait3A_1213 = arith.constant 0 : i32
    %dma_wait3A_1214 = tpu.memref_slice %arg5[%dma_wait3A_1206, %dma_wait3A_1207, %dma_wait3A_1213] : memref<2x26x128xi32, #tpu.memory_space<vmem>> -> memref<1x1x128xi32, #tpu.memory_space<vmem>>
    %dma_wait3A_1215 = tpu.memref_squeeze %dma_wait3A_1214 : memref<1x1x128xi32, #tpu.memory_space<vmem>> -> memref<128xi32, #tpu.memory_space<vmem>>
    %dma_wait3A_1216 = arith.constant 0 : i32
    %dma_wait3A_1217 = arith.constant 0 : i32
    %dma_wait3A_1218 = tpu.memref_slice %arg3[%dma_wait3A_1216, %dma_wait3A_1217] : memref<1000000x64xf32, #tpu.memory_space<hbm>> -> memref<1000000x64xf32, #tpu.memory_space<hbm>>
    tpu.wait_indirect_dma semaphore(%arg8 : memref<!tpu.dma_semaphore, #tpu.memory_space<semaphore_mem>>) src(%dma_wait3A_1218 : memref<1000000x64xf32, #tpu.memory_space<hbm>>) dst(%dma_wait3A_1212 : memref<128x64xf32, #tpu.memory_space<vmem>>)
    %dma_wait3A_1219 = arith.constant 1 : i32
    %dma_wait3A_1220 = arith.constant 0 : i32
    %dma_wait3A_1221 = arith.constant 1 : i32
    %dma_wait3A_1222 = arith.constant 0 : i32
    %dma_wait3A_1223 = arith.constant 0 : i32
    %dma_wait3A_1224 = tpu.memref_slice %arg6[%dma_wait3A_1221, %dma_wait3A_1222, %dma_wait3A_1223] : memref<2x128x64xf32, #tpu.memory_space<vmem>> -> memref<1x128x64xf32, #tpu.memory_space<vmem>>
    %dma_wait3A_1225 = tpu.memref_squeeze %dma_wait3A_1224 : memref<1x128x64xf32, #tpu.memory_space<vmem>> -> memref<128x64xf32, #tpu.memory_space<vmem>>
    %dma_wait3A_1226 = arith.constant 0 : i32
    %dma_wait3A_1227 = tpu.memref_slice %arg5[%dma_wait3A_1219, %dma_wait3A_1220, %dma_wait3A_1226] : memref<2x26x128xi32, #tpu.memory_space<vmem>> -> memref<1x1x128xi32, #tpu.memory_space<vmem>>
    %dma_wait3A_1228 = tpu.memref_squeeze %dma_wait3A_1227 : memref<1x1x128xi32, #tpu.memory_space<vmem>> -> memref<128xi32, #tpu.memory_space<vmem>>
    %dma_wait3A_1229 = arith.constant 0 : i32
    %dma_wait3A_1230 = arith.constant 0 : i32
    %dma_wait3A_1231 = tpu.memref_slice %arg3[%dma_wait3A_1229, %dma_wait3A_1230] : memref<1000000x64xf32, #tpu.memory_space<hbm>> -> memref<1000000x64xf32, #tpu.memory_space<hbm>>
    tpu.wait_indirect_dma semaphore(%arg8 : memref<!tpu.dma_semaphore, #tpu.memory_space<semaphore_mem>>) src(%dma_wait3A_1231 : memref<1000000x64xf32, #tpu.memory_space<hbm>>) dst(%dma_wait3A_1225 : memref<128x64xf32, #tpu.memory_space<vmem>>)
    %dma_wait3A_1232 = arith.constant 1 : i32
    %dma_wait3A_1233 = arith.constant 0 : i32
    %dma_wait3A_1234 = arith.constant 1 : i32
    %dma_wait3A_1235 = arith.constant 0 : i32
    %dma_wait3A_1236 = arith.constant 0 : i32
    %dma_wait3A_1237 = tpu.memref_slice %arg6[%dma_wait3A_1234, %dma_wait3A_1235, %dma_wait3A_1236] : memref<2x128x64xf32, #tpu.memory_space<vmem>> -> memref<1x128x64xf32, #tpu.memory_space<vmem>>
    %dma_wait3A_1238 = tpu.memref_squeeze %dma_wait3A_1237 : memref<1x128x64xf32, #tpu.memory_space<vmem>> -> memref<128x64xf32, #tpu.memory_space<vmem>>
    %dma_wait3A_1239 = arith.constant 0 : i32
    %dma_wait3A_1240 = tpu.memref_slice %arg5[%dma_wait3A_1232, %dma_wait3A_1233, %dma_wait3A_1239] : memref<2x26x128xi32, #tpu.memory_space<vmem>> -> memref<1x1x128xi32, #tpu.memory_space<vmem>>
    %dma_wait3A_1241 = tpu.memref_squeeze %dma_wait3A_1240 : memref<1x1x128xi32, #tpu.memory_space<vmem>> -> memref<128xi32, #tpu.memory_space<vmem>>
    %dma_wait3A_1242 = arith.constant 0 : i32
    %dma_wait3A_1243 = arith.constant 0 : i32
    %dma_wait3A_1244 = tpu.memref_slice %arg3[%dma_wait3A_1242, %dma_wait3A_1243] : memref<1000000x64xf32, #tpu.memory_space<hbm>> -> memref<1000000x64xf32, #tpu.memory_space<hbm>>
    tpu.wait_indirect_dma semaphore(%arg8 : memref<!tpu.dma_semaphore, #tpu.memory_space<semaphore_mem>>) src(%dma_wait3A_1244 : memref<1000000x64xf32, #tpu.memory_space<hbm>>) dst(%dma_wait3A_1238 : memref<128x64xf32, #tpu.memory_space<vmem>>)
    %dma_wait3A_1245 = arith.constant 1 : i32
    %dma_wait3A_1246 = arith.constant 0 : i32
    %dma_wait3A_1247 = arith.constant 1 : i32
    %dma_wait3A_1248 = arith.constant 0 : i32
    %dma_wait3A_1249 = arith.constant 0 : i32
    %dma_wait3A_1250 = tpu.memref_slice %arg6[%dma_wait3A_1247, %dma_wait3A_1248, %dma_wait3A_1249] : memref<2x128x64xf32, #tpu.memory_space<vmem>> -> memref<1x128x64xf32, #tpu.memory_space<vmem>>
    %dma_wait3A_1251 = tpu.memref_squeeze %dma_wait3A_1250 : memref<1x128x64xf32, #tpu.memory_space<vmem>> -> memref<128x64xf32, #tpu.memory_space<vmem>>
    %dma_wait3A_1252 = arith.constant 0 : i32
    %dma_wait3A_1253 = tpu.memref_slice %arg5[%dma_wait3A_1245, %dma_wait3A_1246, %dma_wait3A_1252] : memref<2x26x128xi32, #tpu.memory_space<vmem>> -> memref<1x1x128xi32, #tpu.memory_space<vmem>>
    %dma_wait3A_1254 = tpu.memref_squeeze %dma_wait3A_1253 : memref<1x1x128xi32, #tpu.memory_space<vmem>> -> memref<128xi32, #tpu.memory_space<vmem>>
    %dma_wait3A_1255 = arith.constant 0 : i32
    %dma_wait3A_1256 = arith.constant 0 : i32
    %dma_wait3A_1257 = tpu.memref_slice %arg3[%dma_wait3A_1255, %dma_wait3A_1256] : memref<1000000x64xf32, #tpu.memory_space<hbm>> -> memref<1000000x64xf32, #tpu.memory_space<hbm>>
    tpu.wait_indirect_dma semaphore(%arg8 : memref<!tpu.dma_semaphore, #tpu.memory_space<semaphore_mem>>) src(%dma_wait3A_1257 : memref<1000000x64xf32, #tpu.memory_space<hbm>>) dst(%dma_wait3A_1251 : memref<128x64xf32, #tpu.memory_space<vmem>>)
    %dma_wait3A_1258 = arith.constant 1 : i32
    %dma_wait3A_1259 = arith.constant 0 : i32
    %dma_wait3A_1260 = arith.constant 1 : i32
    %dma_wait3A_1261 = arith.constant 0 : i32
    %dma_wait3A_1262 = arith.constant 0 : i32
    %dma_wait3A_1263 = tpu.memref_slice %arg6[%dma_wait3A_1260, %dma_wait3A_1261, %dma_wait3A_1262] : memref<2x128x64xf32, #tpu.memory_space<vmem>> -> memref<1x128x64xf32, #tpu.memory_space<vmem>>
    %dma_wait3A_1264 = tpu.memref_squeeze %dma_wait3A_1263 : memref<1x128x64xf32, #tpu.memory_space<vmem>> -> memref<128x64xf32, #tpu.memory_space<vmem>>
    %dma_wait3A_1265 = arith.constant 0 : i32
    %dma_wait3A_1266 = tpu.memref_slice %arg5[%dma_wait3A_1258, %dma_wait3A_1259, %dma_wait3A_1265] : memref<2x26x128xi32, #tpu.memory_space<vmem>> -> memref<1x1x128xi32, #tpu.memory_space<vmem>>
    %dma_wait3A_1267 = tpu.memref_squeeze %dma_wait3A_1266 : memref<1x1x128xi32, #tpu.memory_space<vmem>> -> memref<128xi32, #tpu.memory_space<vmem>>
    %dma_wait3A_1268 = arith.constant 0 : i32
    %dma_wait3A_1269 = arith.constant 0 : i32
    %dma_wait3A_1270 = tpu.memref_slice %arg3[%dma_wait3A_1268, %dma_wait3A_1269] : memref<1000000x64xf32, #tpu.memory_space<hbm>> -> memref<1000000x64xf32, #tpu.memory_space<hbm>>
    tpu.wait_indirect_dma semaphore(%arg8 : memref<!tpu.dma_semaphore, #tpu.memory_space<semaphore_mem>>) src(%dma_wait3A_1270 : memref<1000000x64xf32, #tpu.memory_space<hbm>>) dst(%dma_wait3A_1264 : memref<128x64xf32, #tpu.memory_space<vmem>>)
    %dma_wait3A_1271 = arith.constant 1 : i32
    %dma_wait3A_1272 = arith.constant 0 : i32
    %dma_wait3A_1273 = arith.constant 1 : i32
    %dma_wait3A_1274 = arith.constant 0 : i32
    %dma_wait3A_1275 = arith.constant 0 : i32
    %dma_wait3A_1276 = tpu.memref_slice %arg6[%dma_wait3A_1273, %dma_wait3A_1274, %dma_wait3A_1275] : memref<2x128x64xf32, #tpu.memory_space<vmem>> -> memref<1x128x64xf32, #tpu.memory_space<vmem>>
    %dma_wait3A_1277 = tpu.memref_squeeze %dma_wait3A_1276 : memref<1x128x64xf32, #tpu.memory_space<vmem>> -> memref<128x64xf32, #tpu.memory_space<vmem>>
    %dma_wait3A_1278 = arith.constant 0 : i32
    %dma_wait3A_1279 = tpu.memref_slice %arg5[%dma_wait3A_1271, %dma_wait3A_1272, %dma_wait3A_1278] : memref<2x26x128xi32, #tpu.memory_space<vmem>> -> memref<1x1x128xi32, #tpu.memory_space<vmem>>
    %dma_wait3A_1280 = tpu.memref_squeeze %dma_wait3A_1279 : memref<1x1x128xi32, #tpu.memory_space<vmem>> -> memref<128xi32, #tpu.memory_space<vmem>>
    %dma_wait3A_1281 = arith.constant 0 : i32
    %dma_wait3A_1282 = arith.constant 0 : i32
    %dma_wait3A_1283 = tpu.memref_slice %arg3[%dma_wait3A_1281, %dma_wait3A_1282] : memref<1000000x64xf32, #tpu.memory_space<hbm>> -> memref<1000000x64xf32, #tpu.memory_space<hbm>>
    tpu.wait_indirect_dma semaphore(%arg8 : memref<!tpu.dma_semaphore, #tpu.memory_space<semaphore_mem>>) src(%dma_wait3A_1283 : memref<1000000x64xf32, #tpu.memory_space<hbm>>) dst(%dma_wait3A_1277 : memref<128x64xf32, #tpu.memory_space<vmem>>)
    %dma_wait3A_1284 = arith.constant 1 : i32
    %dma_wait3A_1285 = arith.constant 0 : i32
    %dma_wait3A_1286 = arith.constant 1 : i32
    %dma_wait3A_1287 = arith.constant 0 : i32
    %dma_wait3A_1288 = arith.constant 0 : i32
    %dma_wait3A_1289 = tpu.memref_slice %arg6[%dma_wait3A_1286, %dma_wait3A_1287, %dma_wait3A_1288] : memref<2x128x64xf32, #tpu.memory_space<vmem>> -> memref<1x128x64xf32, #tpu.memory_space<vmem>>
    %dma_wait3A_1290 = tpu.memref_squeeze %dma_wait3A_1289 : memref<1x128x64xf32, #tpu.memory_space<vmem>> -> memref<128x64xf32, #tpu.memory_space<vmem>>
    %dma_wait3A_1291 = arith.constant 0 : i32
    %dma_wait3A_1292 = tpu.memref_slice %arg5[%dma_wait3A_1284, %dma_wait3A_1285, %dma_wait3A_1291] : memref<2x26x128xi32, #tpu.memory_space<vmem>> -> memref<1x1x128xi32, #tpu.memory_space<vmem>>
    %dma_wait3A_1293 = tpu.memref_squeeze %dma_wait3A_1292 : memref<1x1x128xi32, #tpu.memory_space<vmem>> -> memref<128xi32, #tpu.memory_space<vmem>>
    %dma_wait3A_1294 = arith.constant 0 : i32
    %dma_wait3A_1295 = arith.constant 0 : i32
    %dma_wait3A_1296 = tpu.memref_slice %arg3[%dma_wait3A_1294, %dma_wait3A_1295] : memref<1000000x64xf32, #tpu.memory_space<hbm>> -> memref<1000000x64xf32, #tpu.memory_space<hbm>>
    tpu.wait_indirect_dma semaphore(%arg8 : memref<!tpu.dma_semaphore, #tpu.memory_space<semaphore_mem>>) src(%dma_wait3A_1296 : memref<1000000x64xf32, #tpu.memory_space<hbm>>) dst(%dma_wait3A_1290 : memref<128x64xf32, #tpu.memory_space<vmem>>)
    %dma_wait3A_1297 = arith.constant 1 : i32
    %dma_wait3A_1298 = arith.constant 0 : i32
    %dma_wait3A_1299 = arith.constant 1 : i32
    %dma_wait3A_1300 = arith.constant 0 : i32
    %dma_wait3A_1301 = arith.constant 0 : i32
    %dma_wait3A_1302 = tpu.memref_slice %arg6[%dma_wait3A_1299, %dma_wait3A_1300, %dma_wait3A_1301] : memref<2x128x64xf32, #tpu.memory_space<vmem>> -> memref<1x128x64xf32, #tpu.memory_space<vmem>>
    %dma_wait3A_1303 = tpu.memref_squeeze %dma_wait3A_1302 : memref<1x128x64xf32, #tpu.memory_space<vmem>> -> memref<128x64xf32, #tpu.memory_space<vmem>>
    %dma_wait3A_1304 = arith.constant 0 : i32
    %dma_wait3A_1305 = tpu.memref_slice %arg5[%dma_wait3A_1297, %dma_wait3A_1298, %dma_wait3A_1304] : memref<2x26x128xi32, #tpu.memory_space<vmem>> -> memref<1x1x128xi32, #tpu.memory_space<vmem>>
    %dma_wait3A_1306 = tpu.memref_squeeze %dma_wait3A_1305 : memref<1x1x128xi32, #tpu.memory_space<vmem>> -> memref<128xi32, #tpu.memory_space<vmem>>
    %dma_wait3A_1307 = arith.constant 0 : i32
    %dma_wait3A_1308 = arith.constant 0 : i32
    %dma_wait3A_1309 = tpu.memref_slice %arg3[%dma_wait3A_1307, %dma_wait3A_1308] : memref<1000000x64xf32, #tpu.memory_space<hbm>> -> memref<1000000x64xf32, #tpu.memory_space<hbm>>
    tpu.wait_indirect_dma semaphore(%arg8 : memref<!tpu.dma_semaphore, #tpu.memory_space<semaphore_mem>>) src(%dma_wait3A_1309 : memref<1000000x64xf32, #tpu.memory_space<hbm>>) dst(%dma_wait3A_1303 : memref<128x64xf32, #tpu.memory_space<vmem>>)
    %dma_wait3A_1310 = arith.constant 1 : i32
    %dma_wait3A_1311 = arith.constant 0 : i32
    %dma_wait3A_1312 = arith.constant 1 : i32
    %dma_wait3A_1313 = arith.constant 0 : i32
    %dma_wait3A_1314 = arith.constant 0 : i32
    %dma_wait3A_1315 = tpu.memref_slice %arg6[%dma_wait3A_1312, %dma_wait3A_1313, %dma_wait3A_1314] : memref<2x128x64xf32, #tpu.memory_space<vmem>> -> memref<1x128x64xf32, #tpu.memory_space<vmem>>
    %dma_wait3A_1316 = tpu.memref_squeeze %dma_wait3A_1315 : memref<1x128x64xf32, #tpu.memory_space<vmem>> -> memref<128x64xf32, #tpu.memory_space<vmem>>
    %dma_wait3A_1317 = arith.constant 0 : i32
    %dma_wait3A_1318 = tpu.memref_slice %arg5[%dma_wait3A_1310, %dma_wait3A_1311, %dma_wait3A_1317] : memref<2x26x128xi32, #tpu.memory_space<vmem>> -> memref<1x1x128xi32, #tpu.memory_space<vmem>>
    %dma_wait3A_1319 = tpu.memref_squeeze %dma_wait3A_1318 : memref<1x1x128xi32, #tpu.memory_space<vmem>> -> memref<128xi32, #tpu.memory_space<vmem>>
    %dma_wait3A_1320 = arith.constant 0 : i32
    %dma_wait3A_1321 = arith.constant 0 : i32
    %dma_wait3A_1322 = tpu.memref_slice %arg3[%dma_wait3A_1320, %dma_wait3A_1321] : memref<1000000x64xf32, #tpu.memory_space<hbm>> -> memref<1000000x64xf32, #tpu.memory_space<hbm>>
    tpu.wait_indirect_dma semaphore(%arg8 : memref<!tpu.dma_semaphore, #tpu.memory_space<semaphore_mem>>) src(%dma_wait3A_1322 : memref<1000000x64xf32, #tpu.memory_space<hbm>>) dst(%dma_wait3A_1316 : memref<128x64xf32, #tpu.memory_space<vmem>>)
    %dma_wait3A_1323 = arith.constant 1 : i32
    %dma_wait3A_1324 = arith.constant 0 : i32
    %dma_wait3A_1325 = arith.constant 1 : i32
    %dma_wait3A_1326 = arith.constant 0 : i32
    %dma_wait3A_1327 = arith.constant 0 : i32
    %dma_wait3A_1328 = tpu.memref_slice %arg6[%dma_wait3A_1325, %dma_wait3A_1326, %dma_wait3A_1327] : memref<2x128x64xf32, #tpu.memory_space<vmem>> -> memref<1x128x64xf32, #tpu.memory_space<vmem>>
    %dma_wait3A_1329 = tpu.memref_squeeze %dma_wait3A_1328 : memref<1x128x64xf32, #tpu.memory_space<vmem>> -> memref<128x64xf32, #tpu.memory_space<vmem>>
    %dma_wait3A_1330 = arith.constant 0 : i32
    %dma_wait3A_1331 = tpu.memref_slice %arg5[%dma_wait3A_1323, %dma_wait3A_1324, %dma_wait3A_1330] : memref<2x26x128xi32, #tpu.memory_space<vmem>> -> memref<1x1x128xi32, #tpu.memory_space<vmem>>
    %dma_wait3A_1332 = tpu.memref_squeeze %dma_wait3A_1331 : memref<1x1x128xi32, #tpu.memory_space<vmem>> -> memref<128xi32, #tpu.memory_space<vmem>>
    %dma_wait3A_1333 = arith.constant 0 : i32
    %dma_wait3A_1334 = arith.constant 0 : i32
    %dma_wait3A_1335 = tpu.memref_slice %arg3[%dma_wait3A_1333, %dma_wait3A_1334] : memref<1000000x64xf32, #tpu.memory_space<hbm>> -> memref<1000000x64xf32, #tpu.memory_space<hbm>>
    tpu.wait_indirect_dma semaphore(%arg8 : memref<!tpu.dma_semaphore, #tpu.memory_space<semaphore_mem>>) src(%dma_wait3A_1335 : memref<1000000x64xf32, #tpu.memory_space<hbm>>) dst(%dma_wait3A_1329 : memref<128x64xf32, #tpu.memory_space<vmem>>)
    %dma_wait3A_1336 = arith.constant 1 : i32
    %dma_wait3A_1337 = arith.constant 0 : i32
    %dma_wait3A_1338 = arith.constant 1 : i32
    %dma_wait3A_1339 = arith.constant 0 : i32
    %dma_wait3A_1340 = arith.constant 0 : i32
    %dma_wait3A_1341 = tpu.memref_slice %arg6[%dma_wait3A_1338, %dma_wait3A_1339, %dma_wait3A_1340] : memref<2x128x64xf32, #tpu.memory_space<vmem>> -> memref<1x128x64xf32, #tpu.memory_space<vmem>>
    %dma_wait3A_1342 = tpu.memref_squeeze %dma_wait3A_1341 : memref<1x128x64xf32, #tpu.memory_space<vmem>> -> memref<128x64xf32, #tpu.memory_space<vmem>>
    %dma_wait3A_1343 = arith.constant 0 : i32
    %dma_wait3A_1344 = tpu.memref_slice %arg5[%dma_wait3A_1336, %dma_wait3A_1337, %dma_wait3A_1343] : memref<2x26x128xi32, #tpu.memory_space<vmem>> -> memref<1x1x128xi32, #tpu.memory_space<vmem>>
    %dma_wait3A_1345 = tpu.memref_squeeze %dma_wait3A_1344 : memref<1x1x128xi32, #tpu.memory_space<vmem>> -> memref<128xi32, #tpu.memory_space<vmem>>
    %dma_wait3A_1346 = arith.constant 0 : i32
    %dma_wait3A_1347 = arith.constant 0 : i32
    %dma_wait3A_1348 = tpu.memref_slice %arg3[%dma_wait3A_1346, %dma_wait3A_1347] : memref<1000000x64xf32, #tpu.memory_space<hbm>> -> memref<1000000x64xf32, #tpu.memory_space<hbm>>
    tpu.wait_indirect_dma semaphore(%arg8 : memref<!tpu.dma_semaphore, #tpu.memory_space<semaphore_mem>>) src(%dma_wait3A_1348 : memref<1000000x64xf32, #tpu.memory_space<hbm>>) dst(%dma_wait3A_1342 : memref<128x64xf32, #tpu.memory_space<vmem>>)
    %dma_wait3A_1349 = arith.constant 1 : i32
    %dma_wait3A_1350 = arith.constant 0 : i32
    %dma_wait3A_1351 = arith.constant 1 : i32
    %dma_wait3A_1352 = arith.constant 0 : i32
    %dma_wait3A_1353 = arith.constant 0 : i32
    %dma_wait3A_1354 = tpu.memref_slice %arg6[%dma_wait3A_1351, %dma_wait3A_1352, %dma_wait3A_1353] : memref<2x128x64xf32, #tpu.memory_space<vmem>> -> memref<1x128x64xf32, #tpu.memory_space<vmem>>
    %dma_wait3A_1355 = tpu.memref_squeeze %dma_wait3A_1354 : memref<1x128x64xf32, #tpu.memory_space<vmem>> -> memref<128x64xf32, #tpu.memory_space<vmem>>
    %dma_wait3A_1356 = arith.constant 0 : i32
    %dma_wait3A_1357 = tpu.memref_slice %arg5[%dma_wait3A_1349, %dma_wait3A_1350, %dma_wait3A_1356] : memref<2x26x128xi32, #tpu.memory_space<vmem>> -> memref<1x1x128xi32, #tpu.memory_space<vmem>>
    %dma_wait3A_1358 = tpu.memref_squeeze %dma_wait3A_1357 : memref<1x1x128xi32, #tpu.memory_space<vmem>> -> memref<128xi32, #tpu.memory_space<vmem>>
    %dma_wait3A_1359 = arith.constant 0 : i32
    %dma_wait3A_1360 = arith.constant 0 : i32
    %dma_wait3A_1361 = tpu.memref_slice %arg3[%dma_wait3A_1359, %dma_wait3A_1360] : memref<1000000x64xf32, #tpu.memory_space<hbm>> -> memref<1000000x64xf32, #tpu.memory_space<hbm>>
    tpu.wait_indirect_dma semaphore(%arg8 : memref<!tpu.dma_semaphore, #tpu.memory_space<semaphore_mem>>) src(%dma_wait3A_1361 : memref<1000000x64xf32, #tpu.memory_space<hbm>>) dst(%dma_wait3A_1355 : memref<128x64xf32, #tpu.memory_space<vmem>>)
    %dma_wait3A_1362 = arith.constant 1 : i32
    %dma_wait3A_1363 = arith.constant 0 : i32
    %dma_wait3A_1364 = arith.constant 1 : i32
    %dma_wait3A_1365 = arith.constant 0 : i32
    %dma_wait3A_1366 = arith.constant 0 : i32
    %dma_wait3A_1367 = tpu.memref_slice %arg6[%dma_wait3A_1364, %dma_wait3A_1365, %dma_wait3A_1366] : memref<2x128x64xf32, #tpu.memory_space<vmem>> -> memref<1x128x64xf32, #tpu.memory_space<vmem>>
    %dma_wait3A_1368 = tpu.memref_squeeze %dma_wait3A_1367 : memref<1x128x64xf32, #tpu.memory_space<vmem>> -> memref<128x64xf32, #tpu.memory_space<vmem>>
    %dma_wait3A_1369 = arith.constant 0 : i32
    %dma_wait3A_1370 = tpu.memref_slice %arg5[%dma_wait3A_1362, %dma_wait3A_1363, %dma_wait3A_1369] : memref<2x26x128xi32, #tpu.memory_space<vmem>> -> memref<1x1x128xi32, #tpu.memory_space<vmem>>
    %dma_wait3A_1371 = tpu.memref_squeeze %dma_wait3A_1370 : memref<1x1x128xi32, #tpu.memory_space<vmem>> -> memref<128xi32, #tpu.memory_space<vmem>>
    %dma_wait3A_1372 = arith.constant 0 : i32
    %dma_wait3A_1373 = arith.constant 0 : i32
    %dma_wait3A_1374 = tpu.memref_slice %arg3[%dma_wait3A_1372, %dma_wait3A_1373] : memref<1000000x64xf32, #tpu.memory_space<hbm>> -> memref<1000000x64xf32, #tpu.memory_space<hbm>>
    tpu.wait_indirect_dma semaphore(%arg8 : memref<!tpu.dma_semaphore, #tpu.memory_space<semaphore_mem>>) src(%dma_wait3A_1374 : memref<1000000x64xf32, #tpu.memory_space<hbm>>) dst(%dma_wait3A_1368 : memref<128x64xf32, #tpu.memory_space<vmem>>)
    %mul3A_1375 = arith.constant 128 : i32
    %mul3A_1376 = arith.muli %add3A_349, %mul3A_1375 : i32
    %run_scoped3A_1377 = arith.constant 1 : i32
    "tpu.region"() ({
      %run_scoped3A_1383 = tpu.sem_alloc : memref<!tpu.dma_semaphore, #tpu.memory_space<semaphore_mem>>
      %dma_start3A_1384 = arith.constant 0 : i32
      %dma_start3A_1385 = arith.constant 0 : i32
      %dma_start3A_1386 = tpu.memref_slice %arg6[%run_scoped3A_1377, %dma_start3A_1384, %dma_start3A_1385] : memref<2x128x64xf32, #tpu.memory_space<vmem>> -> memref<1x128x64xf32, #tpu.memory_space<vmem>>
      %dma_start3A_1387 = tpu.memref_squeeze %dma_start3A_1386 : memref<1x128x64xf32, #tpu.memory_space<vmem>> -> memref<128x64xf32, #tpu.memory_space<vmem>>
      %dma_start3A_1388 = arith.constant 0 : i32
      %dma_start3A_1389 = tpu.memref_slice %arg4[%mul3A_1376, %dma_start3A_1388] : memref<51200x64xf32, #tpu.memory_space<hbm>> -> memref<128x64xf32, #tpu.memory_space<hbm>>
      %dma_start3A_1390 = arith.constant 0 : i32
      %dma_start3A_1391 = tpu.memref_slice %arg4[%mul3A_1376, %dma_start3A_1390] : memref<51200x64xf32, #tpu.memory_space<hbm>> -> memref<128x64xf32, #tpu.memory_space<hbm>>
      %dma_start3A_1392 = arith.constant 0 : i32
      %dma_start3A_1393 = arith.constant 0 : i32
      %dma_start3A_1394 = tpu.memref_slice %arg6[%run_scoped3A_1377, %dma_start3A_1392, %dma_start3A_1393] : memref<2x128x64xf32, #tpu.memory_space<vmem>> -> memref<1x128x64xf32, #tpu.memory_space<vmem>>
      %dma_start3A_1395 = tpu.memref_squeeze %dma_start3A_1394 : memref<1x128x64xf32, #tpu.memory_space<vmem>> -> memref<128x64xf32, #tpu.memory_space<vmem>>
      tpu.enqueue_dma source(%dma_start3A_1395 : memref<128x64xf32, #tpu.memory_space<vmem>>) target(%dma_start3A_1391 : memref<128x64xf32, #tpu.memory_space<hbm>>) target_semaphore(%run_scoped3A_1383 : memref<!tpu.dma_semaphore, #tpu.memory_space<semaphore_mem>>)
      %dma_wait3A_1396 = arith.constant 0 : i32
      %dma_wait3A_1397 = arith.constant 0 : i32
      %dma_wait3A_1398 = tpu.memref_slice %arg6[%run_scoped3A_1377, %dma_wait3A_1396, %dma_wait3A_1397] : memref<2x128x64xf32, #tpu.memory_space<vmem>> -> memref<1x128x64xf32, #tpu.memory_space<vmem>>
      %dma_wait3A_1399 = tpu.memref_squeeze %dma_wait3A_1398 : memref<1x128x64xf32, #tpu.memory_space<vmem>> -> memref<128x64xf32, #tpu.memory_space<vmem>>
      %dma_wait3A_1400 = arith.constant 0 : i32
      %dma_wait3A_1401 = tpu.memref_slice %arg4[%mul3A_1376, %dma_wait3A_1400] : memref<51200x64xf32, #tpu.memory_space<hbm>> -> memref<128x64xf32, #tpu.memory_space<hbm>>
      %dma_wait3A_1402 = arith.constant 0 : i32
      %dma_wait3A_1403 = tpu.memref_slice %arg4[%mul3A_1376, %dma_wait3A_1402] : memref<51200x64xf32, #tpu.memory_space<hbm>> -> memref<128x64xf32, #tpu.memory_space<hbm>>
      %dma_wait3A_1404 = arith.constant 0 : i32
      %dma_wait3A_1405 = arith.constant 0 : i32
      %dma_wait3A_1406 = tpu.memref_slice %arg6[%run_scoped3A_1377, %dma_wait3A_1404, %dma_wait3A_1405] : memref<2x128x64xf32, #tpu.memory_space<vmem>> -> memref<1x128x64xf32, #tpu.memory_space<vmem>>
      %dma_wait3A_1407 = tpu.memref_squeeze %dma_wait3A_1406 : memref<1x128x64xf32, #tpu.memory_space<vmem>> -> memref<128x64xf32, #tpu.memory_space<vmem>>
      tpu.wait_dma2 semaphore(%run_scoped3A_1383 : memref<!tpu.dma_semaphore, #tpu.memory_space<semaphore_mem>>) src(%dma_wait3A_1407 : memref<128x64xf32, #tpu.memory_space<vmem>>) dst(%dma_wait3A_1403 : memref<128x64xf32, #tpu.memory_space<hbm>>)
      tpu.yield
    }) : () -> ()
    %lt3A_1378 = arith.constant 16 : i32
    %lt3A_1379 = arith.cmpi slt, %add3A, %lt3A_1378 : i32
    %convert_element_type3A_1380 = arith.extui %lt3A_1379 : i1 to i32
    %cond3A_1381 = arith.constant 0 : i32
    %cond3A_1382 = arith.cmpi ne, %convert_element_type3A_1380, %cond3A_1381 : i32
    scf.if %cond3A_1382 {
      %add3A_1383 = arith.constant 384 : i32
      %add3A_1384 = arith.addi %add3A_1383, %add3A : i32
      %dma_wait3A_1385 = arith.constant 0 : i32
      %dma_wait3A_1386 = arith.constant 0 : i32
      %dma_wait3A_1387 = arith.constant 0 : i32
      %dma_wait3A_1388 = arith.constant 0 : i32
      %dma_wait3A_1389 = arith.constant 0 : i32
      %dma_wait3A_1390 = tpu.memref_slice %arg6[%dma_wait3A_1387, %dma_wait3A_1388, %dma_wait3A_1389] : memref<2x128x64xf32, #tpu.memory_space<vmem>> -> memref<1x128x64xf32, #tpu.memory_space<vmem>>
      %dma_wait3A_1391 = tpu.memref_squeeze %dma_wait3A_1390 : memref<1x128x64xf32, #tpu.memory_space<vmem>> -> memref<128x64xf32, #tpu.memory_space<vmem>>
      %dma_wait3A_1392 = arith.constant 0 : i32
      %dma_wait3A_1393 = tpu.memref_slice %arg5[%dma_wait3A_1385, %dma_wait3A_1386, %dma_wait3A_1392] : memref<2x26x128xi32, #tpu.memory_space<vmem>> -> memref<1x1x128xi32, #tpu.memory_space<vmem>>
      %dma_wait3A_1394 = tpu.memref_squeeze %dma_wait3A_1393 : memref<1x1x128xi32, #tpu.memory_space<vmem>> -> memref<128xi32, #tpu.memory_space<vmem>>
      %dma_wait3A_1395 = arith.constant 0 : i32
      %dma_wait3A_1396 = arith.constant 0 : i32
      %dma_wait3A_1397 = tpu.memref_slice %arg3[%dma_wait3A_1395, %dma_wait3A_1396] : memref<1000000x64xf32, #tpu.memory_space<hbm>> -> memref<1000000x64xf32, #tpu.memory_space<hbm>>
      tpu.wait_indirect_dma semaphore(%arg7 : memref<!tpu.dma_semaphore, #tpu.memory_space<semaphore_mem>>) src(%dma_wait3A_1397 : memref<1000000x64xf32, #tpu.memory_space<hbm>>) dst(%dma_wait3A_1391 : memref<128x64xf32, #tpu.memory_space<vmem>>)
      %dma_wait3A_1398 = arith.constant 0 : i32
      %dma_wait3A_1399 = arith.constant 0 : i32
      %dma_wait3A_1400 = arith.constant 0 : i32
      %dma_wait3A_1401 = arith.constant 0 : i32
      %dma_wait3A_1402 = arith.constant 0 : i32
      %dma_wait3A_1403 = tpu.memref_slice %arg6[%dma_wait3A_1400, %dma_wait3A_1401, %dma_wait3A_1402] : memref<2x128x64xf32, #tpu.memory_space<vmem>> -> memref<1x128x64xf32, #tpu.memory_space<vmem>>
      %dma_wait3A_1404 = tpu.memref_squeeze %dma_wait3A_1403 : memref<1x128x64xf32, #tpu.memory_space<vmem>> -> memref<128x64xf32, #tpu.memory_space<vmem>>
      %dma_wait3A_1405 = arith.constant 0 : i32
      %dma_wait3A_1406 = tpu.memref_slice %arg5[%dma_wait3A_1398, %dma_wait3A_1399, %dma_wait3A_1405] : memref<2x26x128xi32, #tpu.memory_space<vmem>> -> memref<1x1x128xi32, #tpu.memory_space<vmem>>
      %dma_wait3A_1407 = tpu.memref_squeeze %dma_wait3A_1406 : memref<1x1x128xi32, #tpu.memory_space<vmem>> -> memref<128xi32, #tpu.memory_space<vmem>>
      %dma_wait3A_1408 = arith.constant 0 : i32
      %dma_wait3A_1409 = arith.constant 0 : i32
      %dma_wait3A_1410 = tpu.memref_slice %arg3[%dma_wait3A_1408, %dma_wait3A_1409] : memref<1000000x64xf32, #tpu.memory_space<hbm>> -> memref<1000000x64xf32, #tpu.memory_space<hbm>>
      tpu.wait_indirect_dma semaphore(%arg7 : memref<!tpu.dma_semaphore, #tpu.memory_space<semaphore_mem>>) src(%dma_wait3A_1410 : memref<1000000x64xf32, #tpu.memory_space<hbm>>) dst(%dma_wait3A_1404 : memref<128x64xf32, #tpu.memory_space<vmem>>)
      %dma_wait3A_1411 = arith.constant 0 : i32
      %dma_wait3A_1412 = arith.constant 0 : i32
      %dma_wait3A_1413 = arith.constant 0 : i32
      %dma_wait3A_1414 = arith.constant 0 : i32
      %dma_wait3A_1415 = arith.constant 0 : i32
      %dma_wait3A_1416 = tpu.memref_slice %arg6[%dma_wait3A_1413, %dma_wait3A_1414, %dma_wait3A_1415] : memref<2x128x64xf32, #tpu.memory_space<vmem>> -> memref<1x128x64xf32, #tpu.memory_space<vmem>>
      %dma_wait3A_1417 = tpu.memref_squeeze %dma_wait3A_1416 : memref<1x128x64xf32, #tpu.memory_space<vmem>> -> memref<128x64xf32, #tpu.memory_space<vmem>>
      %dma_wait3A_1418 = arith.constant 0 : i32
      %dma_wait3A_1419 = tpu.memref_slice %arg5[%dma_wait3A_1411, %dma_wait3A_1412, %dma_wait3A_1418] : memref<2x26x128xi32, #tpu.memory_space<vmem>> -> memref<1x1x128xi32, #tpu.memory_space<vmem>>
      %dma_wait3A_1420 = tpu.memref_squeeze %dma_wait3A_1419 : memref<1x1x128xi32, #tpu.memory_space<vmem>> -> memref<128xi32, #tpu.memory_space<vmem>>
      %dma_wait3A_1421 = arith.constant 0 : i32
      %dma_wait3A_1422 = arith.constant 0 : i32
      %dma_wait3A_1423 = tpu.memref_slice %arg3[%dma_wait3A_1421, %dma_wait3A_1422] : memref<1000000x64xf32, #tpu.memory_space<hbm>> -> memref<1000000x64xf32, #tpu.memory_space<hbm>>
      tpu.wait_indirect_dma semaphore(%arg7 : memref<!tpu.dma_semaphore, #tpu.memory_space<semaphore_mem>>) src(%dma_wait3A_1423 : memref<1000000x64xf32, #tpu.memory_space<hbm>>) dst(%dma_wait3A_1417 : memref<128x64xf32, #tpu.memory_space<vmem>>)
      %dma_wait3A_1424 = arith.constant 0 : i32
      %dma_wait3A_1425 = arith.constant 0 : i32
      %dma_wait3A_1426 = arith.constant 0 : i32
      %dma_wait3A_1427 = arith.constant 0 : i32
      %dma_wait3A_1428 = arith.constant 0 : i32
      %dma_wait3A_1429 = tpu.memref_slice %arg6[%dma_wait3A_1426, %dma_wait3A_1427, %dma_wait3A_1428] : memref<2x128x64xf32, #tpu.memory_space<vmem>> -> memref<1x128x64xf32, #tpu.memory_space<vmem>>
      %dma_wait3A_1430 = tpu.memref_squeeze %dma_wait3A_1429 : memref<1x128x64xf32, #tpu.memory_space<vmem>> -> memref<128x64xf32, #tpu.memory_space<vmem>>
      %dma_wait3A_1431 = arith.constant 0 : i32
      %dma_wait3A_1432 = tpu.memref_slice %arg5[%dma_wait3A_1424, %dma_wait3A_1425, %dma_wait3A_1431] : memref<2x26x128xi32, #tpu.memory_space<vmem>> -> memref<1x1x128xi32, #tpu.memory_space<vmem>>
      %dma_wait3A_1433 = tpu.memref_squeeze %dma_wait3A_1432 : memref<1x1x128xi32, #tpu.memory_space<vmem>> -> memref<128xi32, #tpu.memory_space<vmem>>
      %dma_wait3A_1434 = arith.constant 0 : i32
      %dma_wait3A_1435 = arith.constant 0 : i32
      %dma_wait3A_1436 = tpu.memref_slice %arg3[%dma_wait3A_1434, %dma_wait3A_1435] : memref<1000000x64xf32, #tpu.memory_space<hbm>> -> memref<1000000x64xf32, #tpu.memory_space<hbm>>
      tpu.wait_indirect_dma semaphore(%arg7 : memref<!tpu.dma_semaphore, #tpu.memory_space<semaphore_mem>>) src(%dma_wait3A_1436 : memref<1000000x64xf32, #tpu.memory_space<hbm>>) dst(%dma_wait3A_1430 : memref<128x64xf32, #tpu.memory_space<vmem>>)
      %dma_wait3A_1437 = arith.constant 0 : i32
      %dma_wait3A_1438 = arith.constant 0 : i32
      %dma_wait3A_1439 = arith.constant 0 : i32
      %dma_wait3A_1440 = arith.constant 0 : i32
      %dma_wait3A_1441 = arith.constant 0 : i32
      %dma_wait3A_1442 = tpu.memref_slice %arg6[%dma_wait3A_1439, %dma_wait3A_1440, %dma_wait3A_1441] : memref<2x128x64xf32, #tpu.memory_space<vmem>> -> memref<1x128x64xf32, #tpu.memory_space<vmem>>
      %dma_wait3A_1443 = tpu.memref_squeeze %dma_wait3A_1442 : memref<1x128x64xf32, #tpu.memory_space<vmem>> -> memref<128x64xf32, #tpu.memory_space<vmem>>
      %dma_wait3A_1444 = arith.constant 0 : i32
      %dma_wait3A_1445 = tpu.memref_slice %arg5[%dma_wait3A_1437, %dma_wait3A_1438, %dma_wait3A_1444] : memref<2x26x128xi32, #tpu.memory_space<vmem>> -> memref<1x1x128xi32, #tpu.memory_space<vmem>>
      %dma_wait3A_1446 = tpu.memref_squeeze %dma_wait3A_1445 : memref<1x1x128xi32, #tpu.memory_space<vmem>> -> memref<128xi32, #tpu.memory_space<vmem>>
      %dma_wait3A_1447 = arith.constant 0 : i32
      %dma_wait3A_1448 = arith.constant 0 : i32
      %dma_wait3A_1449 = tpu.memref_slice %arg3[%dma_wait3A_1447, %dma_wait3A_1448] : memref<1000000x64xf32, #tpu.memory_space<hbm>> -> memref<1000000x64xf32, #tpu.memory_space<hbm>>
      tpu.wait_indirect_dma semaphore(%arg7 : memref<!tpu.dma_semaphore, #tpu.memory_space<semaphore_mem>>) src(%dma_wait3A_1449 : memref<1000000x64xf32, #tpu.memory_space<hbm>>) dst(%dma_wait3A_1443 : memref<128x64xf32, #tpu.memory_space<vmem>>)
      %dma_wait3A_1450 = arith.constant 0 : i32
      %dma_wait3A_1451 = arith.constant 0 : i32
      %dma_wait3A_1452 = arith.constant 0 : i32
      %dma_wait3A_1453 = arith.constant 0 : i32
      %dma_wait3A_1454 = arith.constant 0 : i32
      %dma_wait3A_1455 = tpu.memref_slice %arg6[%dma_wait3A_1452, %dma_wait3A_1453, %dma_wait3A_1454] : memref<2x128x64xf32, #tpu.memory_space<vmem>> -> memref<1x128x64xf32, #tpu.memory_space<vmem>>
      %dma_wait3A_1456 = tpu.memref_squeeze %dma_wait3A_1455 : memref<1x128x64xf32, #tpu.memory_space<vmem>> -> memref<128x64xf32, #tpu.memory_space<vmem>>
      %dma_wait3A_1457 = arith.constant 0 : i32
      %dma_wait3A_1458 = tpu.memref_slice %arg5[%dma_wait3A_1450, %dma_wait3A_1451, %dma_wait3A_1457] : memref<2x26x128xi32, #tpu.memory_space<vmem>> -> memref<1x1x128xi32, #tpu.memory_space<vmem>>
      %dma_wait3A_1459 = tpu.memref_squeeze %dma_wait3A_1458 : memref<1x1x128xi32, #tpu.memory_space<vmem>> -> memref<128xi32, #tpu.memory_space<vmem>>
      %dma_wait3A_1460 = arith.constant 0 : i32
      %dma_wait3A_1461 = arith.constant 0 : i32
      %dma_wait3A_1462 = tpu.memref_slice %arg3[%dma_wait3A_1460, %dma_wait3A_1461] : memref<1000000x64xf32, #tpu.memory_space<hbm>> -> memref<1000000x64xf32, #tpu.memory_space<hbm>>
      tpu.wait_indirect_dma semaphore(%arg7 : memref<!tpu.dma_semaphore, #tpu.memory_space<semaphore_mem>>) src(%dma_wait3A_1462 : memref<1000000x64xf32, #tpu.memory_space<hbm>>) dst(%dma_wait3A_1456 : memref<128x64xf32, #tpu.memory_space<vmem>>)
      %dma_wait3A_1463 = arith.constant 0 : i32
      %dma_wait3A_1464 = arith.constant 0 : i32
      %dma_wait3A_1465 = arith.constant 0 : i32
      %dma_wait3A_1466 = arith.constant 0 : i32
      %dma_wait3A_1467 = arith.constant 0 : i32
      %dma_wait3A_1468 = tpu.memref_slice %arg6[%dma_wait3A_1465, %dma_wait3A_1466, %dma_wait3A_1467] : memref<2x128x64xf32, #tpu.memory_space<vmem>> -> memref<1x128x64xf32, #tpu.memory_space<vmem>>
      %dma_wait3A_1469 = tpu.memref_squeeze %dma_wait3A_1468 : memref<1x128x64xf32, #tpu.memory_space<vmem>> -> memref<128x64xf32, #tpu.memory_space<vmem>>
      %dma_wait3A_1470 = arith.constant 0 : i32
      %dma_wait3A_1471 = tpu.memref_slice %arg5[%dma_wait3A_1463, %dma_wait3A_1464, %dma_wait3A_1470] : memref<2x26x128xi32, #tpu.memory_space<vmem>> -> memref<1x1x128xi32, #tpu.memory_space<vmem>>
      %dma_wait3A_1472 = tpu.memref_squeeze %dma_wait3A_1471 : memref<1x1x128xi32, #tpu.memory_space<vmem>> -> memref<128xi32, #tpu.memory_space<vmem>>
      %dma_wait3A_1473 = arith.constant 0 : i32
      %dma_wait3A_1474 = arith.constant 0 : i32
      %dma_wait3A_1475 = tpu.memref_slice %arg3[%dma_wait3A_1473, %dma_wait3A_1474] : memref<1000000x64xf32, #tpu.memory_space<hbm>> -> memref<1000000x64xf32, #tpu.memory_space<hbm>>
      tpu.wait_indirect_dma semaphore(%arg7 : memref<!tpu.dma_semaphore, #tpu.memory_space<semaphore_mem>>) src(%dma_wait3A_1475 : memref<1000000x64xf32, #tpu.memory_space<hbm>>) dst(%dma_wait3A_1469 : memref<128x64xf32, #tpu.memory_space<vmem>>)
      %dma_wait3A_1476 = arith.constant 0 : i32
      %dma_wait3A_1477 = arith.constant 0 : i32
      %dma_wait3A_1478 = arith.constant 0 : i32
      %dma_wait3A_1479 = arith.constant 0 : i32
      %dma_wait3A_1480 = arith.constant 0 : i32
      %dma_wait3A_1481 = tpu.memref_slice %arg6[%dma_wait3A_1478, %dma_wait3A_1479, %dma_wait3A_1480] : memref<2x128x64xf32, #tpu.memory_space<vmem>> -> memref<1x128x64xf32, #tpu.memory_space<vmem>>
      %dma_wait3A_1482 = tpu.memref_squeeze %dma_wait3A_1481 : memref<1x128x64xf32, #tpu.memory_space<vmem>> -> memref<128x64xf32, #tpu.memory_space<vmem>>
      %dma_wait3A_1483 = arith.constant 0 : i32
      %dma_wait3A_1484 = tpu.memref_slice %arg5[%dma_wait3A_1476, %dma_wait3A_1477, %dma_wait3A_1483] : memref<2x26x128xi32, #tpu.memory_space<vmem>> -> memref<1x1x128xi32, #tpu.memory_space<vmem>>
      %dma_wait3A_1485 = tpu.memref_squeeze %dma_wait3A_1484 : memref<1x1x128xi32, #tpu.memory_space<vmem>> -> memref<128xi32, #tpu.memory_space<vmem>>
      %dma_wait3A_1486 = arith.constant 0 : i32
      %dma_wait3A_1487 = arith.constant 0 : i32
      %dma_wait3A_1488 = tpu.memref_slice %arg3[%dma_wait3A_1486, %dma_wait3A_1487] : memref<1000000x64xf32, #tpu.memory_space<hbm>> -> memref<1000000x64xf32, #tpu.memory_space<hbm>>
      tpu.wait_indirect_dma semaphore(%arg7 : memref<!tpu.dma_semaphore, #tpu.memory_space<semaphore_mem>>) src(%dma_wait3A_1488 : memref<1000000x64xf32, #tpu.memory_space<hbm>>) dst(%dma_wait3A_1482 : memref<128x64xf32, #tpu.memory_space<vmem>>)
      %dma_wait3A_1489 = arith.constant 0 : i32
      %dma_wait3A_1490 = arith.constant 0 : i32
      %dma_wait3A_1491 = arith.constant 0 : i32
      %dma_wait3A_1492 = arith.constant 0 : i32
      %dma_wait3A_1493 = arith.constant 0 : i32
      %dma_wait3A_1494 = tpu.memref_slice %arg6[%dma_wait3A_1491, %dma_wait3A_1492, %dma_wait3A_1493] : memref<2x128x64xf32, #tpu.memory_space<vmem>> -> memref<1x128x64xf32, #tpu.memory_space<vmem>>
      %dma_wait3A_1495 = tpu.memref_squeeze %dma_wait3A_1494 : memref<1x128x64xf32, #tpu.memory_space<vmem>> -> memref<128x64xf32, #tpu.memory_space<vmem>>
      %dma_wait3A_1496 = arith.constant 0 : i32
      %dma_wait3A_1497 = tpu.memref_slice %arg5[%dma_wait3A_1489, %dma_wait3A_1490, %dma_wait3A_1496] : memref<2x26x128xi32, #tpu.memory_space<vmem>> -> memref<1x1x128xi32, #tpu.memory_space<vmem>>
      %dma_wait3A_1498 = tpu.memref_squeeze %dma_wait3A_1497 : memref<1x1x128xi32, #tpu.memory_space<vmem>> -> memref<128xi32, #tpu.memory_space<vmem>>
      %dma_wait3A_1499 = arith.constant 0 : i32
      %dma_wait3A_1500 = arith.constant 0 : i32
      %dma_wait3A_1501 = tpu.memref_slice %arg3[%dma_wait3A_1499, %dma_wait3A_1500] : memref<1000000x64xf32, #tpu.memory_space<hbm>> -> memref<1000000x64xf32, #tpu.memory_space<hbm>>
      tpu.wait_indirect_dma semaphore(%arg7 : memref<!tpu.dma_semaphore, #tpu.memory_space<semaphore_mem>>) src(%dma_wait3A_1501 : memref<1000000x64xf32, #tpu.memory_space<hbm>>) dst(%dma_wait3A_1495 : memref<128x64xf32, #tpu.memory_space<vmem>>)
      %dma_wait3A_1502 = arith.constant 0 : i32
      %dma_wait3A_1503 = arith.constant 0 : i32
      %dma_wait3A_1504 = arith.constant 0 : i32
      %dma_wait3A_1505 = arith.constant 0 : i32
      %dma_wait3A_1506 = arith.constant 0 : i32
      %dma_wait3A_1507 = tpu.memref_slice %arg6[%dma_wait3A_1504, %dma_wait3A_1505, %dma_wait3A_1506] : memref<2x128x64xf32, #tpu.memory_space<vmem>> -> memref<1x128x64xf32, #tpu.memory_space<vmem>>
      %dma_wait3A_1508 = tpu.memref_squeeze %dma_wait3A_1507 : memref<1x128x64xf32, #tpu.memory_space<vmem>> -> memref<128x64xf32, #tpu.memory_space<vmem>>
      %dma_wait3A_1509 = arith.constant 0 : i32
      %dma_wait3A_1510 = tpu.memref_slice %arg5[%dma_wait3A_1502, %dma_wait3A_1503, %dma_wait3A_1509] : memref<2x26x128xi32, #tpu.memory_space<vmem>> -> memref<1x1x128xi32, #tpu.memory_space<vmem>>
      %dma_wait3A_1511 = tpu.memref_squeeze %dma_wait3A_1510 : memref<1x1x128xi32, #tpu.memory_space<vmem>> -> memref<128xi32, #tpu.memory_space<vmem>>
      %dma_wait3A_1512 = arith.constant 0 : i32
      %dma_wait3A_1513 = arith.constant 0 : i32
      %dma_wait3A_1514 = tpu.memref_slice %arg3[%dma_wait3A_1512, %dma_wait3A_1513] : memref<1000000x64xf32, #tpu.memory_space<hbm>> -> memref<1000000x64xf32, #tpu.memory_space<hbm>>
      tpu.wait_indirect_dma semaphore(%arg7 : memref<!tpu.dma_semaphore, #tpu.memory_space<semaphore_mem>>) src(%dma_wait3A_1514 : memref<1000000x64xf32, #tpu.memory_space<hbm>>) dst(%dma_wait3A_1508 : memref<128x64xf32, #tpu.memory_space<vmem>>)
      %dma_wait3A_1515 = arith.constant 0 : i32
      %dma_wait3A_1516 = arith.constant 0 : i32
      %dma_wait3A_1517 = arith.constant 0 : i32
      %dma_wait3A_1518 = arith.constant 0 : i32
      %dma_wait3A_1519 = arith.constant 0 : i32
      %dma_wait3A_1520 = tpu.memref_slice %arg6[%dma_wait3A_1517, %dma_wait3A_1518, %dma_wait3A_1519] : memref<2x128x64xf32, #tpu.memory_space<vmem>> -> memref<1x128x64xf32, #tpu.memory_space<vmem>>
      %dma_wait3A_1521 = tpu.memref_squeeze %dma_wait3A_1520 : memref<1x128x64xf32, #tpu.memory_space<vmem>> -> memref<128x64xf32, #tpu.memory_space<vmem>>
      %dma_wait3A_1522 = arith.constant 0 : i32
      %dma_wait3A_1523 = tpu.memref_slice %arg5[%dma_wait3A_1515, %dma_wait3A_1516, %dma_wait3A_1522] : memref<2x26x128xi32, #tpu.memory_space<vmem>> -> memref<1x1x128xi32, #tpu.memory_space<vmem>>
      %dma_wait3A_1524 = tpu.memref_squeeze %dma_wait3A_1523 : memref<1x1x128xi32, #tpu.memory_space<vmem>> -> memref<128xi32, #tpu.memory_space<vmem>>
      %dma_wait3A_1525 = arith.constant 0 : i32
      %dma_wait3A_1526 = arith.constant 0 : i32
      %dma_wait3A_1527 = tpu.memref_slice %arg3[%dma_wait3A_1525, %dma_wait3A_1526] : memref<1000000x64xf32, #tpu.memory_space<hbm>> -> memref<1000000x64xf32, #tpu.memory_space<hbm>>
      tpu.wait_indirect_dma semaphore(%arg7 : memref<!tpu.dma_semaphore, #tpu.memory_space<semaphore_mem>>) src(%dma_wait3A_1527 : memref<1000000x64xf32, #tpu.memory_space<hbm>>) dst(%dma_wait3A_1521 : memref<128x64xf32, #tpu.memory_space<vmem>>)
      %dma_wait3A_1528 = arith.constant 0 : i32
      %dma_wait3A_1529 = arith.constant 0 : i32
      %dma_wait3A_1530 = arith.constant 0 : i32
      %dma_wait3A_1531 = arith.constant 0 : i32
      %dma_wait3A_1532 = arith.constant 0 : i32
      %dma_wait3A_1533 = tpu.memref_slice %arg6[%dma_wait3A_1530, %dma_wait3A_1531, %dma_wait3A_1532] : memref<2x128x64xf32, #tpu.memory_space<vmem>> -> memref<1x128x64xf32, #tpu.memory_space<vmem>>
      %dma_wait3A_1534 = tpu.memref_squeeze %dma_wait3A_1533 : memref<1x128x64xf32, #tpu.memory_space<vmem>> -> memref<128x64xf32, #tpu.memory_space<vmem>>
      %dma_wait3A_1535 = arith.constant 0 : i32
      %dma_wait3A_1536 = tpu.memref_slice %arg5[%dma_wait3A_1528, %dma_wait3A_1529, %dma_wait3A_1535] : memref<2x26x128xi32, #tpu.memory_space<vmem>> -> memref<1x1x128xi32, #tpu.memory_space<vmem>>
      %dma_wait3A_1537 = tpu.memref_squeeze %dma_wait3A_1536 : memref<1x1x128xi32, #tpu.memory_space<vmem>> -> memref<128xi32, #tpu.memory_space<vmem>>
      %dma_wait3A_1538 = arith.constant 0 : i32
      %dma_wait3A_1539 = arith.constant 0 : i32
      %dma_wait3A_1540 = tpu.memref_slice %arg3[%dma_wait3A_1538, %dma_wait3A_1539] : memref<1000000x64xf32, #tpu.memory_space<hbm>> -> memref<1000000x64xf32, #tpu.memory_space<hbm>>
      tpu.wait_indirect_dma semaphore(%arg7 : memref<!tpu.dma_semaphore, #tpu.memory_space<semaphore_mem>>) src(%dma_wait3A_1540 : memref<1000000x64xf32, #tpu.memory_space<hbm>>) dst(%dma_wait3A_1534 : memref<128x64xf32, #tpu.memory_space<vmem>>)
      %dma_wait3A_1541 = arith.constant 0 : i32
      %dma_wait3A_1542 = arith.constant 0 : i32
      %dma_wait3A_1543 = arith.constant 0 : i32
      %dma_wait3A_1544 = arith.constant 0 : i32
      %dma_wait3A_1545 = arith.constant 0 : i32
      %dma_wait3A_1546 = tpu.memref_slice %arg6[%dma_wait3A_1543, %dma_wait3A_1544, %dma_wait3A_1545] : memref<2x128x64xf32, #tpu.memory_space<vmem>> -> memref<1x128x64xf32, #tpu.memory_space<vmem>>
      %dma_wait3A_1547 = tpu.memref_squeeze %dma_wait3A_1546 : memref<1x128x64xf32, #tpu.memory_space<vmem>> -> memref<128x64xf32, #tpu.memory_space<vmem>>
      %dma_wait3A_1548 = arith.constant 0 : i32
      %dma_wait3A_1549 = tpu.memref_slice %arg5[%dma_wait3A_1541, %dma_wait3A_1542, %dma_wait3A_1548] : memref<2x26x128xi32, #tpu.memory_space<vmem>> -> memref<1x1x128xi32, #tpu.memory_space<vmem>>
      %dma_wait3A_1550 = tpu.memref_squeeze %dma_wait3A_1549 : memref<1x1x128xi32, #tpu.memory_space<vmem>> -> memref<128xi32, #tpu.memory_space<vmem>>
      %dma_wait3A_1551 = arith.constant 0 : i32
      %dma_wait3A_1552 = arith.constant 0 : i32
      %dma_wait3A_1553 = tpu.memref_slice %arg3[%dma_wait3A_1551, %dma_wait3A_1552] : memref<1000000x64xf32, #tpu.memory_space<hbm>> -> memref<1000000x64xf32, #tpu.memory_space<hbm>>
      tpu.wait_indirect_dma semaphore(%arg7 : memref<!tpu.dma_semaphore, #tpu.memory_space<semaphore_mem>>) src(%dma_wait3A_1553 : memref<1000000x64xf32, #tpu.memory_space<hbm>>) dst(%dma_wait3A_1547 : memref<128x64xf32, #tpu.memory_space<vmem>>)
      %dma_wait3A_1554 = arith.constant 0 : i32
      %dma_wait3A_1555 = arith.constant 0 : i32
      %dma_wait3A_1556 = arith.constant 0 : i32
      %dma_wait3A_1557 = arith.constant 0 : i32
      %dma_wait3A_1558 = arith.constant 0 : i32
      %dma_wait3A_1559 = tpu.memref_slice %arg6[%dma_wait3A_1556, %dma_wait3A_1557, %dma_wait3A_1558] : memref<2x128x64xf32, #tpu.memory_space<vmem>> -> memref<1x128x64xf32, #tpu.memory_space<vmem>>
      %dma_wait3A_1560 = tpu.memref_squeeze %dma_wait3A_1559 : memref<1x128x64xf32, #tpu.memory_space<vmem>> -> memref<128x64xf32, #tpu.memory_space<vmem>>
      %dma_wait3A_1561 = arith.constant 0 : i32
      %dma_wait3A_1562 = tpu.memref_slice %arg5[%dma_wait3A_1554, %dma_wait3A_1555, %dma_wait3A_1561] : memref<2x26x128xi32, #tpu.memory_space<vmem>> -> memref<1x1x128xi32, #tpu.memory_space<vmem>>
      %dma_wait3A_1563 = tpu.memref_squeeze %dma_wait3A_1562 : memref<1x1x128xi32, #tpu.memory_space<vmem>> -> memref<128xi32, #tpu.memory_space<vmem>>
      %dma_wait3A_1564 = arith.constant 0 : i32
      %dma_wait3A_1565 = arith.constant 0 : i32
      %dma_wait3A_1566 = tpu.memref_slice %arg3[%dma_wait3A_1564, %dma_wait3A_1565] : memref<1000000x64xf32, #tpu.memory_space<hbm>> -> memref<1000000x64xf32, #tpu.memory_space<hbm>>
      tpu.wait_indirect_dma semaphore(%arg7 : memref<!tpu.dma_semaphore, #tpu.memory_space<semaphore_mem>>) src(%dma_wait3A_1566 : memref<1000000x64xf32, #tpu.memory_space<hbm>>) dst(%dma_wait3A_1560 : memref<128x64xf32, #tpu.memory_space<vmem>>)
      %dma_wait3A_1567 = arith.constant 0 : i32
      %dma_wait3A_1568 = arith.constant 0 : i32
      %dma_wait3A_1569 = arith.constant 0 : i32
      %dma_wait3A_1570 = arith.constant 0 : i32
      %dma_wait3A_1571 = arith.constant 0 : i32
      %dma_wait3A_1572 = tpu.memref_slice %arg6[%dma_wait3A_1569, %dma_wait3A_1570, %dma_wait3A_1571] : memref<2x128x64xf32, #tpu.memory_space<vmem>> -> memref<1x128x64xf32, #tpu.memory_space<vmem>>
      %dma_wait3A_1573 = tpu.memref_squeeze %dma_wait3A_1572 : memref<1x128x64xf32, #tpu.memory_space<vmem>> -> memref<128x64xf32, #tpu.memory_space<vmem>>
      %dma_wait3A_1574 = arith.constant 0 : i32
      %dma_wait3A_1575 = tpu.memref_slice %arg5[%dma_wait3A_1567, %dma_wait3A_1568, %dma_wait3A_1574] : memref<2x26x128xi32, #tpu.memory_space<vmem>> -> memref<1x1x128xi32, #tpu.memory_space<vmem>>
      %dma_wait3A_1576 = tpu.memref_squeeze %dma_wait3A_1575 : memref<1x1x128xi32, #tpu.memory_space<vmem>> -> memref<128xi32, #tpu.memory_space<vmem>>
      %dma_wait3A_1577 = arith.constant 0 : i32
      %dma_wait3A_1578 = arith.constant 0 : i32
      %dma_wait3A_1579 = tpu.memref_slice %arg3[%dma_wait3A_1577, %dma_wait3A_1578] : memref<1000000x64xf32, #tpu.memory_space<hbm>> -> memref<1000000x64xf32, #tpu.memory_space<hbm>>
      tpu.wait_indirect_dma semaphore(%arg7 : memref<!tpu.dma_semaphore, #tpu.memory_space<semaphore_mem>>) src(%dma_wait3A_1579 : memref<1000000x64xf32, #tpu.memory_space<hbm>>) dst(%dma_wait3A_1573 : memref<128x64xf32, #tpu.memory_space<vmem>>)
      %dma_wait3A_1580 = arith.constant 0 : i32
      %dma_wait3A_1581 = arith.constant 0 : i32
      %dma_wait3A_1582 = arith.constant 0 : i32
      %dma_wait3A_1583 = arith.constant 0 : i32
      %dma_wait3A_1584 = arith.constant 0 : i32
      %dma_wait3A_1585 = tpu.memref_slice %arg6[%dma_wait3A_1582, %dma_wait3A_1583, %dma_wait3A_1584] : memref<2x128x64xf32, #tpu.memory_space<vmem>> -> memref<1x128x64xf32, #tpu.memory_space<vmem>>
      %dma_wait3A_1586 = tpu.memref_squeeze %dma_wait3A_1585 : memref<1x128x64xf32, #tpu.memory_space<vmem>> -> memref<128x64xf32, #tpu.memory_space<vmem>>
      %dma_wait3A_1587 = arith.constant 0 : i32
      %dma_wait3A_1588 = tpu.memref_slice %arg5[%dma_wait3A_1580, %dma_wait3A_1581, %dma_wait3A_1587] : memref<2x26x128xi32, #tpu.memory_space<vmem>> -> memref<1x1x128xi32, #tpu.memory_space<vmem>>
      %dma_wait3A_1589 = tpu.memref_squeeze %dma_wait3A_1588 : memref<1x1x128xi32, #tpu.memory_space<vmem>> -> memref<128xi32, #tpu.memory_space<vmem>>
      %dma_wait3A_1590 = arith.constant 0 : i32
      %dma_wait3A_1591 = arith.constant 0 : i32
      %dma_wait3A_1592 = tpu.memref_slice %arg3[%dma_wait3A_1590, %dma_wait3A_1591] : memref<1000000x64xf32, #tpu.memory_space<hbm>> -> memref<1000000x64xf32, #tpu.memory_space<hbm>>
      tpu.wait_indirect_dma semaphore(%arg7 : memref<!tpu.dma_semaphore, #tpu.memory_space<semaphore_mem>>) src(%dma_wait3A_1592 : memref<1000000x64xf32, #tpu.memory_space<hbm>>) dst(%dma_wait3A_1586 : memref<128x64xf32, #tpu.memory_space<vmem>>)
      %dma_wait3A_1593 = arith.constant 0 : i32
      %dma_wait3A_1594 = arith.constant 0 : i32
      %dma_wait3A_1595 = arith.constant 0 : i32
      %dma_wait3A_1596 = arith.constant 0 : i32
      %dma_wait3A_1597 = arith.constant 0 : i32
      %dma_wait3A_1598 = tpu.memref_slice %arg6[%dma_wait3A_1595, %dma_wait3A_1596, %dma_wait3A_1597] : memref<2x128x64xf32, #tpu.memory_space<vmem>> -> memref<1x128x64xf32, #tpu.memory_space<vmem>>
      %dma_wait3A_1599 = tpu.memref_squeeze %dma_wait3A_1598 : memref<1x128x64xf32, #tpu.memory_space<vmem>> -> memref<128x64xf32, #tpu.memory_space<vmem>>
      %dma_wait3A_1600 = arith.constant 0 : i32
      %dma_wait3A_1601 = tpu.memref_slice %arg5[%dma_wait3A_1593, %dma_wait3A_1594, %dma_wait3A_1600] : memref<2x26x128xi32, #tpu.memory_space<vmem>> -> memref<1x1x128xi32, #tpu.memory_space<vmem>>
      %dma_wait3A_1602 = tpu.memref_squeeze %dma_wait3A_1601 : memref<1x1x128xi32, #tpu.memory_space<vmem>> -> memref<128xi32, #tpu.memory_space<vmem>>
      %dma_wait3A_1603 = arith.constant 0 : i32
      %dma_wait3A_1604 = arith.constant 0 : i32
      %dma_wait3A_1605 = tpu.memref_slice %arg3[%dma_wait3A_1603, %dma_wait3A_1604] : memref<1000000x64xf32, #tpu.memory_space<hbm>> -> memref<1000000x64xf32, #tpu.memory_space<hbm>>
      tpu.wait_indirect_dma semaphore(%arg7 : memref<!tpu.dma_semaphore, #tpu.memory_space<semaphore_mem>>) src(%dma_wait3A_1605 : memref<1000000x64xf32, #tpu.memory_space<hbm>>) dst(%dma_wait3A_1599 : memref<128x64xf32, #tpu.memory_space<vmem>>)
      %dma_wait3A_1606 = arith.constant 0 : i32
      %dma_wait3A_1607 = arith.constant 0 : i32
      %dma_wait3A_1608 = arith.constant 0 : i32
      %dma_wait3A_1609 = arith.constant 0 : i32
      %dma_wait3A_1610 = arith.constant 0 : i32
      %dma_wait3A_1611 = tpu.memref_slice %arg6[%dma_wait3A_1608, %dma_wait3A_1609, %dma_wait3A_1610] : memref<2x128x64xf32, #tpu.memory_space<vmem>> -> memref<1x128x64xf32, #tpu.memory_space<vmem>>
      %dma_wait3A_1612 = tpu.memref_squeeze %dma_wait3A_1611 : memref<1x128x64xf32, #tpu.memory_space<vmem>> -> memref<128x64xf32, #tpu.memory_space<vmem>>
      %dma_wait3A_1613 = arith.constant 0 : i32
      %dma_wait3A_1614 = tpu.memref_slice %arg5[%dma_wait3A_1606, %dma_wait3A_1607, %dma_wait3A_1613] : memref<2x26x128xi32, #tpu.memory_space<vmem>> -> memref<1x1x128xi32, #tpu.memory_space<vmem>>
      %dma_wait3A_1615 = tpu.memref_squeeze %dma_wait3A_1614 : memref<1x1x128xi32, #tpu.memory_space<vmem>> -> memref<128xi32, #tpu.memory_space<vmem>>
      %dma_wait3A_1616 = arith.constant 0 : i32
      %dma_wait3A_1617 = arith.constant 0 : i32
      %dma_wait3A_1618 = tpu.memref_slice %arg3[%dma_wait3A_1616, %dma_wait3A_1617] : memref<1000000x64xf32, #tpu.memory_space<hbm>> -> memref<1000000x64xf32, #tpu.memory_space<hbm>>
      tpu.wait_indirect_dma semaphore(%arg7 : memref<!tpu.dma_semaphore, #tpu.memory_space<semaphore_mem>>) src(%dma_wait3A_1618 : memref<1000000x64xf32, #tpu.memory_space<hbm>>) dst(%dma_wait3A_1612 : memref<128x64xf32, #tpu.memory_space<vmem>>)
      %dma_wait3A_1619 = arith.constant 0 : i32
      %dma_wait3A_1620 = arith.constant 0 : i32
      %dma_wait3A_1621 = arith.constant 0 : i32
      %dma_wait3A_1622 = arith.constant 0 : i32
      %dma_wait3A_1623 = arith.constant 0 : i32
      %dma_wait3A_1624 = tpu.memref_slice %arg6[%dma_wait3A_1621, %dma_wait3A_1622, %dma_wait3A_1623] : memref<2x128x64xf32, #tpu.memory_space<vmem>> -> memref<1x128x64xf32, #tpu.memory_space<vmem>>
      %dma_wait3A_1625 = tpu.memref_squeeze %dma_wait3A_1624 : memref<1x128x64xf32, #tpu.memory_space<vmem>> -> memref<128x64xf32, #tpu.memory_space<vmem>>
      %dma_wait3A_1626 = arith.constant 0 : i32
      %dma_wait3A_1627 = tpu.memref_slice %arg5[%dma_wait3A_1619, %dma_wait3A_1620, %dma_wait3A_1626] : memref<2x26x128xi32, #tpu.memory_space<vmem>> -> memref<1x1x128xi32, #tpu.memory_space<vmem>>
      %dma_wait3A_1628 = tpu.memref_squeeze %dma_wait3A_1627 : memref<1x1x128xi32, #tpu.memory_space<vmem>> -> memref<128xi32, #tpu.memory_space<vmem>>
      %dma_wait3A_1629 = arith.constant 0 : i32
      %dma_wait3A_1630 = arith.constant 0 : i32
      %dma_wait3A_1631 = tpu.memref_slice %arg3[%dma_wait3A_1629, %dma_wait3A_1630] : memref<1000000x64xf32, #tpu.memory_space<hbm>> -> memref<1000000x64xf32, #tpu.memory_space<hbm>>
      tpu.wait_indirect_dma semaphore(%arg7 : memref<!tpu.dma_semaphore, #tpu.memory_space<semaphore_mem>>) src(%dma_wait3A_1631 : memref<1000000x64xf32, #tpu.memory_space<hbm>>) dst(%dma_wait3A_1625 : memref<128x64xf32, #tpu.memory_space<vmem>>)
      %dma_wait3A_1632 = arith.constant 0 : i32
      %dma_wait3A_1633 = arith.constant 0 : i32
      %dma_wait3A_1634 = arith.constant 0 : i32
      %dma_wait3A_1635 = arith.constant 0 : i32
      %dma_wait3A_1636 = arith.constant 0 : i32
      %dma_wait3A_1637 = tpu.memref_slice %arg6[%dma_wait3A_1634, %dma_wait3A_1635, %dma_wait3A_1636] : memref<2x128x64xf32, #tpu.memory_space<vmem>> -> memref<1x128x64xf32, #tpu.memory_space<vmem>>
      %dma_wait3A_1638 = tpu.memref_squeeze %dma_wait3A_1637 : memref<1x128x64xf32, #tpu.memory_space<vmem>> -> memref<128x64xf32, #tpu.memory_space<vmem>>
      %dma_wait3A_1639 = arith.constant 0 : i32
      %dma_wait3A_1640 = tpu.memref_slice %arg5[%dma_wait3A_1632, %dma_wait3A_1633, %dma_wait3A_1639] : memref<2x26x128xi32, #tpu.memory_space<vmem>> -> memref<1x1x128xi32, #tpu.memory_space<vmem>>
      %dma_wait3A_1641 = tpu.memref_squeeze %dma_wait3A_1640 : memref<1x1x128xi32, #tpu.memory_space<vmem>> -> memref<128xi32, #tpu.memory_space<vmem>>
      %dma_wait3A_1642 = arith.constant 0 : i32
      %dma_wait3A_1643 = arith.constant 0 : i32
      %dma_wait3A_1644 = tpu.memref_slice %arg3[%dma_wait3A_1642, %dma_wait3A_1643] : memref<1000000x64xf32, #tpu.memory_space<hbm>> -> memref<1000000x64xf32, #tpu.memory_space<hbm>>
      tpu.wait_indirect_dma semaphore(%arg7 : memref<!tpu.dma_semaphore, #tpu.memory_space<semaphore_mem>>) src(%dma_wait3A_1644 : memref<1000000x64xf32, #tpu.memory_space<hbm>>) dst(%dma_wait3A_1638 : memref<128x64xf32, #tpu.memory_space<vmem>>)
      %dma_wait3A_1645 = arith.constant 0 : i32
      %dma_wait3A_1646 = arith.constant 0 : i32
      %dma_wait3A_1647 = arith.constant 0 : i32
      %dma_wait3A_1648 = arith.constant 0 : i32
      %dma_wait3A_1649 = arith.constant 0 : i32
      %dma_wait3A_1650 = tpu.memref_slice %arg6[%dma_wait3A_1647, %dma_wait3A_1648, %dma_wait3A_1649] : memref<2x128x64xf32, #tpu.memory_space<vmem>> -> memref<1x128x64xf32, #tpu.memory_space<vmem>>
      %dma_wait3A_1651 = tpu.memref_squeeze %dma_wait3A_1650 : memref<1x128x64xf32, #tpu.memory_space<vmem>> -> memref<128x64xf32, #tpu.memory_space<vmem>>
      %dma_wait3A_1652 = arith.constant 0 : i32
      %dma_wait3A_1653 = tpu.memref_slice %arg5[%dma_wait3A_1645, %dma_wait3A_1646, %dma_wait3A_1652] : memref<2x26x128xi32, #tpu.memory_space<vmem>> -> memref<1x1x128xi32, #tpu.memory_space<vmem>>
      %dma_wait3A_1654 = tpu.memref_squeeze %dma_wait3A_1653 : memref<1x1x128xi32, #tpu.memory_space<vmem>> -> memref<128xi32, #tpu.memory_space<vmem>>
      %dma_wait3A_1655 = arith.constant 0 : i32
      %dma_wait3A_1656 = arith.constant 0 : i32
      %dma_wait3A_1657 = tpu.memref_slice %arg3[%dma_wait3A_1655, %dma_wait3A_1656] : memref<1000000x64xf32, #tpu.memory_space<hbm>> -> memref<1000000x64xf32, #tpu.memory_space<hbm>>
      tpu.wait_indirect_dma semaphore(%arg7 : memref<!tpu.dma_semaphore, #tpu.memory_space<semaphore_mem>>) src(%dma_wait3A_1657 : memref<1000000x64xf32, #tpu.memory_space<hbm>>) dst(%dma_wait3A_1651 : memref<128x64xf32, #tpu.memory_space<vmem>>)
      %dma_wait3A_1658 = arith.constant 0 : i32
      %dma_wait3A_1659 = arith.constant 0 : i32
      %dma_wait3A_1660 = arith.constant 0 : i32
      %dma_wait3A_1661 = arith.constant 0 : i32
      %dma_wait3A_1662 = arith.constant 0 : i32
      %dma_wait3A_1663 = tpu.memref_slice %arg6[%dma_wait3A_1660, %dma_wait3A_1661, %dma_wait3A_1662] : memref<2x128x64xf32, #tpu.memory_space<vmem>> -> memref<1x128x64xf32, #tpu.memory_space<vmem>>
      %dma_wait3A_1664 = tpu.memref_squeeze %dma_wait3A_1663 : memref<1x128x64xf32, #tpu.memory_space<vmem>> -> memref<128x64xf32, #tpu.memory_space<vmem>>
      %dma_wait3A_1665 = arith.constant 0 : i32
      %dma_wait3A_1666 = tpu.memref_slice %arg5[%dma_wait3A_1658, %dma_wait3A_1659, %dma_wait3A_1665] : memref<2x26x128xi32, #tpu.memory_space<vmem>> -> memref<1x1x128xi32, #tpu.memory_space<vmem>>
      %dma_wait3A_1667 = tpu.memref_squeeze %dma_wait3A_1666 : memref<1x1x128xi32, #tpu.memory_space<vmem>> -> memref<128xi32, #tpu.memory_space<vmem>>
      %dma_wait3A_1668 = arith.constant 0 : i32
      %dma_wait3A_1669 = arith.constant 0 : i32
      %dma_wait3A_1670 = tpu.memref_slice %arg3[%dma_wait3A_1668, %dma_wait3A_1669] : memref<1000000x64xf32, #tpu.memory_space<hbm>> -> memref<1000000x64xf32, #tpu.memory_space<hbm>>
      tpu.wait_indirect_dma semaphore(%arg7 : memref<!tpu.dma_semaphore, #tpu.memory_space<semaphore_mem>>) src(%dma_wait3A_1670 : memref<1000000x64xf32, #tpu.memory_space<hbm>>) dst(%dma_wait3A_1664 : memref<128x64xf32, #tpu.memory_space<vmem>>)
      %dma_wait3A_1671 = arith.constant 0 : i32
      %dma_wait3A_1672 = arith.constant 0 : i32
      %dma_wait3A_1673 = arith.constant 0 : i32
      %dma_wait3A_1674 = arith.constant 0 : i32
      %dma_wait3A_1675 = arith.constant 0 : i32
      %dma_wait3A_1676 = tpu.memref_slice %arg6[%dma_wait3A_1673, %dma_wait3A_1674, %dma_wait3A_1675] : memref<2x128x64xf32, #tpu.memory_space<vmem>> -> memref<1x128x64xf32, #tpu.memory_space<vmem>>
      %dma_wait3A_1677 = tpu.memref_squeeze %dma_wait3A_1676 : memref<1x128x64xf32, #tpu.memory_space<vmem>> -> memref<128x64xf32, #tpu.memory_space<vmem>>
      %dma_wait3A_1678 = arith.constant 0 : i32
      %dma_wait3A_1679 = tpu.memref_slice %arg5[%dma_wait3A_1671, %dma_wait3A_1672, %dma_wait3A_1678] : memref<2x26x128xi32, #tpu.memory_space<vmem>> -> memref<1x1x128xi32, #tpu.memory_space<vmem>>
      %dma_wait3A_1680 = tpu.memref_squeeze %dma_wait3A_1679 : memref<1x1x128xi32, #tpu.memory_space<vmem>> -> memref<128xi32, #tpu.memory_space<vmem>>
      %dma_wait3A_1681 = arith.constant 0 : i32
      %dma_wait3A_1682 = arith.constant 0 : i32
      %dma_wait3A_1683 = tpu.memref_slice %arg3[%dma_wait3A_1681, %dma_wait3A_1682] : memref<1000000x64xf32, #tpu.memory_space<hbm>> -> memref<1000000x64xf32, #tpu.memory_space<hbm>>
      tpu.wait_indirect_dma semaphore(%arg7 : memref<!tpu.dma_semaphore, #tpu.memory_space<semaphore_mem>>) src(%dma_wait3A_1683 : memref<1000000x64xf32, #tpu.memory_space<hbm>>) dst(%dma_wait3A_1677 : memref<128x64xf32, #tpu.memory_space<vmem>>)
      %dma_wait3A_1684 = arith.constant 0 : i32
      %dma_wait3A_1685 = arith.constant 0 : i32
      %dma_wait3A_1686 = arith.constant 0 : i32
      %dma_wait3A_1687 = arith.constant 0 : i32
      %dma_wait3A_1688 = arith.constant 0 : i32
      %dma_wait3A_1689 = tpu.memref_slice %arg6[%dma_wait3A_1686, %dma_wait3A_1687, %dma_wait3A_1688] : memref<2x128x64xf32, #tpu.memory_space<vmem>> -> memref<1x128x64xf32, #tpu.memory_space<vmem>>
      %dma_wait3A_1690 = tpu.memref_squeeze %dma_wait3A_1689 : memref<1x128x64xf32, #tpu.memory_space<vmem>> -> memref<128x64xf32, #tpu.memory_space<vmem>>
      %dma_wait3A_1691 = arith.constant 0 : i32
      %dma_wait3A_1692 = tpu.memref_slice %arg5[%dma_wait3A_1684, %dma_wait3A_1685, %dma_wait3A_1691] : memref<2x26x128xi32, #tpu.memory_space<vmem>> -> memref<1x1x128xi32, #tpu.memory_space<vmem>>
      %dma_wait3A_1693 = tpu.memref_squeeze %dma_wait3A_1692 : memref<1x1x128xi32, #tpu.memory_space<vmem>> -> memref<128xi32, #tpu.memory_space<vmem>>
      %dma_wait3A_1694 = arith.constant 0 : i32
      %dma_wait3A_1695 = arith.constant 0 : i32
      %dma_wait3A_1696 = tpu.memref_slice %arg3[%dma_wait3A_1694, %dma_wait3A_1695] : memref<1000000x64xf32, #tpu.memory_space<hbm>> -> memref<1000000x64xf32, #tpu.memory_space<hbm>>
      tpu.wait_indirect_dma semaphore(%arg7 : memref<!tpu.dma_semaphore, #tpu.memory_space<semaphore_mem>>) src(%dma_wait3A_1696 : memref<1000000x64xf32, #tpu.memory_space<hbm>>) dst(%dma_wait3A_1690 : memref<128x64xf32, #tpu.memory_space<vmem>>)
      %dma_wait3A_1697 = arith.constant 0 : i32
      %dma_wait3A_1698 = arith.constant 0 : i32
      %dma_wait3A_1699 = arith.constant 0 : i32
      %dma_wait3A_1700 = arith.constant 0 : i32
      %dma_wait3A_1701 = arith.constant 0 : i32
      %dma_wait3A_1702 = tpu.memref_slice %arg6[%dma_wait3A_1699, %dma_wait3A_1700, %dma_wait3A_1701] : memref<2x128x64xf32, #tpu.memory_space<vmem>> -> memref<1x128x64xf32, #tpu.memory_space<vmem>>
      %dma_wait3A_1703 = tpu.memref_squeeze %dma_wait3A_1702 : memref<1x128x64xf32, #tpu.memory_space<vmem>> -> memref<128x64xf32, #tpu.memory_space<vmem>>
      %dma_wait3A_1704 = arith.constant 0 : i32
      %dma_wait3A_1705 = tpu.memref_slice %arg5[%dma_wait3A_1697, %dma_wait3A_1698, %dma_wait3A_1704] : memref<2x26x128xi32, #tpu.memory_space<vmem>> -> memref<1x1x128xi32, #tpu.memory_space<vmem>>
      %dma_wait3A_1706 = tpu.memref_squeeze %dma_wait3A_1705 : memref<1x1x128xi32, #tpu.memory_space<vmem>> -> memref<128xi32, #tpu.memory_space<vmem>>
      %dma_wait3A_1707 = arith.constant 0 : i32
      %dma_wait3A_1708 = arith.constant 0 : i32
      %dma_wait3A_1709 = tpu.memref_slice %arg3[%dma_wait3A_1707, %dma_wait3A_1708] : memref<1000000x64xf32, #tpu.memory_space<hbm>> -> memref<1000000x64xf32, #tpu.memory_space<hbm>>
      tpu.wait_indirect_dma semaphore(%arg7 : memref<!tpu.dma_semaphore, #tpu.memory_space<semaphore_mem>>) src(%dma_wait3A_1709 : memref<1000000x64xf32, #tpu.memory_space<hbm>>) dst(%dma_wait3A_1703 : memref<128x64xf32, #tpu.memory_space<vmem>>)
      %dma_wait3A_1710 = arith.constant 0 : i32
      %dma_wait3A_1711 = arith.constant 0 : i32
      %dma_wait3A_1712 = arith.constant 0 : i32
      %dma_wait3A_1713 = arith.constant 0 : i32
      %dma_wait3A_1714 = arith.constant 0 : i32
      %dma_wait3A_1715 = tpu.memref_slice %arg6[%dma_wait3A_1712, %dma_wait3A_1713, %dma_wait3A_1714] : memref<2x128x64xf32, #tpu.memory_space<vmem>> -> memref<1x128x64xf32, #tpu.memory_space<vmem>>
      %dma_wait3A_1716 = tpu.memref_squeeze %dma_wait3A_1715 : memref<1x128x64xf32, #tpu.memory_space<vmem>> -> memref<128x64xf32, #tpu.memory_space<vmem>>
      %dma_wait3A_1717 = arith.constant 0 : i32
      %dma_wait3A_1718 = tpu.memref_slice %arg5[%dma_wait3A_1710, %dma_wait3A_1711, %dma_wait3A_1717] : memref<2x26x128xi32, #tpu.memory_space<vmem>> -> memref<1x1x128xi32, #tpu.memory_space<vmem>>
      %dma_wait3A_1719 = tpu.memref_squeeze %dma_wait3A_1718 : memref<1x1x128xi32, #tpu.memory_space<vmem>> -> memref<128xi32, #tpu.memory_space<vmem>>
      %dma_wait3A_1720 = arith.constant 0 : i32
      %dma_wait3A_1721 = arith.constant 0 : i32
      %dma_wait3A_1722 = tpu.memref_slice %arg3[%dma_wait3A_1720, %dma_wait3A_1721] : memref<1000000x64xf32, #tpu.memory_space<hbm>> -> memref<1000000x64xf32, #tpu.memory_space<hbm>>
      tpu.wait_indirect_dma semaphore(%arg7 : memref<!tpu.dma_semaphore, #tpu.memory_space<semaphore_mem>>) src(%dma_wait3A_1722 : memref<1000000x64xf32, #tpu.memory_space<hbm>>) dst(%dma_wait3A_1716 : memref<128x64xf32, #tpu.memory_space<vmem>>)
      %mul3A_1723 = arith.constant 128 : i32
      %mul3A_1724 = arith.muli %add3A_1384, %mul3A_1723 : i32
      %run_scoped3A_1725 = arith.constant 0 : i32
      "tpu.region"() ({
        %run_scoped3A_1726 = tpu.sem_alloc : memref<!tpu.dma_semaphore, #tpu.memory_space<semaphore_mem>>
        %dma_start3A_1727 = arith.constant 0 : i32
        %dma_start3A_1728 = arith.constant 0 : i32
        %dma_start3A_1729 = tpu.memref_slice %arg6[%run_scoped3A_1725, %dma_start3A_1727, %dma_start3A_1728] : memref<2x128x64xf32, #tpu.memory_space<vmem>> -> memref<1x128x64xf32, #tpu.memory_space<vmem>>
        %dma_start3A_1730 = tpu.memref_squeeze %dma_start3A_1729 : memref<1x128x64xf32, #tpu.memory_space<vmem>> -> memref<128x64xf32, #tpu.memory_space<vmem>>
        %dma_start3A_1731 = arith.constant 0 : i32
        %dma_start3A_1732 = tpu.memref_slice %arg4[%mul3A_1724, %dma_start3A_1731] : memref<51200x64xf32, #tpu.memory_space<hbm>> -> memref<128x64xf32, #tpu.memory_space<hbm>>
        %dma_start3A_1733 = arith.constant 0 : i32
        %dma_start3A_1734 = tpu.memref_slice %arg4[%mul3A_1724, %dma_start3A_1733] : memref<51200x64xf32, #tpu.memory_space<hbm>> -> memref<128x64xf32, #tpu.memory_space<hbm>>
        %dma_start3A_1735 = arith.constant 0 : i32
        %dma_start3A_1736 = arith.constant 0 : i32
        %dma_start3A_1737 = tpu.memref_slice %arg6[%run_scoped3A_1725, %dma_start3A_1735, %dma_start3A_1736] : memref<2x128x64xf32, #tpu.memory_space<vmem>> -> memref<1x128x64xf32, #tpu.memory_space<vmem>>
        %dma_start3A_1738 = tpu.memref_squeeze %dma_start3A_1737 : memref<1x128x64xf32, #tpu.memory_space<vmem>> -> memref<128x64xf32, #tpu.memory_space<vmem>>
        tpu.enqueue_dma source(%dma_start3A_1738 : memref<128x64xf32, #tpu.memory_space<vmem>>) target(%dma_start3A_1734 : memref<128x64xf32, #tpu.memory_space<hbm>>) target_semaphore(%run_scoped3A_1726 : memref<!tpu.dma_semaphore, #tpu.memory_space<semaphore_mem>>)
        %dma_wait3A_1739 = arith.constant 0 : i32
        %dma_wait3A_1740 = arith.constant 0 : i32
        %dma_wait3A_1741 = tpu.memref_slice %arg6[%run_scoped3A_1725, %dma_wait3A_1739, %dma_wait3A_1740] : memref<2x128x64xf32, #tpu.memory_space<vmem>> -> memref<1x128x64xf32, #tpu.memory_space<vmem>>
        %dma_wait3A_1742 = tpu.memref_squeeze %dma_wait3A_1741 : memref<1x128x64xf32, #tpu.memory_space<vmem>> -> memref<128x64xf32, #tpu.memory_space<vmem>>
        %dma_wait3A_1743 = arith.constant 0 : i32
        %dma_wait3A_1744 = tpu.memref_slice %arg4[%mul3A_1724, %dma_wait3A_1743] : memref<51200x64xf32, #tpu.memory_space<hbm>> -> memref<128x64xf32, #tpu.memory_space<hbm>>
        %dma_wait3A_1745 = arith.constant 0 : i32
        %dma_wait3A_1746 = tpu.memref_slice %arg4[%mul3A_1724, %dma_wait3A_1745] : memref<51200x64xf32, #tpu.memory_space<hbm>> -> memref<128x64xf32, #tpu.memory_space<hbm>>
        %dma_wait3A_1747 = arith.constant 0 : i32
        %dma_wait3A_1748 = arith.constant 0 : i32
        %dma_wait3A_1749 = tpu.memref_slice %arg6[%run_scoped3A_1725, %dma_wait3A_1747, %dma_wait3A_1748] : memref<2x128x64xf32, #tpu.memory_space<vmem>> -> memref<1x128x64xf32, #tpu.memory_space<vmem>>
        %dma_wait3A_1750 = tpu.memref_squeeze %dma_wait3A_1749 : memref<1x128x64xf32, #tpu.memory_space<vmem>> -> memref<128x64xf32, #tpu.memory_space<vmem>>
        tpu.wait_dma2 semaphore(%run_scoped3A_1726 : memref<!tpu.dma_semaphore, #tpu.memory_space<semaphore_mem>>) src(%dma_wait3A_1750 : memref<128x64xf32, #tpu.memory_space<vmem>>) dst(%dma_wait3A_1746 : memref<128x64xf32, #tpu.memory_space<hbm>>)
        tpu.yield
      }) : () -> ()
    } else {
    }
    return
  }
}

</mosaic_0001>

<sc_bundles>
// kernel: kernel.3.cloned.1.call-start
scs
__scs_entry_jumppad:
0x0: {  	(pc) =	sbr.rel $0x88, $3  }
0x1: {  	(tag) =	ssettag $0x0;
	lr =	simm.s32 $0x1  }
0x2: {  	[smem:$0x3F9F] =	sst lr;
	_ =	strace $0xD0000000  }
0x3: {  	_ = 	snop  }
0x4: {  	_ = 	snop  }
0x5: {  	_ = 	snop  }
0x6: {  	_ = 	snop  }
0x7: {  	_ = 	snop  }
__scs_overlays_trampoline_lowered:
0x8: {  	[smem:$0x3FAE] =	sst s0  }
0x9: {  	[smem:$0x3FAF] =	sst s1  }
0xa: {  	[smem:$0x3FB0] =	sst s2  }
0xb: {  	[smem:$0x3FB1] =	sst s3  }
0xc: {  	[smem:$0x3FB2] =	sst s4  }
0xd: {  	[smem:$0x3FB3] =	sst s5  }
0xe: {  	[smem:$0x3FB4] =	sst s6  }
0xf: {  	[smem:$0x3FB5] =	sst s7  }
0x10: {  	[smem:$0x3FB6] =	sst s8  }
0x11: {  	[smem:$0x3FB7] =	sst s9;
	s0 =	simm.s32 @!p0 $0x0  }
0x12: {  	s1 =	sld [smem:$0x3F9D];
	s0 =	simm.s32 @p0 $0x1  }
0x13: {  	[smem:$0x3FB8] =	sst s0;
	s0 =	simm.s32 @!p1 $0x0  }
0x14: {  	s2 =	sld [smem:$0x3F9C];
	s0 =	simm.s32 @p1 $0x1  }
0x15: {  	[smem:$0x3FB9] =	sst s0;
	s0 =	simm.s32 @!p2 $0x0  }
0x16: {  	s3 =	sld [smem:$0x3FDB];
	s0 =	simm.s32 @p2 $0x1  }
0x17: {  	s4 =	simm.s32 $0x1BF5;
	[smem:$0x3FBB] =	sst s0  }
0x18: {  	s0 =	sld [smem:$0x3F9E];
	_ =	swait.ge [sflag:s4], $0x0  }
0x19: {  	s7 =	sld [smem:$0x3F9F]  }
0x1a: {  	s8 =	sadd.s32 $0xFFFFE003, lr  }
0x1b: {  	s9 =	sadd.s32 $0xFFFFFEF7, lr;
	s5 =	simm.s32 $0xFFFFFFFF;
	p2 =	slt.u32 s8, $0xFFFFF086  }
0x1c: {  	p1 =	slt.u32 s9, $0xF7A;
	s5 =	simm.s32 @!p2 $0x0  }
0x1d: {  	s5 =	simm.s32 @p1 $0x1;
	p0 =	seq.s32 s7, s2  }
0x1e: {  	s7 =	smul.u32 @!p0 $0xF7A, s2;
	p2 =	seq.s32 @!p0 s5, $0x0  }
0x1f: {  	s9 =	smul.u32 $0xF7A, s1;
	s8 =	simm.s32 @!p0 $0x1BF5;
	p2 =	por !p2, p0  }
0x20: {  	[sflag:s8] =	ssyncset.s32 @!p0 $0xFFFFF086;
	s6 =	sadd.s32 @!p0 s3, s7;
	s7 =	simm.s32 @!p0 $0x108  }
0x21: {  	s3 =	sadd.s32 s3, s9;
	s6 =	sadd.s32 @!p0 $0x88, s6;
	s7 =	simm.s32 @p2 $0x1082  }
0x22: {  	[simem:s7], [sflag:s8] =	dma.local @!p0 [hbm:s6], $0xF7A  }
0x23: {  	s9 =	sor.u32 $0xD0000000, s2;
	s6 =	simm.s32 $0x108;
	_ =	swait.ge @!p0 [sflag:s8], $0x0  }
0x24: {  	s3 =	sadd.s32 $0x88, s3;
	s6 =	simm.s32 @!p1 $0x1082;
	[sflag:s4] =	ssyncset.s32 $0xFFFFF086  }
0x25: {  	[simem:s6], [sflag:s4] =	dma.local [hbm:s3], $0xF7A  }
0x26: {  	[smem:$0x3F9F] =	sst s1;
	(tag) =	ssettag s2;
	_ =	strace s9  }
0x27: {  	s1 =	sld [smem:$0x3FAF]  }
0x28: {  	s2 =	sld [smem:$0x3FB0]  }
0x29: {  	s4 =	sld [smem:$0x3FB2]  }
0x2a: {  	p0 =	seq.s32 s5, $0x0;
	s5 =	sld [smem:$0x3FB3]  }
0x2b: {  	s6 =	sld [smem:$0x3FB4]  }
0x2c: {  	s7 =	sld [smem:$0x3FB5]  }
0x2d: {  	s3 =	simm.s32 $0x108;
	s8 =	sld [smem:$0x3FB6]  }
0x2e: {  	s3 =	simm.s32 @!p0 $0x1082;
	s9 =	sld [smem:$0x3FB7]  }
0x2f: {  	lr =	sadd.s32 s0, s3;
	s0 =	sld [smem:$0x3FAE]  }
0x30: {  	s3 =	sld [smem:$0x3FB1]  }
0x31: {  	[smem:$0x3FBA] =	sst s10  }
0x32: {  	s10 =	sld [smem:$0x3FB8];
	_ =	sdelay $0x3  }
0x33: {  	p0 =	seq.s32 s10, $0x1;
	s10 =	sld [smem:$0x3FBA];
	_ =	sdelay $0x3  }
0x34: {  	[smem:$0x3FBA] =	sst s10  }
0x35: {  	s10 =	sld [smem:$0x3FB9];
	_ =	sdelay $0x3  }
0x36: {  	p1 =	seq.s32 s10, $0x1;
	s10 =	sld [smem:$0x3FBA];
	_ =	sdelay $0x3  }
0x37: {  	[smem:$0x3FBA] =	sst s10  }
0x38: {  	s10 =	sld [smem:$0x3FBB]  }
0x39: {  	_ = 	snop;
	(pc) =	sbr.ind lr, $3  }
0x3a: {  	_ = 	snop  }
0x3b: {  	_ = 	snop  }
0x3c: {  	p2 =	seq.s32 s10, $0x1;
	s10 =	sld [smem:$0x3FBA]  }
0x3d: {  	_ =	shalt  }
0x3e: {  	_ =	shalt  }
0x3f: {  	_ =	shalt  }
0x40: {  	_ =	shalt  }
0x41: {  	_ =	shalt  }
0x42: {  	_ =	shalt  }
0x43: {  	_ =	shalt  }
0x44: {  	_ =	shalt  }
0x45: {  	_ =	shalt  }
0x46: {  	_ =	shalt  }
0x47: {  	_ =	shalt  }
0x48: {  	_ =	shalt  }
0x49: {  	_ =	shalt  }
0x4a: {  	_ =	shalt  }
0x4b: {  	_ =	shalt  }
0x4c: {  	_ =	shalt  }
0x4d: {  	_ =	shalt  }
0x4e: {  	_ =	shalt  }
0x4f: {  	_ =	shalt  }
0x50: {  	_ =	shalt  }
0x51: {  	_ =	shalt  }
0x52: {  	_ =	shalt  }
0x53: {  	_ =	shalt  }
0x54: {  	_ =	shalt  }
0x55: {  	_ =	shalt  }
0x56: {  	_ =	shalt  }
0x57: {  	_ =	shalt  }
0x58: {  	_ =	shalt  }
0x59: {  	_ =	shalt  }
0x5a: {  	_ =	shalt  }
0x5b: {  	_ =	shalt  }
0x5c: {  	_ =	shalt  }
0x5d: {  	_ =	shalt  }
0x5e: {  	_ =	shalt  }
0x5f: {  	_ =	shalt  }
0x60: {  	_ =	shalt  }
0x61: {  	_ =	shalt  }
0x62: {  	_ =	shalt  }
0x63: {  	_ =	shalt  }
0x64: {  	_ =	shalt  }
0x65: {  	_ =	shalt  }
0x66: {  	_ =	shalt  }
0x67: {  	_ =	shalt  }
0x68: {  	_ =	shalt  }
0x69: {  	_ =	shalt  }
0x6a: {  	_ =	shalt  }
0x6b: {  	_ =	shalt  }
0x6c: {  	_ =	shalt  }
0x6d: {  	_ =	shalt  }
0x6e: {  	_ =	shalt  }
0x6f: {  	_ =	shalt  }
0x70: {  	_ =	shalt  }
0x71: {  	_ =	shalt  }
0x72: {  	_ =	shalt  }
0x73: {  	_ =	shalt  }
0x74: {  	_ =	shalt  }
0x75: {  	_ =	shalt  }
0x76: {  	_ =	shalt  }
0x77: {  	_ =	shalt  }
0x78: {  	_ =	shalt  }
0x79: {  	_ =	shalt  }
0x7a: {  	_ =	shalt  }
0x7b: {  	_ =	shalt  }
0x7c: {  	_ =	shalt  }
0x7d: {  	_ =	shalt  }
0x7e: {  	_ =	shalt  }
0x7f: {  	_ =	shalt  }
0x80: {  	_ =	shalt  }
0x81: {  	_ =	shalt  }
0x82: {  	_ =	shalt  }
0x83: {  	_ =	shalt  }
0x84: {  	_ =	shalt  }
0x85: {  	_ =	shalt  }
0x86: {  	_ =	shalt  }
0x87: {  	_ =	shalt  }
.Lfunc_end0:
.L_simem_size_0:
called_computation_lowered:
.L_overlay_start_0:
0x88: {  	s2 =	sld [smem:$0x3FD9]  }
0x89: {  	s3 =	sld [smem:$0x3FFE];
	_ =	sdelay $0x1  }
0x8a: {  	s1 =	srdreg.scid  }
0x8b: {  	s0 =	sand.u32 $0x1, s1  }
0x8c: {  	s17 =	sshll.u32 s0, $0xA;
	s2 =	sadd.s32 s3, s2  }
0x8d: {  	s2 =	sadd.s32 s2, s17  }
0x8e: {  	[smem:$0x3FC6] =	sst s2  }
0x8f: {  	_ = 	snop  }
0x90: {  	s2 =	sld [smem:$0x3FD0];
	(tm) =	ssettm $0x1  }
0x91: {  	s18 =	sld [smem:$0x3FFB];
	_ =	sdelay $0x3  }
0x92: {  	_ =	strace s18  }
0x93: {  	s3 =	sld [smem:$0x3FFC];
	_ =	sdelay $0x3  }
0x94: {  	_ =	strace s3  }
0x95: {  	s3 =	sld [smem:$0x3FFD];
	_ =	sdelay $0x3  }
0x96: {  	_ =	strace s3  }
0x97: {  	_ =	strace $0x8FFFFFFF  }
0x98: {  	s19 =	sld [smem:$0x3FDB];
	_ =	sdelay $0x1  }
0x99: {  	s4 =	simm.s32 $_scs_section_size  }
0x9a: {  	s5 =	simm.s32 $_size__tile_overlayer_lowered;
	s6 =	simm.s32 $_tile_overlayer_lowered  }
0x9b: {  	s22 =	simm.s32 $0x1BFF;
	s21 =	sshll.u32 s6, $0x1;
	s3 =	sadd.s32 s4, s19  }
0x9c: {  	s7 =	simm.s32 $0x0;
	s20 =	sshll.u32 s5, $0x1;
	s5 =	sadd.s32 s21, s3  }
0x9d: {  	[timem:s7], [sflag:s22] =	dma.local [hbm:s5], s20  }
0x9e: {  	_ =	swait.ge [sflag:s22], s20  }
0x9f: {  	s4 =	ssub.s32 $0x0, s20;
	[sflag:s22] =	ssyncset.done $0x0  }
0xa0: {  	[sflag:s22] =	ssyncadd.s32 s4;
	_ =	sdelay $0x1  }
0xa1: {  	s23 =	simm.s32 $0x1B8B  }
0xa2: {  	_ =	swait.ge [sflag:s23], $0x1  }
0xa3: {  	[sflag:s23] =	ssyncset.done $0x0  }
0xa4: {  	s25 =	simm.s32 $0x1B8E;
	s24 =	sld [smem:$0x3FFE];
	[sflag:s23] =	ssyncadd.s32 $0xFFFFFFFF  }
0xa5: {  	s26 =	simm.s32 $execute0_lowered;
	[smem:$0x3FD2] =	sst s25  }
0xa6: {  	s5 =	sshll.u32 s26, $0x1;
	_ =	strace $0x80000046;
	[dreg:$0x1] =	wrdreg $0xFFFFFFFF  }
0xa7: {  	s28 =	simm.s32 $_size_execute0_lowered;
	s3 =	sadd.s32 s3, s5;
	[dreg:$0x0] =	wrdreg $0x0  }
0xa8: {  	s5 =	sshll.u32 s28, $0x1;
	[dreg:$0x2] =	wrdreg s3  }
0xa9: {  	[dreg:$0x3] =	wrdreg s5  }
0xaa: {  	[dreg:$0x4] =	wrdreg $0xC0  }
0xab: {  	_ =	task [dreg:s7], $0x5FFFF  }
0xac: {  	[dreg:$0x1] =	wrdreg $0xFFFFFFFF  }
0xad: {  	[dreg:$0x0] =	wrdreg $0x60  }
0xae: {  	[dreg:$0x2] =	wrdreg s24  }
0xaf: {  	[dreg:$0x3] =	wrdreg s2  }
0xb0: {  	[dreg:$0x4] =	wrdreg $0x9  }
0xb1: {  	_ =	task.clear_ibuf [dreg:s7], $0x5FFFF;
	_ =	strace $0x90000046  }
0xb2: {  	s29 =	simm.s32 $0x9;
	_ =	strace $0x80000048  }
0xb3: {  	_ =	swait.ge [sflag:s29], $0x1  }
0xb4: {  	[sflag:s29] =	ssyncadd.s32 $0xFFFFFFFF  }
0xb5: {  	_ =	strace $0x90000048  }
0xb6: {  	_ =	sfence  }
0xb7: {  	s30 =	sld [smem:$0x0];
	_ =	sdelay $0x2  }
0xb8: {  	s31 =	sshll.u32 s1, $0xD;
	s1 =	sshrl.u32 s1, $0x2  }
0xb9: {  	s3 =	sand.u32 $0x4000, s31;
	s1 =	sadd.s32 s1, s30  }
0xba: {  	s0 =	sor.u32 s3, s0;
	s1 =	sshll.u32 s1, $0x11  }
0xbb: {  	s0 =	sor.u32 s1, s0  }
0xbc: {  	s0 =	sadd.s32 $0x8F2B, s0  }
0xbd: {  	[sflag:s0] =	ssyncadd.remote.s32 $0x1  }
0xbe: {  	_ =	sfence.sel $0xFFFF  }
0xbf: {  	[dreg:$0x0] =	wrdreg $0xFFFFFFFF;
	(pc) =	sbr.abs _section_cstart, $3  }
0xc0: {  	[dreg:$0x1] =	wrdreg $0xFFFFFFFF  }
0xc1: {  	_ =	task.clear_ibuf [dreg:s7], $0x2FFFF;
	_ =	strace $0x9FFFFFFF  }
0xc2: {  	(tm) =	ssettm $0x7FFFFFFF  }
0xc3: {  	_ =	shalt  }
tec
execute0_lowered:
.L_overlay_start_1:
0x0: {  	(tag) =	ssettag $0x1  }
0x1: {  	s0 =	rddreg [dreg:$0x0]  }
0x2: {  	s2 =	rddreg [dreg:$0x1]  }
0x3: {  	s1 =	srdreg.scid;
	s11 =	stileid.u32  }
0x4: {  	s4 =	simm.s32 $0x0;
	s14 =	simm.s32 $0x3;
	s15 =	simm.s32 $0x80  }
0x5: {  	s16 =	simm.s32 $0x1A00;
	s17 =	simm.s32 $0xD00;
	s18 =	simm.s32 $0x3A00  }
0x6: {  	s30 =	simm.s32 $0x1280;
	s31 =	simm.s32 $0x1300;
	s19 =	simm.s32 $0x1400  }
0x7: {  	s20 =	simm.s32 $0x1500;
	s12 =	simm.s32 $0x1680;
	s13 =	simm.s32 $0x0  }
0x8: {  	s1 =	sand.u32 $0x1, s1;
	s3 =	sshll.u32 s11, $0x1;
	[smem:$0x7FF] =	sst s4  }
0x9: {  	s4 =	sadd.s32 $0x600, s0;
	s5 =	sadd.s32 $0xF42A00, s0;
	p0 =	sgt.u32 s11, $0x7  }
0xa: {  	s11 =	simm.s32 $0x2;
	s3 =	sor.u32 s1, s3;
	_ =	strace $0x80000047  }
0xb: {  	s1 =	ssub.s32 $0x2, s1;
	s6 =	smul.u32 $0x1A0, s3;
	s8 =	sor.u32 $0x160, s3  }
0xc: {  	s21 =	sshrl.u32 s1, $0x1;
	s10 =	smul.u32 $0xD00, s3;
	s7 =	sor.u32 $0x20, s3  }
0xd: {  	s24 =	sshll.u32 s3, $0xA;
	s9 =	smul.u32 $0x1A0, s8;
	s0 =	ssub.s32 s1, s21  }
0xe: {  	s1 =	sadd.s32 s24, s2;
	s26 =	sshll.u32 s8, $0xA;
	s21 =	simm.s32 $0x1600  }
0xf: {  	s8 =	simm.s32 $0x1880;
	s24 =	simm.s32 $0x1900;
	s22 =	sadd.s32 s4, s6  }
0x10: {  	s25 =	sshrl.u32 s10, $0x3;
	s28 =	sadd.s32 $0x50000, s1;
	[dreg:$0x3] =	wrdreg s22  }
0x11: {  	s29 =	sadd.s32 s2, s26;
	s1 =	sadd.s32 $0x60000, s1;
	[dreg:$0x5] =	wrdreg s28  }
0x12: {  	s0 =	smax.u32 s0, $0x1;
	s10 =	simm.s32 $0x1580;
	[dreg:$0x7] =	wrdreg s29  }
.Ltmp0:
0x13: {  	s6 =	simm.s32 $0x1780;
	[dreg:$0x8] =	wrdreg s1;
	(pc) =	sbr.rel .LBB2_1-.Ltmp0, $4  }
0x14: {  	s23 =	sadd.s32 s4, s9;
	s3 =	sadd.s32 s4, s25;
	[dreg:$0x9] =	wrdreg s0  }
0x15: {  	s0 =	simm.s32 $0x1380;
	s1 =	simm.s32 $0x1480;
	s22 =	simm.s32 $0x1700  }
0x16: {  	s9 =	simm.s32 $0x1980;
	[dreg:$0x4] =	wrdreg s23;
	s3 =	sadd.s32 $0x27000, s3  }
0x17: {  	v0 =	vimm.f32 $0.0e+00;
	s25 =	simm.s32 $0x1;
	s23 =	simm.s32 $0x1800;
	[dreg:$0x6] =	wrdreg s3  }
.LBB2_17:
0x18: {  	s13 =	sadd.s32 $0x1, s13;
	s3 =	rddreg [dreg:$0x9]  }
0x19: {  	p1 =	sne.s32 s13, s3  }
.Ltmp1:
0x1a: {  	_ = 	snop;
	(pc) =	sbr.rel @!p1 .LBB2_18-.Ltmp1, $1  }
0x1b: {  	_ =	sdelay $0x3  }
.LBB2_1:
0x1c: {  	[dreg:$0xa] =	wrdreg s13;
	s26 =	simm.s32 $0x100;
	s13 =	simm.s32 $0x0  }
.LBB2_2:
0x1d: {  	p1 =	sne.s32 s26, $0x7F00;
	[tilespmem:s13+$0x1A30] =	vst v0;
	s3 =	smov.u32 s26;
	s26 =	sadd.s32 $0x100, s26  }
.Ltmp2:
0x1e: {  	[tilespmem:s13+$0x1A20] =	vst v0;
	(pc) =	sbr.rel @p1 .LBB2_2-.Ltmp2, $3  }
0x1f: {  	[tilespmem:s13+$0x1A00] =	vst v0  }
0x20: {  	[tilespmem:s13+$0x1A10] =	vst v0;
	_ =	sdelay $0x1  }
0x21: {  	s13 =	sshra.s32 s3, $0x2  }
0x22: {  	[tilespmem:s13+$0x1A30] =	vst v0  }
0x23: {  	[tilespmem:s13+$0x1A20] =	vst v0  }
0x24: {  	[tilespmem:s13+$0x1A00] =	vst v0  }
0x25: {  	[tilespmem:s13+$0x1A10] =	vst v0;
	s26 =	simm.s32 $0x0;
	s3 =	rddreg [dreg:$0x3]  }
0x26: {  	[tilespmem:s26], [sflag:$0x3] =	stream.linear.gather [hbm4b:s3+s26], $0xD00, $0x38;
	[tilespmem:$0x5A00] =	vst v63  }
0x27: {  	_ =	swait.ge [sflag:s14], $0xD00  }
0x28: {  	[sflag:s14] =	ssyncset.done $0x0  }
0x29: {  	[sflag:s14] =	ssyncadd.s32 $0xFFFFF300  }
0x2a: {  	[tilespmem:s16], [sflag:$0x1] =	stream.indirect.gather.add.f32 [hbm:s5], $0x40, s26, s15, $0xb8;
	[tilespmem:$0x5A00] =	vst v63  }
0x2b: {  	_ = 	snop  }
0x2c: {  	[tilespmem:s16], [sflag:$0x1] =	stream.indirect.gather.add.f32 [hbm:s5], $0x40, s15, s15, $0xb8;
	[tilespmem:$0x5A00] =	vst v63  }
0x2d: {  	s13 =	simm.s32 $0x100  }
0x2e: {  	[tilespmem:s16], [sflag:$0x1] =	stream.indirect.gather.add.f32 [hbm:s5], $0x40, s13, s15, $0xb8;
	[tilespmem:$0x5A00] =	vst v63  }
0x2f: {  	s28 =	simm.s32 $0x180  }
0x30: {  	[tilespmem:s16], [sflag:$0x1] =	stream.indirect.gather.add.f32 [hbm:s5], $0x40, s28, s15, $0xb8;
	[tilespmem:$0x5A00] =	vst v63  }
0x31: {  	s29 =	simm.s32 $0x200  }
0x32: {  	[tilespmem:s16], [sflag:$0x1] =	stream.indirect.gather.add.f32 [hbm:s5], $0x40, s29, s15, $0xb8;
	[tilespmem:$0x5A00] =	vst v63  }
0x33: {  	s13 =	simm.s32 $0x280  }
0x34: {  	[tilespmem:s16], [sflag:$0x1] =	stream.indirect.gather.add.f32 [hbm:s5], $0x40, s13, s15, $0xb8;
	[tilespmem:$0x5A00] =	vst v63  }
0x35: {  	s28 =	simm.s32 $0x300  }
0x36: {  	[tilespmem:s16], [sflag:$0x1] =	stream.indirect.gather.add.f32 [hbm:s5], $0x40, s28, s15, $0xb8;
	[tilespmem:$0x5A00] =	vst v63  }
0x37: {  	s29 =	simm.s32 $0x380  }
0x38: {  	[tilespmem:s16], [sflag:$0x1] =	stream.indirect.gather.add.f32 [hbm:s5], $0x40, s29, s15, $0xb8;
	[tilespmem:$0x5A00] =	vst v63  }
0x39: {  	s13 =	simm.s32 $0x400  }
0x3a: {  	[tilespmem:s16], [sflag:$0x1] =	stream.indirect.gather.add.f32 [hbm:s5], $0x40, s13, s15, $0xb8;
	[tilespmem:$0x5A00] =	vst v63  }
0x3b: {  	s28 =	simm.s32 $0x480  }
0x3c: {  	[tilespmem:s16], [sflag:$0x1] =	stream.indirect.gather.add.f32 [hbm:s5], $0x40, s28, s15, $0xb8;
	[tilespmem:$0x5A00] =	vst v63  }
0x3d: {  	s29 =	simm.s32 $0x500  }
0x3e: {  	[tilespmem:s16], [sflag:$0x1] =	stream.indirect.gather.add.f32 [hbm:s5], $0x40, s29, s15, $0xb8;
	[tilespmem:$0x5A00] =	vst v63  }
0x3f: {  	s13 =	simm.s32 $0x580  }
0x40: {  	[tilespmem:s16], [sflag:$0x1] =	stream.indirect.gather.add.f32 [hbm:s5], $0x40, s13, s15, $0xb8;
	[tilespmem:$0x5A00] =	vst v63  }
0x41: {  	s28 =	simm.s32 $0x600  }
0x42: {  	[tilespmem:s16], [sflag:$0x1] =	stream.indirect.gather.add.f32 [hbm:s5], $0x40, s28, s15, $0xb8;
	[tilespmem:$0x5A00] =	vst v63  }
0x43: {  	s29 =	simm.s32 $0x680  }
0x44: {  	[tilespmem:s16], [sflag:$0x1] =	stream.indirect.gather.add.f32 [hbm:s5], $0x40, s29, s15, $0xb8;
	[tilespmem:$0x5A00] =	vst v63  }
0x45: {  	s13 =	simm.s32 $0x700  }
0x46: {  	[tilespmem:s16], [sflag:$0x1] =	stream.indirect.gather.add.f32 [hbm:s5], $0x40, s13, s15, $0xb8;
	[tilespmem:$0x5A00] =	vst v63  }
0x47: {  	s28 =	simm.s32 $0x780  }
0x48: {  	[tilespmem:s16], [sflag:$0x1] =	stream.indirect.gather.add.f32 [hbm:s5], $0x40, s28, s15, $0xb8;
	[tilespmem:$0x5A00] =	vst v63  }
0x49: {  	s29 =	simm.s32 $0x800  }
0x4a: {  	[tilespmem:s16], [sflag:$0x1] =	stream.indirect.gather.add.f32 [hbm:s5], $0x40, s29, s15, $0xb8;
	[tilespmem:$0x5A00] =	vst v63  }
0x4b: {  	s13 =	simm.s32 $0x880  }
0x4c: {  	[tilespmem:s16], [sflag:$0x1] =	stream.indirect.gather.add.f32 [hbm:s5], $0x40, s13, s15, $0xb8;
	[tilespmem:$0x5A00] =	vst v63  }
0x4d: {  	s28 =	simm.s32 $0x900  }
0x4e: {  	[tilespmem:s16], [sflag:$0x1] =	stream.indirect.gather.add.f32 [hbm:s5], $0x40, s28, s15, $0xb8;
	[tilespmem:$0x5A00] =	vst v63  }
0x4f: {  	s29 =	simm.s32 $0x980  }
0x50: {  	[tilespmem:s16], [sflag:$0x1] =	stream.indirect.gather.add.f32 [hbm:s5], $0x40, s29, s15, $0xb8;
	[tilespmem:$0x5A00] =	vst v63  }
0x51: {  	s13 =	simm.s32 $0xA00  }
0x52: {  	[tilespmem:s16], [sflag:$0x1] =	stream.indirect.gather.add.f32 [hbm:s5], $0x40, s13, s15, $0xb8;
	[tilespmem:$0x5A00] =	vst v63  }
0x53: {  	s28 =	simm.s32 $0xA80  }
0x54: {  	[tilespmem:s16], [sflag:$0x1] =	stream.indirect.gather.add.f32 [hbm:s5], $0x40, s28, s15, $0xb8;
	[tilespmem:$0x5A00] =	vst v63  }
0x55: {  	s29 =	simm.s32 $0xB00  }
0x56: {  	[tilespmem:s16], [sflag:$0x1] =	stream.indirect.gather.add.f32 [hbm:s5], $0x40, s29, s15, $0xb8;
	[tilespmem:$0x5A00] =	vst v63  }
0x57: {  	s13 =	simm.s32 $0xB80  }
0x58: {  	[tilespmem:s16], [sflag:$0x1] =	stream.indirect.gather.add.f32 [hbm:s5], $0x40, s13, s15, $0xb8;
	[tilespmem:$0x5A00] =	vst v63  }
0x59: {  	s28 =	simm.s32 $0xC00  }
0x5a: {  	[tilespmem:s16], [sflag:$0x1] =	stream.indirect.gather.add.f32 [hbm:s5], $0x40, s28, s15, $0xb8;
	[tilespmem:$0x5A00] =	vst v63  }
0x5b: {  	s29 =	simm.s32 $0xC80  }
0x5c: {  	[tilespmem:s16], [sflag:$0x1] =	stream.indirect.gather.add.f32 [hbm:s5], $0x40, s29, s15, $0xb8;
	[tilespmem:$0x5A00] =	vst v63  }
.LBB2_4:
0x5d: {  	s13 =	simm.s32 $0x100;
	s28 =	simm.s32 $0x0  }
.LBB2_5:
0x5e: {  	p1 =	sne.s32 s13, $0x7F00;
	[tilespmem:s28+$0x3A30] =	vst v0;
	s3 =	smov.u32 s13;
	s13 =	sadd.s32 $0x100, s13  }
.Ltmp3:
0x5f: {  	[tilespmem:s28+$0x3A20] =	vst v0;
	(pc) =	sbr.rel @p1 .LBB2_5-.Ltmp3, $3  }
0x60: {  	[tilespmem:s28+$0x3A00] =	vst v0  }
0x61: {  	[tilespmem:s28+$0x3A10] =	vst v0;
	_ =	sdelay $0x1  }
0x62: {  	s28 =	sshra.s32 s3, $0x2  }
0x63: {  	s3 =	sshll.u32 s26, $0x6  }
0x64: {  	[tilespmem:s28+$0x3A30] =	vst v0;
	s13 =	sor.u32 s7, s3  }
0x65: {  	[tilespmem:s28+$0x3A20] =	vst v0;
	s3 =	smul.u32 $0x1A0, s13  }
0x66: {  	[tilespmem:s28+$0x3A00] =	vst v0  }
0x67: {  	[tilespmem:s28+$0x3A10] =	vst v0;
	s28 =	simm.s32 $0x0;
	s3 =	sadd.s32 s4, s3  }
0x68: {  	[tilespmem:s17], [sflag:$0x3] =	stream.linear.gather [hbm4b:s3+s28], $0xD00, $0x38;
	[tilespmem:$0x5A00] =	vst v63  }
0x69: {  	_ =	swait.ge [sflag:s14], $0xD00  }
0x6a: {  	[sflag:s14] =	ssyncset.done $0x0  }
0x6b: {  	[sflag:s14] =	ssyncadd.s32 $0xFFFFF300  }
0x6c: {  	[tilespmem:s18], [sflag:$0x2] =	stream.indirect.gather.add.f32 [hbm:s5], $0x40, s17, s15, $0xb8;
	[tilespmem:$0x5A00] =	vst v63  }
0x6d: {  	s29 =	simm.s32 $0xD80  }
0x6e: {  	[tilespmem:s18], [sflag:$0x2] =	stream.indirect.gather.add.f32 [hbm:s5], $0x40, s29, s15, $0xb8;
	[tilespmem:$0x5A00] =	vst v63  }
0x6f: {  	s29 =	simm.s32 $0xE00  }
0x70: {  	[tilespmem:s18], [sflag:$0x2] =	stream.indirect.gather.add.f32 [hbm:s5], $0x40, s29, s15, $0xb8;
	[tilespmem:$0x5A00] =	vst v63  }
0x71: {  	s29 =	simm.s32 $0xE80  }
0x72: {  	[tilespmem:s18], [sflag:$0x2] =	stream.indirect.gather.add.f32 [hbm:s5], $0x40, s29, s15, $0xb8;
	[tilespmem:$0x5A00] =	vst v63  }
0x73: {  	s29 =	simm.s32 $0xF00  }
0x74: {  	[tilespmem:s18], [sflag:$0x2] =	stream.indirect.gather.add.f32 [hbm:s5], $0x40, s29, s15, $0xb8;
	[tilespmem:$0x5A00] =	vst v63  }
0x75: {  	s29 =	simm.s32 $0xF80  }
0x76: {  	[tilespmem:s18], [sflag:$0x2] =	stream.indirect.gather.add.f32 [hbm:s5], $0x40, s29, s15, $0xb8;
	[tilespmem:$0x5A00] =	vst v63  }
0x77: {  	s29 =	simm.s32 $0x1000  }
0x78: {  	[tilespmem:s18], [sflag:$0x2] =	stream.indirect.gather.add.f32 [hbm:s5], $0x40, s29, s15, $0xb8;
	[tilespmem:$0x5A00] =	vst v63  }
0x79: {  	s29 =	simm.s32 $0x1080  }
0x7a: {  	[tilespmem:s18], [sflag:$0x2] =	stream.indirect.gather.add.f32 [hbm:s5], $0x40, s29, s15, $0xb8;
	[tilespmem:$0x5A00] =	vst v63  }
0x7b: {  	s29 =	simm.s32 $0x1100  }
0x7c: {  	[tilespmem:s18], [sflag:$0x2] =	stream.indirect.gather.add.f32 [hbm:s5], $0x40, s29, s15, $0xb8;
	[tilespmem:$0x5A00] =	vst v63  }
0x7d: {  	s29 =	simm.s32 $0x1180  }
0x7e: {  	[tilespmem:s18], [sflag:$0x2] =	stream.indirect.gather.add.f32 [hbm:s5], $0x40, s29, s15, $0xb8;
	[tilespmem:$0x5A00] =	vst v63  }
0x7f: {  	s29 =	simm.s32 $0x1200  }
0x80: {  	[tilespmem:s18], [sflag:$0x2] =	stream.indirect.gather.add.f32 [hbm:s5], $0x40, s29, s15, $0xb8;
	[tilespmem:$0x5A00] =	vst v63  }
0x81: {  	_ = 	snop  }
0x82: {  	[tilespmem:s18], [sflag:$0x2] =	stream.indirect.gather.add.f32 [hbm:s5], $0x40, s30, s15, $0xb8;
	[tilespmem:$0x5A00] =	vst v63  }
0x83: {  	_ = 	snop  }
0x84: {  	[tilespmem:s18], [sflag:$0x2] =	stream.indirect.gather.add.f32 [hbm:s5], $0x40, s31, s15, $0xb8;
	[tilespmem:$0x5A00] =	vst v63  }
0x85: {  	_ = 	snop  }
0x86: {  	[tilespmem:s18], [sflag:$0x2] =	stream.indirect.gather.add.f32 [hbm:s5], $0x40, s0, s15, $0xb8;
	[tilespmem:$0x5A00] =	vst v63  }
0x87: {  	_ = 	snop  }
0x88: {  	[tilespmem:s18], [sflag:$0x2] =	stream.indirect.gather.add.f32 [hbm:s5], $0x40, s19, s15, $0xb8;
	[tilespmem:$0x5A00] =	vst v63  }
0x89: {  	_ = 	snop  }
0x8a: {  	[tilespmem:s18], [sflag:$0x2] =	stream.indirect.gather.add.f32 [hbm:s5], $0x40, s1, s15, $0xb8;
	[tilespmem:$0x5A00] =	vst v63  }
0x8b: {  	_ = 	snop  }
0x8c: {  	[tilespmem:s18], [sflag:$0x2] =	stream.indirect.gather.add.f32 [hbm:s5], $0x40, s20, s15, $0xb8;
	[tilespmem:$0x5A00] =	vst v63  }
0x8d: {  	_ = 	snop  }
0x8e: {  	[tilespmem:s18], [sflag:$0x2] =	stream.indirect.gather.add.f32 [hbm:s5], $0x40, s10, s15, $0xb8;
	[tilespmem:$0x5A00] =	vst v63  }
0x8f: {  	_ = 	snop  }
0x90: {  	[tilespmem:s18], [sflag:$0x2] =	stream.indirect.gather.add.f32 [hbm:s5], $0x40, s21, s15, $0xb8;
	[tilespmem:$0x5A00] =	vst v63  }
0x91: {  	_ = 	snop  }
0x92: {  	[tilespmem:s18], [sflag:$0x2] =	stream.indirect.gather.add.f32 [hbm:s5], $0x40, s12, s15, $0xb8;
	[tilespmem:$0x5A00] =	vst v63  }
0x93: {  	_ = 	snop  }
0x94: {  	[tilespmem:s18], [sflag:$0x2] =	stream.indirect.gather.add.f32 [hbm:s5], $0x40, s22, s15, $0xb8;
	[tilespmem:$0x5A00] =	vst v63  }
0x95: {  	_ = 	snop  }
0x96: {  	[tilespmem:s18], [sflag:$0x2] =	stream.indirect.gather.add.f32 [hbm:s5], $0x40, s6, s15, $0xb8;
	[tilespmem:$0x5A00] =	vst v63  }
0x97: {  	_ = 	snop  }
0x98: {  	[tilespmem:s18], [sflag:$0x2] =	stream.indirect.gather.add.f32 [hbm:s5], $0x40, s23, s15, $0xb8;
	[tilespmem:$0x5A00] =	vst v63  }
0x99: {  	_ = 	snop  }
0x9a: {  	[tilespmem:s18], [sflag:$0x2] =	stream.indirect.gather.add.f32 [hbm:s5], $0x40, s8, s15, $0xb8;
	[tilespmem:$0x5A00] =	vst v63  }
0x9b: {  	_ = 	snop  }
0x9c: {  	[tilespmem:s18], [sflag:$0x2] =	stream.indirect.gather.add.f32 [hbm:s5], $0x40, s24, s15, $0xb8;
	[tilespmem:$0x5A00] =	vst v63  }
0x9d: {  	_ = 	snop  }
0x9e: {  	[tilespmem:s18], [sflag:$0x2] =	stream.indirect.gather.add.f32 [hbm:s5], $0x40, s9, s15, $0xb8;
	[tilespmem:$0x5A00] =	vst v63  }
0x9f: {  	_ =	swait.ge [sflag:s25], $0x2000  }
0xa0: {  	[sflag:s25] =	ssyncset.done $0x0  }
0xa1: {  	[sflag:s25] =	ssyncadd.s32 $0xFFFFE000  }
0xa2: {  	_ =	swait.ge [sflag:s25], $0x2000  }
0xa3: {  	[sflag:s25] =	ssyncset.done $0x0  }
0xa4: {  	[sflag:s25] =	ssyncadd.s32 $0xFFFFE000  }
0xa5: {  	_ =	swait.ge [sflag:s25], $0x2000  }
0xa6: {  	[sflag:s25] =	ssyncset.done $0x0  }
0xa7: {  	[sflag:s25] =	ssyncadd.s32 $0xFFFFE000  }
0xa8: {  	_ =	swait.ge [sflag:s25], $0x2000  }
0xa9: {  	[sflag:s25] =	ssyncset.done $0x0  }
0xaa: {  	[sflag:s25] =	ssyncadd.s32 $0xFFFFE000  }
0xab: {  	_ =	swait.ge [sflag:s25], $0x2000  }
0xac: {  	[sflag:s25] =	ssyncset.done $0x0  }
0xad: {  	[sflag:s25] =	ssyncadd.s32 $0xFFFFE000  }
0xae: {  	_ =	swait.ge [sflag:s25], $0x2000  }
0xaf: {  	[sflag:s25] =	ssyncset.done $0x0  }
0xb0: {  	[sflag:s25] =	ssyncadd.s32 $0xFFFFE000  }
0xb1: {  	_ =	swait.ge [sflag:s25], $0x2000  }
0xb2: {  	[sflag:s25] =	ssyncset.done $0x0  }
0xb3: {  	[sflag:s25] =	ssyncadd.s32 $0xFFFFE000  }
0xb4: {  	_ =	swait.ge [sflag:s25], $0x2000  }
0xb5: {  	[sflag:s25] =	ssyncset.done $0x0  }
0xb6: {  	[sflag:s25] =	ssyncadd.s32 $0xFFFFE000  }
0xb7: {  	_ =	swait.ge [sflag:s25], $0x2000  }
0xb8: {  	[sflag:s25] =	ssyncset.done $0x0  }
0xb9: {  	[sflag:s25] =	ssyncadd.s32 $0xFFFFE000  }
0xba: {  	_ =	swait.ge [sflag:s25], $0x2000  }
0xbb: {  	[sflag:s25] =	ssyncset.done $0x0  }
0xbc: {  	[sflag:s25] =	ssyncadd.s32 $0xFFFFE000  }
0xbd: {  	_ =	swait.ge [sflag:s25], $0x2000  }
0xbe: {  	[sflag:s25] =	ssyncset.done $0x0  }
0xbf: {  	[sflag:s25] =	ssyncadd.s32 $0xFFFFE000  }
0xc0: {  	_ =	swait.ge [sflag:s25], $0x2000  }
0xc1: {  	[sflag:s25] =	ssyncset.done $0x0  }
0xc2: {  	[sflag:s25] =	ssyncadd.s32 $0xFFFFE000  }
0xc3: {  	_ =	swait.ge [sflag:s25], $0x2000  }
0xc4: {  	[sflag:s25] =	ssyncset.done $0x0  }
0xc5: {  	[sflag:s25] =	ssyncadd.s32 $0xFFFFE000  }
0xc6: {  	_ =	swait.ge [sflag:s25], $0x2000  }
0xc7: {  	[sflag:s25] =	ssyncset.done $0x0  }
0xc8: {  	[sflag:s25] =	ssyncadd.s32 $0xFFFFE000  }
0xc9: {  	_ =	swait.ge [sflag:s25], $0x2000  }
0xca: {  	[sflag:s25] =	ssyncset.done $0x0  }
0xcb: {  	[sflag:s25] =	ssyncadd.s32 $0xFFFFE000  }
0xcc: {  	_ =	swait.ge [sflag:s25], $0x2000  }
0xcd: {  	[sflag:s25] =	ssyncset.done $0x0  }
0xce: {  	[sflag:s25] =	ssyncadd.s32 $0xFFFFE000  }
0xcf: {  	_ =	swait.ge [sflag:s25], $0x2000  }
0xd0: {  	[sflag:s25] =	ssyncset.done $0x0  }
0xd1: {  	[sflag:s25] =	ssyncadd.s32 $0xFFFFE000  }
0xd2: {  	_ =	swait.ge [sflag:s25], $0x2000  }
0xd3: {  	[sflag:s25] =	ssyncset.done $0x0  }
0xd4: {  	[sflag:s25] =	ssyncadd.s32 $0xFFFFE000  }
0xd5: {  	_ =	swait.ge [sflag:s25], $0x2000  }
0xd6: {  	[sflag:s25] =	ssyncset.done $0x0  }
0xd7: {  	[sflag:s25] =	ssyncadd.s32 $0xFFFFE000  }
0xd8: {  	_ =	swait.ge [sflag:s25], $0x2000  }
0xd9: {  	[sflag:s25] =	ssyncset.done $0x0  }
0xda: {  	[sflag:s25] =	ssyncadd.s32 $0xFFFFE000  }
0xdb: {  	_ =	swait.ge [sflag:s25], $0x2000  }
0xdc: {  	[sflag:s25] =	ssyncset.done $0x0  }
0xdd: {  	[sflag:s25] =	ssyncadd.s32 $0xFFFFE000  }
0xde: {  	_ =	swait.ge [sflag:s25], $0x2000  }
0xdf: {  	[sflag:s25] =	ssyncset.done $0x0  }
0xe0: {  	[sflag:s25] =	ssyncadd.s32 $0xFFFFE000  }
0xe1: {  	_ =	swait.ge [sflag:s25], $0x2000  }
0xe2: {  	[sflag:s25] =	ssyncset.done $0x0  }
0xe3: {  	[sflag:s25] =	ssyncadd.s32 $0xFFFFE000  }
0xe4: {  	_ =	swait.ge [sflag:s25], $0x2000  }
0xe5: {  	[sflag:s25] =	ssyncset.done $0x0  }
0xe6: {  	[sflag:s25] =	ssyncadd.s32 $0xFFFFE000  }
0xe7: {  	_ =	swait.ge [sflag:s25], $0x2000  }
0xe8: {  	[sflag:s25] =	ssyncset.done $0x0  }
0xe9: {  	s29 =	sshll.u32 s13, $0xD;
	[sflag:s25] =	ssyncadd.s32 $0xFFFFE000  }
0xea: {  	s3 =	sadd.s32 $0xFFFC0000, s29;
	_ =	swait.ge [sflag:s25], $0x2000  }
0xeb: {  	s3 =	sshrl.u32 s3, $0x3;
	[sflag:s25] =	ssyncset.done $0x0  }
0xec: {  	s3 =	sadd.s32 s2, s3;
	[sflag:s25] =	ssyncadd.s32 $0xFFFFE000  }
0xed: {  	[hbm4b:s3+s28] =	stream.linear.scatter [tilespmem:s16], [sflag:$0x3], $0x2000, $0x38;
	[tilespmem:$0x5A00] =	vst v63  }
0xee: {  	_ =	swait.ge [sflag:s14], $0x2000  }
0xef: {  	[sflag:s14] =	ssyncset.done $0x0  }
0xf0: {  	s3 =	simm.s32 $0x100;
	s28 =	simm.s32 $0x0;
	[sflag:s14] =	ssyncadd.s32 $0xFFFFE000  }
.LBB2_7:
0xf1: {  	p1 =	sne.s32 s3, $0x7F00;
	[tilespmem:s28+$0x1A30] =	vst v0;
	s29 =	smov.u32 s3;
	s3 =	sadd.s32 $0x100, s3  }
.Ltmp4:
0xf2: {  	[tilespmem:s28+$0x1A20] =	vst v0;
	(pc) =	sbr.rel @p1 .LBB2_7-.Ltmp4, $3  }
0xf3: {  	[tilespmem:s28+$0x1A00] =	vst v0  }
0xf4: {  	[tilespmem:s28+$0x1A10] =	vst v0;
	_ =	sdelay $0x1  }
0xf5: {  	s28 =	sshra.s32 s29, $0x2  }
0xf6: {  	s3 =	smul.u32 $0xD00, s13  }
0xf7: {  	[tilespmem:s28+$0x1A30] =	vst v0  }
0xf8: {  	[tilespmem:s28+$0x1A20] =	vst v0;
	s3 =	sshrl.u32 s3, $0x3  }
0xf9: {  	[tilespmem:s28+$0x1A00] =	vst v0;
	s3 =	sadd.s32 s4, s3  }
0xfa: {  	[tilespmem:s28+$0x1A10] =	vst v0;
	s28 =	simm.s32 $0x0;
	s3 =	sadd.s32 $0x3400, s3  }
0xfb: {  	[tilespmem:s28], [sflag:$0x3] =	stream.linear.gather [hbm4b:s3+s28], $0xD00, $0x38;
	[tilespmem:$0x5A00] =	vst v63  }
0xfc: {  	_ =	swait.ge [sflag:s14], $0xD00  }
0xfd: {  	[sflag:s14] =	ssyncset.done $0x0  }
0xfe: {  	[sflag:s14] =	ssyncadd.s32 $0xFFFFF300  }
0xff: {  	[tilespmem:s16], [sflag:$0x1] =	stream.indirect.gather.add.f32 [hbm:s5], $0x40, s28, s15, $0xb8;
	[tilespmem:$0x5A00] =	vst v63  }
0x100: {  	_ = 	snop  }
0x101: {  	[tilespmem:s16], [sflag:$0x1] =	stream.indirect.gather.add.f32 [hbm:s5], $0x40, s15, s15, $0xb8;
	[tilespmem:$0x5A00] =	vst v63  }
0x102: {  	s29 =	simm.s32 $0x100  }
0x103: {  	[tilespmem:s16], [sflag:$0x1] =	stream.indirect.gather.add.f32 [hbm:s5], $0x40, s29, s15, $0xb8;
	[tilespmem:$0x5A00] =	vst v63  }
0x104: {  	s29 =	simm.s32 $0x180  }
0x105: {  	[tilespmem:s16], [sflag:$0x1] =	stream.indirect.gather.add.f32 [hbm:s5], $0x40, s29, s15, $0xb8;
	[tilespmem:$0x5A00] =	vst v63  }
0x106: {  	s29 =	simm.s32 $0x200  }
0x107: {  	[tilespmem:s16], [sflag:$0x1] =	stream.indirect.gather.add.f32 [hbm:s5], $0x40, s29, s15, $0xb8;
	[tilespmem:$0x5A00] =	vst v63  }
0x108: {  	s29 =	simm.s32 $0x280  }
0x109: {  	[tilespmem:s16], [sflag:$0x1] =	stream.indirect.gather.add.f32 [hbm:s5], $0x40, s29, s15, $0xb8;
	[tilespmem:$0x5A00] =	vst v63  }
0x10a: {  	s29 =	simm.s32 $0x300  }
0x10b: {  	[tilespmem:s16], [sflag:$0x1] =	stream.indirect.gather.add.f32 [hbm:s5], $0x40, s29, s15, $0xb8;
	[tilespmem:$0x5A00] =	vst v63  }
0x10c: {  	s29 =	simm.s32 $0x380  }
0x10d: {  	[tilespmem:s16], [sflag:$0x1] =	stream.indirect.gather.add.f32 [hbm:s5], $0x40, s29, s15, $0xb8;
	[tilespmem:$0x5A00] =	vst v63  }
0x10e: {  	s29 =	simm.s32 $0x400  }
0x10f: {  	[tilespmem:s16], [sflag:$0x1] =	stream.indirect.gather.add.f32 [hbm:s5], $0x40, s29, s15, $0xb8;
	[tilespmem:$0x5A00] =	vst v63  }
0x110: {  	s29 =	simm.s32 $0x480  }
0x111: {  	[tilespmem:s16], [sflag:$0x1] =	stream.indirect.gather.add.f32 [hbm:s5], $0x40, s29, s15, $0xb8;
	[tilespmem:$0x5A00] =	vst v63  }
0x112: {  	s29 =	simm.s32 $0x500  }
0x113: {  	[tilespmem:s16], [sflag:$0x1] =	stream.indirect.gather.add.f32 [hbm:s5], $0x40, s29, s15, $0xb8;
	[tilespmem:$0x5A00] =	vst v63  }
0x114: {  	s29 =	simm.s32 $0x580  }
0x115: {  	[tilespmem:s16], [sflag:$0x1] =	stream.indirect.gather.add.f32 [hbm:s5], $0x40, s29, s15, $0xb8;
	[tilespmem:$0x5A00] =	vst v63  }
0x116: {  	s29 =	simm.s32 $0x600  }
0x117: {  	[tilespmem:s16], [sflag:$0x1] =	stream.indirect.gather.add.f32 [hbm:s5], $0x40, s29, s15, $0xb8;
	[tilespmem:$0x5A00] =	vst v63  }
0x118: {  	s29 =	simm.s32 $0x680  }
0x119: {  	[tilespmem:s16], [sflag:$0x1] =	stream.indirect.gather.add.f32 [hbm:s5], $0x40, s29, s15, $0xb8;
	[tilespmem:$0x5A00] =	vst v63  }
0x11a: {  	s29 =	simm.s32 $0x700  }
0x11b: {  	[tilespmem:s16], [sflag:$0x1] =	stream.indirect.gather.add.f32 [hbm:s5], $0x40, s29, s15, $0xb8;
	[tilespmem:$0x5A00] =	vst v63  }
0x11c: {  	s29 =	simm.s32 $0x780  }
0x11d: {  	[tilespmem:s16], [sflag:$0x1] =	stream.indirect.gather.add.f32 [hbm:s5], $0x40, s29, s15, $0xb8;
	[tilespmem:$0x5A00] =	vst v63  }
0x11e: {  	s29 =	simm.s32 $0x800  }
0x11f: {  	[tilespmem:s16], [sflag:$0x1] =	stream.indirect.gather.add.f32 [hbm:s5], $0x40, s29, s15, $0xb8;
	[tilespmem:$0x5A00] =	vst v63  }
0x120: {  	s29 =	simm.s32 $0x880  }
0x121: {  	[tilespmem:s16], [sflag:$0x1] =	stream.indirect.gather.add.f32 [hbm:s5], $0x40, s29, s15, $0xb8;
	[tilespmem:$0x5A00] =	vst v63  }
0x122: {  	s29 =	simm.s32 $0x900  }
0x123: {  	[tilespmem:s16], [sflag:$0x1] =	stream.indirect.gather.add.f32 [hbm:s5], $0x40, s29, s15, $0xb8;
	[tilespmem:$0x5A00] =	vst v63  }
0x124: {  	s29 =	simm.s32 $0x980  }
0x125: {  	[tilespmem:s16], [sflag:$0x1] =	stream.indirect.gather.add.f32 [hbm:s5], $0x40, s29, s15, $0xb8;
	[tilespmem:$0x5A00] =	vst v63  }
0x126: {  	s29 =	simm.s32 $0xA00  }
0x127: {  	[tilespmem:s16], [sflag:$0x1] =	stream.indirect.gather.add.f32 [hbm:s5], $0x40, s29, s15, $0xb8;
	[tilespmem:$0x5A00] =	vst v63  }
0x128: {  	s29 =	simm.s32 $0xA80  }
0x129: {  	[tilespmem:s16], [sflag:$0x1] =	stream.indirect.gather.add.f32 [hbm:s5], $0x40, s29, s15, $0xb8;
	[tilespmem:$0x5A00] =	vst v63  }
0x12a: {  	s29 =	simm.s32 $0xB00  }
0x12b: {  	[tilespmem:s16], [sflag:$0x1] =	stream.indirect.gather.add.f32 [hbm:s5], $0x40, s29, s15, $0xb8;
	[tilespmem:$0x5A00] =	vst v63  }
0x12c: {  	s29 =	simm.s32 $0xB80  }
0x12d: {  	[tilespmem:s16], [sflag:$0x1] =	stream.indirect.gather.add.f32 [hbm:s5], $0x40, s29, s15, $0xb8;
	[tilespmem:$0x5A00] =	vst v63  }
0x12e: {  	s29 =	simm.s32 $0xC00  }
0x12f: {  	[tilespmem:s16], [sflag:$0x1] =	stream.indirect.gather.add.f32 [hbm:s5], $0x40, s29, s15, $0xb8;
	[tilespmem:$0x5A00] =	vst v63  }
0x130: {  	s29 =	simm.s32 $0xC80  }
0x131: {  	[tilespmem:s16], [sflag:$0x1] =	stream.indirect.gather.add.f32 [hbm:s5], $0x40, s29, s15, $0xb8;
	[tilespmem:$0x5A00] =	vst v63  }
0x132: {  	_ =	swait.ge [sflag:s11], $0x2000  }
0x133: {  	[sflag:s11] =	ssyncset.done $0x0  }
0x134: {  	[sflag:s11] =	ssyncadd.s32 $0xFFFFE000  }
0x135: {  	_ =	swait.ge [sflag:s11], $0x2000  }
0x136: {  	[sflag:s11] =	ssyncset.done $0x0  }
0x137: {  	[sflag:s11] =	ssyncadd.s32 $0xFFFFE000  }
0x138: {  	_ =	swait.ge [sflag:s11], $0x2000  }
0x139: {  	[sflag:s11] =	ssyncset.done $0x0  }
0x13a: {  	[sflag:s11] =	ssyncadd.s32 $0xFFFFE000  }
0x13b: {  	_ =	swait.ge [sflag:s11], $0x2000  }
0x13c: {  	[sflag:s11] =	ssyncset.done $0x0  }
0x13d: {  	[sflag:s11] =	ssyncadd.s32 $0xFFFFE000  }
0x13e: {  	_ =	swait.ge [sflag:s11], $0x2000  }
0x13f: {  	[sflag:s11] =	ssyncset.done $0x0  }
0x140: {  	[sflag:s11] =	ssyncadd.s32 $0xFFFFE000  }
0x141: {  	_ =	swait.ge [sflag:s11], $0x2000  }
0x142: {  	[sflag:s11] =	ssyncset.done $0x0  }
0x143: {  	[sflag:s11] =	ssyncadd.s32 $0xFFFFE000  }
0x144: {  	_ =	swait.ge [sflag:s11], $0x2000  }
0x145: {  	[sflag:s11] =	ssyncset.done $0x0  }
0x146: {  	[sflag:s11] =	ssyncadd.s32 $0xFFFFE000  }
0x147: {  	_ =	swait.ge [sflag:s11], $0x2000  }
0x148: {  	[sflag:s11] =	ssyncset.done $0x0  }
0x149: {  	[sflag:s11] =	ssyncadd.s32 $0xFFFFE000  }
0x14a: {  	_ =	swait.ge [sflag:s11], $0x2000  }
0x14b: {  	[sflag:s11] =	ssyncset.done $0x0  }
0x14c: {  	[sflag:s11] =	ssyncadd.s32 $0xFFFFE000  }
0x14d: {  	_ =	swait.ge [sflag:s11], $0x2000  }
0x14e: {  	[sflag:s11] =	ssyncset.done $0x0  }
0x14f: {  	[sflag:s11] =	ssyncadd.s32 $0xFFFFE000  }
0x150: {  	_ =	swait.ge [sflag:s11], $0x2000  }
0x151: {  	[sflag:s11] =	ssyncset.done $0x0  }
0x152: {  	[sflag:s11] =	ssyncadd.s32 $0xFFFFE000  }
0x153: {  	_ =	swait.ge [sflag:s11], $0x2000  }
0x154: {  	[sflag:s11] =	ssyncset.done $0x0  }
0x155: {  	[sflag:s11] =	ssyncadd.s32 $0xFFFFE000  }
0x156: {  	_ =	swait.ge [sflag:s11], $0x2000  }
0x157: {  	[sflag:s11] =	ssyncset.done $0x0  }
0x158: {  	[sflag:s11] =	ssyncadd.s32 $0xFFFFE000  }
0x159: {  	_ =	swait.ge [sflag:s11], $0x2000  }
0x15a: {  	[sflag:s11] =	ssyncset.done $0x0  }
0x15b: {  	[sflag:s11] =	ssyncadd.s32 $0xFFFFE000  }
0x15c: {  	_ =	swait.ge [sflag:s11], $0x2000  }
0x15d: {  	[sflag:s11] =	ssyncset.done $0x0  }
0x15e: {  	[sflag:s11] =	ssyncadd.s32 $0xFFFFE000  }
0x15f: {  	_ =	swait.ge [sflag:s11], $0x2000  }
0x160: {  	[sflag:s11] =	ssyncset.done $0x0  }
0x161: {  	[sflag:s11] =	ssyncadd.s32 $0xFFFFE000  }
0x162: {  	_ =	swait.ge [sflag:s11], $0x2000  }
0x163: {  	[sflag:s11] =	ssyncset.done $0x0  }
0x164: {  	[sflag:s11] =	ssyncadd.s32 $0xFFFFE000  }
0x165: {  	_ =	swait.ge [sflag:s11], $0x2000  }
0x166: {  	[sflag:s11] =	ssyncset.done $0x0  }
0x167: {  	[sflag:s11] =	ssyncadd.s32 $0xFFFFE000  }
0x168: {  	_ =	swait.ge [sflag:s11], $0x2000  }
0x169: {  	[sflag:s11] =	ssyncset.done $0x0  }
0x16a: {  	[sflag:s11] =	ssyncadd.s32 $0xFFFFE000  }
0x16b: {  	_ =	swait.ge [sflag:s11], $0x2000  }
0x16c: {  	[sflag:s11] =	ssyncset.done $0x0  }
0x16d: {  	[sflag:s11] =	ssyncadd.s32 $0xFFFFE000  }
0x16e: {  	_ =	swait.ge [sflag:s11], $0x2000  }
0x16f: {  	[sflag:s11] =	ssyncset.done $0x0  }
0x170: {  	[sflag:s11] =	ssyncadd.s32 $0xFFFFE000  }
0x171: {  	_ =	swait.ge [sflag:s11], $0x2000  }
0x172: {  	[sflag:s11] =	ssyncset.done $0x0  }
0x173: {  	[sflag:s11] =	ssyncadd.s32 $0xFFFFE000  }
0x174: {  	_ =	swait.ge [sflag:s11], $0x2000  }
0x175: {  	[sflag:s11] =	ssyncset.done $0x0  }
0x176: {  	[sflag:s11] =	ssyncadd.s32 $0xFFFFE000  }
0x177: {  	_ =	swait.ge [sflag:s11], $0x2000  }
0x178: {  	[sflag:s11] =	ssyncset.done $0x0  }
0x179: {  	[sflag:s11] =	ssyncadd.s32 $0xFFFFE000  }
0x17a: {  	_ =	swait.ge [sflag:s11], $0x2000  }
0x17b: {  	[sflag:s11] =	ssyncset.done $0x0  }
0x17c: {  	[sflag:s11] =	ssyncadd.s32 $0xFFFFE000  }
0x17d: {  	s26 =	sadd.s32 $0x1, s26;
	_ =	swait.ge [sflag:s11], $0x2000  }
0x17e: {  	p1 =	sne.s32 s26, $0x5;
	s29 =	sshll.u32 s13, $0xA;
	[sflag:s11] =	ssyncset.done $0x0  }
.Ltmp5:
0x17f: {  	s3 =	sadd.s32 s2, s29;
	[sflag:s11] =	ssyncadd.s32 $0xFFFFE000;
	(pc) =	sbr.rel @p1 .LBB2_4-.Ltmp5, $4  }
0x180: {  	[hbm4b:s3+s28] =	stream.linear.scatter [tilespmem:s18], [sflag:$0x3], $0x2000, $0x38;
	[tilespmem:$0x5A00] =	vst v63  }
0x181: {  	_ =	swait.ge [sflag:s14], $0x2000  }
0x182: {  	[sflag:s14] =	ssyncset.done $0x0  }
0x183: {  	[sflag:s14] =	ssyncadd.s32 $0xFFFFE000  }
0x184: {  	s3 =	simm.s32 $0x100;
	s13 =	simm.s32 $0x0  }
.LBB2_10:
0x185: {  	p1 =	sne.s32 s3, $0x7F00;
	[tilespmem:s13+$0x3A30] =	vst v0;
	s26 =	smov.u32 s3;
	s3 =	sadd.s32 $0x100, s3  }
.Ltmp6:
0x186: {  	[tilespmem:s13+$0x3A20] =	vst v0;
	(pc) =	sbr.rel @p1 .LBB2_10-.Ltmp6, $3  }
0x187: {  	[tilespmem:s13+$0x3A00] =	vst v0  }
0x188: {  	[tilespmem:s13+$0x3A10] =	vst v0;
	_ =	sdelay $0x1  }
0x189: {  	s13 =	sshra.s32 s26, $0x2  }
0x18a: {  	[tilespmem:s13+$0x3A30] =	vst v0  }
0x18b: {  	[tilespmem:s13+$0x3A20] =	vst v0  }
0x18c: {  	[tilespmem:s13+$0x3A00] =	vst v0  }
0x18d: {  	[tilespmem:s13+$0x3A10] =	vst v0;
	s13 =	simm.s32 $0x0;
	s3 =	rddreg [dreg:$0x4]  }
0x18e: {  	[tilespmem:s17], [sflag:$0x3] =	stream.linear.gather [hbm4b:s3+s13], $0xD00, $0x38;
	[tilespmem:$0x5A00] =	vst v63  }
0x18f: {  	_ =	swait.ge [sflag:s14], $0xD00  }
0x190: {  	[sflag:s14] =	ssyncset.done $0x0  }
0x191: {  	[sflag:s14] =	ssyncadd.s32 $0xFFFFF300  }
0x192: {  	[tilespmem:s18], [sflag:$0x2] =	stream.indirect.gather.add.f32 [hbm:s5], $0x40, s17, s15, $0xb8;
	[tilespmem:$0x5A00] =	vst v63  }
0x193: {  	s29 =	simm.s32 $0xD80  }
0x194: {  	[tilespmem:s18], [sflag:$0x2] =	stream.indirect.gather.add.f32 [hbm:s5], $0x40, s29, s15, $0xb8;
	[tilespmem:$0x5A00] =	vst v63  }
0x195: {  	s26 =	simm.s32 $0xE00  }
0x196: {  	[tilespmem:s18], [sflag:$0x2] =	stream.indirect.gather.add.f32 [hbm:s5], $0x40, s26, s15, $0xb8;
	[tilespmem:$0x5A00] =	vst v63  }
0x197: {  	s29 =	simm.s32 $0xE80  }
0x198: {  	[tilespmem:s18], [sflag:$0x2] =	stream.indirect.gather.add.f32 [hbm:s5], $0x40, s29, s15, $0xb8;
	[tilespmem:$0x5A00] =	vst v63  }
0x199: {  	s26 =	simm.s32 $0xF00  }
0x19a: {  	[tilespmem:s18], [sflag:$0x2] =	stream.indirect.gather.add.f32 [hbm:s5], $0x40, s26, s15, $0xb8;
	[tilespmem:$0x5A00] =	vst v63  }
0x19b: {  	s29 =	simm.s32 $0xF80  }
0x19c: {  	[tilespmem:s18], [sflag:$0x2] =	stream.indirect.gather.add.f32 [hbm:s5], $0x40, s29, s15, $0xb8;
	[tilespmem:$0x5A00] =	vst v63  }
0x19d: {  	s26 =	simm.s32 $0x1000  }
0x19e: {  	[tilespmem:s18], [sflag:$0x2] =	stream.indirect.gather.add.f32 [hbm:s5], $0x40, s26, s15, $0xb8;
	[tilespmem:$0x5A00] =	vst v63  }
0x19f: {  	s29 =	simm.s32 $0x1080  }
0x1a0: {  	[tilespmem:s18], [sflag:$0x2] =	stream.indirect.gather.add.f32 [hbm:s5], $0x40, s29, s15, $0xb8;
	[tilespmem:$0x5A00] =	vst v63  }
0x1a1: {  	s26 =	simm.s32 $0x1100  }
0x1a2: {  	[tilespmem:s18], [sflag:$0x2] =	stream.indirect.gather.add.f32 [hbm:s5], $0x40, s26, s15, $0xb8;
	[tilespmem:$0x5A00] =	vst v63  }
0x1a3: {  	s29 =	simm.s32 $0x1180  }
0x1a4: {  	[tilespmem:s18], [sflag:$0x2] =	stream.indirect.gather.add.f32 [hbm:s5], $0x40, s29, s15, $0xb8;
	[tilespmem:$0x5A00] =	vst v63  }
0x1a5: {  	s26 =	simm.s32 $0x1200  }
0x1a6: {  	[tilespmem:s18], [sflag:$0x2] =	stream.indirect.gather.add.f32 [hbm:s5], $0x40, s26, s15, $0xb8;
	[tilespmem:$0x5A00] =	vst v63  }
0x1a7: {  	_ = 	snop  }
0x1a8: {  	[tilespmem:s18], [sflag:$0x2] =	stream.indirect.gather.add.f32 [hbm:s5], $0x40, s30, s15, $0xb8;
	[tilespmem:$0x5A00] =	vst v63  }
0x1a9: {  	_ = 	snop  }
0x1aa: {  	[tilespmem:s18], [sflag:$0x2] =	stream.indirect.gather.add.f32 [hbm:s5], $0x40, s31, s15, $0xb8;
	[tilespmem:$0x5A00] =	vst v63  }
0x1ab: {  	_ = 	snop  }
0x1ac: {  	[tilespmem:s18], [sflag:$0x2] =	stream.indirect.gather.add.f32 [hbm:s5], $0x40, s0, s15, $0xb8;
	[tilespmem:$0x5A00] =	vst v63  }
0x1ad: {  	_ = 	snop  }
0x1ae: {  	[tilespmem:s18], [sflag:$0x2] =	stream.indirect.gather.add.f32 [hbm:s5], $0x40, s19, s15, $0xb8;
	[tilespmem:$0x5A00] =	vst v63  }
0x1af: {  	_ = 	snop  }
0x1b0: {  	[tilespmem:s18], [sflag:$0x2] =	stream.indirect.gather.add.f32 [hbm:s5], $0x40, s1, s15, $0xb8;
	[tilespmem:$0x5A00] =	vst v63  }
0x1b1: {  	_ = 	snop  }
0x1b2: {  	[tilespmem:s18], [sflag:$0x2] =	stream.indirect.gather.add.f32 [hbm:s5], $0x40, s20, s15, $0xb8;
	[tilespmem:$0x5A00] =	vst v63  }
0x1b3: {  	_ = 	snop  }
0x1b4: {  	[tilespmem:s18], [sflag:$0x2] =	stream.indirect.gather.add.f32 [hbm:s5], $0x40, s10, s15, $0xb8;
	[tilespmem:$0x5A00] =	vst v63  }
0x1b5: {  	_ = 	snop  }
0x1b6: {  	[tilespmem:s18], [sflag:$0x2] =	stream.indirect.gather.add.f32 [hbm:s5], $0x40, s21, s15, $0xb8;
	[tilespmem:$0x5A00] =	vst v63  }
0x1b7: {  	_ = 	snop  }
0x1b8: {  	[tilespmem:s18], [sflag:$0x2] =	stream.indirect.gather.add.f32 [hbm:s5], $0x40, s12, s15, $0xb8;
	[tilespmem:$0x5A00] =	vst v63  }
0x1b9: {  	_ = 	snop  }
0x1ba: {  	[tilespmem:s18], [sflag:$0x2] =	stream.indirect.gather.add.f32 [hbm:s5], $0x40, s22, s15, $0xb8;
	[tilespmem:$0x5A00] =	vst v63  }
0x1bb: {  	_ = 	snop  }
0x1bc: {  	[tilespmem:s18], [sflag:$0x2] =	stream.indirect.gather.add.f32 [hbm:s5], $0x40, s6, s15, $0xb8;
	[tilespmem:$0x5A00] =	vst v63  }
0x1bd: {  	_ = 	snop  }
0x1be: {  	[tilespmem:s18], [sflag:$0x2] =	stream.indirect.gather.add.f32 [hbm:s5], $0x40, s23, s15, $0xb8;
	[tilespmem:$0x5A00] =	vst v63  }
0x1bf: {  	_ = 	snop  }
0x1c0: {  	[tilespmem:s18], [sflag:$0x2] =	stream.indirect.gather.add.f32 [hbm:s5], $0x40, s8, s15, $0xb8;
	[tilespmem:$0x5A00] =	vst v63  }
0x1c1: {  	_ = 	snop  }
0x1c2: {  	[tilespmem:s18], [sflag:$0x2] =	stream.indirect.gather.add.f32 [hbm:s5], $0x40, s24, s15, $0xb8;
	[tilespmem:$0x5A00] =	vst v63  }
0x1c3: {  	_ = 	snop  }
0x1c4: {  	[tilespmem:s18], [sflag:$0x2] =	stream.indirect.gather.add.f32 [hbm:s5], $0x40, s9, s15, $0xb8;
	[tilespmem:$0x5A00] =	vst v63  }
0x1c5: {  	_ =	swait.ge [sflag:s25], $0x2000  }
0x1c6: {  	[sflag:s25] =	ssyncset.done $0x0  }
0x1c7: {  	[sflag:s25] =	ssyncadd.s32 $0xFFFFE000  }
0x1c8: {  	_ =	swait.ge [sflag:s25], $0x2000  }
0x1c9: {  	[sflag:s25] =	ssyncset.done $0x0  }
0x1ca: {  	[sflag:s25] =	ssyncadd.s32 $0xFFFFE000  }
0x1cb: {  	_ =	swait.ge [sflag:s25], $0x2000  }
0x1cc: {  	[sflag:s25] =	ssyncset.done $0x0  }
0x1cd: {  	[sflag:s25] =	ssyncadd.s32 $0xFFFFE000  }
0x1ce: {  	_ =	swait.ge [sflag:s25], $0x2000  }
0x1cf: {  	[sflag:s25] =	ssyncset.done $0x0  }
0x1d0: {  	[sflag:s25] =	ssyncadd.s32 $0xFFFFE000  }
0x1d1: {  	_ =	swait.ge [sflag:s25], $0x2000  }
0x1d2: {  	[sflag:s25] =	ssyncset.done $0x0  }
0x1d3: {  	[sflag:s25] =	ssyncadd.s32 $0xFFFFE000  }
0x1d4: {  	_ =	swait.ge [sflag:s25], $0x2000  }
0x1d5: {  	[sflag:s25] =	ssyncset.done $0x0  }
0x1d6: {  	[sflag:s25] =	ssyncadd.s32 $0xFFFFE000  }
0x1d7: {  	_ =	swait.ge [sflag:s25], $0x2000  }
0x1d8: {  	[sflag:s25] =	ssyncset.done $0x0  }
0x1d9: {  	[sflag:s25] =	ssyncadd.s32 $0xFFFFE000  }
0x1da: {  	_ =	swait.ge [sflag:s25], $0x2000  }
0x1db: {  	[sflag:s25] =	ssyncset.done $0x0  }
0x1dc: {  	[sflag:s25] =	ssyncadd.s32 $0xFFFFE000  }
0x1dd: {  	_ =	swait.ge [sflag:s25], $0x2000  }
0x1de: {  	[sflag:s25] =	ssyncset.done $0x0  }
0x1df: {  	[sflag:s25] =	ssyncadd.s32 $0xFFFFE000  }
0x1e0: {  	_ =	swait.ge [sflag:s25], $0x2000  }
0x1e1: {  	[sflag:s25] =	ssyncset.done $0x0  }
0x1e2: {  	[sflag:s25] =	ssyncadd.s32 $0xFFFFE000  }
0x1e3: {  	_ =	swait.ge [sflag:s25], $0x2000  }
0x1e4: {  	[sflag:s25] =	ssyncset.done $0x0  }
0x1e5: {  	[sflag:s25] =	ssyncadd.s32 $0xFFFFE000  }
0x1e6: {  	_ =	swait.ge [sflag:s25], $0x2000  }
0x1e7: {  	[sflag:s25] =	ssyncset.done $0x0  }
0x1e8: {  	[sflag:s25] =	ssyncadd.s32 $0xFFFFE000  }
0x1e9: {  	_ =	swait.ge [sflag:s25], $0x2000  }
0x1ea: {  	[sflag:s25] =	ssyncset.done $0x0  }
0x1eb: {  	[sflag:s25] =	ssyncadd.s32 $0xFFFFE000  }
0x1ec: {  	_ =	swait.ge [sflag:s25], $0x2000  }
0x1ed: {  	[sflag:s25] =	ssyncset.done $0x0  }
0x1ee: {  	[sflag:s25] =	ssyncadd.s32 $0xFFFFE000  }
0x1ef: {  	_ =	swait.ge [sflag:s25], $0x2000  }
0x1f0: {  	[sflag:s25] =	ssyncset.done $0x0  }
0x1f1: {  	[sflag:s25] =	ssyncadd.s32 $0xFFFFE000  }
0x1f2: {  	_ =	swait.ge [sflag:s25], $0x2000  }
0x1f3: {  	[sflag:s25] =	ssyncset.done $0x0  }
0x1f4: {  	[sflag:s25] =	ssyncadd.s32 $0xFFFFE000  }
0x1f5: {  	_ =	swait.ge [sflag:s25], $0x2000  }
0x1f6: {  	[sflag:s25] =	ssyncset.done $0x0  }
0x1f7: {  	[sflag:s25] =	ssyncadd.s32 $0xFFFFE000  }
0x1f8: {  	_ =	swait.ge [sflag:s25], $0x2000  }
0x1f9: {  	[sflag:s25] =	ssyncset.done $0x0  }
0x1fa: {  	[sflag:s25] =	ssyncadd.s32 $0xFFFFE000  }
0x1fb: {  	_ =	swait.ge [sflag:s25], $0x2000  }
0x1fc: {  	[sflag:s25] =	ssyncset.done $0x0  }
0x1fd: {  	[sflag:s25] =	ssyncadd.s32 $0xFFFFE000  }
0x1fe: {  	_ =	swait.ge [sflag:s25], $0x2000  }
0x1ff: {  	[sflag:s25] =	ssyncset.done $0x0  }
0x200: {  	[sflag:s25] =	ssyncadd.s32 $0xFFFFE000  }
0x201: {  	_ =	swait.ge [sflag:s25], $0x2000  }
0x202: {  	[sflag:s25] =	ssyncset.done $0x0  }
0x203: {  	[sflag:s25] =	ssyncadd.s32 $0xFFFFE000  }
0x204: {  	_ =	swait.ge [sflag:s25], $0x2000  }
0x205: {  	[sflag:s25] =	ssyncset.done $0x0  }
0x206: {  	[sflag:s25] =	ssyncadd.s32 $0xFFFFE000  }
0x207: {  	_ =	swait.ge [sflag:s25], $0x2000  }
0x208: {  	[sflag:s25] =	ssyncset.done $0x0  }
0x209: {  	[sflag:s25] =	ssyncadd.s32 $0xFFFFE000  }
0x20a: {  	_ =	swait.ge [sflag:s25], $0x2000  }
0x20b: {  	[sflag:s25] =	ssyncset.done $0x0  }
0x20c: {  	[sflag:s25] =	ssyncadd.s32 $0xFFFFE000  }
0x20d: {  	_ =	swait.ge [sflag:s25], $0x2000  }
0x20e: {  	[sflag:s25] =	ssyncset.done $0x0  }
0x20f: {  	[sflag:s25] =	ssyncadd.s32 $0xFFFFE000  }
0x210: {  	_ =	swait.ge [sflag:s25], $0x2000  }
0x211: {  	[sflag:s25] =	ssyncset.done $0x0  }
.Ltmp7:
0x212: {  	s29 =	rddreg [dreg:$0x5];
	[sflag:s25] =	ssyncadd.s32 $0xFFFFE000;
	(pc) =	sbr.rel @p0 .LBB2_15-.Ltmp7, $4  }
0x213: {  	[hbm4b:s29+s13] =	stream.linear.scatter [tilespmem:s16], [sflag:$0x3], $0x2000, $0x38;
	[tilespmem:$0x5A00] =	vst v63  }
0x214: {  	_ =	swait.ge [sflag:s14], $0x2000  }
0x215: {  	[sflag:s14] =	ssyncset.done $0x0  }
0x216: {  	s28 =	simm.s32 $0x0;
	[sflag:s14] =	ssyncadd.s32 $0xFFFFE000  }
0x217: {  	s3 =	simm.s32 $0x100;
	s13 =	simm.s32 $0x0  }
.LBB2_13:
0x218: {  	p1 =	sne.s32 s3, $0x7F00;
	[tilespmem:s13+$0x1A30] =	vst v0;
	s26 =	smov.u32 s3;
	s3 =	sadd.s32 $0x100, s3  }
.Ltmp8:
0x219: {  	[tilespmem:s13+$0x1A20] =	vst v0;
	(pc) =	sbr.rel @p1 .LBB2_13-.Ltmp8, $3  }
0x21a: {  	[tilespmem:s13+$0x1A00] =	vst v0  }
0x21b: {  	[tilespmem:s13+$0x1A10] =	vst v0;
	_ =	sdelay $0x1  }
0x21c: {  	s13 =	sshra.s32 s26, $0x2  }
0x21d: {  	[tilespmem:s13+$0x1A30] =	vst v0  }
0x21e: {  	[tilespmem:s13+$0x1A20] =	vst v0  }
0x21f: {  	[tilespmem:s13+$0x1A00] =	vst v0  }
0x220: {  	[tilespmem:s13+$0x1A10] =	vst v0;
	s3 =	rddreg [dreg:$0x6]  }
0x221: {  	[tilespmem:s28], [sflag:$0x3] =	stream.linear.gather [hbm4b:s3+s28], $0xD00, $0x38;
	[tilespmem:$0x5A00] =	vst v63  }
0x222: {  	_ =	swait.ge [sflag:s14], $0xD00  }
0x223: {  	[sflag:s14] =	ssyncset.done $0x0  }
0x224: {  	[sflag:s14] =	ssyncadd.s32 $0xFFFFF300  }
0x225: {  	[tilespmem:s16], [sflag:$0x1] =	stream.indirect.gather.add.f32 [hbm:s5], $0x40, s28, s15, $0xb8;
	[tilespmem:$0x5A00] =	vst v63  }
0x226: {  	_ = 	snop  }
0x227: {  	[tilespmem:s16], [sflag:$0x1] =	stream.indirect.gather.add.f32 [hbm:s5], $0x40, s15, s15, $0xb8;
	[tilespmem:$0x5A00] =	vst v63  }
0x228: {  	s13 =	simm.s32 $0x100  }
0x229: {  	[tilespmem:s16], [sflag:$0x1] =	stream.indirect.gather.add.f32 [hbm:s5], $0x40, s13, s15, $0xb8;
	[tilespmem:$0x5A00] =	vst v63  }
0x22a: {  	s26 =	simm.s32 $0x180  }
0x22b: {  	[tilespmem:s16], [sflag:$0x1] =	stream.indirect.gather.add.f32 [hbm:s5], $0x40, s26, s15, $0xb8;
	[tilespmem:$0x5A00] =	vst v63  }
0x22c: {  	s29 =	simm.s32 $0x200  }
0x22d: {  	[tilespmem:s16], [sflag:$0x1] =	stream.indirect.gather.add.f32 [hbm:s5], $0x40, s29, s15, $0xb8;
	[tilespmem:$0x5A00] =	vst v63  }
0x22e: {  	s13 =	simm.s32 $0x280  }
0x22f: {  	[tilespmem:s16], [sflag:$0x1] =	stream.indirect.gather.add.f32 [hbm:s5], $0x40, s13, s15, $0xb8;
	[tilespmem:$0x5A00] =	vst v63  }
0x230: {  	s26 =	simm.s32 $0x300  }
0x231: {  	[tilespmem:s16], [sflag:$0x1] =	stream.indirect.gather.add.f32 [hbm:s5], $0x40, s26, s15, $0xb8;
	[tilespmem:$0x5A00] =	vst v63  }
0x232: {  	s29 =	simm.s32 $0x380  }
0x233: {  	[tilespmem:s16], [sflag:$0x1] =	stream.indirect.gather.add.f32 [hbm:s5], $0x40, s29, s15, $0xb8;
	[tilespmem:$0x5A00] =	vst v63  }
0x234: {  	s13 =	simm.s32 $0x400  }
0x235: {  	[tilespmem:s16], [sflag:$0x1] =	stream.indirect.gather.add.f32 [hbm:s5], $0x40, s13, s15, $0xb8;
	[tilespmem:$0x5A00] =	vst v63  }
0x236: {  	s26 =	simm.s32 $0x480  }
0x237: {  	[tilespmem:s16], [sflag:$0x1] =	stream.indirect.gather.add.f32 [hbm:s5], $0x40, s26, s15, $0xb8;
	[tilespmem:$0x5A00] =	vst v63  }
0x238: {  	s29 =	simm.s32 $0x500  }
0x239: {  	[tilespmem:s16], [sflag:$0x1] =	stream.indirect.gather.add.f32 [hbm:s5], $0x40, s29, s15, $0xb8;
	[tilespmem:$0x5A00] =	vst v63  }
0x23a: {  	s13 =	simm.s32 $0x580  }
0x23b: {  	[tilespmem:s16], [sflag:$0x1] =	stream.indirect.gather.add.f32 [hbm:s5], $0x40, s13, s15, $0xb8;
	[tilespmem:$0x5A00] =	vst v63  }
0x23c: {  	s26 =	simm.s32 $0x600  }
0x23d: {  	[tilespmem:s16], [sflag:$0x1] =	stream.indirect.gather.add.f32 [hbm:s5], $0x40, s26, s15, $0xb8;
	[tilespmem:$0x5A00] =	vst v63  }
0x23e: {  	s29 =	simm.s32 $0x680  }
0x23f: {  	[tilespmem:s16], [sflag:$0x1] =	stream.indirect.gather.add.f32 [hbm:s5], $0x40, s29, s15, $0xb8;
	[tilespmem:$0x5A00] =	vst v63  }
0x240: {  	s13 =	simm.s32 $0x700  }
0x241: {  	[tilespmem:s16], [sflag:$0x1] =	stream.indirect.gather.add.f32 [hbm:s5], $0x40, s13, s15, $0xb8;
	[tilespmem:$0x5A00] =	vst v63  }
0x242: {  	s26 =	simm.s32 $0x780  }
0x243: {  	[tilespmem:s16], [sflag:$0x1] =	stream.indirect.gather.add.f32 [hbm:s5], $0x40, s26, s15, $0xb8;
	[tilespmem:$0x5A00] =	vst v63  }
0x244: {  	s29 =	simm.s32 $0x800  }
0x245: {  	[tilespmem:s16], [sflag:$0x1] =	stream.indirect.gather.add.f32 [hbm:s5], $0x40, s29, s15, $0xb8;
	[tilespmem:$0x5A00] =	vst v63  }
0x246: {  	s13 =	simm.s32 $0x880  }
0x247: {  	[tilespmem:s16], [sflag:$0x1] =	stream.indirect.gather.add.f32 [hbm:s5], $0x40, s13, s15, $0xb8;
	[tilespmem:$0x5A00] =	vst v63  }
0x248: {  	s26 =	simm.s32 $0x900  }
0x249: {  	[tilespmem:s16], [sflag:$0x1] =	stream.indirect.gather.add.f32 [hbm:s5], $0x40, s26, s15, $0xb8;
	[tilespmem:$0x5A00] =	vst v63  }
0x24a: {  	s29 =	simm.s32 $0x980  }
0x24b: {  	[tilespmem:s16], [sflag:$0x1] =	stream.indirect.gather.add.f32 [hbm:s5], $0x40, s29, s15, $0xb8;
	[tilespmem:$0x5A00] =	vst v63  }
0x24c: {  	s13 =	simm.s32 $0xA00  }
0x24d: {  	[tilespmem:s16], [sflag:$0x1] =	stream.indirect.gather.add.f32 [hbm:s5], $0x40, s13, s15, $0xb8;
	[tilespmem:$0x5A00] =	vst v63  }
0x24e: {  	s26 =	simm.s32 $0xA80  }
0x24f: {  	[tilespmem:s16], [sflag:$0x1] =	stream.indirect.gather.add.f32 [hbm:s5], $0x40, s26, s15, $0xb8;
	[tilespmem:$0x5A00] =	vst v63  }
0x250: {  	s29 =	simm.s32 $0xB00  }
0x251: {  	[tilespmem:s16], [sflag:$0x1] =	stream.indirect.gather.add.f32 [hbm:s5], $0x40, s29, s15, $0xb8;
	[tilespmem:$0x5A00] =	vst v63  }
0x252: {  	s13 =	simm.s32 $0xB80  }
0x253: {  	[tilespmem:s16], [sflag:$0x1] =	stream.indirect.gather.add.f32 [hbm:s5], $0x40, s13, s15, $0xb8;
	[tilespmem:$0x5A00] =	vst v63  }
0x254: {  	s26 =	simm.s32 $0xC00  }
0x255: {  	[tilespmem:s16], [sflag:$0x1] =	stream.indirect.gather.add.f32 [hbm:s5], $0x40, s26, s15, $0xb8;
	[tilespmem:$0x5A00] =	vst v63  }
0x256: {  	s29 =	simm.s32 $0xC80  }
0x257: {  	[tilespmem:s16], [sflag:$0x1] =	stream.indirect.gather.add.f32 [hbm:s5], $0x40, s29, s15, $0xb8;
	[tilespmem:$0x5A00] =	vst v63  }
.LBB2_15:
0x258: {  	_ =	swait.ge [sflag:s11], $0x2000  }
0x259: {  	[sflag:s11] =	ssyncset.done $0x0  }
0x25a: {  	[sflag:s11] =	ssyncadd.s32 $0xFFFFE000  }
0x25b: {  	_ =	swait.ge [sflag:s11], $0x2000  }
0x25c: {  	[sflag:s11] =	ssyncset.done $0x0  }
0x25d: {  	[sflag:s11] =	ssyncadd.s32 $0xFFFFE000  }
0x25e: {  	_ =	swait.ge [sflag:s11], $0x2000  }
0x25f: {  	[sflag:s11] =	ssyncset.done $0x0  }
0x260: {  	[sflag:s11] =	ssyncadd.s32 $0xFFFFE000  }
0x261: {  	_ =	swait.ge [sflag:s11], $0x2000  }
0x262: {  	[sflag:s11] =	ssyncset.done $0x0  }
0x263: {  	[sflag:s11] =	ssyncadd.s32 $0xFFFFE000  }
0x264: {  	_ =	swait.ge [sflag:s11], $0x2000  }
0x265: {  	[sflag:s11] =	ssyncset.done $0x0  }
0x266: {  	[sflag:s11] =	ssyncadd.s32 $0xFFFFE000  }
0x267: {  	_ =	swait.ge [sflag:s11], $0x2000  }
0x268: {  	[sflag:s11] =	ssyncset.done $0x0  }
0x269: {  	[sflag:s11] =	ssyncadd.s32 $0xFFFFE000  }
0x26a: {  	_ =	swait.ge [sflag:s11], $0x2000  }
0x26b: {  	[sflag:s11] =	ssyncset.done $0x0  }
0x26c: {  	[sflag:s11] =	ssyncadd.s32 $0xFFFFE000  }
0x26d: {  	_ =	swait.ge [sflag:s11], $0x2000  }
0x26e: {  	[sflag:s11] =	ssyncset.done $0x0  }
0x26f: {  	[sflag:s11] =	ssyncadd.s32 $0xFFFFE000  }
0x270: {  	_ =	swait.ge [sflag:s11], $0x2000  }
0x271: {  	[sflag:s11] =	ssyncset.done $0x0  }
0x272: {  	[sflag:s11] =	ssyncadd.s32 $0xFFFFE000  }
0x273: {  	_ =	swait.ge [sflag:s11], $0x2000  }
0x274: {  	[sflag:s11] =	ssyncset.done $0x0  }
0x275: {  	[sflag:s11] =	ssyncadd.s32 $0xFFFFE000  }
0x276: {  	_ =	swait.ge [sflag:s11], $0x2000  }
0x277: {  	[sflag:s11] =	ssyncset.done $0x0  }
0x278: {  	[sflag:s11] =	ssyncadd.s32 $0xFFFFE000  }
0x279: {  	_ =	swait.ge [sflag:s11], $0x2000  }
0x27a: {  	[sflag:s11] =	ssyncset.done $0x0  }
0x27b: {  	[sflag:s11] =	ssyncadd.s32 $0xFFFFE000  }
0x27c: {  	_ =	swait.ge [sflag:s11], $0x2000  }
0x27d: {  	[sflag:s11] =	ssyncset.done $0x0  }
0x27e: {  	[sflag:s11] =	ssyncadd.s32 $0xFFFFE000  }
0x27f: {  	_ =	swait.ge [sflag:s11], $0x2000  }
0x280: {  	[sflag:s11] =	ssyncset.done $0x0  }
0x281: {  	[sflag:s11] =	ssyncadd.s32 $0xFFFFE000  }
0x282: {  	_ =	swait.ge [sflag:s11], $0x2000  }
0x283: {  	[sflag:s11] =	ssyncset.done $0x0  }
0x284: {  	[sflag:s11] =	ssyncadd.s32 $0xFFFFE000  }
0x285: {  	_ =	swait.ge [sflag:s11], $0x2000  }
0x286: {  	[sflag:s11] =	ssyncset.done $0x0  }
0x287: {  	[sflag:s11] =	ssyncadd.s32 $0xFFFFE000  }
0x288: {  	_ =	swait.ge [sflag:s11], $0x2000  }
0x289: {  	[sflag:s11] =	ssyncset.done $0x0  }
0x28a: {  	[sflag:s11] =	ssyncadd.s32 $0xFFFFE000  }
0x28b: {  	_ =	swait.ge [sflag:s11], $0x2000  }
0x28c: {  	[sflag:s11] =	ssyncset.done $0x0  }
0x28d: {  	[sflag:s11] =	ssyncadd.s32 $0xFFFFE000  }
0x28e: {  	_ =	swait.ge [sflag:s11], $0x2000  }
0x28f: {  	[sflag:s11] =	ssyncset.done $0x0  }
0x290: {  	[sflag:s11] =	ssyncadd.s32 $0xFFFFE000  }
0x291: {  	_ =	swait.ge [sflag:s11], $0x2000  }
0x292: {  	[sflag:s11] =	ssyncset.done $0x0  }
0x293: {  	[sflag:s11] =	ssyncadd.s32 $0xFFFFE000  }
0x294: {  	_ =	swait.ge [sflag:s11], $0x2000  }
0x295: {  	[sflag:s11] =	ssyncset.done $0x0  }
0x296: {  	[sflag:s11] =	ssyncadd.s32 $0xFFFFE000  }
0x297: {  	_ =	swait.ge [sflag:s11], $0x2000  }
0x298: {  	[sflag:s11] =	ssyncset.done $0x0  }
0x299: {  	[sflag:s11] =	ssyncadd.s32 $0xFFFFE000  }
0x29a: {  	_ =	swait.ge [sflag:s11], $0x2000  }
0x29b: {  	[sflag:s11] =	ssyncset.done $0x0  }
0x29c: {  	[sflag:s11] =	ssyncadd.s32 $0xFFFFE000  }
0x29d: {  	_ =	swait.ge [sflag:s11], $0x2000  }
0x29e: {  	[sflag:s11] =	ssyncset.done $0x0  }
0x29f: {  	[sflag:s11] =	ssyncadd.s32 $0xFFFFE000  }
0x2a0: {  	_ =	swait.ge [sflag:s11], $0x2000  }
0x2a1: {  	[sflag:s11] =	ssyncset.done $0x0  }
0x2a2: {  	[sflag:s11] =	ssyncadd.s32 $0xFFFFE000  }
0x2a3: {  	_ =	swait.ge [sflag:s11], $0x2000  }
0x2a4: {  	[sflag:s11] =	ssyncset.done $0x0  }
.Ltmp9:
0x2a5: {  	s3 =	rddreg [dreg:$0x7];
	[sflag:s11] =	ssyncadd.s32 $0xFFFFE000;
	(pc) =	sbr.rel @p0 .LBB2_17-.Ltmp9, $4  }
0x2a6: {  	[hbm4b:s3+s28] =	stream.linear.scatter [tilespmem:s18], [sflag:$0x3], $0x2000, $0x38;
	[tilespmem:$0x5A00] =	vst v63  }
0x2a7: {  	_ =	swait.ge [sflag:s14], $0x2000  }
0x2a8: {  	[sflag:s14] =	ssyncset.done $0x0  }
0x2a9: {  	s13 =	rddreg [dreg:$0xa];
	[sflag:s14] =	ssyncadd.s32 $0xFFFFE000  }
0x2aa: {  	_ =	swait.ge [sflag:s25], $0x2000  }
0x2ab: {  	[sflag:s25] =	ssyncset.done $0x0  }
0x2ac: {  	[sflag:s25] =	ssyncadd.s32 $0xFFFFE000  }
0x2ad: {  	_ =	swait.ge [sflag:s25], $0x2000  }
0x2ae: {  	[sflag:s25] =	ssyncset.done $0x0  }
0x2af: {  	[sflag:s25] =	ssyncadd.s32 $0xFFFFE000  }
0x2b0: {  	_ =	swait.ge [sflag:s25], $0x2000  }
0x2b1: {  	[sflag:s25] =	ssyncset.done $0x0  }
0x2b2: {  	[sflag:s25] =	ssyncadd.s32 $0xFFFFE000  }
0x2b3: {  	_ =	swait.ge [sflag:s25], $0x2000  }
0x2b4: {  	[sflag:s25] =	ssyncset.done $0x0  }
0x2b5: {  	[sflag:s25] =	ssyncadd.s32 $0xFFFFE000  }
0x2b6: {  	_ =	swait.ge [sflag:s25], $0x2000  }
0x2b7: {  	[sflag:s25] =	ssyncset.done $0x0  }
0x2b8: {  	[sflag:s25] =	ssyncadd.s32 $0xFFFFE000  }
0x2b9: {  	_ =	swait.ge [sflag:s25], $0x2000  }
0x2ba: {  	[sflag:s25] =	ssyncset.done $0x0  }
0x2bb: {  	[sflag:s25] =	ssyncadd.s32 $0xFFFFE000  }
0x2bc: {  	_ =	swait.ge [sflag:s25], $0x2000  }
0x2bd: {  	[sflag:s25] =	ssyncset.done $0x0  }
0x2be: {  	[sflag:s25] =	ssyncadd.s32 $0xFFFFE000  }
0x2bf: {  	_ =	swait.ge [sflag:s25], $0x2000  }
0x2c0: {  	[sflag:s25] =	ssyncset.done $0x0  }
0x2c1: {  	[sflag:s25] =	ssyncadd.s32 $0xFFFFE000  }
0x2c2: {  	_ =	swait.ge [sflag:s25], $0x2000  }
0x2c3: {  	[sflag:s25] =	ssyncset.done $0x0  }
0x2c4: {  	[sflag:s25] =	ssyncadd.s32 $0xFFFFE000  }
0x2c5: {  	_ =	swait.ge [sflag:s25], $0x2000  }
0x2c6: {  	[sflag:s25] =	ssyncset.done $0x0  }
0x2c7: {  	[sflag:s25] =	ssyncadd.s32 $0xFFFFE000  }
0x2c8: {  	_ =	swait.ge [sflag:s25], $0x2000  }
0x2c9: {  	[sflag:s25] =	ssyncset.done $0x0  }
0x2ca: {  	[sflag:s25] =	ssyncadd.s32 $0xFFFFE000  }
0x2cb: {  	_ =	swait.ge [sflag:s25], $0x2000  }
0x2cc: {  	[sflag:s25] =	ssyncset.done $0x0  }
0x2cd: {  	[sflag:s25] =	ssyncadd.s32 $0xFFFFE000  }
0x2ce: {  	_ =	swait.ge [sflag:s25], $0x2000  }
0x2cf: {  	[sflag:s25] =	ssyncset.done $0x0  }
0x2d0: {  	[sflag:s25] =	ssyncadd.s32 $0xFFFFE000  }
0x2d1: {  	_ =	swait.ge [sflag:s25], $0x2000  }
0x2d2: {  	[sflag:s25] =	ssyncset.done $0x0  }
0x2d3: {  	[sflag:s25] =	ssyncadd.s32 $0xFFFFE000  }
0x2d4: {  	_ =	swait.ge [sflag:s25], $0x2000  }
0x2d5: {  	[sflag:s25] =	ssyncset.done $0x0  }
0x2d6: {  	[sflag:s25] =	ssyncadd.s32 $0xFFFFE000  }
0x2d7: {  	_ =	swait.ge [sflag:s25], $0x2000  }
0x2d8: {  	[sflag:s25] =	ssyncset.done $0x0  }
0x2d9: {  	[sflag:s25] =	ssyncadd.s32 $0xFFFFE000  }
0x2da: {  	_ =	swait.ge [sflag:s25], $0x2000  }
0x2db: {  	[sflag:s25] =	ssyncset.done $0x0  }
0x2dc: {  	[sflag:s25] =	ssyncadd.s32 $0xFFFFE000  }
0x2dd: {  	_ =	swait.ge [sflag:s25], $0x2000  }
0x2de: {  	[sflag:s25] =	ssyncset.done $0x0  }
0x2df: {  	[sflag:s25] =	ssyncadd.s32 $0xFFFFE000  }
0x2e0: {  	_ =	swait.ge [sflag:s25], $0x2000  }
0x2e1: {  	[sflag:s25] =	ssyncset.done $0x0  }
0x2e2: {  	[sflag:s25] =	ssyncadd.s32 $0xFFFFE000  }
0x2e3: {  	_ =	swait.ge [sflag:s25], $0x2000  }
0x2e4: {  	[sflag:s25] =	ssyncset.done $0x0  }
0x2e5: {  	[sflag:s25] =	ssyncadd.s32 $0xFFFFE000  }
0x2e6: {  	_ =	swait.ge [sflag:s25], $0x2000  }
0x2e7: {  	[sflag:s25] =	ssyncset.done $0x0  }
0x2e8: {  	[sflag:s25] =	ssyncadd.s32 $0xFFFFE000  }
0x2e9: {  	_ =	swait.ge [sflag:s25], $0x2000  }
0x2ea: {  	[sflag:s25] =	ssyncset.done $0x0  }
0x2eb: {  	[sflag:s25] =	ssyncadd.s32 $0xFFFFE000  }
0x2ec: {  	_ =	swait.ge [sflag:s25], $0x2000  }
0x2ed: {  	[sflag:s25] =	ssyncset.done $0x0  }
0x2ee: {  	[sflag:s25] =	ssyncadd.s32 $0xFFFFE000  }
0x2ef: {  	_ =	swait.ge [sflag:s25], $0x2000  }
0x2f0: {  	[sflag:s25] =	ssyncset.done $0x0  }
0x2f1: {  	[sflag:s25] =	ssyncadd.s32 $0xFFFFE000  }
0x2f2: {  	_ =	swait.ge [sflag:s25], $0x2000  }
0x2f3: {  	[sflag:s25] =	ssyncset.done $0x0  }
0x2f4: {  	[sflag:s25] =	ssyncadd.s32 $0xFFFFE000  }
0x2f5: {  	_ =	swait.ge [sflag:s25], $0x2000  }
0x2f6: {  	[sflag:s25] =	ssyncset.done $0x0  }
.Ltmp10:
0x2f7: {  	s3 =	rddreg [dreg:$0x8];
	[sflag:s25] =	ssyncadd.s32 $0xFFFFE000;
	(pc) =	sbr.rel .LBB2_17-.Ltmp10, $4  }
0x2f8: {  	[hbm4b:s3+s28] =	stream.linear.scatter [tilespmem:s16], [sflag:$0x3], $0x2000, $0x38;
	[tilespmem:$0x5A00] =	vst v63  }
0x2f9: {  	_ =	swait.ge [sflag:s14], $0x2000  }
0x2fa: {  	[sflag:s14] =	ssyncset.done $0x0  }
0x2fb: {  	[sflag:s14] =	ssyncadd.s32 $0xFFFFE000  }
.LBB2_18:
0x2fc: {  	_ =	sfence.sel $0x180000  }
0x2fd: {  	[bflag:$0x0] =	sbarrier.arrive $0xFFFF  }
0x2fe: {  	_ =	strace $0x90000047  }
0x2ff: {  	s0 =	stileid.u32;
	[bflag:$0x2] =	sbarrier.arrive $0xFFFF  }
0x300: {  	p0 =	sne.s32 s0, $0x0;
	s0 =	rddreg [dreg:$0x2]  }
0x301: {  	s0 =	sadd.s32 @!p0 $0x100000, s0  }
0x302: {  	[sflag:s0] =	ssyncadd.tile.s32 @!p0 $0x1;
	_ =	shalt  }
.Lfunc_end2:
_tile_overlayer_lowered:
.L_overlay_start_2:
0x303: {  	(tag) =	ssettag $0x2  }
0x304: {  	s0 =	rddreg [dreg:$0x0];
	s2 =	stileid.u32  }
0x305: {  	s1 =	rddreg [dreg:$0x1];
	p0 =	sne.s32 s2, $0x0  }
0x306: {  	s3 =	rddreg [dreg:$0x2];
	[bflag:$0x3] =	sbarrier.arrive $0xFFFF;
	s2 =	simm.s32 @!p0 $0x1C03  }
0x307: {  	[timem:s3], [sflag:s2] =	dma.local @!p0 [hbm:s0], s1  }
0x308: {  	s0 =	simm.s32 @!p0 $0x3  }
0x309: {  	_ =	swait.ge @!p0 [sflag:s0], s1  }
0x30a: {  	s1 =	ssub.s32 @!p0 $0x0, s1;
	[sflag:s0] =	ssyncset.done @!p0 $0x0  }
0x30b: {  	[sflag:s0] =	ssyncadd.s32 @!p0 s1  }
0x30c: {  	[bflag:$0x3] =	sbarrier.arrive $0xFFFF  }
0x30d: {  	_ =	shalt  }

</sc_bundles>
